<compile_context>
chip_gen: v7x
topology: tpu7x:2x2x1
jax: 0.10.2.dev20260603
libtpu: 0.0.44.dev20260713+nightly
codegen_flags: <defaults>
</compile_context>

<pallas_src>
import functools

import jax
import jax.numpy as jnp
from jax import lax
from jax.experimental import pallas as pl
from jax.experimental.pallas import tpu as pltpu
from jax.experimental.pallas import tpu_sc as plsc

N = 10000
E = 320000
D_IN = 128
HIDDEN = 64

NC = 2
NS = 16
NW = NC * NS
L = 16

E_PER_W = E // NW
BATCH = 100
NBATCH = E_PER_W // BATCH
CH2 = 2000
RB = 1000
NRB = N // RB

_SC_PARAMS = pltpu.CompilerParams(needs_layout_passes=False)
_SC_PARAMS_NT = pltpu.CompilerParams(
    needs_layout_passes=False, use_tc_tiling_on_sc=False
)

_mesh = functools.partial(
    plsc.VectorSubcoreMesh, core_axis_name="c", subcore_axis_name="s",
    num_cores=NC, num_subcores=NS,
)


def _zero_1d(ref, n):
    z = jnp.zeros((L,), jnp.float32)

    def body(i, _):
        ref[pl.ds(i * L, L)] = z
        return 0

    lax.fori_loop(0, n // L, body, 0, unroll=8)


def _deg_body(dst_hbm, out_hbm, dst_v0, dst_v1, acc_v, sems):
    c = lax.axis_index("c")
    s = lax.axis_index("s")
    base = (c * NS + s) * E_PER_W
    nchunks = E_PER_W // CH2
    bufs = (dst_v0, dst_v1)

    for b in range(2):
        pltpu.async_copy(
            dst_hbm.at[pl.ds(base + b * CH2, CH2)], bufs[b], sems.at[b]
        )
    _zero_1d(acc_v, N)
    ones = jnp.ones((L,), jnp.float32)

    for k in range(nchunks):
        b = k % 2
        pltpu.make_async_copy(
            dst_hbm.at[pl.ds(base + k * CH2, CH2)], bufs[b], sems.at[b]
        ).wait()

        def step(i, _, b=b):
            d16 = bufs[b][pl.ds(i * L, L)]
            plsc.addupdate_scatter(acc_v, [d16], ones)
            return 0

        lax.fori_loop(0, CH2 // L, step, 0, unroll=8)
        if k + 2 < nchunks:
            pltpu.async_copy(
                dst_hbm.at[pl.ds(base + (k + 2) * CH2, CH2)],
                bufs[b], sems.at[b],
            )
    pltpu.sync_copy(acc_v, out_hbm.at[c, s])


_deg_call = pl.kernel(
    _deg_body,
    out_type=jax.ShapeDtypeStruct((NC, NS, N), jnp.float32),
    mesh=_mesh(),
    scratch_types=[
        pltpu.VMEM((CH2,), jnp.int32),
        pltpu.VMEM((CH2,), jnp.int32),
        pltpu.VMEM((N,), jnp.float32),
        pltpu.SemaphoreType.DMA((2,)),
    ],
    compiler_params=_SC_PARAMS,
)


def _agg1_body(hp_hbm, src3d_hbm, dst3d_hbm, out_hbm,
               sidx, didx, msg0, msg1, msg2, msg3, acc_sh, hp_sh,
               sem0, sem1, gsems, ssems):
    c = lax.axis_index("c")
    s = lax.axis_index("s")
    wid = c * NS + s

    idma = pltpu.async_copy(src3d_hbm.at[wid], sidx, sem0)
    jdma = pltpu.async_copy(dst3d_hbm.at[wid], didx, sem1)

    @pl.when(s < NRB)
    def _prologue():
        row0 = s * RB
        pltpu.sync_copy(hp_hbm.at[pl.ds(row0, RB)], acc_sh.at[pl.ds(row0, RB)])
        pltpu.sync_copy(hp_hbm.at[pl.ds(row0, RB)], hp_sh.at[pl.ds(row0, RB)])

    idma.wait()
    jdma.wait()
    plsc.subcore_barrier()

    msgs = (msg0, msg1, msg2, msg3)

    def issue_gather(j, b):
        pltpu.async_copy(hp_sh.at[sidx.at[j]], msgs[b], gsems.at[b])

    def wait_gather(j, b):
        pltpu.make_async_copy(hp_sh.at[sidx.at[j]], msgs[b], gsems.at[b]).wait()

    def issue_scatter(j, b):
        pltpu.async_copy(msgs[b], acc_sh.at[didx.at[j]], ssems.at[b], add=True)

    def wait_scatter(j, b):
        pltpu.make_async_copy(msgs[b], acc_sh.at[didx.at[j]], ssems.at[b]).wait()

    issue_gather(0, 0)
    issue_gather(1, 1)

    @pl.loop(0, NBATCH, step=4)
    def _batches(j0):
        for b in range(4):
            j = j0 + b
            bn = (b + 2) % 4

            @pl.when(j >= 2)
            def _():
                wait_scatter(j - 2, bn)

            @pl.when(j + 2 < NBATCH)
            def _():
                issue_gather(j + 2, bn)

            wait_gather(j, b)
            issue_scatter(j, b)

    wait_scatter(NBATCH - 2, (NBATCH - 2) % 4)
    wait_scatter(NBATCH - 1, (NBATCH - 1) % 4)
    plsc.subcore_barrier()

    @pl.when(s < NRB)
    def _epilogue():
        row0 = s * RB
        pltpu.sync_copy(acc_sh.at[pl.ds(row0, RB)], out_hbm.at[c, s])


_agg1_call = pl.kernel(
    _agg1_body,
    out_type=jax.ShapeDtypeStruct((NC, NRB, RB, HIDDEN), jnp.float32),
    mesh=_mesh(),
    scratch_types=[
        pltpu.VMEM((NBATCH, BATCH), jnp.int32),
        pltpu.VMEM((NBATCH, BATCH), jnp.int32),
        pltpu.VMEM((BATCH, HIDDEN), jnp.float32),
        pltpu.VMEM((BATCH, HIDDEN), jnp.float32),
        pltpu.VMEM((BATCH, HIDDEN), jnp.float32),
        pltpu.VMEM((BATCH, HIDDEN), jnp.float32),
        pltpu.VMEM_SHARED((N, HIDDEN), jnp.float32),
        pltpu.VMEM_SHARED((N, HIDDEN), jnp.float32),
        pltpu.SemaphoreType.DMA,
        pltpu.SemaphoreType.DMA,
        pltpu.SemaphoreType.DMA((4,)),
        pltpu.SemaphoreType.DMA((4,)),
    ],
    compiler_params=_SC_PARAMS_NT,
)


def _agg2_body(sp_hbm, src_hbm, dst_hbm, out_hbm, sv_v,
               sbuf0, sbuf1, dbuf0, dbuf1, acc_v, hsem, sems):
    c = lax.axis_index("c")
    s = lax.axis_index("s")
    base = (c * NS + s) * E_PER_W
    nchunks = E_PER_W // CH2
    sbufs = (sbuf0, sbuf1)
    dbufs = (dbuf0, dbuf1)

    sdma = pltpu.async_copy(sp_hbm, sv_v, hsem)
    for b in range(2):
        pltpu.async_copy(
            src_hbm.at[pl.ds(base + b * CH2, CH2)], sbufs[b], sems.at[b]
        )
        pltpu.async_copy(
            dst_hbm.at[pl.ds(base + b * CH2, CH2)], dbufs[b], sems.at[b]
        )
    _zero_1d(acc_v, N)
    sdma.wait()

    for k in range(nchunks):
        b = k % 2
        pltpu.make_async_copy(
            src_hbm.at[pl.ds(base + k * CH2, CH2)], sbufs[b], sems.at[b]
        ).wait()
        pltpu.make_async_copy(
            dst_hbm.at[pl.ds(base + k * CH2, CH2)], dbufs[b], sems.at[b]
        ).wait()

        def step(i, _, b=b):
            s16 = sbufs[b][pl.ds(i * L, L)]
            d16 = dbufs[b][pl.ds(i * L, L)]
            val = plsc.load_gather(sv_v, [s16])
            plsc.addupdate_scatter(acc_v, [d16], val)
            return 0

        lax.fori_loop(0, CH2 // L, step, 0, unroll=8)
        if k + 2 < nchunks:
            pltpu.async_copy(
                src_hbm.at[pl.ds(base + (k + 2) * CH2, CH2)],
                sbufs[b], sems.at[b],
            )
            pltpu.async_copy(
                dst_hbm.at[pl.ds(base + (k + 2) * CH2, CH2)],
                dbufs[b], sems.at[b],
            )
    pltpu.sync_copy(acc_v, out_hbm.at[c, s])


_agg2_call = pl.kernel(
    _agg2_body,
    out_type=jax.ShapeDtypeStruct((NC, NS, N), jnp.float32),
    mesh=_mesh(),
    scratch_types=[
        pltpu.VMEM((N,), jnp.float32),
        pltpu.VMEM((CH2,), jnp.int32),
        pltpu.VMEM((CH2,), jnp.int32),
        pltpu.VMEM((CH2,), jnp.int32),
        pltpu.VMEM((CH2,), jnp.int32),
        pltpu.VMEM((N,), jnp.float32),
        pltpu.SemaphoreType.DMA,
        pltpu.SemaphoreType.DMA((2,)),
    ],
    compiler_params=_SC_PARAMS,
)


def _ab_body(x_ref, w_ref, degp_ref, dinv_ref, dinv2_ref, hp_ref):
    h = lax.dot_general(
        x_ref[...], w_ref[...], (((1,), (1,)), ((), ())),
        preferred_element_type=jnp.float32,
    )
    d = jnp.sum(degp_ref[...], axis=(0, 1)).reshape(1, N) + 1.0
    dinv = lax.rsqrt(d)
    dinv_ref[...] = dinv
    dinv2_ref[...] = 1.0 / d
    hp_ref[...] = jnp.reshape(dinv, (N, 1)) * h


def _mid_body(p_ref, hp_ref, b1_ref, w2_ref, dinv_ref, s_ref, sp_ref):
    dcol = jnp.reshape(dinv_ref[...], (N, 1))
    r = dcol * (p_ref[0:N, :] + p_ref[N:2 * N, :] - hp_ref[...]) + b1_ref[...]
    r = jnp.maximum(r, 0.0)
    sv = lax.dot_general(
        w2_ref[...], r, (((1,), (1,)), ((), ())),
        preferred_element_type=jnp.float32,
    )
    s_ref[...] = sv
    sp_ref[...] = dinv_ref[...] * sv


def _final_body(aggp_ref, s_ref, dinv_ref, dinv2_ref, b2_ref, o_ref):
    o_ref[...] = (dinv_ref[...] * jnp.sum(aggp_ref[...], axis=0, keepdims=True)
                  + dinv2_ref[...] * s_ref[...] + b2_ref[...])


def kernel(x, edge_index, W1, b1, W2, b2):
    edges = edge_index.astype(jnp.int32)
    src = edges[0]
    dst = edges[1]

    degp = _deg_call(dst)

    dinv2d, dinv2_2d, hp = pl.pallas_call(
        _ab_body,
        out_shape=[
            jax.ShapeDtypeStruct((1, N), jnp.float32),
            jax.ShapeDtypeStruct((1, N), jnp.float32),
            jax.ShapeDtypeStruct((N, HIDDEN), jnp.float32),
        ],
    )(x, W1, degp)

    agg1 = _agg1_call(
        hp,
        src.reshape(NW, NBATCH, BATCH), dst.reshape(NW, NBATCH, BATCH),
    )

    s2d, sp2d = pl.pallas_call(
        _mid_body,
        out_shape=[
            jax.ShapeDtypeStruct((1, N), jnp.float32),
            jax.ShapeDtypeStruct((1, N), jnp.float32),
        ],
    )(agg1.reshape(NC * N, HIDDEN), hp, b1.reshape(1, HIDDEN), W2, dinv2d)

    agg2 = _agg2_call(sp2d.reshape(N), src, dst)

    out2d = pl.pallas_call(
        _final_body,
        out_shape=jax.ShapeDtypeStruct((1, N), jnp.float32),
    )(agg2.reshape(NW, N), s2d, dinv2d, dinv2_2d, b2.reshape(1, 1))
    return out2d.reshape(N, 1)

# --- scband reference (transcript-rebuilt; emitter-appended) ---
"""Pipeline reference for scband-simple-tabular-gnn-70214125355463 (READ-ONLY COPY).

The authoritative reference and input builder live on the scoring server;
editing this copy changes nothing except your own understanding.
"""

import jax, jax.numpy as jnp
import numpy as np

N = 10000
E = 320000
D_IN = 128
HIDDEN = 64


def setup_inputs(seed: int = 0) -> dict:
    key = jax.random.key(seed)
    k1, k2, k3, k4, k5, k6 = jax.random.split(key, 6)
    x = jax.random.normal(k1, (N, D_IN), dtype=jnp.float32)
    edge_index = jax.random.randint(k2, (2, E), 0, N, dtype=jnp.int64)
    # GCNConv layer 1: num_features -> hidden
    W1 = jax.random.normal(k3, (HIDDEN, D_IN), dtype=jnp.float32) * (1.0 / np.sqrt(D_IN))
    b1 = jnp.zeros((HIDDEN,), dtype=jnp.float32)
    # GCNConv layer 2: hidden -> 1
    W2 = jax.random.normal(k4, (1, HIDDEN), dtype=jnp.float32) * (1.0 / np.sqrt(HIDDEN))
    b2 = jnp.zeros((1,), dtype=jnp.float32)
    return {"x": x, "edge_index": edge_index, "W1": W1, "b1": b1, "W2": W2, "b2": b2}


def _gcn_conv(x, src, dst, W, b, num_nodes):
    # PyG GCNConv (default): add self-loops, symmetric normalization,
    # linear transform, scatter-add aggregation at dst, then bias.
    h = x @ W.T
    deg = jnp.zeros((num_nodes,), dtype=x.dtype).at[dst].add(1.0)
    dinv = jnp.where(deg > 0, deg ** -0.5, 0.0)
    norm = dinv[src] * dinv[dst]
    msg = h[src] * norm[:, None]
    out = jnp.zeros((num_nodes, h.shape[1]), dtype=x.dtype).at[dst].add(msg)
    return out + b


def reference(x, edge_index, W1, b1, W2, b2):
    num_nodes = x.shape[0]
    loop = jnp.arange(num_nodes, dtype=edge_index.dtype)
    src = jnp.concatenate([edge_index[0], loop])
    dst = jnp.concatenate([edge_index[1], loop])
    h = _gcn_conv(x, src, dst, W1, b1, num_nodes)
    h = jax.nn.relu(h)
    out = _gcn_conv(h, src, dst, W2, b2, num_nodes)
    return out

if __name__ == "__main__":
    import jax
    _d = setup_inputs()
    print(jax.jit(kernel)(*tuple(_d.values())))

</pallas_src>

<mosaic_0001>
#map = affine_map<(d0, d1) -> (0)>
#map1 = affine_map<(d0, d1) -> (0, 0, 0)>
module attributes {stable_mosaic.version = 14 : i64} {
  func.func @_agg2_body(%arg0: i32, %arg1: i32, %arg2: memref<10000xf32, #tpu.memory_space<hbm>>, %arg3: memref<320000xi32, #tpu.memory_space<hbm>>, %arg4: memref<320000xi32, #tpu.memory_space<hbm>>, %arg5: memref<2x16x10000xf32, #tpu.memory_space<hbm>>, %arg6: memref<10000xf32, #tpu.memory_space<vmem>>, %arg7: memref<2000xi32, #tpu.memory_space<vmem>>, %arg8: memref<2000xi32, #tpu.memory_space<vmem>>, %arg9: memref<2000xi32, #tpu.memory_space<vmem>>, %arg10: memref<2000xi32, #tpu.memory_space<vmem>>, %arg11: memref<10000xf32, #tpu.memory_space<vmem>>, %arg12: memref<!tpu.dma_semaphore, #tpu.memory_space<semaphore_mem>>, %arg13: memref<2x!tpu.dma_semaphore, #tpu.memory_space<semaphore_mem>>) attributes {dimension_semantics = [#tpu.dimension_semantics<core_parallel>, #tpu.dimension_semantics<subcore_parallel>], iteration_bounds = array<i64: 2, 16>, scalar_prefetch = 0 : i64, scratch_operands = 8 : i64, tpu.core_type = #tpu.core_type<sc_vector_subcore>, window_params = [{transform_indices = #map}, {transform_indices = #map}, {transform_indices = #map}, {transform_indices = #map1}]} {
    %mul3A = arith.constant 16 : i32
    %mul3A_0 = arith.muli %arg0, %mul3A : i32
    %add3A = arith.addi %mul3A_0, %arg1 : i32
    %mul3A_1 = arith.constant 10000 : i32
    %mul3A_2 = arith.muli %add3A, %mul3A_1 : i32
    tpu.enqueue_dma source(%arg2 : memref<10000xf32, #tpu.memory_space<hbm>>) target(%arg6 : memref<10000xf32, #tpu.memory_space<vmem>>) target_semaphore(%arg12 : memref<!tpu.dma_semaphore, #tpu.memory_space<semaphore_mem>>)
    %add3A_3 = arith.constant 0 : i32
    %add3A_4 = arith.addi %mul3A_2, %add3A_3 : i32
    %dma_start3A = arith.constant 0 : i32
    %dma_start3A_5 = tpu.memref_slice %arg3[%add3A_4] : memref<320000xi32, #tpu.memory_space<hbm>> -> memref<2000xi32, #tpu.memory_space<hbm>>
    %dma_start3A_6 = tpu.memref_slice %arg13[%dma_start3A] : memref<2x!tpu.dma_semaphore, #tpu.memory_space<semaphore_mem>> -> memref<1x!tpu.dma_semaphore, #tpu.memory_space<semaphore_mem>>
    %dma_start3A_7 = tpu.memref_squeeze %dma_start3A_6 : memref<1x!tpu.dma_semaphore, #tpu.memory_space<semaphore_mem>> -> memref<!tpu.dma_semaphore, #tpu.memory_space<semaphore_mem>>
    %dma_start3A_8 = tpu.memref_slice %arg3[%add3A_4] : memref<320000xi32, #tpu.memory_space<hbm>> -> memref<2000xi32, #tpu.memory_space<hbm>>
    tpu.enqueue_dma source(%dma_start3A_8 : memref<2000xi32, #tpu.memory_space<hbm>>) target(%arg7 : memref<2000xi32, #tpu.memory_space<vmem>>) target_semaphore(%dma_start3A_7 : memref<!tpu.dma_semaphore, #tpu.memory_space<semaphore_mem>>)
    %add3A_9 = arith.constant 0 : i32
    %add3A_10 = arith.addi %mul3A_2, %add3A_9 : i32
    %dma_start3A_11 = arith.constant 0 : i32
    %dma_start3A_12 = tpu.memref_slice %arg4[%add3A_10] : memref<320000xi32, #tpu.memory_space<hbm>> -> memref<2000xi32, #tpu.memory_space<hbm>>
    %dma_start3A_13 = tpu.memref_slice %arg13[%dma_start3A_11] : memref<2x!tpu.dma_semaphore, #tpu.memory_space<semaphore_mem>> -> memref<1x!tpu.dma_semaphore, #tpu.memory_space<semaphore_mem>>
    %dma_start3A_14 = tpu.memref_squeeze %dma_start3A_13 : memref<1x!tpu.dma_semaphore, #tpu.memory_space<semaphore_mem>> -> memref<!tpu.dma_semaphore, #tpu.memory_space<semaphore_mem>>
    %dma_start3A_15 = tpu.memref_slice %arg4[%add3A_10] : memref<320000xi32, #tpu.memory_space<hbm>> -> memref<2000xi32, #tpu.memory_space<hbm>>
    tpu.enqueue_dma source(%dma_start3A_15 : memref<2000xi32, #tpu.memory_space<hbm>>) target(%arg9 : memref<2000xi32, #tpu.memory_space<vmem>>) target_semaphore(%dma_start3A_14 : memref<!tpu.dma_semaphore, #tpu.memory_space<semaphore_mem>>)
    %add3A_16 = arith.constant 2000 : i32
    %add3A_17 = arith.addi %mul3A_2, %add3A_16 : i32
    %dma_start3A_18 = arith.constant 1 : i32
    %dma_start3A_19 = tpu.memref_slice %arg3[%add3A_17] : memref<320000xi32, #tpu.memory_space<hbm>> -> memref<2000xi32, #tpu.memory_space<hbm>>
    %dma_start3A_20 = tpu.memref_slice %arg13[%dma_start3A_18] : memref<2x!tpu.dma_semaphore, #tpu.memory_space<semaphore_mem>> -> memref<1x!tpu.dma_semaphore, #tpu.memory_space<semaphore_mem>>
    %dma_start3A_21 = tpu.memref_squeeze %dma_start3A_20 : memref<1x!tpu.dma_semaphore, #tpu.memory_space<semaphore_mem>> -> memref<!tpu.dma_semaphore, #tpu.memory_space<semaphore_mem>>
    %dma_start3A_22 = tpu.memref_slice %arg3[%add3A_17] : memref<320000xi32, #tpu.memory_space<hbm>> -> memref<2000xi32, #tpu.memory_space<hbm>>
    tpu.enqueue_dma source(%dma_start3A_22 : memref<2000xi32, #tpu.memory_space<hbm>>) target(%arg8 : memref<2000xi32, #tpu.memory_space<vmem>>) target_semaphore(%dma_start3A_21 : memref<!tpu.dma_semaphore, #tpu.memory_space<semaphore_mem>>)
    %add3A_23 = arith.constant 2000 : i32
    %add3A_24 = arith.addi %mul3A_2, %add3A_23 : i32
    %dma_start3A_25 = arith.constant 1 : i32
    %dma_start3A_26 = tpu.memref_slice %arg4[%add3A_24] : memref<320000xi32, #tpu.memory_space<hbm>> -> memref<2000xi32, #tpu.memory_space<hbm>>
    %dma_start3A_27 = tpu.memref_slice %arg13[%dma_start3A_25] : memref<2x!tpu.dma_semaphore, #tpu.memory_space<semaphore_mem>> -> memref<1x!tpu.dma_semaphore, #tpu.memory_space<semaphore_mem>>
    %dma_start3A_28 = tpu.memref_squeeze %dma_start3A_27 : memref<1x!tpu.dma_semaphore, #tpu.memory_space<semaphore_mem>> -> memref<!tpu.dma_semaphore, #tpu.memory_space<semaphore_mem>>
    %dma_start3A_29 = tpu.memref_slice %arg4[%add3A_24] : memref<320000xi32, #tpu.memory_space<hbm>> -> memref<2000xi32, #tpu.memory_space<hbm>>
    tpu.enqueue_dma source(%dma_start3A_29 : memref<2000xi32, #tpu.memory_space<hbm>>) target(%arg10 : memref<2000xi32, #tpu.memory_space<vmem>>) target_semaphore(%dma_start3A_28 : memref<!tpu.dma_semaphore, #tpu.memory_space<semaphore_mem>>)
    %broadcast_in_dim3A = arith.constant 0.000000e+00 : f32
    %broadcast_in_dim3A_30 = vector.broadcast %broadcast_in_dim3A : f32 to vector<16xf32>
    %scan3A = arith.constant 0 : i32
    %scan3A_31 = arith.constant 0 : i32
    %scan3A_32 = arith.constant 624 : i32
    %scan3A_33 = arith.addi %scan3A_31, %scan3A_32 : i32
    %scan3A_34 = arith.constant 8 : i32
    %scan3A_35 = scf.for %scan3A_487 = %scan3A_31 to %scan3A_33 step %scan3A_34 iter_args(%scan3A_488 = %scan3A) -> (i32)  : i32 {
      %mul3A_489 = arith.constant 16 : i32
      %mul3A_490 = arith.muli %scan3A_487, %mul3A_489 : i32
      %swap3A_491 = arith.index_cast %mul3A_490 : i32 to index
      %swap3A_492 = tpu.vector_load %arg11[%swap3A_491] {strides = array<i32>} : memref<10000xf32, #tpu.memory_space<vmem>>, vector<16xf32>,
      tpu.vector_store %arg11[%swap3A_491], %broadcast_in_dim3A_30 {strides = array<i32>} : memref<10000xf32, #tpu.memory_space<vmem>>, vector<16xf32>,
      %scan3A_493 = arith.constant 0 : i32
      %scan3A_494 = arith.constant 1 : i32
      %scan3A_495 = arith.addi %scan3A_487, %scan3A_494 : i32
      %mul3A_496 = arith.constant 16 : i32
      %mul3A_497 = arith.muli %scan3A_495, %mul3A_496 : i32
      %swap3A_498 = arith.index_cast %mul3A_497 : i32 to index
      %swap3A_499 = tpu.vector_load %arg11[%swap3A_498] {strides = array<i32>} : memref<10000xf32, #tpu.memory_space<vmem>>, vector<16xf32>,
      tpu.vector_store %arg11[%swap3A_498], %broadcast_in_dim3A_30 {strides = array<i32>} : memref<10000xf32, #tpu.memory_space<vmem>>, vector<16xf32>,
      %scan3A_500 = arith.constant 0 : i32
      %scan3A_501 = arith.constant 2 : i32
      %scan3A_502 = arith.addi %scan3A_487, %scan3A_501 : i32
      %mul3A_503 = arith.constant 16 : i32
      %mul3A_504 = arith.muli %scan3A_502, %mul3A_503 : i32
      %swap3A_505 = arith.index_cast %mul3A_504 : i32 to index
      %swap3A_506 = tpu.vector_load %arg11[%swap3A_505] {strides = array<i32>} : memref<10000xf32, #tpu.memory_space<vmem>>, vector<16xf32>,
      tpu.vector_store %arg11[%swap3A_505], %broadcast_in_dim3A_30 {strides = array<i32>} : memref<10000xf32, #tpu.memory_space<vmem>>, vector<16xf32>,
      %scan3A_507 = arith.constant 0 : i32
      %scan3A_508 = arith.constant 3 : i32
      %scan3A_509 = arith.addi %scan3A_487, %scan3A_508 : i32
      %mul3A_510 = arith.constant 16 : i32
      %mul3A_511 = arith.muli %scan3A_509, %mul3A_510 : i32
      %swap3A_512 = arith.index_cast %mul3A_511 : i32 to index
      %swap3A_513 = tpu.vector_load %arg11[%swap3A_512] {strides = array<i32>} : memref<10000xf32, #tpu.memory_space<vmem>>, vector<16xf32>,
      tpu.vector_store %arg11[%swap3A_512], %broadcast_in_dim3A_30 {strides = array<i32>} : memref<10000xf32, #tpu.memory_space<vmem>>, vector<16xf32>,
      %scan3A_514 = arith.constant 0 : i32
      %scan3A_515 = arith.constant 4 : i32
      %scan3A_516 = arith.addi %scan3A_487, %scan3A_515 : i32
      %mul3A_517 = arith.constant 16 : i32
      %mul3A_518 = arith.muli %scan3A_516, %mul3A_517 : i32
      %swap3A_519 = arith.index_cast %mul3A_518 : i32 to index
      %swap3A_520 = tpu.vector_load %arg11[%swap3A_519] {strides = array<i32>} : memref<10000xf32, #tpu.memory_space<vmem>>, vector<16xf32>,
      tpu.vector_store %arg11[%swap3A_519], %broadcast_in_dim3A_30 {strides = array<i32>} : memref<10000xf32, #tpu.memory_space<vmem>>, vector<16xf32>,
      %scan3A_521 = arith.constant 0 : i32
      %scan3A_522 = arith.constant 5 : i32
      %scan3A_523 = arith.addi %scan3A_487, %scan3A_522 : i32
      %mul3A_524 = arith.constant 16 : i32
      %mul3A_525 = arith.muli %scan3A_523, %mul3A_524 : i32
      %swap3A_526 = arith.index_cast %mul3A_525 : i32 to index
      %swap3A_527 = tpu.vector_load %arg11[%swap3A_526] {strides = array<i32>} : memref<10000xf32, #tpu.memory_space<vmem>>, vector<16xf32>,
      tpu.vector_store %arg11[%swap3A_526], %broadcast_in_dim3A_30 {strides = array<i32>} : memref<10000xf32, #tpu.memory_space<vmem>>, vector<16xf32>,
      %scan3A_528 = arith.constant 0 : i32
      %scan3A_529 = arith.constant 6 : i32
      %scan3A_530 = arith.addi %scan3A_487, %scan3A_529 : i32
      %mul3A_531 = arith.constant 16 : i32
      %mul3A_532 = arith.muli %scan3A_530, %mul3A_531 : i32
      %swap3A_533 = arith.index_cast %mul3A_532 : i32 to index
      %swap3A_534 = tpu.vector_load %arg11[%swap3A_533] {strides = array<i32>} : memref<10000xf32, #tpu.memory_space<vmem>>, vector<16xf32>,
      tpu.vector_store %arg11[%swap3A_533], %broadcast_in_dim3A_30 {strides = array<i32>} : memref<10000xf32, #tpu.memory_space<vmem>>, vector<16xf32>,
      %scan3A_535 = arith.constant 0 : i32
      %scan3A_536 = arith.constant 7 : i32
      %scan3A_537 = arith.addi %scan3A_487, %scan3A_536 : i32
      %mul3A_538 = arith.constant 16 : i32
      %mul3A_539 = arith.muli %scan3A_537, %mul3A_538 : i32
      %swap3A_540 = arith.index_cast %mul3A_539 : i32 to index
      %swap3A_541 = tpu.vector_load %arg11[%swap3A_540] {strides = array<i32>} : memref<10000xf32, #tpu.memory_space<vmem>>, vector<16xf32>,
      tpu.vector_store %arg11[%swap3A_540], %broadcast_in_dim3A_30 {strides = array<i32>} : memref<10000xf32, #tpu.memory_space<vmem>>, vector<16xf32>,
      %scan3A_542 = arith.constant 0 : i32
      scf.yield %scan3A_542 : i32
    }
    %scan3A_36 = arith.constant 624 : i32
    %scan3A_37 = arith.addi %scan3A_31, %scan3A_36 : i32
    %mul3A_38 = arith.constant 16 : i32
    %mul3A_39 = arith.muli %scan3A_37, %mul3A_38 : i32
    %swap3A = arith.index_cast %mul3A_39 : i32 to index
    %swap3A_40 = tpu.vector_load %arg11[%swap3A] {strides = array<i32>} : memref<10000xf32, #tpu.memory_space<vmem>>, vector<16xf32>,
    tpu.vector_store %arg11[%swap3A], %broadcast_in_dim3A_30 {strides = array<i32>} : memref<10000xf32, #tpu.memory_space<vmem>>, vector<16xf32>,
    %scan3A_41 = arith.constant 0 : i32
    %scan3A_42 = arith.constant 625 : i32
    tpu.wait_dma2 semaphore(%arg12 : memref<!tpu.dma_semaphore, #tpu.memory_space<semaphore_mem>>) src(%arg2 : memref<10000xf32, #tpu.memory_space<hbm>>) dst(%arg6 : memref<10000xf32, #tpu.memory_space<vmem>>)
    %add3A_43 = arith.constant 0 : i32
    %add3A_44 = arith.addi %mul3A_2, %add3A_43 : i32
    %dma_wait3A = arith.constant 0 : i32
    %dma_wait3A_45 = tpu.memref_slice %arg3[%add3A_44] : memref<320000xi32, #tpu.memory_space<hbm>> -> memref<2000xi32, #tpu.memory_space<hbm>>
    %dma_wait3A_46 = tpu.memref_slice %arg13[%dma_wait3A] : memref<2x!tpu.dma_semaphore, #tpu.memory_space<semaphore_mem>> -> memref<1x!tpu.dma_semaphore, #tpu.memory_space<semaphore_mem>>
    %dma_wait3A_47 = tpu.memref_squeeze %dma_wait3A_46 : memref<1x!tpu.dma_semaphore, #tpu.memory_space<semaphore_mem>> -> memref<!tpu.dma_semaphore, #tpu.memory_space<semaphore_mem>>
    %dma_wait3A_48 = tpu.memref_slice %arg3[%add3A_44] : memref<320000xi32, #tpu.memory_space<hbm>> -> memref<2000xi32, #tpu.memory_space<hbm>>
    tpu.wait_dma2 semaphore(%dma_wait3A_47 : memref<!tpu.dma_semaphore, #tpu.memory_space<semaphore_mem>>) src(%dma_wait3A_48 : memref<2000xi32, #tpu.memory_space<hbm>>) dst(%arg7 : memref<2000xi32, #tpu.memory_space<vmem>>)
    %add3A_49 = arith.constant 0 : i32
    %add3A_50 = arith.addi %mul3A_2, %add3A_49 : i32
    %dma_wait3A_51 = arith.constant 0 : i32
    %dma_wait3A_52 = tpu.memref_slice %arg4[%add3A_50] : memref<320000xi32, #tpu.memory_space<hbm>> -> memref<2000xi32, #tpu.memory_space<hbm>>
    %dma_wait3A_53 = tpu.memref_slice %arg13[%dma_wait3A_51] : memref<2x!tpu.dma_semaphore, #tpu.memory_space<semaphore_mem>> -> memref<1x!tpu.dma_semaphore, #tpu.memory_space<semaphore_mem>>
    %dma_wait3A_54 = tpu.memref_squeeze %dma_wait3A_53 : memref<1x!tpu.dma_semaphore, #tpu.memory_space<semaphore_mem>> -> memref<!tpu.dma_semaphore, #tpu.memory_space<semaphore_mem>>
    %dma_wait3A_55 = tpu.memref_slice %arg4[%add3A_50] : memref<320000xi32, #tpu.memory_space<hbm>> -> memref<2000xi32, #tpu.memory_space<hbm>>
    tpu.wait_dma2 semaphore(%dma_wait3A_54 : memref<!tpu.dma_semaphore, #tpu.memory_space<semaphore_mem>>) src(%dma_wait3A_55 : memref<2000xi32, #tpu.memory_space<hbm>>) dst(%arg9 : memref<2000xi32, #tpu.memory_space<vmem>>)
    %scan3A_56 = arith.constant 0 : i32
    %scan3A_57 = arith.constant 0 : i32
    %scan3A_58 = arith.constant 120 : i32
    %scan3A_59 = arith.addi %scan3A_57, %scan3A_58 : i32
    %scan3A_60 = arith.constant 8 : i32
    %scan3A_61 = scf.for %scan3A_487 = %scan3A_57 to %scan3A_59 step %scan3A_60 iter_args(%scan3A_488 = %scan3A_56) -> (i32)  : i32 {
      %mul3A_489 = arith.constant 16 : i32
      %mul3A_490 = arith.muli %scan3A_487, %mul3A_489 : i32
      %get3A_491 = arith.index_cast %mul3A_490 : i32 to index
      %get3A_492 = tpu.vector_load %arg7[%get3A_491] {strides = array<i32>} : memref<2000xi32, #tpu.memory_space<vmem>>, vector<16xi32>,
      %mul3A_493 = arith.constant 16 : i32
      %mul3A_494 = arith.muli %scan3A_487, %mul3A_493 : i32
      %get3A_495 = arith.index_cast %mul3A_494 : i32 to index
      %get3A_496 = tpu.vector_load %arg9[%get3A_495] {strides = array<i32>} : memref<2000xi32, #tpu.memory_space<vmem>>, vector<16xi32>,
      %gather3A_497 = tpu.vector_load_idx %arg6[%get3A_492] : memref<10000xf32, #tpu.memory_space<vmem>>[vector<16xi32>], vector<16xf32>,
      tpu.vector_store_idx %arg11[%get3A_496], %gather3A_497 {add = true} : memref<10000xf32, #tpu.memory_space<vmem>>[vector<16xi32>], vector<16xf32>,
      %scan3A_498 = arith.constant 0 : i32
      %scan3A_499 = arith.constant 1 : i32
      %scan3A_500 = arith.addi %scan3A_487, %scan3A_499 : i32
      %mul3A_501 = arith.constant 16 : i32
      %mul3A_502 = arith.muli %scan3A_500, %mul3A_501 : i32
      %get3A_503 = arith.index_cast %mul3A_502 : i32 to index
      %get3A_504 = tpu.vector_load %arg7[%get3A_503] {strides = array<i32>} : memref<2000xi32, #tpu.memory_space<vmem>>, vector<16xi32>,
      %mul3A_505 = arith.constant 16 : i32
      %mul3A_506 = arith.muli %scan3A_500, %mul3A_505 : i32
      %get3A_507 = arith.index_cast %mul3A_506 : i32 to index
      %get3A_508 = tpu.vector_load %arg9[%get3A_507] {strides = array<i32>} : memref<2000xi32, #tpu.memory_space<vmem>>, vector<16xi32>,
      %gather3A_509 = tpu.vector_load_idx %arg6[%get3A_504] : memref<10000xf32, #tpu.memory_space<vmem>>[vector<16xi32>], vector<16xf32>,
      tpu.vector_store_idx %arg11[%get3A_508], %gather3A_509 {add = true} : memref<10000xf32, #tpu.memory_space<vmem>>[vector<16xi32>], vector<16xf32>,
      %scan3A_510 = arith.constant 0 : i32
      %scan3A_511 = arith.constant 2 : i32
      %scan3A_512 = arith.addi %scan3A_487, %scan3A_511 : i32
      %mul3A_513 = arith.constant 16 : i32
      %mul3A_514 = arith.muli %scan3A_512, %mul3A_513 : i32
      %get3A_515 = arith.index_cast %mul3A_514 : i32 to index
      %get3A_516 = tpu.vector_load %arg7[%get3A_515] {strides = array<i32>} : memref<2000xi32, #tpu.memory_space<vmem>>, vector<16xi32>,
      %mul3A_517 = arith.constant 16 : i32
      %mul3A_518 = arith.muli %scan3A_512, %mul3A_517 : i32
      %get3A_519 = arith.index_cast %mul3A_518 : i32 to index
      %get3A_520 = tpu.vector_load %arg9[%get3A_519] {strides = array<i32>} : memref<2000xi32, #tpu.memory_space<vmem>>, vector<16xi32>,
      %gather3A_521 = tpu.vector_load_idx %arg6[%get3A_516] : memref<10000xf32, #tpu.memory_space<vmem>>[vector<16xi32>], vector<16xf32>,
      tpu.vector_store_idx %arg11[%get3A_520], %gather3A_521 {add = true} : memref<10000xf32, #tpu.memory_space<vmem>>[vector<16xi32>], vector<16xf32>,
      %scan3A_522 = arith.constant 0 : i32
      %scan3A_523 = arith.constant 3 : i32
      %scan3A_524 = arith.addi %scan3A_487, %scan3A_523 : i32
      %mul3A_525 = arith.constant 16 : i32
      %mul3A_526 = arith.muli %scan3A_524, %mul3A_525 : i32
      %get3A_527 = arith.index_cast %mul3A_526 : i32 to index
      %get3A_528 = tpu.vector_load %arg7[%get3A_527] {strides = array<i32>} : memref<2000xi32, #tpu.memory_space<vmem>>, vector<16xi32>,
      %mul3A_529 = arith.constant 16 : i32
      %mul3A_530 = arith.muli %scan3A_524, %mul3A_529 : i32
      %get3A_531 = arith.index_cast %mul3A_530 : i32 to index
      %get3A_532 = tpu.vector_load %arg9[%get3A_531] {strides = array<i32>} : memref<2000xi32, #tpu.memory_space<vmem>>, vector<16xi32>,
      %gather3A_533 = tpu.vector_load_idx %arg6[%get3A_528] : memref<10000xf32, #tpu.memory_space<vmem>>[vector<16xi32>], vector<16xf32>,
      tpu.vector_store_idx %arg11[%get3A_532], %gather3A_533 {add = true} : memref<10000xf32, #tpu.memory_space<vmem>>[vector<16xi32>], vector<16xf32>,
      %scan3A_534 = arith.constant 0 : i32
      %scan3A_535 = arith.constant 4 : i32
      %scan3A_536 = arith.addi %scan3A_487, %scan3A_535 : i32
      %mul3A_537 = arith.constant 16 : i32
      %mul3A_538 = arith.muli %scan3A_536, %mul3A_537 : i32
      %get3A_539 = arith.index_cast %mul3A_538 : i32 to index
      %get3A_540 = tpu.vector_load %arg7[%get3A_539] {strides = array<i32>} : memref<2000xi32, #tpu.memory_space<vmem>>, vector<16xi32>,
      %mul3A_541 = arith.constant 16 : i32
      %mul3A_542 = arith.muli %scan3A_536, %mul3A_541 : i32
      %get3A_543 = arith.index_cast %mul3A_542 : i32 to index
      %get3A_544 = tpu.vector_load %arg9[%get3A_543] {strides = array<i32>} : memref<2000xi32, #tpu.memory_space<vmem>>, vector<16xi32>,
      %gather3A_545 = tpu.vector_load_idx %arg6[%get3A_540] : memref<10000xf32, #tpu.memory_space<vmem>>[vector<16xi32>], vector<16xf32>,
      tpu.vector_store_idx %arg11[%get3A_544], %gather3A_545 {add = true} : memref<10000xf32, #tpu.memory_space<vmem>>[vector<16xi32>], vector<16xf32>,
      %scan3A_546 = arith.constant 0 : i32
      %scan3A_547 = arith.constant 5 : i32
      %scan3A_548 = arith.addi %scan3A_487, %scan3A_547 : i32
      %mul3A_549 = arith.constant 16 : i32
      %mul3A_550 = arith.muli %scan3A_548, %mul3A_549 : i32
      %get3A_551 = arith.index_cast %mul3A_550 : i32 to index
      %get3A_552 = tpu.vector_load %arg7[%get3A_551] {strides = array<i32>} : memref<2000xi32, #tpu.memory_space<vmem>>, vector<16xi32>,
      %mul3A_553 = arith.constant 16 : i32
      %mul3A_554 = arith.muli %scan3A_548, %mul3A_553 : i32
      %get3A_555 = arith.index_cast %mul3A_554 : i32 to index
      %get3A_556 = tpu.vector_load %arg9[%get3A_555] {strides = array<i32>} : memref<2000xi32, #tpu.memory_space<vmem>>, vector<16xi32>,
      %gather3A_557 = tpu.vector_load_idx %arg6[%get3A_552] : memref<10000xf32, #tpu.memory_space<vmem>>[vector<16xi32>], vector<16xf32>,
      tpu.vector_store_idx %arg11[%get3A_556], %gather3A_557 {add = true} : memref<10000xf32, #tpu.memory_space<vmem>>[vector<16xi32>], vector<16xf32>,
      %scan3A_558 = arith.constant 0 : i32
      %scan3A_559 = arith.constant 6 : i32
      %scan3A_560 = arith.addi %scan3A_487, %scan3A_559 : i32
      %mul3A_561 = arith.constant 16 : i32
      %mul3A_562 = arith.muli %scan3A_560, %mul3A_561 : i32
      %get3A_563 = arith.index_cast %mul3A_562 : i32 to index
      %get3A_564 = tpu.vector_load %arg7[%get3A_563] {strides = array<i32>} : memref<2000xi32, #tpu.memory_space<vmem>>, vector<16xi32>,
      %mul3A_565 = arith.constant 16 : i32
      %mul3A_566 = arith.muli %scan3A_560, %mul3A_565 : i32
      %get3A_567 = arith.index_cast %mul3A_566 : i32 to index
      %get3A_568 = tpu.vector_load %arg9[%get3A_567] {strides = array<i32>} : memref<2000xi32, #tpu.memory_space<vmem>>, vector<16xi32>,
      %gather3A_569 = tpu.vector_load_idx %arg6[%get3A_564] : memref<10000xf32, #tpu.memory_space<vmem>>[vector<16xi32>], vector<16xf32>,
      tpu.vector_store_idx %arg11[%get3A_568], %gather3A_569 {add = true} : memref<10000xf32, #tpu.memory_space<vmem>>[vector<16xi32>], vector<16xf32>,
      %scan3A_570 = arith.constant 0 : i32
      %scan3A_571 = arith.constant 7 : i32
      %scan3A_572 = arith.addi %scan3A_487, %scan3A_571 : i32
      %mul3A_573 = arith.constant 16 : i32
      %mul3A_574 = arith.muli %scan3A_572, %mul3A_573 : i32
      %get3A_575 = arith.index_cast %mul3A_574 : i32 to index
      %get3A_576 = tpu.vector_load %arg7[%get3A_575] {strides = array<i32>} : memref<2000xi32, #tpu.memory_space<vmem>>, vector<16xi32>,
      %mul3A_577 = arith.constant 16 : i32
      %mul3A_578 = arith.muli %scan3A_572, %mul3A_577 : i32
      %get3A_579 = arith.index_cast %mul3A_578 : i32 to index
      %get3A_580 = tpu.vector_load %arg9[%get3A_579] {strides = array<i32>} : memref<2000xi32, #tpu.memory_space<vmem>>, vector<16xi32>,
      %gather3A_581 = tpu.vector_load_idx %arg6[%get3A_576] : memref<10000xf32, #tpu.memory_space<vmem>>[vector<16xi32>], vector<16xf32>,
      tpu.vector_store_idx %arg11[%get3A_580], %gather3A_581 {add = true} : memref<10000xf32, #tpu.memory_space<vmem>>[vector<16xi32>], vector<16xf32>,
      %scan3A_582 = arith.constant 0 : i32
      scf.yield %scan3A_582 : i32
    }
    %scan3A_62 = arith.constant 120 : i32
    %scan3A_63 = arith.addi %scan3A_57, %scan3A_62 : i32
    %mul3A_64 = arith.constant 16 : i32
    %mul3A_65 = arith.muli %scan3A_63, %mul3A_64 : i32
    %get3A = arith.index_cast %mul3A_65 : i32 to index
    %get3A_66 = tpu.vector_load %arg7[%get3A] {strides = array<i32>} : memref<2000xi32, #tpu.memory_space<vmem>>, vector<16xi32>,
    %mul3A_67 = arith.constant 16 : i32
    %mul3A_68 = arith.muli %scan3A_63, %mul3A_67 : i32
    %get3A_69 = arith.index_cast %mul3A_68 : i32 to index
    %get3A_70 = tpu.vector_load %arg9[%get3A_69] {strides = array<i32>} : memref<2000xi32, #tpu.memory_space<vmem>>, vector<16xi32>,
    %gather3A = tpu.vector_load_idx %arg6[%get3A_66] : memref<10000xf32, #tpu.memory_space<vmem>>[vector<16xi32>], vector<16xf32>,
    tpu.vector_store_idx %arg11[%get3A_70], %gather3A {add = true} : memref<10000xf32, #tpu.memory_space<vmem>>[vector<16xi32>], vector<16xf32>,
    %scan3A_71 = arith.constant 0 : i32
    %scan3A_72 = arith.constant 121 : i32
    %scan3A_73 = arith.addi %scan3A_57, %scan3A_72 : i32
    %mul3A_74 = arith.constant 16 : i32
    %mul3A_75 = arith.muli %scan3A_73, %mul3A_74 : i32
    %get3A_76 = arith.index_cast %mul3A_75 : i32 to index
    %get3A_77 = tpu.vector_load %arg7[%get3A_76] {strides = array<i32>} : memref<2000xi32, #tpu.memory_space<vmem>>, vector<16xi32>,
    %mul3A_78 = arith.constant 16 : i32
    %mul3A_79 = arith.muli %scan3A_73, %mul3A_78 : i32
    %get3A_80 = arith.index_cast %mul3A_79 : i32 to index
    %get3A_81 = tpu.vector_load %arg9[%get3A_80] {strides = array<i32>} : memref<2000xi32, #tpu.memory_space<vmem>>, vector<16xi32>,
    %gather3A_82 = tpu.vector_load_idx %arg6[%get3A_77] : memref<10000xf32, #tpu.memory_space<vmem>>[vector<16xi32>], vector<16xf32>,
    tpu.vector_store_idx %arg11[%get3A_81], %gather3A_82 {add = true} : memref<10000xf32, #tpu.memory_space<vmem>>[vector<16xi32>], vector<16xf32>,
    %scan3A_83 = arith.constant 0 : i32
    %scan3A_84 = arith.constant 122 : i32
    %scan3A_85 = arith.addi %scan3A_57, %scan3A_84 : i32
    %mul3A_86 = arith.constant 16 : i32
    %mul3A_87 = arith.muli %scan3A_85, %mul3A_86 : i32
    %get3A_88 = arith.index_cast %mul3A_87 : i32 to index
    %get3A_89 = tpu.vector_load %arg7[%get3A_88] {strides = array<i32>} : memref<2000xi32, #tpu.memory_space<vmem>>, vector<16xi32>,
    %mul3A_90 = arith.constant 16 : i32
    %mul3A_91 = arith.muli %scan3A_85, %mul3A_90 : i32
    %get3A_92 = arith.index_cast %mul3A_91 : i32 to index
    %get3A_93 = tpu.vector_load %arg9[%get3A_92] {strides = array<i32>} : memref<2000xi32, #tpu.memory_space<vmem>>, vector<16xi32>,
    %gather3A_94 = tpu.vector_load_idx %arg6[%get3A_89] : memref<10000xf32, #tpu.memory_space<vmem>>[vector<16xi32>], vector<16xf32>,
    tpu.vector_store_idx %arg11[%get3A_93], %gather3A_94 {add = true} : memref<10000xf32, #tpu.memory_space<vmem>>[vector<16xi32>], vector<16xf32>,
    %scan3A_95 = arith.constant 0 : i32
    %scan3A_96 = arith.constant 123 : i32
    %scan3A_97 = arith.addi %scan3A_57, %scan3A_96 : i32
    %mul3A_98 = arith.constant 16 : i32
    %mul3A_99 = arith.muli %scan3A_97, %mul3A_98 : i32
    %get3A_100 = arith.index_cast %mul3A_99 : i32 to index
    %get3A_101 = tpu.vector_load %arg7[%get3A_100] {strides = array<i32>} : memref<2000xi32, #tpu.memory_space<vmem>>, vector<16xi32>,
    %mul3A_102 = arith.constant 16 : i32
    %mul3A_103 = arith.muli %scan3A_97, %mul3A_102 : i32
    %get3A_104 = arith.index_cast %mul3A_103 : i32 to index
    %get3A_105 = tpu.vector_load %arg9[%get3A_104] {strides = array<i32>} : memref<2000xi32, #tpu.memory_space<vmem>>, vector<16xi32>,
    %gather3A_106 = tpu.vector_load_idx %arg6[%get3A_101] : memref<10000xf32, #tpu.memory_space<vmem>>[vector<16xi32>], vector<16xf32>,
    tpu.vector_store_idx %arg11[%get3A_105], %gather3A_106 {add = true} : memref<10000xf32, #tpu.memory_space<vmem>>[vector<16xi32>], vector<16xf32>,
    %scan3A_107 = arith.constant 0 : i32
    %scan3A_108 = arith.constant 124 : i32
    %scan3A_109 = arith.addi %scan3A_57, %scan3A_108 : i32
    %mul3A_110 = arith.constant 16 : i32
    %mul3A_111 = arith.muli %scan3A_109, %mul3A_110 : i32
    %get3A_112 = arith.index_cast %mul3A_111 : i32 to index
    %get3A_113 = tpu.vector_load %arg7[%get3A_112] {strides = array<i32>} : memref<2000xi32, #tpu.memory_space<vmem>>, vector<16xi32>,
    %mul3A_114 = arith.constant 16 : i32
    %mul3A_115 = arith.muli %scan3A_109, %mul3A_114 : i32
    %get3A_116 = arith.index_cast %mul3A_115 : i32 to index
    %get3A_117 = tpu.vector_load %arg9[%get3A_116] {strides = array<i32>} : memref<2000xi32, #tpu.memory_space<vmem>>, vector<16xi32>,
    %gather3A_118 = tpu.vector_load_idx %arg6[%get3A_113] : memref<10000xf32, #tpu.memory_space<vmem>>[vector<16xi32>], vector<16xf32>,
    tpu.vector_store_idx %arg11[%get3A_117], %gather3A_118 {add = true} : memref<10000xf32, #tpu.memory_space<vmem>>[vector<16xi32>], vector<16xf32>,
    %scan3A_119 = arith.constant 0 : i32
    %scan3A_120 = arith.constant 125 : i32
    %add3A_121 = arith.constant 4000 : i32
    %add3A_122 = arith.addi %mul3A_2, %add3A_121 : i32
    %dma_start3A_123 = arith.constant 0 : i32
    %dma_start3A_124 = tpu.memref_slice %arg3[%add3A_122] : memref<320000xi32, #tpu.memory_space<hbm>> -> memref<2000xi32, #tpu.memory_space<hbm>>
    %dma_start3A_125 = tpu.memref_slice %arg13[%dma_start3A_123] : memref<2x!tpu.dma_semaphore, #tpu.memory_space<semaphore_mem>> -> memref<1x!tpu.dma_semaphore, #tpu.memory_space<semaphore_mem>>
    %dma_start3A_126 = tpu.memref_squeeze %dma_start3A_125 : memref<1x!tpu.dma_semaphore, #tpu.memory_space<semaphore_mem>> -> memref<!tpu.dma_semaphore, #tpu.memory_space<semaphore_mem>>
    %dma_start3A_127 = tpu.memref_slice %arg3[%add3A_122] : memref<320000xi32, #tpu.memory_space<hbm>> -> memref<2000xi32, #tpu.memory_space<hbm>>
    tpu.enqueue_dma source(%dma_start3A_127 : memref<2000xi32, #tpu.memory_space<hbm>>) target(%arg7 : memref<2000xi32, #tpu.memory_space<vmem>>) target_semaphore(%dma_start3A_126 : memref<!tpu.dma_semaphore, #tpu.memory_space<semaphore_mem>>)
    %add3A_128 = arith.constant 4000 : i32
    %add3A_129 = arith.addi %mul3A_2, %add3A_128 : i32
    %dma_start3A_130 = arith.constant 0 : i32
    %dma_start3A_131 = tpu.memref_slice %arg4[%add3A_129] : memref<320000xi32, #tpu.memory_space<hbm>> -> memref<2000xi32, #tpu.memory_space<hbm>>
    %dma_start3A_132 = tpu.memref_slice %arg13[%dma_start3A_130] : memref<2x!tpu.dma_semaphore, #tpu.memory_space<semaphore_mem>> -> memref<1x!tpu.dma_semaphore, #tpu.memory_space<semaphore_mem>>
    %dma_start3A_133 = tpu.memref_squeeze %dma_start3A_132 : memref<1x!tpu.dma_semaphore, #tpu.memory_space<semaphore_mem>> -> memref<!tpu.dma_semaphore, #tpu.memory_space<semaphore_mem>>
    %dma_start3A_134 = tpu.memref_slice %arg4[%add3A_129] : memref<320000xi32, #tpu.memory_space<hbm>> -> memref<2000xi32, #tpu.memory_space<hbm>>
    tpu.enqueue_dma source(%dma_start3A_134 : memref<2000xi32, #tpu.memory_space<hbm>>) target(%arg9 : memref<2000xi32, #tpu.memory_space<vmem>>) target_semaphore(%dma_start3A_133 : memref<!tpu.dma_semaphore, #tpu.memory_space<semaphore_mem>>)
    %add3A_135 = arith.constant 2000 : i32
    %add3A_136 = arith.addi %mul3A_2, %add3A_135 : i32
    %dma_wait3A_137 = arith.constant 1 : i32
    %dma_wait3A_138 = tpu.memref_slice %arg3[%add3A_136] : memref<320000xi32, #tpu.memory_space<hbm>> -> memref<2000xi32, #tpu.memory_space<hbm>>
    %dma_wait3A_139 = tpu.memref_slice %arg13[%dma_wait3A_137] : memref<2x!tpu.dma_semaphore, #tpu.memory_space<semaphore_mem>> -> memref<1x!tpu.dma_semaphore, #tpu.memory_space<semaphore_mem>>
    %dma_wait3A_140 = tpu.memref_squeeze %dma_wait3A_139 : memref<1x!tpu.dma_semaphore, #tpu.memory_space<semaphore_mem>> -> memref<!tpu.dma_semaphore, #tpu.memory_space<semaphore_mem>>
    %dma_wait3A_141 = tpu.memref_slice %arg3[%add3A_136] : memref<320000xi32, #tpu.memory_space<hbm>> -> memref<2000xi32, #tpu.memory_space<hbm>>
    tpu.wait_dma2 semaphore(%dma_wait3A_140 : memref<!tpu.dma_semaphore, #tpu.memory_space<semaphore_mem>>) src(%dma_wait3A_141 : memref<2000xi32, #tpu.memory_space<hbm>>) dst(%arg8 : memref<2000xi32, #tpu.memory_space<vmem>>)
    %add3A_142 = arith.constant 2000 : i32
    %add3A_143 = arith.addi %mul3A_2, %add3A_142 : i32
    %dma_wait3A_144 = arith.constant 1 : i32
    %dma_wait3A_145 = tpu.memref_slice %arg4[%add3A_143] : memref<320000xi32, #tpu.memory_space<hbm>> -> memref<2000xi32, #tpu.memory_space<hbm>>
    %dma_wait3A_146 = tpu.memref_slice %arg13[%dma_wait3A_144] : memref<2x!tpu.dma_semaphore, #tpu.memory_space<semaphore_mem>> -> memref<1x!tpu.dma_semaphore, #tpu.memory_space<semaphore_mem>>
    %dma_wait3A_147 = tpu.memref_squeeze %dma_wait3A_146 : memref<1x!tpu.dma_semaphore, #tpu.memory_space<semaphore_mem>> -> memref<!tpu.dma_semaphore, #tpu.memory_space<semaphore_mem>>
    %dma_wait3A_148 = tpu.memref_slice %arg4[%add3A_143] : memref<320000xi32, #tpu.memory_space<hbm>> -> memref<2000xi32, #tpu.memory_space<hbm>>
    tpu.wait_dma2 semaphore(%dma_wait3A_147 : memref<!tpu.dma_semaphore, #tpu.memory_space<semaphore_mem>>) src(%dma_wait3A_148 : memref<2000xi32, #tpu.memory_space<hbm>>) dst(%arg10 : memref<2000xi32, #tpu.memory_space<vmem>>)
    %scan3A_149 = arith.constant 0 : i32
    %scan3A_150 = arith.constant 0 : i32
    %scan3A_151 = arith.constant 120 : i32
    %scan3A_152 = arith.addi %scan3A_150, %scan3A_151 : i32
    %scan3A_153 = arith.constant 8 : i32
    %scan3A_154 = scf.for %scan3A_487 = %scan3A_150 to %scan3A_152 step %scan3A_153 iter_args(%scan3A_488 = %scan3A_149) -> (i32)  : i32 {
      %mul3A_489 = arith.constant 16 : i32
      %mul3A_490 = arith.muli %scan3A_487, %mul3A_489 : i32
      %get3A_491 = arith.index_cast %mul3A_490 : i32 to index
      %get3A_492 = tpu.vector_load %arg8[%get3A_491] {strides = array<i32>} : memref<2000xi32, #tpu.memory_space<vmem>>, vector<16xi32>,
      %mul3A_493 = arith.constant 16 : i32
      %mul3A_494 = arith.muli %scan3A_487, %mul3A_493 : i32
      %get3A_495 = arith.index_cast %mul3A_494 : i32 to index
      %get3A_496 = tpu.vector_load %arg10[%get3A_495] {strides = array<i32>} : memref<2000xi32, #tpu.memory_space<vmem>>, vector<16xi32>,
      %gather3A_497 = tpu.vector_load_idx %arg6[%get3A_492] : memref<10000xf32, #tpu.memory_space<vmem>>[vector<16xi32>], vector<16xf32>,
      tpu.vector_store_idx %arg11[%get3A_496], %gather3A_497 {add = true} : memref<10000xf32, #tpu.memory_space<vmem>>[vector<16xi32>], vector<16xf32>,
      %scan3A_498 = arith.constant 0 : i32
      %scan3A_499 = arith.constant 1 : i32
      %scan3A_500 = arith.addi %scan3A_487, %scan3A_499 : i32
      %mul3A_501 = arith.constant 16 : i32
      %mul3A_502 = arith.muli %scan3A_500, %mul3A_501 : i32
      %get3A_503 = arith.index_cast %mul3A_502 : i32 to index
      %get3A_504 = tpu.vector_load %arg8[%get3A_503] {strides = array<i32>} : memref<2000xi32, #tpu.memory_space<vmem>>, vector<16xi32>,
      %mul3A_505 = arith.constant 16 : i32
      %mul3A_506 = arith.muli %scan3A_500, %mul3A_505 : i32
      %get3A_507 = arith.index_cast %mul3A_506 : i32 to index
      %get3A_508 = tpu.vector_load %arg10[%get3A_507] {strides = array<i32>} : memref<2000xi32, #tpu.memory_space<vmem>>, vector<16xi32>,
      %gather3A_509 = tpu.vector_load_idx %arg6[%get3A_504] : memref<10000xf32, #tpu.memory_space<vmem>>[vector<16xi32>], vector<16xf32>,
      tpu.vector_store_idx %arg11[%get3A_508], %gather3A_509 {add = true} : memref<10000xf32, #tpu.memory_space<vmem>>[vector<16xi32>], vector<16xf32>,
      %scan3A_510 = arith.constant 0 : i32
      %scan3A_511 = arith.constant 2 : i32
      %scan3A_512 = arith.addi %scan3A_487, %scan3A_511 : i32
      %mul3A_513 = arith.constant 16 : i32
      %mul3A_514 = arith.muli %scan3A_512, %mul3A_513 : i32
      %get3A_515 = arith.index_cast %mul3A_514 : i32 to index
      %get3A_516 = tpu.vector_load %arg8[%get3A_515] {strides = array<i32>} : memref<2000xi32, #tpu.memory_space<vmem>>, vector<16xi32>,
      %mul3A_517 = arith.constant 16 : i32
      %mul3A_518 = arith.muli %scan3A_512, %mul3A_517 : i32
      %get3A_519 = arith.index_cast %mul3A_518 : i32 to index
      %get3A_520 = tpu.vector_load %arg10[%get3A_519] {strides = array<i32>} : memref<2000xi32, #tpu.memory_space<vmem>>, vector<16xi32>,
      %gather3A_521 = tpu.vector_load_idx %arg6[%get3A_516] : memref<10000xf32, #tpu.memory_space<vmem>>[vector<16xi32>], vector<16xf32>,
      tpu.vector_store_idx %arg11[%get3A_520], %gather3A_521 {add = true} : memref<10000xf32, #tpu.memory_space<vmem>>[vector<16xi32>], vector<16xf32>,
      %scan3A_522 = arith.constant 0 : i32
      %scan3A_523 = arith.constant 3 : i32
      %scan3A_524 = arith.addi %scan3A_487, %scan3A_523 : i32
      %mul3A_525 = arith.constant 16 : i32
      %mul3A_526 = arith.muli %scan3A_524, %mul3A_525 : i32
      %get3A_527 = arith.index_cast %mul3A_526 : i32 to index
      %get3A_528 = tpu.vector_load %arg8[%get3A_527] {strides = array<i32>} : memref<2000xi32, #tpu.memory_space<vmem>>, vector<16xi32>,
      %mul3A_529 = arith.constant 16 : i32
      %mul3A_530 = arith.muli %scan3A_524, %mul3A_529 : i32
      %get3A_531 = arith.index_cast %mul3A_530 : i32 to index
      %get3A_532 = tpu.vector_load %arg10[%get3A_531] {strides = array<i32>} : memref<2000xi32, #tpu.memory_space<vmem>>, vector<16xi32>,
      %gather3A_533 = tpu.vector_load_idx %arg6[%get3A_528] : memref<10000xf32, #tpu.memory_space<vmem>>[vector<16xi32>], vector<16xf32>,
      tpu.vector_store_idx %arg11[%get3A_532], %gather3A_533 {add = true} : memref<10000xf32, #tpu.memory_space<vmem>>[vector<16xi32>], vector<16xf32>,
      %scan3A_534 = arith.constant 0 : i32
      %scan3A_535 = arith.constant 4 : i32
      %scan3A_536 = arith.addi %scan3A_487, %scan3A_535 : i32
      %mul3A_537 = arith.constant 16 : i32
      %mul3A_538 = arith.muli %scan3A_536, %mul3A_537 : i32
      %get3A_539 = arith.index_cast %mul3A_538 : i32 to index
      %get3A_540 = tpu.vector_load %arg8[%get3A_539] {strides = array<i32>} : memref<2000xi32, #tpu.memory_space<vmem>>, vector<16xi32>,
      %mul3A_541 = arith.constant 16 : i32
      %mul3A_542 = arith.muli %scan3A_536, %mul3A_541 : i32
      %get3A_543 = arith.index_cast %mul3A_542 : i32 to index
      %get3A_544 = tpu.vector_load %arg10[%get3A_543] {strides = array<i32>} : memref<2000xi32, #tpu.memory_space<vmem>>, vector<16xi32>,
      %gather3A_545 = tpu.vector_load_idx %arg6[%get3A_540] : memref<10000xf32, #tpu.memory_space<vmem>>[vector<16xi32>], vector<16xf32>,
      tpu.vector_store_idx %arg11[%get3A_544], %gather3A_545 {add = true} : memref<10000xf32, #tpu.memory_space<vmem>>[vector<16xi32>], vector<16xf32>,
      %scan3A_546 = arith.constant 0 : i32
      %scan3A_547 = arith.constant 5 : i32
      %scan3A_548 = arith.addi %scan3A_487, %scan3A_547 : i32
      %mul3A_549 = arith.constant 16 : i32
      %mul3A_550 = arith.muli %scan3A_548, %mul3A_549 : i32
      %get3A_551 = arith.index_cast %mul3A_550 : i32 to index
      %get3A_552 = tpu.vector_load %arg8[%get3A_551] {strides = array<i32>} : memref<2000xi32, #tpu.memory_space<vmem>>, vector<16xi32>,
      %mul3A_553 = arith.constant 16 : i32
      %mul3A_554 = arith.muli %scan3A_548, %mul3A_553 : i32
      %get3A_555 = arith.index_cast %mul3A_554 : i32 to index
      %get3A_556 = tpu.vector_load %arg10[%get3A_555] {strides = array<i32>} : memref<2000xi32, #tpu.memory_space<vmem>>, vector<16xi32>,
      %gather3A_557 = tpu.vector_load_idx %arg6[%get3A_552] : memref<10000xf32, #tpu.memory_space<vmem>>[vector<16xi32>], vector<16xf32>,
      tpu.vector_store_idx %arg11[%get3A_556], %gather3A_557 {add = true} : memref<10000xf32, #tpu.memory_space<vmem>>[vector<16xi32>], vector<16xf32>,
      %scan3A_558 = arith.constant 0 : i32
      %scan3A_559 = arith.constant 6 : i32
      %scan3A_560 = arith.addi %scan3A_487, %scan3A_559 : i32
      %mul3A_561 = arith.constant 16 : i32
      %mul3A_562 = arith.muli %scan3A_560, %mul3A_561 : i32
      %get3A_563 = arith.index_cast %mul3A_562 : i32 to index
      %get3A_564 = tpu.vector_load %arg8[%get3A_563] {strides = array<i32>} : memref<2000xi32, #tpu.memory_space<vmem>>, vector<16xi32>,
      %mul3A_565 = arith.constant 16 : i32
      %mul3A_566 = arith.muli %scan3A_560, %mul3A_565 : i32
      %get3A_567 = arith.index_cast %mul3A_566 : i32 to index
      %get3A_568 = tpu.vector_load %arg10[%get3A_567] {strides = array<i32>} : memref<2000xi32, #tpu.memory_space<vmem>>, vector<16xi32>,
      %gather3A_569 = tpu.vector_load_idx %arg6[%get3A_564] : memref<10000xf32, #tpu.memory_space<vmem>>[vector<16xi32>], vector<16xf32>,
      tpu.vector_store_idx %arg11[%get3A_568], %gather3A_569 {add = true} : memref<10000xf32, #tpu.memory_space<vmem>>[vector<16xi32>], vector<16xf32>,
      %scan3A_570 = arith.constant 0 : i32
      %scan3A_571 = arith.constant 7 : i32
      %scan3A_572 = arith.addi %scan3A_487, %scan3A_571 : i32
      %mul3A_573 = arith.constant 16 : i32
      %mul3A_574 = arith.muli %scan3A_572, %mul3A_573 : i32
      %get3A_575 = arith.index_cast %mul3A_574 : i32 to index
      %get3A_576 = tpu.vector_load %arg8[%get3A_575] {strides = array<i32>} : memref<2000xi32, #tpu.memory_space<vmem>>, vector<16xi32>,
      %mul3A_577 = arith.constant 16 : i32
      %mul3A_578 = arith.muli %scan3A_572, %mul3A_577 : i32
      %get3A_579 = arith.index_cast %mul3A_578 : i32 to index
      %get3A_580 = tpu.vector_load %arg10[%get3A_579] {strides = array<i32>} : memref<2000xi32, #tpu.memory_space<vmem>>, vector<16xi32>,
      %gather3A_581 = tpu.vector_load_idx %arg6[%get3A_576] : memref<10000xf32, #tpu.memory_space<vmem>>[vector<16xi32>], vector<16xf32>,
      tpu.vector_store_idx %arg11[%get3A_580], %gather3A_581 {add = true} : memref<10000xf32, #tpu.memory_space<vmem>>[vector<16xi32>], vector<16xf32>,
      %scan3A_582 = arith.constant 0 : i32
      scf.yield %scan3A_582 : i32
    }
    %scan3A_155 = arith.constant 120 : i32
    %scan3A_156 = arith.addi %scan3A_150, %scan3A_155 : i32
    %mul3A_157 = arith.constant 16 : i32
    %mul3A_158 = arith.muli %scan3A_156, %mul3A_157 : i32
    %get3A_159 = arith.index_cast %mul3A_158 : i32 to index
    %get3A_160 = tpu.vector_load %arg8[%get3A_159] {strides = array<i32>} : memref<2000xi32, #tpu.memory_space<vmem>>, vector<16xi32>,
    %mul3A_161 = arith.constant 16 : i32
    %mul3A_162 = arith.muli %scan3A_156, %mul3A_161 : i32
    %get3A_163 = arith.index_cast %mul3A_162 : i32 to index
    %get3A_164 = tpu.vector_load %arg10[%get3A_163] {strides = array<i32>} : memref<2000xi32, #tpu.memory_space<vmem>>, vector<16xi32>,
    %gather3A_165 = tpu.vector_load_idx %arg6[%get3A_160] : memref<10000xf32, #tpu.memory_space<vmem>>[vector<16xi32>], vector<16xf32>,
    tpu.vector_store_idx %arg11[%get3A_164], %gather3A_165 {add = true} : memref<10000xf32, #tpu.memory_space<vmem>>[vector<16xi32>], vector<16xf32>,
    %scan3A_166 = arith.constant 0 : i32
    %scan3A_167 = arith.constant 121 : i32
    %scan3A_168 = arith.addi %scan3A_150, %scan3A_167 : i32
    %mul3A_169 = arith.constant 16 : i32
    %mul3A_170 = arith.muli %scan3A_168, %mul3A_169 : i32
    %get3A_171 = arith.index_cast %mul3A_170 : i32 to index
    %get3A_172 = tpu.vector_load %arg8[%get3A_171] {strides = array<i32>} : memref<2000xi32, #tpu.memory_space<vmem>>, vector<16xi32>,
    %mul3A_173 = arith.constant 16 : i32
    %mul3A_174 = arith.muli %scan3A_168, %mul3A_173 : i32
    %get3A_175 = arith.index_cast %mul3A_174 : i32 to index
    %get3A_176 = tpu.vector_load %arg10[%get3A_175] {strides = array<i32>} : memref<2000xi32, #tpu.memory_space<vmem>>, vector<16xi32>,
    %gather3A_177 = tpu.vector_load_idx %arg6[%get3A_172] : memref<10000xf32, #tpu.memory_space<vmem>>[vector<16xi32>], vector<16xf32>,
    tpu.vector_store_idx %arg11[%get3A_176], %gather3A_177 {add = true} : memref<10000xf32, #tpu.memory_space<vmem>>[vector<16xi32>], vector<16xf32>,
    %scan3A_178 = arith.constant 0 : i32
    %scan3A_179 = arith.constant 122 : i32
    %scan3A_180 = arith.addi %scan3A_150, %scan3A_179 : i32
    %mul3A_181 = arith.constant 16 : i32
    %mul3A_182 = arith.muli %scan3A_180, %mul3A_181 : i32
    %get3A_183 = arith.index_cast %mul3A_182 : i32 to index
    %get3A_184 = tpu.vector_load %arg8[%get3A_183] {strides = array<i32>} : memref<2000xi32, #tpu.memory_space<vmem>>, vector<16xi32>,
    %mul3A_185 = arith.constant 16 : i32
    %mul3A_186 = arith.muli %scan3A_180, %mul3A_185 : i32
    %get3A_187 = arith.index_cast %mul3A_186 : i32 to index
    %get3A_188 = tpu.vector_load %arg10[%get3A_187] {strides = array<i32>} : memref<2000xi32, #tpu.memory_space<vmem>>, vector<16xi32>,
    %gather3A_189 = tpu.vector_load_idx %arg6[%get3A_184] : memref<10000xf32, #tpu.memory_space<vmem>>[vector<16xi32>], vector<16xf32>,
    tpu.vector_store_idx %arg11[%get3A_188], %gather3A_189 {add = true} : memref<10000xf32, #tpu.memory_space<vmem>>[vector<16xi32>], vector<16xf32>,
    %scan3A_190 = arith.constant 0 : i32
    %scan3A_191 = arith.constant 123 : i32
    %scan3A_192 = arith.addi %scan3A_150, %scan3A_191 : i32
    %mul3A_193 = arith.constant 16 : i32
    %mul3A_194 = arith.muli %scan3A_192, %mul3A_193 : i32
    %get3A_195 = arith.index_cast %mul3A_194 : i32 to index
    %get3A_196 = tpu.vector_load %arg8[%get3A_195] {strides = array<i32>} : memref<2000xi32, #tpu.memory_space<vmem>>, vector<16xi32>,
    %mul3A_197 = arith.constant 16 : i32
    %mul3A_198 = arith.muli %scan3A_192, %mul3A_197 : i32
    %get3A_199 = arith.index_cast %mul3A_198 : i32 to index
    %get3A_200 = tpu.vector_load %arg10[%get3A_199] {strides = array<i32>} : memref<2000xi32, #tpu.memory_space<vmem>>, vector<16xi32>,
    %gather3A_201 = tpu.vector_load_idx %arg6[%get3A_196] : memref<10000xf32, #tpu.memory_space<vmem>>[vector<16xi32>], vector<16xf32>,
    tpu.vector_store_idx %arg11[%get3A_200], %gather3A_201 {add = true} : memref<10000xf32, #tpu.memory_space<vmem>>[vector<16xi32>], vector<16xf32>,
    %scan3A_202 = arith.constant 0 : i32
    %scan3A_203 = arith.constant 124 : i32
    %scan3A_204 = arith.addi %scan3A_150, %scan3A_203 : i32
    %mul3A_205 = arith.constant 16 : i32
    %mul3A_206 = arith.muli %scan3A_204, %mul3A_205 : i32
    %get3A_207 = arith.index_cast %mul3A_206 : i32 to index
    %get3A_208 = tpu.vector_load %arg8[%get3A_207] {strides = array<i32>} : memref<2000xi32, #tpu.memory_space<vmem>>, vector<16xi32>,
    %mul3A_209 = arith.constant 16 : i32
    %mul3A_210 = arith.muli %scan3A_204, %mul3A_209 : i32
    %get3A_211 = arith.index_cast %mul3A_210 : i32 to index
    %get3A_212 = tpu.vector_load %arg10[%get3A_211] {strides = array<i32>} : memref<2000xi32, #tpu.memory_space<vmem>>, vector<16xi32>,
    %gather3A_213 = tpu.vector_load_idx %arg6[%get3A_208] : memref<10000xf32, #tpu.memory_space<vmem>>[vector<16xi32>], vector<16xf32>,
    tpu.vector_store_idx %arg11[%get3A_212], %gather3A_213 {add = true} : memref<10000xf32, #tpu.memory_space<vmem>>[vector<16xi32>], vector<16xf32>,
    %scan3A_214 = arith.constant 0 : i32
    %scan3A_215 = arith.constant 125 : i32
    %add3A_216 = arith.constant 6000 : i32
    %add3A_217 = arith.addi %mul3A_2, %add3A_216 : i32
    %dma_start3A_218 = arith.constant 1 : i32
    %dma_start3A_219 = tpu.memref_slice %arg3[%add3A_217] : memref<320000xi32, #tpu.memory_space<hbm>> -> memref<2000xi32, #tpu.memory_space<hbm>>
    %dma_start3A_220 = tpu.memref_slice %arg13[%dma_start3A_218] : memref<2x!tpu.dma_semaphore, #tpu.memory_space<semaphore_mem>> -> memref<1x!tpu.dma_semaphore, #tpu.memory_space<semaphore_mem>>
    %dma_start3A_221 = tpu.memref_squeeze %dma_start3A_220 : memref<1x!tpu.dma_semaphore, #tpu.memory_space<semaphore_mem>> -> memref<!tpu.dma_semaphore, #tpu.memory_space<semaphore_mem>>
    %dma_start3A_222 = tpu.memref_slice %arg3[%add3A_217] : memref<320000xi32, #tpu.memory_space<hbm>> -> memref<2000xi32, #tpu.memory_space<hbm>>
    tpu.enqueue_dma source(%dma_start3A_222 : memref<2000xi32, #tpu.memory_space<hbm>>) target(%arg8 : memref<2000xi32, #tpu.memory_space<vmem>>) target_semaphore(%dma_start3A_221 : memref<!tpu.dma_semaphore, #tpu.memory_space<semaphore_mem>>)
    %add3A_223 = arith.constant 6000 : i32
    %add3A_224 = arith.addi %mul3A_2, %add3A_223 : i32
    %dma_start3A_225 = arith.constant 1 : i32
    %dma_start3A_226 = tpu.memref_slice %arg4[%add3A_224] : memref<320000xi32, #tpu.memory_space<hbm>> -> memref<2000xi32, #tpu.memory_space<hbm>>
    %dma_start3A_227 = tpu.memref_slice %arg13[%dma_start3A_225] : memref<2x!tpu.dma_semaphore, #tpu.memory_space<semaphore_mem>> -> memref<1x!tpu.dma_semaphore, #tpu.memory_space<semaphore_mem>>
    %dma_start3A_228 = tpu.memref_squeeze %dma_start3A_227 : memref<1x!tpu.dma_semaphore, #tpu.memory_space<semaphore_mem>> -> memref<!tpu.dma_semaphore, #tpu.memory_space<semaphore_mem>>
    %dma_start3A_229 = tpu.memref_slice %arg4[%add3A_224] : memref<320000xi32, #tpu.memory_space<hbm>> -> memref<2000xi32, #tpu.memory_space<hbm>>
    tpu.enqueue_dma source(%dma_start3A_229 : memref<2000xi32, #tpu.memory_space<hbm>>) target(%arg10 : memref<2000xi32, #tpu.memory_space<vmem>>) target_semaphore(%dma_start3A_228 : memref<!tpu.dma_semaphore, #tpu.memory_space<semaphore_mem>>)
    %add3A_230 = arith.constant 4000 : i32
    %add3A_231 = arith.addi %mul3A_2, %add3A_230 : i32
    %dma_wait3A_232 = arith.constant 0 : i32
    %dma_wait3A_233 = tpu.memref_slice %arg3[%add3A_231] : memref<320000xi32, #tpu.memory_space<hbm>> -> memref<2000xi32, #tpu.memory_space<hbm>>
    %dma_wait3A_234 = tpu.memref_slice %arg13[%dma_wait3A_232] : memref<2x!tpu.dma_semaphore, #tpu.memory_space<semaphore_mem>> -> memref<1x!tpu.dma_semaphore, #tpu.memory_space<semaphore_mem>>
    %dma_wait3A_235 = tpu.memref_squeeze %dma_wait3A_234 : memref<1x!tpu.dma_semaphore, #tpu.memory_space<semaphore_mem>> -> memref<!tpu.dma_semaphore, #tpu.memory_space<semaphore_mem>>
    %dma_wait3A_236 = tpu.memref_slice %arg3[%add3A_231] : memref<320000xi32, #tpu.memory_space<hbm>> -> memref<2000xi32, #tpu.memory_space<hbm>>
    tpu.wait_dma2 semaphore(%dma_wait3A_235 : memref<!tpu.dma_semaphore, #tpu.memory_space<semaphore_mem>>) src(%dma_wait3A_236 : memref<2000xi32, #tpu.memory_space<hbm>>) dst(%arg7 : memref<2000xi32, #tpu.memory_space<vmem>>)
    %add3A_237 = arith.constant 4000 : i32
    %add3A_238 = arith.addi %mul3A_2, %add3A_237 : i32
    %dma_wait3A_239 = arith.constant 0 : i32
    %dma_wait3A_240 = tpu.memref_slice %arg4[%add3A_238] : memref<320000xi32, #tpu.memory_space<hbm>> -> memref<2000xi32, #tpu.memory_space<hbm>>
    %dma_wait3A_241 = tpu.memref_slice %arg13[%dma_wait3A_239] : memref<2x!tpu.dma_semaphore, #tpu.memory_space<semaphore_mem>> -> memref<1x!tpu.dma_semaphore, #tpu.memory_space<semaphore_mem>>
    %dma_wait3A_242 = tpu.memref_squeeze %dma_wait3A_241 : memref<1x!tpu.dma_semaphore, #tpu.memory_space<semaphore_mem>> -> memref<!tpu.dma_semaphore, #tpu.memory_space<semaphore_mem>>
    %dma_wait3A_243 = tpu.memref_slice %arg4[%add3A_238] : memref<320000xi32, #tpu.memory_space<hbm>> -> memref<2000xi32, #tpu.memory_space<hbm>>
    tpu.wait_dma2 semaphore(%dma_wait3A_242 : memref<!tpu.dma_semaphore, #tpu.memory_space<semaphore_mem>>) src(%dma_wait3A_243 : memref<2000xi32, #tpu.memory_space<hbm>>) dst(%arg9 : memref<2000xi32, #tpu.memory_space<vmem>>)
    %scan3A_244 = arith.constant 0 : i32
    %scan3A_245 = arith.constant 0 : i32
    %scan3A_246 = arith.constant 120 : i32
    %scan3A_247 = arith.addi %scan3A_245, %scan3A_246 : i32
    %scan3A_248 = arith.constant 8 : i32
    %scan3A_249 = scf.for %scan3A_487 = %scan3A_245 to %scan3A_247 step %scan3A_248 iter_args(%scan3A_488 = %scan3A_244) -> (i32)  : i32 {
      %mul3A_489 = arith.constant 16 : i32
      %mul3A_490 = arith.muli %scan3A_487, %mul3A_489 : i32
      %get3A_491 = arith.index_cast %mul3A_490 : i32 to index
      %get3A_492 = tpu.vector_load %arg7[%get3A_491] {strides = array<i32>} : memref<2000xi32, #tpu.memory_space<vmem>>, vector<16xi32>,
      %mul3A_493 = arith.constant 16 : i32
      %mul3A_494 = arith.muli %scan3A_487, %mul3A_493 : i32
      %get3A_495 = arith.index_cast %mul3A_494 : i32 to index
      %get3A_496 = tpu.vector_load %arg9[%get3A_495] {strides = array<i32>} : memref<2000xi32, #tpu.memory_space<vmem>>, vector<16xi32>,
      %gather3A_497 = tpu.vector_load_idx %arg6[%get3A_492] : memref<10000xf32, #tpu.memory_space<vmem>>[vector<16xi32>], vector<16xf32>,
      tpu.vector_store_idx %arg11[%get3A_496], %gather3A_497 {add = true} : memref<10000xf32, #tpu.memory_space<vmem>>[vector<16xi32>], vector<16xf32>,
      %scan3A_498 = arith.constant 0 : i32
      %scan3A_499 = arith.constant 1 : i32
      %scan3A_500 = arith.addi %scan3A_487, %scan3A_499 : i32
      %mul3A_501 = arith.constant 16 : i32
      %mul3A_502 = arith.muli %scan3A_500, %mul3A_501 : i32
      %get3A_503 = arith.index_cast %mul3A_502 : i32 to index
      %get3A_504 = tpu.vector_load %arg7[%get3A_503] {strides = array<i32>} : memref<2000xi32, #tpu.memory_space<vmem>>, vector<16xi32>,
      %mul3A_505 = arith.constant 16 : i32
      %mul3A_506 = arith.muli %scan3A_500, %mul3A_505 : i32
      %get3A_507 = arith.index_cast %mul3A_506 : i32 to index
      %get3A_508 = tpu.vector_load %arg9[%get3A_507] {strides = array<i32>} : memref<2000xi32, #tpu.memory_space<vmem>>, vector<16xi32>,
      %gather3A_509 = tpu.vector_load_idx %arg6[%get3A_504] : memref<10000xf32, #tpu.memory_space<vmem>>[vector<16xi32>], vector<16xf32>,
      tpu.vector_store_idx %arg11[%get3A_508], %gather3A_509 {add = true} : memref<10000xf32, #tpu.memory_space<vmem>>[vector<16xi32>], vector<16xf32>,
      %scan3A_510 = arith.constant 0 : i32
      %scan3A_511 = arith.constant 2 : i32
      %scan3A_512 = arith.addi %scan3A_487, %scan3A_511 : i32
      %mul3A_513 = arith.constant 16 : i32
      %mul3A_514 = arith.muli %scan3A_512, %mul3A_513 : i32
      %get3A_515 = arith.index_cast %mul3A_514 : i32 to index
      %get3A_516 = tpu.vector_load %arg7[%get3A_515] {strides = array<i32>} : memref<2000xi32, #tpu.memory_space<vmem>>, vector<16xi32>,
      %mul3A_517 = arith.constant 16 : i32
      %mul3A_518 = arith.muli %scan3A_512, %mul3A_517 : i32
      %get3A_519 = arith.index_cast %mul3A_518 : i32 to index
      %get3A_520 = tpu.vector_load %arg9[%get3A_519] {strides = array<i32>} : memref<2000xi32, #tpu.memory_space<vmem>>, vector<16xi32>,
      %gather3A_521 = tpu.vector_load_idx %arg6[%get3A_516] : memref<10000xf32, #tpu.memory_space<vmem>>[vector<16xi32>], vector<16xf32>,
      tpu.vector_store_idx %arg11[%get3A_520], %gather3A_521 {add = true} : memref<10000xf32, #tpu.memory_space<vmem>>[vector<16xi32>], vector<16xf32>,
      %scan3A_522 = arith.constant 0 : i32
      %scan3A_523 = arith.constant 3 : i32
      %scan3A_524 = arith.addi %scan3A_487, %scan3A_523 : i32
      %mul3A_525 = arith.constant 16 : i32
      %mul3A_526 = arith.muli %scan3A_524, %mul3A_525 : i32
      %get3A_527 = arith.index_cast %mul3A_526 : i32 to index
      %get3A_528 = tpu.vector_load %arg7[%get3A_527] {strides = array<i32>} : memref<2000xi32, #tpu.memory_space<vmem>>, vector<16xi32>,
      %mul3A_529 = arith.constant 16 : i32
      %mul3A_530 = arith.muli %scan3A_524, %mul3A_529 : i32
      %get3A_531 = arith.index_cast %mul3A_530 : i32 to index
      %get3A_532 = tpu.vector_load %arg9[%get3A_531] {strides = array<i32>} : memref<2000xi32, #tpu.memory_space<vmem>>, vector<16xi32>,
      %gather3A_533 = tpu.vector_load_idx %arg6[%get3A_528] : memref<10000xf32, #tpu.memory_space<vmem>>[vector<16xi32>], vector<16xf32>,
      tpu.vector_store_idx %arg11[%get3A_532], %gather3A_533 {add = true} : memref<10000xf32, #tpu.memory_space<vmem>>[vector<16xi32>], vector<16xf32>,
      %scan3A_534 = arith.constant 0 : i32
      %scan3A_535 = arith.constant 4 : i32
      %scan3A_536 = arith.addi %scan3A_487, %scan3A_535 : i32
      %mul3A_537 = arith.constant 16 : i32
      %mul3A_538 = arith.muli %scan3A_536, %mul3A_537 : i32
      %get3A_539 = arith.index_cast %mul3A_538 : i32 to index
      %get3A_540 = tpu.vector_load %arg7[%get3A_539] {strides = array<i32>} : memref<2000xi32, #tpu.memory_space<vmem>>, vector<16xi32>,
      %mul3A_541 = arith.constant 16 : i32
      %mul3A_542 = arith.muli %scan3A_536, %mul3A_541 : i32
      %get3A_543 = arith.index_cast %mul3A_542 : i32 to index
      %get3A_544 = tpu.vector_load %arg9[%get3A_543] {strides = array<i32>} : memref<2000xi32, #tpu.memory_space<vmem>>, vector<16xi32>,
      %gather3A_545 = tpu.vector_load_idx %arg6[%get3A_540] : memref<10000xf32, #tpu.memory_space<vmem>>[vector<16xi32>], vector<16xf32>,
      tpu.vector_store_idx %arg11[%get3A_544], %gather3A_545 {add = true} : memref<10000xf32, #tpu.memory_space<vmem>>[vector<16xi32>], vector<16xf32>,
      %scan3A_546 = arith.constant 0 : i32
      %scan3A_547 = arith.constant 5 : i32
      %scan3A_548 = arith.addi %scan3A_487, %scan3A_547 : i32
      %mul3A_549 = arith.constant 16 : i32
      %mul3A_550 = arith.muli %scan3A_548, %mul3A_549 : i32
      %get3A_551 = arith.index_cast %mul3A_550 : i32 to index
      %get3A_552 = tpu.vector_load %arg7[%get3A_551] {strides = array<i32>} : memref<2000xi32, #tpu.memory_space<vmem>>, vector<16xi32>,
      %mul3A_553 = arith.constant 16 : i32
      %mul3A_554 = arith.muli %scan3A_548, %mul3A_553 : i32
      %get3A_555 = arith.index_cast %mul3A_554 : i32 to index
      %get3A_556 = tpu.vector_load %arg9[%get3A_555] {strides = array<i32>} : memref<2000xi32, #tpu.memory_space<vmem>>, vector<16xi32>,
      %gather3A_557 = tpu.vector_load_idx %arg6[%get3A_552] : memref<10000xf32, #tpu.memory_space<vmem>>[vector<16xi32>], vector<16xf32>,
      tpu.vector_store_idx %arg11[%get3A_556], %gather3A_557 {add = true} : memref<10000xf32, #tpu.memory_space<vmem>>[vector<16xi32>], vector<16xf32>,
      %scan3A_558 = arith.constant 0 : i32
      %scan3A_559 = arith.constant 6 : i32
      %scan3A_560 = arith.addi %scan3A_487, %scan3A_559 : i32
      %mul3A_561 = arith.constant 16 : i32
      %mul3A_562 = arith.muli %scan3A_560, %mul3A_561 : i32
      %get3A_563 = arith.index_cast %mul3A_562 : i32 to index
      %get3A_564 = tpu.vector_load %arg7[%get3A_563] {strides = array<i32>} : memref<2000xi32, #tpu.memory_space<vmem>>, vector<16xi32>,
      %mul3A_565 = arith.constant 16 : i32
      %mul3A_566 = arith.muli %scan3A_560, %mul3A_565 : i32
      %get3A_567 = arith.index_cast %mul3A_566 : i32 to index
      %get3A_568 = tpu.vector_load %arg9[%get3A_567] {strides = array<i32>} : memref<2000xi32, #tpu.memory_space<vmem>>, vector<16xi32>,
      %gather3A_569 = tpu.vector_load_idx %arg6[%get3A_564] : memref<10000xf32, #tpu.memory_space<vmem>>[vector<16xi32>], vector<16xf32>,
      tpu.vector_store_idx %arg11[%get3A_568], %gather3A_569 {add = true} : memref<10000xf32, #tpu.memory_space<vmem>>[vector<16xi32>], vector<16xf32>,
      %scan3A_570 = arith.constant 0 : i32
      %scan3A_571 = arith.constant 7 : i32
      %scan3A_572 = arith.addi %scan3A_487, %scan3A_571 : i32
      %mul3A_573 = arith.constant 16 : i32
      %mul3A_574 = arith.muli %scan3A_572, %mul3A_573 : i32
      %get3A_575 = arith.index_cast %mul3A_574 : i32 to index
      %get3A_576 = tpu.vector_load %arg7[%get3A_575] {strides = array<i32>} : memref<2000xi32, #tpu.memory_space<vmem>>, vector<16xi32>,
      %mul3A_577 = arith.constant 16 : i32
      %mul3A_578 = arith.muli %scan3A_572, %mul3A_577 : i32
      %get3A_579 = arith.index_cast %mul3A_578 : i32 to index
      %get3A_580 = tpu.vector_load %arg9[%get3A_579] {strides = array<i32>} : memref<2000xi32, #tpu.memory_space<vmem>>, vector<16xi32>,
      %gather3A_581 = tpu.vector_load_idx %arg6[%get3A_576] : memref<10000xf32, #tpu.memory_space<vmem>>[vector<16xi32>], vector<16xf32>,
      tpu.vector_store_idx %arg11[%get3A_580], %gather3A_581 {add = true} : memref<10000xf32, #tpu.memory_space<vmem>>[vector<16xi32>], vector<16xf32>,
      %scan3A_582 = arith.constant 0 : i32
      scf.yield %scan3A_582 : i32
    }
    %scan3A_250 = arith.constant 120 : i32
    %scan3A_251 = arith.addi %scan3A_245, %scan3A_250 : i32
    %mul3A_252 = arith.constant 16 : i32
    %mul3A_253 = arith.muli %scan3A_251, %mul3A_252 : i32
    %get3A_254 = arith.index_cast %mul3A_253 : i32 to index
    %get3A_255 = tpu.vector_load %arg7[%get3A_254] {strides = array<i32>} : memref<2000xi32, #tpu.memory_space<vmem>>, vector<16xi32>,
    %mul3A_256 = arith.constant 16 : i32
    %mul3A_257 = arith.muli %scan3A_251, %mul3A_256 : i32
    %get3A_258 = arith.index_cast %mul3A_257 : i32 to index
    %get3A_259 = tpu.vector_load %arg9[%get3A_258] {strides = array<i32>} : memref<2000xi32, #tpu.memory_space<vmem>>, vector<16xi32>,
    %gather3A_260 = tpu.vector_load_idx %arg6[%get3A_255] : memref<10000xf32, #tpu.memory_space<vmem>>[vector<16xi32>], vector<16xf32>,
    tpu.vector_store_idx %arg11[%get3A_259], %gather3A_260 {add = true} : memref<10000xf32, #tpu.memory_space<vmem>>[vector<16xi32>], vector<16xf32>,
    %scan3A_261 = arith.constant 0 : i32
    %scan3A_262 = arith.constant 121 : i32
    %scan3A_263 = arith.addi %scan3A_245, %scan3A_262 : i32
    %mul3A_264 = arith.constant 16 : i32
    %mul3A_265 = arith.muli %scan3A_263, %mul3A_264 : i32
    %get3A_266 = arith.index_cast %mul3A_265 : i32 to index
    %get3A_267 = tpu.vector_load %arg7[%get3A_266] {strides = array<i32>} : memref<2000xi32, #tpu.memory_space<vmem>>, vector<16xi32>,
    %mul3A_268 = arith.constant 16 : i32
    %mul3A_269 = arith.muli %scan3A_263, %mul3A_268 : i32
    %get3A_270 = arith.index_cast %mul3A_269 : i32 to index
    %get3A_271 = tpu.vector_load %arg9[%get3A_270] {strides = array<i32>} : memref<2000xi32, #tpu.memory_space<vmem>>, vector<16xi32>,
    %gather3A_272 = tpu.vector_load_idx %arg6[%get3A_267] : memref<10000xf32, #tpu.memory_space<vmem>>[vector<16xi32>], vector<16xf32>,
    tpu.vector_store_idx %arg11[%get3A_271], %gather3A_272 {add = true} : memref<10000xf32, #tpu.memory_space<vmem>>[vector<16xi32>], vector<16xf32>,
    %scan3A_273 = arith.constant 0 : i32
    %scan3A_274 = arith.constant 122 : i32
    %scan3A_275 = arith.addi %scan3A_245, %scan3A_274 : i32
    %mul3A_276 = arith.constant 16 : i32
    %mul3A_277 = arith.muli %scan3A_275, %mul3A_276 : i32
    %get3A_278 = arith.index_cast %mul3A_277 : i32 to index
    %get3A_279 = tpu.vector_load %arg7[%get3A_278] {strides = array<i32>} : memref<2000xi32, #tpu.memory_space<vmem>>, vector<16xi32>,
    %mul3A_280 = arith.constant 16 : i32
    %mul3A_281 = arith.muli %scan3A_275, %mul3A_280 : i32
    %get3A_282 = arith.index_cast %mul3A_281 : i32 to index
    %get3A_283 = tpu.vector_load %arg9[%get3A_282] {strides = array<i32>} : memref<2000xi32, #tpu.memory_space<vmem>>, vector<16xi32>,
    %gather3A_284 = tpu.vector_load_idx %arg6[%get3A_279] : memref<10000xf32, #tpu.memory_space<vmem>>[vector<16xi32>], vector<16xf32>,
    tpu.vector_store_idx %arg11[%get3A_283], %gather3A_284 {add = true} : memref<10000xf32, #tpu.memory_space<vmem>>[vector<16xi32>], vector<16xf32>,
    %scan3A_285 = arith.constant 0 : i32
    %scan3A_286 = arith.constant 123 : i32
    %scan3A_287 = arith.addi %scan3A_245, %scan3A_286 : i32
    %mul3A_288 = arith.constant 16 : i32
    %mul3A_289 = arith.muli %scan3A_287, %mul3A_288 : i32
    %get3A_290 = arith.index_cast %mul3A_289 : i32 to index
    %get3A_291 = tpu.vector_load %arg7[%get3A_290] {strides = array<i32>} : memref<2000xi32, #tpu.memory_space<vmem>>, vector<16xi32>,
    %mul3A_292 = arith.constant 16 : i32
    %mul3A_293 = arith.muli %scan3A_287, %mul3A_292 : i32
    %get3A_294 = arith.index_cast %mul3A_293 : i32 to index
    %get3A_295 = tpu.vector_load %arg9[%get3A_294] {strides = array<i32>} : memref<2000xi32, #tpu.memory_space<vmem>>, vector<16xi32>,
    %gather3A_296 = tpu.vector_load_idx %arg6[%get3A_291] : memref<10000xf32, #tpu.memory_space<vmem>>[vector<16xi32>], vector<16xf32>,
    tpu.vector_store_idx %arg11[%get3A_295], %gather3A_296 {add = true} : memref<10000xf32, #tpu.memory_space<vmem>>[vector<16xi32>], vector<16xf32>,
    %scan3A_297 = arith.constant 0 : i32
    %scan3A_298 = arith.constant 124 : i32
    %scan3A_299 = arith.addi %scan3A_245, %scan3A_298 : i32
    %mul3A_300 = arith.constant 16 : i32
    %mul3A_301 = arith.muli %scan3A_299, %mul3A_300 : i32
    %get3A_302 = arith.index_cast %mul3A_301 : i32 to index
    %get3A_303 = tpu.vector_load %arg7[%get3A_302] {strides = array<i32>} : memref<2000xi32, #tpu.memory_space<vmem>>, vector<16xi32>,
    %mul3A_304 = arith.constant 16 : i32
    %mul3A_305 = arith.muli %scan3A_299, %mul3A_304 : i32
    %get3A_306 = arith.index_cast %mul3A_305 : i32 to index
    %get3A_307 = tpu.vector_load %arg9[%get3A_306] {strides = array<i32>} : memref<2000xi32, #tpu.memory_space<vmem>>, vector<16xi32>,
    %gather3A_308 = tpu.vector_load_idx %arg6[%get3A_303] : memref<10000xf32, #tpu.memory_space<vmem>>[vector<16xi32>], vector<16xf32>,
    tpu.vector_store_idx %arg11[%get3A_307], %gather3A_308 {add = true} : memref<10000xf32, #tpu.memory_space<vmem>>[vector<16xi32>], vector<16xf32>,
    %scan3A_309 = arith.constant 0 : i32
    %scan3A_310 = arith.constant 125 : i32
    %add3A_311 = arith.constant 8000 : i32
    %add3A_312 = arith.addi %mul3A_2, %add3A_311 : i32
    %dma_start3A_313 = arith.constant 0 : i32
    %dma_start3A_314 = tpu.memref_slice %arg3[%add3A_312] : memref<320000xi32, #tpu.memory_space<hbm>> -> memref<2000xi32, #tpu.memory_space<hbm>>
    %dma_start3A_315 = tpu.memref_slice %arg13[%dma_start3A_313] : memref<2x!tpu.dma_semaphore, #tpu.memory_space<semaphore_mem>> -> memref<1x!tpu.dma_semaphore, #tpu.memory_space<semaphore_mem>>
    %dma_start3A_316 = tpu.memref_squeeze %dma_start3A_315 : memref<1x!tpu.dma_semaphore, #tpu.memory_space<semaphore_mem>> -> memref<!tpu.dma_semaphore, #tpu.memory_space<semaphore_mem>>
    %dma_start3A_317 = tpu.memref_slice %arg3[%add3A_312] : memref<320000xi32, #tpu.memory_space<hbm>> -> memref<2000xi32, #tpu.memory_space<hbm>>
    tpu.enqueue_dma source(%dma_start3A_317 : memref<2000xi32, #tpu.memory_space<hbm>>) target(%arg7 : memref<2000xi32, #tpu.memory_space<vmem>>) target_semaphore(%dma_start3A_316 : memref<!tpu.dma_semaphore, #tpu.memory_space<semaphore_mem>>)
    %add3A_318 = arith.constant 8000 : i32
    %add3A_319 = arith.addi %mul3A_2, %add3A_318 : i32
    %dma_start3A_320 = arith.constant 0 : i32
    %dma_start3A_321 = tpu.memref_slice %arg4[%add3A_319] : memref<320000xi32, #tpu.memory_space<hbm>> -> memref<2000xi32, #tpu.memory_space<hbm>>
    %dma_start3A_322 = tpu.memref_slice %arg13[%dma_start3A_320] : memref<2x!tpu.dma_semaphore, #tpu.memory_space<semaphore_mem>> -> memref<1x!tpu.dma_semaphore, #tpu.memory_space<semaphore_mem>>
    %dma_start3A_323 = tpu.memref_squeeze %dma_start3A_322 : memref<1x!tpu.dma_semaphore, #tpu.memory_space<semaphore_mem>> -> memref<!tpu.dma_semaphore, #tpu.memory_space<semaphore_mem>>
    %dma_start3A_324 = tpu.memref_slice %arg4[%add3A_319] : memref<320000xi32, #tpu.memory_space<hbm>> -> memref<2000xi32, #tpu.memory_space<hbm>>
    tpu.enqueue_dma source(%dma_start3A_324 : memref<2000xi32, #tpu.memory_space<hbm>>) target(%arg9 : memref<2000xi32, #tpu.memory_space<vmem>>) target_semaphore(%dma_start3A_323 : memref<!tpu.dma_semaphore, #tpu.memory_space<semaphore_mem>>)
    %add3A_325 = arith.constant 6000 : i32
    %add3A_326 = arith.addi %mul3A_2, %add3A_325 : i32
    %dma_wait3A_327 = arith.constant 1 : i32
    %dma_wait3A_328 = tpu.memref_slice %arg3[%add3A_326] : memref<320000xi32, #tpu.memory_space<hbm>> -> memref<2000xi32, #tpu.memory_space<hbm>>
    %dma_wait3A_329 = tpu.memref_slice %arg13[%dma_wait3A_327] : memref<2x!tpu.dma_semaphore, #tpu.memory_space<semaphore_mem>> -> memref<1x!tpu.dma_semaphore, #tpu.memory_space<semaphore_mem>>
    %dma_wait3A_330 = tpu.memref_squeeze %dma_wait3A_329 : memref<1x!tpu.dma_semaphore, #tpu.memory_space<semaphore_mem>> -> memref<!tpu.dma_semaphore, #tpu.memory_space<semaphore_mem>>
    %dma_wait3A_331 = tpu.memref_slice %arg3[%add3A_326] : memref<320000xi32, #tpu.memory_space<hbm>> -> memref<2000xi32, #tpu.memory_space<hbm>>
    tpu.wait_dma2 semaphore(%dma_wait3A_330 : memref<!tpu.dma_semaphore, #tpu.memory_space<semaphore_mem>>) src(%dma_wait3A_331 : memref<2000xi32, #tpu.memory_space<hbm>>) dst(%arg8 : memref<2000xi32, #tpu.memory_space<vmem>>)
    %add3A_332 = arith.constant 6000 : i32
    %add3A_333 = arith.addi %mul3A_2, %add3A_332 : i32
    %dma_wait3A_334 = arith.constant 1 : i32
    %dma_wait3A_335 = tpu.memref_slice %arg4[%add3A_333] : memref<320000xi32, #tpu.memory_space<hbm>> -> memref<2000xi32, #tpu.memory_space<hbm>>
    %dma_wait3A_336 = tpu.memref_slice %arg13[%dma_wait3A_334] : memref<2x!tpu.dma_semaphore, #tpu.memory_space<semaphore_mem>> -> memref<1x!tpu.dma_semaphore, #tpu.memory_space<semaphore_mem>>
    %dma_wait3A_337 = tpu.memref_squeeze %dma_wait3A_336 : memref<1x!tpu.dma_semaphore, #tpu.memory_space<semaphore_mem>> -> memref<!tpu.dma_semaphore, #tpu.memory_space<semaphore_mem>>
    %dma_wait3A_338 = tpu.memref_slice %arg4[%add3A_333] : memref<320000xi32, #tpu.memory_space<hbm>> -> memref<2000xi32, #tpu.memory_space<hbm>>
    tpu.wait_dma2 semaphore(%dma_wait3A_337 : memref<!tpu.dma_semaphore, #tpu.memory_space<semaphore_mem>>) src(%dma_wait3A_338 : memref<2000xi32, #tpu.memory_space<hbm>>) dst(%arg10 : memref<2000xi32, #tpu.memory_space<vmem>>)
    %scan3A_339 = arith.constant 0 : i32
    %scan3A_340 = arith.constant 0 : i32
    %scan3A_341 = arith.constant 120 : i32
    %scan3A_342 = arith.addi %scan3A_340, %scan3A_341 : i32
    %scan3A_343 = arith.constant 8 : i32
    %scan3A_344 = scf.for %scan3A_487 = %scan3A_340 to %scan3A_342 step %scan3A_343 iter_args(%scan3A_488 = %scan3A_339) -> (i32)  : i32 {
      %mul3A_489 = arith.constant 16 : i32
      %mul3A_490 = arith.muli %scan3A_487, %mul3A_489 : i32
      %get3A_491 = arith.index_cast %mul3A_490 : i32 to index
      %get3A_492 = tpu.vector_load %arg8[%get3A_491] {strides = array<i32>} : memref<2000xi32, #tpu.memory_space<vmem>>, vector<16xi32>,
      %mul3A_493 = arith.constant 16 : i32
      %mul3A_494 = arith.muli %scan3A_487, %mul3A_493 : i32
      %get3A_495 = arith.index_cast %mul3A_494 : i32 to index
      %get3A_496 = tpu.vector_load %arg10[%get3A_495] {strides = array<i32>} : memref<2000xi32, #tpu.memory_space<vmem>>, vector<16xi32>,
      %gather3A_497 = tpu.vector_load_idx %arg6[%get3A_492] : memref<10000xf32, #tpu.memory_space<vmem>>[vector<16xi32>], vector<16xf32>,
      tpu.vector_store_idx %arg11[%get3A_496], %gather3A_497 {add = true} : memref<10000xf32, #tpu.memory_space<vmem>>[vector<16xi32>], vector<16xf32>,
      %scan3A_498 = arith.constant 0 : i32
      %scan3A_499 = arith.constant 1 : i32
      %scan3A_500 = arith.addi %scan3A_487, %scan3A_499 : i32
      %mul3A_501 = arith.constant 16 : i32
      %mul3A_502 = arith.muli %scan3A_500, %mul3A_501 : i32
      %get3A_503 = arith.index_cast %mul3A_502 : i32 to index
      %get3A_504 = tpu.vector_load %arg8[%get3A_503] {strides = array<i32>} : memref<2000xi32, #tpu.memory_space<vmem>>, vector<16xi32>,
      %mul3A_505 = arith.constant 16 : i32
      %mul3A_506 = arith.muli %scan3A_500, %mul3A_505 : i32
      %get3A_507 = arith.index_cast %mul3A_506 : i32 to index
      %get3A_508 = tpu.vector_load %arg10[%get3A_507] {strides = array<i32>} : memref<2000xi32, #tpu.memory_space<vmem>>, vector<16xi32>,
      %gather3A_509 = tpu.vector_load_idx %arg6[%get3A_504] : memref<10000xf32, #tpu.memory_space<vmem>>[vector<16xi32>], vector<16xf32>,
      tpu.vector_store_idx %arg11[%get3A_508], %gather3A_509 {add = true} : memref<10000xf32, #tpu.memory_space<vmem>>[vector<16xi32>], vector<16xf32>,
      %scan3A_510 = arith.constant 0 : i32
      %scan3A_511 = arith.constant 2 : i32
      %scan3A_512 = arith.addi %scan3A_487, %scan3A_511 : i32
      %mul3A_513 = arith.constant 16 : i32
      %mul3A_514 = arith.muli %scan3A_512, %mul3A_513 : i32
      %get3A_515 = arith.index_cast %mul3A_514 : i32 to index
      %get3A_516 = tpu.vector_load %arg8[%get3A_515] {strides = array<i32>} : memref<2000xi32, #tpu.memory_space<vmem>>, vector<16xi32>,
      %mul3A_517 = arith.constant 16 : i32
      %mul3A_518 = arith.muli %scan3A_512, %mul3A_517 : i32
      %get3A_519 = arith.index_cast %mul3A_518 : i32 to index
      %get3A_520 = tpu.vector_load %arg10[%get3A_519] {strides = array<i32>} : memref<2000xi32, #tpu.memory_space<vmem>>, vector<16xi32>,
      %gather3A_521 = tpu.vector_load_idx %arg6[%get3A_516] : memref<10000xf32, #tpu.memory_space<vmem>>[vector<16xi32>], vector<16xf32>,
      tpu.vector_store_idx %arg11[%get3A_520], %gather3A_521 {add = true} : memref<10000xf32, #tpu.memory_space<vmem>>[vector<16xi32>], vector<16xf32>,
      %scan3A_522 = arith.constant 0 : i32
      %scan3A_523 = arith.constant 3 : i32
      %scan3A_524 = arith.addi %scan3A_487, %scan3A_523 : i32
      %mul3A_525 = arith.constant 16 : i32
      %mul3A_526 = arith.muli %scan3A_524, %mul3A_525 : i32
      %get3A_527 = arith.index_cast %mul3A_526 : i32 to index
      %get3A_528 = tpu.vector_load %arg8[%get3A_527] {strides = array<i32>} : memref<2000xi32, #tpu.memory_space<vmem>>, vector<16xi32>,
      %mul3A_529 = arith.constant 16 : i32
      %mul3A_530 = arith.muli %scan3A_524, %mul3A_529 : i32
      %get3A_531 = arith.index_cast %mul3A_530 : i32 to index
      %get3A_532 = tpu.vector_load %arg10[%get3A_531] {strides = array<i32>} : memref<2000xi32, #tpu.memory_space<vmem>>, vector<16xi32>,
      %gather3A_533 = tpu.vector_load_idx %arg6[%get3A_528] : memref<10000xf32, #tpu.memory_space<vmem>>[vector<16xi32>], vector<16xf32>,
      tpu.vector_store_idx %arg11[%get3A_532], %gather3A_533 {add = true} : memref<10000xf32, #tpu.memory_space<vmem>>[vector<16xi32>], vector<16xf32>,
      %scan3A_534 = arith.constant 0 : i32
      %scan3A_535 = arith.constant 4 : i32
      %scan3A_536 = arith.addi %scan3A_487, %scan3A_535 : i32
      %mul3A_537 = arith.constant 16 : i32
      %mul3A_538 = arith.muli %scan3A_536, %mul3A_537 : i32
      %get3A_539 = arith.index_cast %mul3A_538 : i32 to index
      %get3A_540 = tpu.vector_load %arg8[%get3A_539] {strides = array<i32>} : memref<2000xi32, #tpu.memory_space<vmem>>, vector<16xi32>,
      %mul3A_541 = arith.constant 16 : i32
      %mul3A_542 = arith.muli %scan3A_536, %mul3A_541 : i32
      %get3A_543 = arith.index_cast %mul3A_542 : i32 to index
      %get3A_544 = tpu.vector_load %arg10[%get3A_543] {strides = array<i32>} : memref<2000xi32, #tpu.memory_space<vmem>>, vector<16xi32>,
      %gather3A_545 = tpu.vector_load_idx %arg6[%get3A_540] : memref<10000xf32, #tpu.memory_space<vmem>>[vector<16xi32>], vector<16xf32>,
      tpu.vector_store_idx %arg11[%get3A_544], %gather3A_545 {add = true} : memref<10000xf32, #tpu.memory_space<vmem>>[vector<16xi32>], vector<16xf32>,
      %scan3A_546 = arith.constant 0 : i32
      %scan3A_547 = arith.constant 5 : i32
      %scan3A_548 = arith.addi %scan3A_487, %scan3A_547 : i32
      %mul3A_549 = arith.constant 16 : i32
      %mul3A_550 = arith.muli %scan3A_548, %mul3A_549 : i32
      %get3A_551 = arith.index_cast %mul3A_550 : i32 to index
      %get3A_552 = tpu.vector_load %arg8[%get3A_551] {strides = array<i32>} : memref<2000xi32, #tpu.memory_space<vmem>>, vector<16xi32>,
      %mul3A_553 = arith.constant 16 : i32
      %mul3A_554 = arith.muli %scan3A_548, %mul3A_553 : i32
      %get3A_555 = arith.index_cast %mul3A_554 : i32 to index
      %get3A_556 = tpu.vector_load %arg10[%get3A_555] {strides = array<i32>} : memref<2000xi32, #tpu.memory_space<vmem>>, vector<16xi32>,
      %gather3A_557 = tpu.vector_load_idx %arg6[%get3A_552] : memref<10000xf32, #tpu.memory_space<vmem>>[vector<16xi32>], vector<16xf32>,
      tpu.vector_store_idx %arg11[%get3A_556], %gather3A_557 {add = true} : memref<10000xf32, #tpu.memory_space<vmem>>[vector<16xi32>], vector<16xf32>,
      %scan3A_558 = arith.constant 0 : i32
      %scan3A_559 = arith.constant 6 : i32
      %scan3A_560 = arith.addi %scan3A_487, %scan3A_559 : i32
      %mul3A_561 = arith.constant 16 : i32
      %mul3A_562 = arith.muli %scan3A_560, %mul3A_561 : i32
      %get3A_563 = arith.index_cast %mul3A_562 : i32 to index
      %get3A_564 = tpu.vector_load %arg8[%get3A_563] {strides = array<i32>} : memref<2000xi32, #tpu.memory_space<vmem>>, vector<16xi32>,
      %mul3A_565 = arith.constant 16 : i32
      %mul3A_566 = arith.muli %scan3A_560, %mul3A_565 : i32
      %get3A_567 = arith.index_cast %mul3A_566 : i32 to index
      %get3A_568 = tpu.vector_load %arg10[%get3A_567] {strides = array<i32>} : memref<2000xi32, #tpu.memory_space<vmem>>, vector<16xi32>,
      %gather3A_569 = tpu.vector_load_idx %arg6[%get3A_564] : memref<10000xf32, #tpu.memory_space<vmem>>[vector<16xi32>], vector<16xf32>,
      tpu.vector_store_idx %arg11[%get3A_568], %gather3A_569 {add = true} : memref<10000xf32, #tpu.memory_space<vmem>>[vector<16xi32>], vector<16xf32>,
      %scan3A_570 = arith.constant 0 : i32
      %scan3A_571 = arith.constant 7 : i32
      %scan3A_572 = arith.addi %scan3A_487, %scan3A_571 : i32
      %mul3A_573 = arith.constant 16 : i32
      %mul3A_574 = arith.muli %scan3A_572, %mul3A_573 : i32
      %get3A_575 = arith.index_cast %mul3A_574 : i32 to index
      %get3A_576 = tpu.vector_load %arg8[%get3A_575] {strides = array<i32>} : memref<2000xi32, #tpu.memory_space<vmem>>, vector<16xi32>,
      %mul3A_577 = arith.constant 16 : i32
      %mul3A_578 = arith.muli %scan3A_572, %mul3A_577 : i32
      %get3A_579 = arith.index_cast %mul3A_578 : i32 to index
      %get3A_580 = tpu.vector_load %arg10[%get3A_579] {strides = array<i32>} : memref<2000xi32, #tpu.memory_space<vmem>>, vector<16xi32>,
      %gather3A_581 = tpu.vector_load_idx %arg6[%get3A_576] : memref<10000xf32, #tpu.memory_space<vmem>>[vector<16xi32>], vector<16xf32>,
      tpu.vector_store_idx %arg11[%get3A_580], %gather3A_581 {add = true} : memref<10000xf32, #tpu.memory_space<vmem>>[vector<16xi32>], vector<16xf32>,
      %scan3A_582 = arith.constant 0 : i32
      scf.yield %scan3A_582 : i32
    }
    %scan3A_345 = arith.constant 120 : i32
    %scan3A_346 = arith.addi %scan3A_340, %scan3A_345 : i32
    %mul3A_347 = arith.constant 16 : i32
    %mul3A_348 = arith.muli %scan3A_346, %mul3A_347 : i32
    %get3A_349 = arith.index_cast %mul3A_348 : i32 to index
    %get3A_350 = tpu.vector_load %arg8[%get3A_349] {strides = array<i32>} : memref<2000xi32, #tpu.memory_space<vmem>>, vector<16xi32>,
    %mul3A_351 = arith.constant 16 : i32
    %mul3A_352 = arith.muli %scan3A_346, %mul3A_351 : i32
    %get3A_353 = arith.index_cast %mul3A_352 : i32 to index
    %get3A_354 = tpu.vector_load %arg10[%get3A_353] {strides = array<i32>} : memref<2000xi32, #tpu.memory_space<vmem>>, vector<16xi32>,
    %gather3A_355 = tpu.vector_load_idx %arg6[%get3A_350] : memref<10000xf32, #tpu.memory_space<vmem>>[vector<16xi32>], vector<16xf32>,
    tpu.vector_store_idx %arg11[%get3A_354], %gather3A_355 {add = true} : memref<10000xf32, #tpu.memory_space<vmem>>[vector<16xi32>], vector<16xf32>,
    %scan3A_356 = arith.constant 0 : i32
    %scan3A_357 = arith.constant 121 : i32
    %scan3A_358 = arith.addi %scan3A_340, %scan3A_357 : i32
    %mul3A_359 = arith.constant 16 : i32
    %mul3A_360 = arith.muli %scan3A_358, %mul3A_359 : i32
    %get3A_361 = arith.index_cast %mul3A_360 : i32 to index
    %get3A_362 = tpu.vector_load %arg8[%get3A_361] {strides = array<i32>} : memref<2000xi32, #tpu.memory_space<vmem>>, vector<16xi32>,
    %mul3A_363 = arith.constant 16 : i32
    %mul3A_364 = arith.muli %scan3A_358, %mul3A_363 : i32
    %get3A_365 = arith.index_cast %mul3A_364 : i32 to index
    %get3A_366 = tpu.vector_load %arg10[%get3A_365] {strides = array<i32>} : memref<2000xi32, #tpu.memory_space<vmem>>, vector<16xi32>,
    %gather3A_367 = tpu.vector_load_idx %arg6[%get3A_362] : memref<10000xf32, #tpu.memory_space<vmem>>[vector<16xi32>], vector<16xf32>,
    tpu.vector_store_idx %arg11[%get3A_366], %gather3A_367 {add = true} : memref<10000xf32, #tpu.memory_space<vmem>>[vector<16xi32>], vector<16xf32>,
    %scan3A_368 = arith.constant 0 : i32
    %scan3A_369 = arith.constant 122 : i32
    %scan3A_370 = arith.addi %scan3A_340, %scan3A_369 : i32
    %mul3A_371 = arith.constant 16 : i32
    %mul3A_372 = arith.muli %scan3A_370, %mul3A_371 : i32
    %get3A_373 = arith.index_cast %mul3A_372 : i32 to index
    %get3A_374 = tpu.vector_load %arg8[%get3A_373] {strides = array<i32>} : memref<2000xi32, #tpu.memory_space<vmem>>, vector<16xi32>,
    %mul3A_375 = arith.constant 16 : i32
    %mul3A_376 = arith.muli %scan3A_370, %mul3A_375 : i32
    %get3A_377 = arith.index_cast %mul3A_376 : i32 to index
    %get3A_378 = tpu.vector_load %arg10[%get3A_377] {strides = array<i32>} : memref<2000xi32, #tpu.memory_space<vmem>>, vector<16xi32>,
    %gather3A_379 = tpu.vector_load_idx %arg6[%get3A_374] : memref<10000xf32, #tpu.memory_space<vmem>>[vector<16xi32>], vector<16xf32>,
    tpu.vector_store_idx %arg11[%get3A_378], %gather3A_379 {add = true} : memref<10000xf32, #tpu.memory_space<vmem>>[vector<16xi32>], vector<16xf32>,
    %scan3A_380 = arith.constant 0 : i32
    %scan3A_381 = arith.constant 123 : i32
    %scan3A_382 = arith.addi %scan3A_340, %scan3A_381 : i32
    %mul3A_383 = arith.constant 16 : i32
    %mul3A_384 = arith.muli %scan3A_382, %mul3A_383 : i32
    %get3A_385 = arith.index_cast %mul3A_384 : i32 to index
    %get3A_386 = tpu.vector_load %arg8[%get3A_385] {strides = array<i32>} : memref<2000xi32, #tpu.memory_space<vmem>>, vector<16xi32>,
    %mul3A_387 = arith.constant 16 : i32
    %mul3A_388 = arith.muli %scan3A_382, %mul3A_387 : i32
    %get3A_389 = arith.index_cast %mul3A_388 : i32 to index
    %get3A_390 = tpu.vector_load %arg10[%get3A_389] {strides = array<i32>} : memref<2000xi32, #tpu.memory_space<vmem>>, vector<16xi32>,
    %gather3A_391 = tpu.vector_load_idx %arg6[%get3A_386] : memref<10000xf32, #tpu.memory_space<vmem>>[vector<16xi32>], vector<16xf32>,
    tpu.vector_store_idx %arg11[%get3A_390], %gather3A_391 {add = true} : memref<10000xf32, #tpu.memory_space<vmem>>[vector<16xi32>], vector<16xf32>,
    %scan3A_392 = arith.constant 0 : i32
    %scan3A_393 = arith.constant 124 : i32
    %scan3A_394 = arith.addi %scan3A_340, %scan3A_393 : i32
    %mul3A_395 = arith.constant 16 : i32
    %mul3A_396 = arith.muli %scan3A_394, %mul3A_395 : i32
    %get3A_397 = arith.index_cast %mul3A_396 : i32 to index
    %get3A_398 = tpu.vector_load %arg8[%get3A_397] {strides = array<i32>} : memref<2000xi32, #tpu.memory_space<vmem>>, vector<16xi32>,
    %mul3A_399 = arith.constant 16 : i32
    %mul3A_400 = arith.muli %scan3A_394, %mul3A_399 : i32
    %get3A_401 = arith.index_cast %mul3A_400 : i32 to index
    %get3A_402 = tpu.vector_load %arg10[%get3A_401] {strides = array<i32>} : memref<2000xi32, #tpu.memory_space<vmem>>, vector<16xi32>,
    %gather3A_403 = tpu.vector_load_idx %arg6[%get3A_398] : memref<10000xf32, #tpu.memory_space<vmem>>[vector<16xi32>], vector<16xf32>,
    tpu.vector_store_idx %arg11[%get3A_402], %gather3A_403 {add = true} : memref<10000xf32, #tpu.memory_space<vmem>>[vector<16xi32>], vector<16xf32>,
    %scan3A_404 = arith.constant 0 : i32
    %scan3A_405 = arith.constant 125 : i32
    %add3A_406 = arith.constant 8000 : i32
    %add3A_407 = arith.addi %mul3A_2, %add3A_406 : i32
    %dma_wait3A_408 = arith.constant 0 : i32
    %dma_wait3A_409 = tpu.memref_slice %arg3[%add3A_407] : memref<320000xi32, #tpu.memory_space<hbm>> -> memref<2000xi32, #tpu.memory_space<hbm>>
    %dma_wait3A_410 = tpu.memref_slice %arg13[%dma_wait3A_408] : memref<2x!tpu.dma_semaphore, #tpu.memory_space<semaphore_mem>> -> memref<1x!tpu.dma_semaphore, #tpu.memory_space<semaphore_mem>>
    %dma_wait3A_411 = tpu.memref_squeeze %dma_wait3A_410 : memref<1x!tpu.dma_semaphore, #tpu.memory_space<semaphore_mem>> -> memref<!tpu.dma_semaphore, #tpu.memory_space<semaphore_mem>>
    %dma_wait3A_412 = tpu.memref_slice %arg3[%add3A_407] : memref<320000xi32, #tpu.memory_space<hbm>> -> memref<2000xi32, #tpu.memory_space<hbm>>
    tpu.wait_dma2 semaphore(%dma_wait3A_411 : memref<!tpu.dma_semaphore, #tpu.memory_space<semaphore_mem>>) src(%dma_wait3A_412 : memref<2000xi32, #tpu.memory_space<hbm>>) dst(%arg7 : memref<2000xi32, #tpu.memory_space<vmem>>)
    %add3A_413 = arith.constant 8000 : i32
    %add3A_414 = arith.addi %mul3A_2, %add3A_413 : i32
    %dma_wait3A_415 = arith.constant 0 : i32
    %dma_wait3A_416 = tpu.memref_slice %arg4[%add3A_414] : memref<320000xi32, #tpu.memory_space<hbm>> -> memref<2000xi32, #tpu.memory_space<hbm>>
    %dma_wait3A_417 = tpu.memref_slice %arg13[%dma_wait3A_415] : memref<2x!tpu.dma_semaphore, #tpu.memory_space<semaphore_mem>> -> memref<1x!tpu.dma_semaphore, #tpu.memory_space<semaphore_mem>>
    %dma_wait3A_418 = tpu.memref_squeeze %dma_wait3A_417 : memref<1x!tpu.dma_semaphore, #tpu.memory_space<semaphore_mem>> -> memref<!tpu.dma_semaphore, #tpu.memory_space<semaphore_mem>>
    %dma_wait3A_419 = tpu.memref_slice %arg4[%add3A_414] : memref<320000xi32, #tpu.memory_space<hbm>> -> memref<2000xi32, #tpu.memory_space<hbm>>
    tpu.wait_dma2 semaphore(%dma_wait3A_418 : memref<!tpu.dma_semaphore, #tpu.memory_space<semaphore_mem>>) src(%dma_wait3A_419 : memref<2000xi32, #tpu.memory_space<hbm>>) dst(%arg9 : memref<2000xi32, #tpu.memory_space<vmem>>)
    %scan3A_420 = arith.constant 0 : i32
    %scan3A_421 = arith.constant 0 : i32
    %scan3A_422 = arith.constant 120 : i32
    %scan3A_423 = arith.addi %scan3A_421, %scan3A_422 : i32
    %scan3A_424 = arith.constant 8 : i32
    %scan3A_425 = scf.for %scan3A_487 = %scan3A_421 to %scan3A_423 step %scan3A_424 iter_args(%scan3A_488 = %scan3A_420) -> (i32)  : i32 {
      %mul3A_489 = arith.constant 16 : i32
      %mul3A_490 = arith.muli %scan3A_487, %mul3A_489 : i32
      %get3A_491 = arith.index_cast %mul3A_490 : i32 to index
      %get3A_492 = tpu.vector_load %arg7[%get3A_491] {strides = array<i32>} : memref<2000xi32, #tpu.memory_space<vmem>>, vector<16xi32>,
      %mul3A_493 = arith.constant 16 : i32
      %mul3A_494 = arith.muli %scan3A_487, %mul3A_493 : i32
      %get3A_495 = arith.index_cast %mul3A_494 : i32 to index
      %get3A_496 = tpu.vector_load %arg9[%get3A_495] {strides = array<i32>} : memref<2000xi32, #tpu.memory_space<vmem>>, vector<16xi32>,
      %gather3A_497 = tpu.vector_load_idx %arg6[%get3A_492] : memref<10000xf32, #tpu.memory_space<vmem>>[vector<16xi32>], vector<16xf32>,
      tpu.vector_store_idx %arg11[%get3A_496], %gather3A_497 {add = true} : memref<10000xf32, #tpu.memory_space<vmem>>[vector<16xi32>], vector<16xf32>,
      %scan3A_498 = arith.constant 0 : i32
      %scan3A_499 = arith.constant 1 : i32
      %scan3A_500 = arith.addi %scan3A_487, %scan3A_499 : i32
      %mul3A_501 = arith.constant 16 : i32
      %mul3A_502 = arith.muli %scan3A_500, %mul3A_501 : i32
      %get3A_503 = arith.index_cast %mul3A_502 : i32 to index
      %get3A_504 = tpu.vector_load %arg7[%get3A_503] {strides = array<i32>} : memref<2000xi32, #tpu.memory_space<vmem>>, vector<16xi32>,
      %mul3A_505 = arith.constant 16 : i32
      %mul3A_506 = arith.muli %scan3A_500, %mul3A_505 : i32
      %get3A_507 = arith.index_cast %mul3A_506 : i32 to index
      %get3A_508 = tpu.vector_load %arg9[%get3A_507] {strides = array<i32>} : memref<2000xi32, #tpu.memory_space<vmem>>, vector<16xi32>,
      %gather3A_509 = tpu.vector_load_idx %arg6[%get3A_504] : memref<10000xf32, #tpu.memory_space<vmem>>[vector<16xi32>], vector<16xf32>,
      tpu.vector_store_idx %arg11[%get3A_508], %gather3A_509 {add = true} : memref<10000xf32, #tpu.memory_space<vmem>>[vector<16xi32>], vector<16xf32>,
      %scan3A_510 = arith.constant 0 : i32
      %scan3A_511 = arith.constant 2 : i32
      %scan3A_512 = arith.addi %scan3A_487, %scan3A_511 : i32
      %mul3A_513 = arith.constant 16 : i32
      %mul3A_514 = arith.muli %scan3A_512, %mul3A_513 : i32
      %get3A_515 = arith.index_cast %mul3A_514 : i32 to index
      %get3A_516 = tpu.vector_load %arg7[%get3A_515] {strides = array<i32>} : memref<2000xi32, #tpu.memory_space<vmem>>, vector<16xi32>,
      %mul3A_517 = arith.constant 16 : i32
      %mul3A_518 = arith.muli %scan3A_512, %mul3A_517 : i32
      %get3A_519 = arith.index_cast %mul3A_518 : i32 to index
      %get3A_520 = tpu.vector_load %arg9[%get3A_519] {strides = array<i32>} : memref<2000xi32, #tpu.memory_space<vmem>>, vector<16xi32>,
      %gather3A_521 = tpu.vector_load_idx %arg6[%get3A_516] : memref<10000xf32, #tpu.memory_space<vmem>>[vector<16xi32>], vector<16xf32>,
      tpu.vector_store_idx %arg11[%get3A_520], %gather3A_521 {add = true} : memref<10000xf32, #tpu.memory_space<vmem>>[vector<16xi32>], vector<16xf32>,
      %scan3A_522 = arith.constant 0 : i32
      %scan3A_523 = arith.constant 3 : i32
      %scan3A_524 = arith.addi %scan3A_487, %scan3A_523 : i32
      %mul3A_525 = arith.constant 16 : i32
      %mul3A_526 = arith.muli %scan3A_524, %mul3A_525 : i32
      %get3A_527 = arith.index_cast %mul3A_526 : i32 to index
      %get3A_528 = tpu.vector_load %arg7[%get3A_527] {strides = array<i32>} : memref<2000xi32, #tpu.memory_space<vmem>>, vector<16xi32>,
      %mul3A_529 = arith.constant 16 : i32
      %mul3A_530 = arith.muli %scan3A_524, %mul3A_529 : i32
      %get3A_531 = arith.index_cast %mul3A_530 : i32 to index
      %get3A_532 = tpu.vector_load %arg9[%get3A_531] {strides = array<i32>} : memref<2000xi32, #tpu.memory_space<vmem>>, vector<16xi32>,
      %gather3A_533 = tpu.vector_load_idx %arg6[%get3A_528] : memref<10000xf32, #tpu.memory_space<vmem>>[vector<16xi32>], vector<16xf32>,
      tpu.vector_store_idx %arg11[%get3A_532], %gather3A_533 {add = true} : memref<10000xf32, #tpu.memory_space<vmem>>[vector<16xi32>], vector<16xf32>,
      %scan3A_534 = arith.constant 0 : i32
      %scan3A_535 = arith.constant 4 : i32
      %scan3A_536 = arith.addi %scan3A_487, %scan3A_535 : i32
      %mul3A_537 = arith.constant 16 : i32
      %mul3A_538 = arith.muli %scan3A_536, %mul3A_537 : i32
      %get3A_539 = arith.index_cast %mul3A_538 : i32 to index
      %get3A_540 = tpu.vector_load %arg7[%get3A_539] {strides = array<i32>} : memref<2000xi32, #tpu.memory_space<vmem>>, vector<16xi32>,
      %mul3A_541 = arith.constant 16 : i32
      %mul3A_542 = arith.muli %scan3A_536, %mul3A_541 : i32
      %get3A_543 = arith.index_cast %mul3A_542 : i32 to index
      %get3A_544 = tpu.vector_load %arg9[%get3A_543] {strides = array<i32>} : memref<2000xi32, #tpu.memory_space<vmem>>, vector<16xi32>,
      %gather3A_545 = tpu.vector_load_idx %arg6[%get3A_540] : memref<10000xf32, #tpu.memory_space<vmem>>[vector<16xi32>], vector<16xf32>,
      tpu.vector_store_idx %arg11[%get3A_544], %gather3A_545 {add = true} : memref<10000xf32, #tpu.memory_space<vmem>>[vector<16xi32>], vector<16xf32>,
      %scan3A_546 = arith.constant 0 : i32
      %scan3A_547 = arith.constant 5 : i32
      %scan3A_548 = arith.addi %scan3A_487, %scan3A_547 : i32
      %mul3A_549 = arith.constant 16 : i32
      %mul3A_550 = arith.muli %scan3A_548, %mul3A_549 : i32
      %get3A_551 = arith.index_cast %mul3A_550 : i32 to index
      %get3A_552 = tpu.vector_load %arg7[%get3A_551] {strides = array<i32>} : memref<2000xi32, #tpu.memory_space<vmem>>, vector<16xi32>,
      %mul3A_553 = arith.constant 16 : i32
      %mul3A_554 = arith.muli %scan3A_548, %mul3A_553 : i32
      %get3A_555 = arith.index_cast %mul3A_554 : i32 to index
      %get3A_556 = tpu.vector_load %arg9[%get3A_555] {strides = array<i32>} : memref<2000xi32, #tpu.memory_space<vmem>>, vector<16xi32>,
      %gather3A_557 = tpu.vector_load_idx %arg6[%get3A_552] : memref<10000xf32, #tpu.memory_space<vmem>>[vector<16xi32>], vector<16xf32>,
      tpu.vector_store_idx %arg11[%get3A_556], %gather3A_557 {add = true} : memref<10000xf32, #tpu.memory_space<vmem>>[vector<16xi32>], vector<16xf32>,
      %scan3A_558 = arith.constant 0 : i32
      %scan3A_559 = arith.constant 6 : i32
      %scan3A_560 = arith.addi %scan3A_487, %scan3A_559 : i32
      %mul3A_561 = arith.constant 16 : i32
      %mul3A_562 = arith.muli %scan3A_560, %mul3A_561 : i32
      %get3A_563 = arith.index_cast %mul3A_562 : i32 to index
      %get3A_564 = tpu.vector_load %arg7[%get3A_563] {strides = array<i32>} : memref<2000xi32, #tpu.memory_space<vmem>>, vector<16xi32>,
      %mul3A_565 = arith.constant 16 : i32
      %mul3A_566 = arith.muli %scan3A_560, %mul3A_565 : i32
      %get3A_567 = arith.index_cast %mul3A_566 : i32 to index
      %get3A_568 = tpu.vector_load %arg9[%get3A_567] {strides = array<i32>} : memref<2000xi32, #tpu.memory_space<vmem>>, vector<16xi32>,
      %gather3A_569 = tpu.vector_load_idx %arg6[%get3A_564] : memref<10000xf32, #tpu.memory_space<vmem>>[vector<16xi32>], vector<16xf32>,
      tpu.vector_store_idx %arg11[%get3A_568], %gather3A_569 {add = true} : memref<10000xf32, #tpu.memory_space<vmem>>[vector<16xi32>], vector<16xf32>,
      %scan3A_570 = arith.constant 0 : i32
      %scan3A_571 = arith.constant 7 : i32
      %scan3A_572 = arith.addi %scan3A_487, %scan3A_571 : i32
      %mul3A_573 = arith.constant 16 : i32
      %mul3A_574 = arith.muli %scan3A_572, %mul3A_573 : i32
      %get3A_575 = arith.index_cast %mul3A_574 : i32 to index
      %get3A_576 = tpu.vector_load %arg7[%get3A_575] {strides = array<i32>} : memref<2000xi32, #tpu.memory_space<vmem>>, vector<16xi32>,
      %mul3A_577 = arith.constant 16 : i32
      %mul3A_578 = arith.muli %scan3A_572, %mul3A_577 : i32
      %get3A_579 = arith.index_cast %mul3A_578 : i32 to index
      %get3A_580 = tpu.vector_load %arg9[%get3A_579] {strides = array<i32>} : memref<2000xi32, #tpu.memory_space<vmem>>, vector<16xi32>,
      %gather3A_581 = tpu.vector_load_idx %arg6[%get3A_576] : memref<10000xf32, #tpu.memory_space<vmem>>[vector<16xi32>], vector<16xf32>,
      tpu.vector_store_idx %arg11[%get3A_580], %gather3A_581 {add = true} : memref<10000xf32, #tpu.memory_space<vmem>>[vector<16xi32>], vector<16xf32>,
      %scan3A_582 = arith.constant 0 : i32
      scf.yield %scan3A_582 : i32
    }
    %scan3A_426 = arith.constant 120 : i32
    %scan3A_427 = arith.addi %scan3A_421, %scan3A_426 : i32
    %mul3A_428 = arith.constant 16 : i32
    %mul3A_429 = arith.muli %scan3A_427, %mul3A_428 : i32
    %get3A_430 = arith.index_cast %mul3A_429 : i32 to index
    %get3A_431 = tpu.vector_load %arg7[%get3A_430] {strides = array<i32>} : memref<2000xi32, #tpu.memory_space<vmem>>, vector<16xi32>,
    %mul3A_432 = arith.constant 16 : i32
    %mul3A_433 = arith.muli %scan3A_427, %mul3A_432 : i32
    %get3A_434 = arith.index_cast %mul3A_433 : i32 to index
    %get3A_435 = tpu.vector_load %arg9[%get3A_434] {strides = array<i32>} : memref<2000xi32, #tpu.memory_space<vmem>>, vector<16xi32>,
    %gather3A_436 = tpu.vector_load_idx %arg6[%get3A_431] : memref<10000xf32, #tpu.memory_space<vmem>>[vector<16xi32>], vector<16xf32>,
    tpu.vector_store_idx %arg11[%get3A_435], %gather3A_436 {add = true} : memref<10000xf32, #tpu.memory_space<vmem>>[vector<16xi32>], vector<16xf32>,
    %scan3A_437 = arith.constant 0 : i32
    %scan3A_438 = arith.constant 121 : i32
    %scan3A_439 = arith.addi %scan3A_421, %scan3A_438 : i32
    %mul3A_440 = arith.constant 16 : i32
    %mul3A_441 = arith.muli %scan3A_439, %mul3A_440 : i32
    %get3A_442 = arith.index_cast %mul3A_441 : i32 to index
    %get3A_443 = tpu.vector_load %arg7[%get3A_442] {strides = array<i32>} : memref<2000xi32, #tpu.memory_space<vmem>>, vector<16xi32>,
    %mul3A_444 = arith.constant 16 : i32
    %mul3A_445 = arith.muli %scan3A_439, %mul3A_444 : i32
    %get3A_446 = arith.index_cast %mul3A_445 : i32 to index
    %get3A_447 = tpu.vector_load %arg9[%get3A_446] {strides = array<i32>} : memref<2000xi32, #tpu.memory_space<vmem>>, vector<16xi32>,
    %gather3A_448 = tpu.vector_load_idx %arg6[%get3A_443] : memref<10000xf32, #tpu.memory_space<vmem>>[vector<16xi32>], vector<16xf32>,
    tpu.vector_store_idx %arg11[%get3A_447], %gather3A_448 {add = true} : memref<10000xf32, #tpu.memory_space<vmem>>[vector<16xi32>], vector<16xf32>,
    %scan3A_449 = arith.constant 0 : i32
    %scan3A_450 = arith.constant 122 : i32
    %scan3A_451 = arith.addi %scan3A_421, %scan3A_450 : i32
    %mul3A_452 = arith.constant 16 : i32
    %mul3A_453 = arith.muli %scan3A_451, %mul3A_452 : i32
    %get3A_454 = arith.index_cast %mul3A_453 : i32 to index
    %get3A_455 = tpu.vector_load %arg7[%get3A_454] {strides = array<i32>} : memref<2000xi32, #tpu.memory_space<vmem>>, vector<16xi32>,
    %mul3A_456 = arith.constant 16 : i32
    %mul3A_457 = arith.muli %scan3A_451, %mul3A_456 : i32
    %get3A_458 = arith.index_cast %mul3A_457 : i32 to index
    %get3A_459 = tpu.vector_load %arg9[%get3A_458] {strides = array<i32>} : memref<2000xi32, #tpu.memory_space<vmem>>, vector<16xi32>,
    %gather3A_460 = tpu.vector_load_idx %arg6[%get3A_455] : memref<10000xf32, #tpu.memory_space<vmem>>[vector<16xi32>], vector<16xf32>,
    tpu.vector_store_idx %arg11[%get3A_459], %gather3A_460 {add = true} : memref<10000xf32, #tpu.memory_space<vmem>>[vector<16xi32>], vector<16xf32>,
    %scan3A_461 = arith.constant 0 : i32
    %scan3A_462 = arith.constant 123 : i32
    %scan3A_463 = arith.addi %scan3A_421, %scan3A_462 : i32
    %mul3A_464 = arith.constant 16 : i32
    %mul3A_465 = arith.muli %scan3A_463, %mul3A_464 : i32
    %get3A_466 = arith.index_cast %mul3A_465 : i32 to index
    %get3A_467 = tpu.vector_load %arg7[%get3A_466] {strides = array<i32>} : memref<2000xi32, #tpu.memory_space<vmem>>, vector<16xi32>,
    %mul3A_468 = arith.constant 16 : i32
    %mul3A_469 = arith.muli %scan3A_463, %mul3A_468 : i32
    %get3A_470 = arith.index_cast %mul3A_469 : i32 to index
    %get3A_471 = tpu.vector_load %arg9[%get3A_470] {strides = array<i32>} : memref<2000xi32, #tpu.memory_space<vmem>>, vector<16xi32>,
    %gather3A_472 = tpu.vector_load_idx %arg6[%get3A_467] : memref<10000xf32, #tpu.memory_space<vmem>>[vector<16xi32>], vector<16xf32>,
    tpu.vector_store_idx %arg11[%get3A_471], %gather3A_472 {add = true} : memref<10000xf32, #tpu.memory_space<vmem>>[vector<16xi32>], vector<16xf32>,
    %scan3A_473 = arith.constant 0 : i32
    %scan3A_474 = arith.constant 124 : i32
    %scan3A_475 = arith.addi %scan3A_421, %scan3A_474 : i32
    %mul3A_476 = arith.constant 16 : i32
    %mul3A_477 = arith.muli %scan3A_475, %mul3A_476 : i32
    %get3A_478 = arith.index_cast %mul3A_477 : i32 to index
    %get3A_479 = tpu.vector_load %arg7[%get3A_478] {strides = array<i32>} : memref<2000xi32, #tpu.memory_space<vmem>>, vector<16xi32>,
    %mul3A_480 = arith.constant 16 : i32
    %mul3A_481 = arith.muli %scan3A_475, %mul3A_480 : i32
    %get3A_482 = arith.index_cast %mul3A_481 : i32 to index
    %get3A_483 = tpu.vector_load %arg9[%get3A_482] {strides = array<i32>} : memref<2000xi32, #tpu.memory_space<vmem>>, vector<16xi32>,
    %gather3A_484 = tpu.vector_load_idx %arg6[%get3A_479] : memref<10000xf32, #tpu.memory_space<vmem>>[vector<16xi32>], vector<16xf32>,
    tpu.vector_store_idx %arg11[%get3A_483], %gather3A_484 {add = true} : memref<10000xf32, #tpu.memory_space<vmem>>[vector<16xi32>], vector<16xf32>,
    %scan3A_485 = arith.constant 0 : i32
    %scan3A_486 = arith.constant 125 : i32
    "tpu.region"() ({
      %run_scoped3A = tpu.sem_alloc : memref<!tpu.dma_semaphore, #tpu.memory_space<semaphore_mem>>
      %dma_start3A_487 = arith.constant 0 : i32
      %dma_start3A_488 = tpu.memref_slice %arg5[%arg0, %arg1, %dma_start3A_487] : memref<2x16x10000xf32, #tpu.memory_space<hbm>> -> memref<1x1x10000xf32, #tpu.memory_space<hbm>>
      %dma_start3A_489 = tpu.memref_squeeze %dma_start3A_488 : memref<1x1x10000xf32, #tpu.memory_space<hbm>> -> memref<10000xf32, #tpu.memory_space<hbm>>
      %dma_start3A_490 = arith.constant 0 : i32
      %dma_start3A_491 = tpu.memref_slice %arg5[%arg0, %arg1, %dma_start3A_490] : memref<2x16x10000xf32, #tpu.memory_space<hbm>> -> memref<1x1x10000xf32, #tpu.memory_space<hbm>>
      %dma_start3A_492 = tpu.memref_squeeze %dma_start3A_491 : memref<1x1x10000xf32, #tpu.memory_space<hbm>> -> memref<10000xf32, #tpu.memory_space<hbm>>
      tpu.enqueue_dma source(%arg11 : memref<10000xf32, #tpu.memory_space<vmem>>) target(%dma_start3A_492 : memref<10000xf32, #tpu.memory_space<hbm>>) target_semaphore(%run_scoped3A : memref<!tpu.dma_semaphore, #tpu.memory_space<semaphore_mem>>)
      %dma_wait3A_493 = arith.constant 0 : i32
      %dma_wait3A_494 = tpu.memref_slice %arg5[%arg0, %arg1, %dma_wait3A_493] : memref<2x16x10000xf32, #tpu.memory_space<hbm>> -> memref<1x1x10000xf32, #tpu.memory_space<hbm>>
      %dma_wait3A_495 = tpu.memref_squeeze %dma_wait3A_494 : memref<1x1x10000xf32, #tpu.memory_space<hbm>> -> memref<10000xf32, #tpu.memory_space<hbm>>
      %dma_wait3A_496 = arith.constant 0 : i32
      %dma_wait3A_497 = tpu.memref_slice %arg5[%arg0, %arg1, %dma_wait3A_496] : memref<2x16x10000xf32, #tpu.memory_space<hbm>> -> memref<1x1x10000xf32, #tpu.memory_space<hbm>>
      %dma_wait3A_498 = tpu.memref_squeeze %dma_wait3A_497 : memref<1x1x10000xf32, #tpu.memory_space<hbm>> -> memref<10000xf32, #tpu.memory_space<hbm>>
      tpu.wait_dma2 semaphore(%run_scoped3A : memref<!tpu.dma_semaphore, #tpu.memory_space<semaphore_mem>>) src(%arg11 : memref<10000xf32, #tpu.memory_space<vmem>>) dst(%dma_wait3A_498 : memref<10000xf32, #tpu.memory_space<hbm>>)
      tpu.yield
    }) : () -> ()
    return
  }
}

#map = affine_map<(d0, d1) -> (0, 0)>
#map1 = affine_map<(d0, d1) -> (0, 0, 0)>
#map2 = affine_map<(d0, d1) -> (0, 0, 0, 0)>
module attributes {stable_mosaic.version = 14 : i64} {
  func.func @_agg1_body(%arg0: i32, %arg1: i32, %arg2: memref<10000x64xf32, #tpu.memory_space<hbm>>, %arg3: memref<32x100x100xi32, #tpu.memory_space<hbm>>, %arg4: memref<32x100x100xi32, #tpu.memory_space<hbm>>, %arg5: memref<2x10x1000x64xf32, #tpu.memory_space<hbm>>, %arg6: memref<100x100xi32, #tpu.memory_space<vmem>>, %arg7: memref<100x100xi32, #tpu.memory_space<vmem>>, %arg8: memref<100x64xf32, #tpu.memory_space<vmem>>, %arg9: memref<100x64xf32, #tpu.memory_space<vmem>>, %arg10: memref<100x64xf32, #tpu.memory_space<vmem>>, %arg11: memref<100x64xf32, #tpu.memory_space<vmem>>, %arg12: memref<10000x64xf32, #tpu.memory_space<vmem_shared>>, %arg13: memref<10000x64xf32, #tpu.memory_space<vmem_shared>>, %arg14: memref<!tpu.dma_semaphore, #tpu.memory_space<semaphore_mem>>, %arg15: memref<!tpu.dma_semaphore, #tpu.memory_space<semaphore_mem>>, %arg16: memref<4x!tpu.dma_semaphore, #tpu.memory_space<semaphore_mem>>, %arg17: memref<4x!tpu.dma_semaphore, #tpu.memory_space<semaphore_mem>>) attributes {dimension_semantics = [#tpu.dimension_semantics<core_parallel>, #tpu.dimension_semantics<subcore_parallel>], iteration_bounds = array<i64: 2, 16>, scalar_prefetch = 0 : i64, scratch_operands = 12 : i64, tpu.core_type = #tpu.core_type<sc_vector_subcore>, window_params = [{transform_indices = #map}, {transform_indices = #map1}, {transform_indices = #map1}, {transform_indices = #map2}]} {
    %mul3A = arith.constant 16 : i32
    %mul3A_0 = arith.muli %arg0, %mul3A : i32
    %add3A = arith.addi %mul3A_0, %arg1 : i32
    %dma_start3A = arith.constant 0 : i32
    %dma_start3A_1 = arith.constant 0 : i32
    %dma_start3A_2 = tpu.memref_slice %arg3[%add3A, %dma_start3A, %dma_start3A_1] : memref<32x100x100xi32, #tpu.memory_space<hbm>> -> memref<1x100x100xi32, #tpu.memory_space<hbm>>
    %dma_start3A_3 = tpu.memref_squeeze %dma_start3A_2 : memref<1x100x100xi32, #tpu.memory_space<hbm>> -> memref<100x100xi32, #tpu.memory_space<hbm>>
    %dma_start3A_4 = arith.constant 0 : i32
    %dma_start3A_5 = arith.constant 0 : i32
    %dma_start3A_6 = tpu.memref_slice %arg3[%add3A, %dma_start3A_4, %dma_start3A_5] : memref<32x100x100xi32, #tpu.memory_space<hbm>> -> memref<1x100x100xi32, #tpu.memory_space<hbm>>
    %dma_start3A_7 = tpu.memref_squeeze %dma_start3A_6 : memref<1x100x100xi32, #tpu.memory_space<hbm>> -> memref<100x100xi32, #tpu.memory_space<hbm>>
    tpu.enqueue_dma source(%dma_start3A_7 : memref<100x100xi32, #tpu.memory_space<hbm>>) target(%arg6 : memref<100x100xi32, #tpu.memory_space<vmem>>) target_semaphore(%arg14 : memref<!tpu.dma_semaphore, #tpu.memory_space<semaphore_mem>>)
    %dma_start3A_8 = arith.constant 0 : i32
    %dma_start3A_9 = arith.constant 0 : i32
    %dma_start3A_10 = tpu.memref_slice %arg4[%add3A, %dma_start3A_8, %dma_start3A_9] : memref<32x100x100xi32, #tpu.memory_space<hbm>> -> memref<1x100x100xi32, #tpu.memory_space<hbm>>
    %dma_start3A_11 = tpu.memref_squeeze %dma_start3A_10 : memref<1x100x100xi32, #tpu.memory_space<hbm>> -> memref<100x100xi32, #tpu.memory_space<hbm>>
    %dma_start3A_12 = arith.constant 0 : i32
    %dma_start3A_13 = arith.constant 0 : i32
    %dma_start3A_14 = tpu.memref_slice %arg4[%add3A, %dma_start3A_12, %dma_start3A_13] : memref<32x100x100xi32, #tpu.memory_space<hbm>> -> memref<1x100x100xi32, #tpu.memory_space<hbm>>
    %dma_start3A_15 = tpu.memref_squeeze %dma_start3A_14 : memref<1x100x100xi32, #tpu.memory_space<hbm>> -> memref<100x100xi32, #tpu.memory_space<hbm>>
    tpu.enqueue_dma source(%dma_start3A_15 : memref<100x100xi32, #tpu.memory_space<hbm>>) target(%arg7 : memref<100x100xi32, #tpu.memory_space<vmem>>) target_semaphore(%arg15 : memref<!tpu.dma_semaphore, #tpu.memory_space<semaphore_mem>>)
    %lt3A = arith.constant 10 : i32
    %lt3A_16 = arith.cmpi slt, %arg1, %lt3A : i32
    %convert_element_type3A = arith.extui %lt3A_16 : i1 to i32
    %cond3A = arith.constant 0 : i32
    %cond3A_17 = arith.cmpi ne, %convert_element_type3A, %cond3A : i32
    scf.if %cond3A_17 {
      %mul3A_83 = arith.constant 1000 : i32
      %mul3A_84 = arith.muli %arg1, %mul3A_83 : i32
      "tpu.region"() ({
        %run_scoped3A = tpu.sem_alloc : memref<!tpu.dma_semaphore, #tpu.memory_space<semaphore_mem>>
        %dma_start3A_85 = arith.constant 0 : i32
        %dma_start3A_86 = tpu.memref_slice %arg12[%mul3A_84, %dma_start3A_85] : memref<10000x64xf32, #tpu.memory_space<vmem_shared>> -> memref<1000x64xf32, #tpu.memory_space<vmem_shared>>
        %dma_start3A_87 = arith.constant 0 : i32
        %dma_start3A_88 = tpu.memref_slice %arg2[%mul3A_84, %dma_start3A_87] : memref<10000x64xf32, #tpu.memory_space<hbm>> -> memref<1000x64xf32, #tpu.memory_space<hbm>>
        tpu.enqueue_dma source(%dma_start3A_88 : memref<1000x64xf32, #tpu.memory_space<hbm>>) target(%dma_start3A_86 : memref<1000x64xf32, #tpu.memory_space<vmem_shared>>) target_semaphore(%run_scoped3A : memref<!tpu.dma_semaphore, #tpu.memory_space<semaphore_mem>>)
        %dma_wait3A_89 = arith.constant 0 : i32
        %dma_wait3A_90 = tpu.memref_slice %arg12[%mul3A_84, %dma_wait3A_89] : memref<10000x64xf32, #tpu.memory_space<vmem_shared>> -> memref<1000x64xf32, #tpu.memory_space<vmem_shared>>
        %dma_wait3A_91 = arith.constant 0 : i32
        %dma_wait3A_92 = tpu.memref_slice %arg2[%mul3A_84, %dma_wait3A_91] : memref<10000x64xf32, #tpu.memory_space<hbm>> -> memref<1000x64xf32, #tpu.memory_space<hbm>>
        tpu.wait_dma2 semaphore(%run_scoped3A : memref<!tpu.dma_semaphore, #tpu.memory_space<semaphore_mem>>) src(%dma_wait3A_92 : memref<1000x64xf32, #tpu.memory_space<hbm>>) dst(%dma_wait3A_90 : memref<1000x64xf32, #tpu.memory_space<vmem_shared>>)
        tpu.yield
      }) : () -> ()
      "tpu.region"() ({
        %run_scoped3A = tpu.sem_alloc : memref<!tpu.dma_semaphore, #tpu.memory_space<semaphore_mem>>
        %dma_start3A_85 = arith.constant 0 : i32
        %dma_start3A_86 = tpu.memref_slice %arg13[%mul3A_84, %dma_start3A_85] : memref<10000x64xf32, #tpu.memory_space<vmem_shared>> -> memref<1000x64xf32, #tpu.memory_space<vmem_shared>>
        %dma_start3A_87 = arith.constant 0 : i32
        %dma_start3A_88 = tpu.memref_slice %arg2[%mul3A_84, %dma_start3A_87] : memref<10000x64xf32, #tpu.memory_space<hbm>> -> memref<1000x64xf32, #tpu.memory_space<hbm>>
        tpu.enqueue_dma source(%dma_start3A_88 : memref<1000x64xf32, #tpu.memory_space<hbm>>) target(%dma_start3A_86 : memref<1000x64xf32, #tpu.memory_space<vmem_shared>>) target_semaphore(%run_scoped3A : memref<!tpu.dma_semaphore, #tpu.memory_space<semaphore_mem>>)
        %dma_wait3A_89 = arith.constant 0 : i32
        %dma_wait3A_90 = tpu.memref_slice %arg13[%mul3A_84, %dma_wait3A_89] : memref<10000x64xf32, #tpu.memory_space<vmem_shared>> -> memref<1000x64xf32, #tpu.memory_space<vmem_shared>>
        %dma_wait3A_91 = arith.constant 0 : i32
        %dma_wait3A_92 = tpu.memref_slice %arg2[%mul3A_84, %dma_wait3A_91] : memref<10000x64xf32, #tpu.memory_space<hbm>> -> memref<1000x64xf32, #tpu.memory_space<hbm>>
        tpu.wait_dma2 semaphore(%run_scoped3A : memref<!tpu.dma_semaphore, #tpu.memory_space<semaphore_mem>>) src(%dma_wait3A_92 : memref<1000x64xf32, #tpu.memory_space<hbm>>) dst(%dma_wait3A_90 : memref<1000x64xf32, #tpu.memory_space<vmem_shared>>)
        tpu.yield
      }) : () -> ()
    } else {
    }
    %dma_wait3A = arith.constant 0 : i32
    %dma_wait3A_18 = arith.constant 0 : i32
    %dma_wait3A_19 = tpu.memref_slice %arg3[%add3A, %dma_wait3A, %dma_wait3A_18] : memref<32x100x100xi32, #tpu.memory_space<hbm>> -> memref<1x100x100xi32, #tpu.memory_space<hbm>>
    %dma_wait3A_20 = tpu.memref_squeeze %dma_wait3A_19 : memref<1x100x100xi32, #tpu.memory_space<hbm>> -> memref<100x100xi32, #tpu.memory_space<hbm>>
    %dma_wait3A_21 = arith.constant 0 : i32
    %dma_wait3A_22 = arith.constant 0 : i32
    %dma_wait3A_23 = tpu.memref_slice %arg3[%add3A, %dma_wait3A_21, %dma_wait3A_22] : memref<32x100x100xi32, #tpu.memory_space<hbm>> -> memref<1x100x100xi32, #tpu.memory_space<hbm>>
    %dma_wait3A_24 = tpu.memref_squeeze %dma_wait3A_23 : memref<1x100x100xi32, #tpu.memory_space<hbm>> -> memref<100x100xi32, #tpu.memory_space<hbm>>
    tpu.wait_dma2 semaphore(%arg14 : memref<!tpu.dma_semaphore, #tpu.memory_space<semaphore_mem>>) src(%dma_wait3A_24 : memref<100x100xi32, #tpu.memory_space<hbm>>) dst(%arg6 : memref<100x100xi32, #tpu.memory_space<vmem>>)
    %dma_wait3A_25 = arith.constant 0 : i32
    %dma_wait3A_26 = arith.constant 0 : i32
    %dma_wait3A_27 = tpu.memref_slice %arg4[%add3A, %dma_wait3A_25, %dma_wait3A_26] : memref<32x100x100xi32, #tpu.memory_space<hbm>> -> memref<1x100x100xi32, #tpu.memory_space<hbm>>
    %dma_wait3A_28 = tpu.memref_squeeze %dma_wait3A_27 : memref<1x100x100xi32, #tpu.memory_space<hbm>> -> memref<100x100xi32, #tpu.memory_space<hbm>>
    %dma_wait3A_29 = arith.constant 0 : i32
    %dma_wait3A_30 = arith.constant 0 : i32
    %dma_wait3A_31 = tpu.memref_slice %arg4[%add3A, %dma_wait3A_29, %dma_wait3A_30] : memref<32x100x100xi32, #tpu.memory_space<hbm>> -> memref<1x100x100xi32, #tpu.memory_space<hbm>>
    %dma_wait3A_32 = tpu.memref_squeeze %dma_wait3A_31 : memref<1x100x100xi32, #tpu.memory_space<hbm>> -> memref<100x100xi32, #tpu.memory_space<hbm>>
    tpu.wait_dma2 semaphore(%arg15 : memref<!tpu.dma_semaphore, #tpu.memory_space<semaphore_mem>>) src(%dma_wait3A_32 : memref<100x100xi32, #tpu.memory_space<hbm>>) dst(%arg7 : memref<100x100xi32, #tpu.memory_space<vmem>>)
    %barrier3A = arith.constant 0 : index
    tpu.barrier barrier_id(%barrier3A)
    %dma_start3A_33 = arith.constant 0 : i32
    %dma_start3A_34 = arith.constant 0 : i32
    %dma_start3A_35 = arith.constant 0 : i32
    %dma_start3A_36 = tpu.memref_slice %arg6[%dma_start3A_33, %dma_start3A_35] : memref<100x100xi32, #tpu.memory_space<vmem>> -> memref<1x100xi32, #tpu.memory_space<vmem>>
    %dma_start3A_37 = tpu.memref_squeeze %dma_start3A_36 : memref<1x100xi32, #tpu.memory_space<vmem>> -> memref<100xi32, #tpu.memory_space<vmem>>
    %dma_start3A_38 = arith.constant 0 : i32
    %dma_start3A_39 = arith.constant 0 : i32
    %dma_start3A_40 = tpu.memref_slice %arg13[%dma_start3A_38, %dma_start3A_39] : memref<10000x64xf32, #tpu.memory_space<vmem_shared>> -> memref<10000x64xf32, #tpu.memory_space<vmem_shared>>
    %dma_start3A_41 = tpu.memref_slice %arg16[%dma_start3A_34] : memref<4x!tpu.dma_semaphore, #tpu.memory_space<semaphore_mem>> -> memref<1x!tpu.dma_semaphore, #tpu.memory_space<semaphore_mem>>
    %dma_start3A_42 = tpu.memref_squeeze %dma_start3A_41 : memref<1x!tpu.dma_semaphore, #tpu.memory_space<semaphore_mem>> -> memref<!tpu.dma_semaphore, #tpu.memory_space<semaphore_mem>>
    tpu.enqueue_indirect_dma source(%dma_start3A_40 : memref<10000x64xf32, #tpu.memory_space<vmem_shared>>) target(%arg8 : memref<100x64xf32, #tpu.memory_space<vmem>>) offsets(%dma_start3A_37 : memref<100xi32, #tpu.memory_space<vmem>>) semaphore(%dma_start3A_42 : memref<!tpu.dma_semaphore, #tpu.memory_space<semaphore_mem>>)
    %dma_start3A_43 = arith.constant 1 : i32
    %dma_start3A_44 = arith.constant 1 : i32
    %dma_start3A_45 = arith.constant 0 : i32
    %dma_start3A_46 = tpu.memref_slice %arg6[%dma_start3A_43, %dma_start3A_45] : memref<100x100xi32, #tpu.memory_space<vmem>> -> memref<1x100xi32, #tpu.memory_space<vmem>>
    %dma_start3A_47 = tpu.memref_squeeze %dma_start3A_46 : memref<1x100xi32, #tpu.memory_space<vmem>> -> memref<100xi32, #tpu.memory_space<vmem>>
    %dma_start3A_48 = arith.constant 0 : i32
    %dma_start3A_49 = arith.constant 0 : i32
    %dma_start3A_50 = tpu.memref_slice %arg13[%dma_start3A_48, %dma_start3A_49] : memref<10000x64xf32, #tpu.memory_space<vmem_shared>> -> memref<10000x64xf32, #tpu.memory_space<vmem_shared>>
    %dma_start3A_51 = tpu.memref_slice %arg16[%dma_start3A_44] : memref<4x!tpu.dma_semaphore, #tpu.memory_space<semaphore_mem>> -> memref<1x!tpu.dma_semaphore, #tpu.memory_space<semaphore_mem>>
    %dma_start3A_52 = tpu.memref_squeeze %dma_start3A_51 : memref<1x!tpu.dma_semaphore, #tpu.memory_space<semaphore_mem>> -> memref<!tpu.dma_semaphore, #tpu.memory_space<semaphore_mem>>
    tpu.enqueue_indirect_dma source(%dma_start3A_50 : memref<10000x64xf32, #tpu.memory_space<vmem_shared>>) target(%arg9 : memref<100x64xf32, #tpu.memory_space<vmem>>) offsets(%dma_start3A_47 : memref<100xi32, #tpu.memory_space<vmem>>) semaphore(%dma_start3A_52 : memref<!tpu.dma_semaphore, #tpu.memory_space<semaphore_mem>>)
    %scan3A = arith.constant 0 : i32
    %scan3A_53 = arith.constant 25 : i32
    %scan3A_54 = arith.addi %scan3A, %scan3A_53 : i32
    %scan3A_55 = arith.constant 1 : i32
    scf.for %scan3A_83 = %scan3A to %scan3A_54 step %scan3A_55  : i32 {
      %mul3A_84 = arith.constant 4 : i32
      %mul3A_85 = arith.muli %scan3A_83, %mul3A_84 : i32
      %add3A_86 = arith.constant 0 : i32
      %add3A_87 = arith.addi %add3A_86, %mul3A_85 : i32
      %add3A_88 = arith.constant 0 : i32
      %add3A_89 = arith.addi %add3A_87, %add3A_88 : i32
      %ge3A = arith.constant 2 : i32
      %ge3A_90 = arith.cmpi sge, %add3A_89, %ge3A : i32
      %convert_element_type3A_91 = arith.extui %ge3A_90 : i1 to i32
      %cond3A_92 = arith.constant 0 : i32
      %cond3A_93 = arith.cmpi ne, %convert_element_type3A_91, %cond3A_92 : i32
      scf.if %cond3A_93 {
        %sub3A = arith.constant 2 : i32
        %sub3A_215 = arith.subi %add3A_89, %sub3A : i32
        %dma_wait3A_216 = arith.constant 2 : i32
        %dma_wait3A_217 = arith.constant 0 : i32
        %dma_wait3A_218 = tpu.memref_slice %arg7[%sub3A_215, %dma_wait3A_217] : memref<100x100xi32, #tpu.memory_space<vmem>> -> memref<1x100xi32, #tpu.memory_space<vmem>>
        %dma_wait3A_219 = tpu.memref_squeeze %dma_wait3A_218 : memref<1x100xi32, #tpu.memory_space<vmem>> -> memref<100xi32, #tpu.memory_space<vmem>>
        %dma_wait3A_220 = arith.constant 0 : i32
        %dma_wait3A_221 = arith.constant 0 : i32
        %dma_wait3A_222 = tpu.memref_slice %arg12[%dma_wait3A_220, %dma_wait3A_221] : memref<10000x64xf32, #tpu.memory_space<vmem_shared>> -> memref<10000x64xf32, #tpu.memory_space<vmem_shared>>
        %dma_wait3A_223 = tpu.memref_slice %arg17[%dma_wait3A_216] : memref<4x!tpu.dma_semaphore, #tpu.memory_space<semaphore_mem>> -> memref<1x!tpu.dma_semaphore, #tpu.memory_space<semaphore_mem>>
        %dma_wait3A_224 = tpu.memref_squeeze %dma_wait3A_223 : memref<1x!tpu.dma_semaphore, #tpu.memory_space<semaphore_mem>> -> memref<!tpu.dma_semaphore, #tpu.memory_space<semaphore_mem>>
        tpu.wait_indirect_dma semaphore(%dma_wait3A_224 : memref<!tpu.dma_semaphore, #tpu.memory_space<semaphore_mem>>) src(%arg10 : memref<100x64xf32, #tpu.memory_space<vmem>>) dst(%dma_wait3A_222 : memref<10000x64xf32, #tpu.memory_space<vmem_shared>>)
      } else {
      }
      %add3A_94 = arith.constant 2 : i32
      %add3A_95 = arith.addi %add3A_89, %add3A_94 : i32
      %lt3A_96 = arith.constant 100 : i32
      %lt3A_97 = arith.cmpi slt, %add3A_95, %lt3A_96 : i32
      %convert_element_type3A_98 = arith.extui %lt3A_97 : i1 to i32
      %cond3A_99 = arith.constant 0 : i32
      %cond3A_100 = arith.cmpi ne, %convert_element_type3A_98, %cond3A_99 : i32
      scf.if %cond3A_100 {
        %add3A_215 = arith.constant 2 : i32
        %add3A_216 = arith.addi %add3A_89, %add3A_215 : i32
        %dma_start3A_217 = arith.constant 2 : i32
        %dma_start3A_218 = arith.constant 0 : i32
        %dma_start3A_219 = tpu.memref_slice %arg6[%add3A_216, %dma_start3A_218] : memref<100x100xi32, #tpu.memory_space<vmem>> -> memref<1x100xi32, #tpu.memory_space<vmem>>
        %dma_start3A_220 = tpu.memref_squeeze %dma_start3A_219 : memref<1x100xi32, #tpu.memory_space<vmem>> -> memref<100xi32, #tpu.memory_space<vmem>>
        %dma_start3A_221 = arith.constant 0 : i32
        %dma_start3A_222 = arith.constant 0 : i32
        %dma_start3A_223 = tpu.memref_slice %arg13[%dma_start3A_221, %dma_start3A_222] : memref<10000x64xf32, #tpu.memory_space<vmem_shared>> -> memref<10000x64xf32, #tpu.memory_space<vmem_shared>>
        %dma_start3A_224 = tpu.memref_slice %arg16[%dma_start3A_217] : memref<4x!tpu.dma_semaphore, #tpu.memory_space<semaphore_mem>> -> memref<1x!tpu.dma_semaphore, #tpu.memory_space<semaphore_mem>>
        %dma_start3A_225 = tpu.memref_squeeze %dma_start3A_224 : memref<1x!tpu.dma_semaphore, #tpu.memory_space<semaphore_mem>> -> memref<!tpu.dma_semaphore, #tpu.memory_space<semaphore_mem>>
        tpu.enqueue_indirect_dma source(%dma_start3A_223 : memref<10000x64xf32, #tpu.memory_space<vmem_shared>>) target(%arg10 : memref<100x64xf32, #tpu.memory_space<vmem>>) offsets(%dma_start3A_220 : memref<100xi32, #tpu.memory_space<vmem>>) semaphore(%dma_start3A_225 : memref<!tpu.dma_semaphore, #tpu.memory_space<semaphore_mem>>)
      } else {
      }
      %dma_wait3A_101 = arith.constant 0 : i32
      %dma_wait3A_102 = arith.constant 0 : i32
      %dma_wait3A_103 = tpu.memref_slice %arg6[%add3A_89, %dma_wait3A_102] : memref<100x100xi32, #tpu.memory_space<vmem>> -> memref<1x100xi32, #tpu.memory_space<vmem>>
      %dma_wait3A_104 = tpu.memref_squeeze %dma_wait3A_103 : memref<1x100xi32, #tpu.memory_space<vmem>> -> memref<100xi32, #tpu.memory_space<vmem>>
      %dma_wait3A_105 = arith.constant 0 : i32
      %dma_wait3A_106 = arith.constant 0 : i32
      %dma_wait3A_107 = tpu.memref_slice %arg13[%dma_wait3A_105, %dma_wait3A_106] : memref<10000x64xf32, #tpu.memory_space<vmem_shared>> -> memref<10000x64xf32, #tpu.memory_space<vmem_shared>>
      %dma_wait3A_108 = tpu.memref_slice %arg16[%dma_wait3A_101] : memref<4x!tpu.dma_semaphore, #tpu.memory_space<semaphore_mem>> -> memref<1x!tpu.dma_semaphore, #tpu.memory_space<semaphore_mem>>
      %dma_wait3A_109 = tpu.memref_squeeze %dma_wait3A_108 : memref<1x!tpu.dma_semaphore, #tpu.memory_space<semaphore_mem>> -> memref<!tpu.dma_semaphore, #tpu.memory_space<semaphore_mem>>
      tpu.wait_indirect_dma semaphore(%dma_wait3A_109 : memref<!tpu.dma_semaphore, #tpu.memory_space<semaphore_mem>>) src(%dma_wait3A_107 : memref<10000x64xf32, #tpu.memory_space<vmem_shared>>) dst(%arg8 : memref<100x64xf32, #tpu.memory_space<vmem>>)
      %dma_start3A_110 = arith.constant 0 : i32
      %dma_start3A_111 = arith.constant 0 : i32
      %dma_start3A_112 = tpu.memref_slice %arg7[%add3A_89, %dma_start3A_111] : memref<100x100xi32, #tpu.memory_space<vmem>> -> memref<1x100xi32, #tpu.memory_space<vmem>>
      %dma_start3A_113 = tpu.memref_squeeze %dma_start3A_112 : memref<1x100xi32, #tpu.memory_space<vmem>> -> memref<100xi32, #tpu.memory_space<vmem>>
      %dma_start3A_114 = arith.constant 0 : i32
      %dma_start3A_115 = arith.constant 0 : i32
      %dma_start3A_116 = tpu.memref_slice %arg12[%dma_start3A_114, %dma_start3A_115] : memref<10000x64xf32, #tpu.memory_space<vmem_shared>> -> memref<10000x64xf32, #tpu.memory_space<vmem_shared>>
      %dma_start3A_117 = tpu.memref_slice %arg17[%dma_start3A_110] : memref<4x!tpu.dma_semaphore, #tpu.memory_space<semaphore_mem>> -> memref<1x!tpu.dma_semaphore, #tpu.memory_space<semaphore_mem>>
      %dma_start3A_118 = tpu.memref_squeeze %dma_start3A_117 : memref<1x!tpu.dma_semaphore, #tpu.memory_space<semaphore_mem>> -> memref<!tpu.dma_semaphore, #tpu.memory_space<semaphore_mem>>
      tpu.enqueue_indirect_dma source(%arg8 : memref<100x64xf32, #tpu.memory_space<vmem>>) target(%dma_start3A_116 : memref<10000x64xf32, #tpu.memory_space<vmem_shared>>) offsets(%dma_start3A_113 : memref<100xi32, #tpu.memory_space<vmem>>) semaphore(%dma_start3A_118 : memref<!tpu.dma_semaphore, #tpu.memory_space<semaphore_mem>>) {add = true}
      %add3A_119 = arith.constant 1 : i32
      %add3A_120 = arith.addi %add3A_87, %add3A_119 : i32
      %ge3A_121 = arith.constant 2 : i32
      %ge3A_122 = arith.cmpi sge, %add3A_120, %ge3A_121 : i32
      %convert_element_type3A_123 = arith.extui %ge3A_122 : i1 to i32
      %cond3A_124 = arith.constant 0 : i32
      %cond3A_125 = arith.cmpi ne, %convert_element_type3A_123, %cond3A_124 : i32
      scf.if %cond3A_125 {
        %sub3A = arith.constant 2 : i32
        %sub3A_215 = arith.subi %add3A_120, %sub3A : i32
        %dma_wait3A_216 = arith.constant 3 : i32
        %dma_wait3A_217 = arith.constant 0 : i32
        %dma_wait3A_218 = tpu.memref_slice %arg7[%sub3A_215, %dma_wait3A_217] : memref<100x100xi32, #tpu.memory_space<vmem>> -> memref<1x100xi32, #tpu.memory_space<vmem>>
        %dma_wait3A_219 = tpu.memref_squeeze %dma_wait3A_218 : memref<1x100xi32, #tpu.memory_space<vmem>> -> memref<100xi32, #tpu.memory_space<vmem>>
        %dma_wait3A_220 = arith.constant 0 : i32
        %dma_wait3A_221 = arith.constant 0 : i32
        %dma_wait3A_222 = tpu.memref_slice %arg12[%dma_wait3A_220, %dma_wait3A_221] : memref<10000x64xf32, #tpu.memory_space<vmem_shared>> -> memref<10000x64xf32, #tpu.memory_space<vmem_shared>>
        %dma_wait3A_223 = tpu.memref_slice %arg17[%dma_wait3A_216] : memref<4x!tpu.dma_semaphore, #tpu.memory_space<semaphore_mem>> -> memref<1x!tpu.dma_semaphore, #tpu.memory_space<semaphore_mem>>
        %dma_wait3A_224 = tpu.memref_squeeze %dma_wait3A_223 : memref<1x!tpu.dma_semaphore, #tpu.memory_space<semaphore_mem>> -> memref<!tpu.dma_semaphore, #tpu.memory_space<semaphore_mem>>
        tpu.wait_indirect_dma semaphore(%dma_wait3A_224 : memref<!tpu.dma_semaphore, #tpu.memory_space<semaphore_mem>>) src(%arg11 : memref<100x64xf32, #tpu.memory_space<vmem>>) dst(%dma_wait3A_222 : memref<10000x64xf32, #tpu.memory_space<vmem_shared>>)
      } else {
      }
      %add3A_126 = arith.constant 2 : i32
      %add3A_127 = arith.addi %add3A_120, %add3A_126 : i32
      %lt3A_128 = arith.constant 100 : i32
      %lt3A_129 = arith.cmpi slt, %add3A_127, %lt3A_128 : i32
      %convert_element_type3A_130 = arith.extui %lt3A_129 : i1 to i32
      %cond3A_131 = arith.constant 0 : i32
      %cond3A_132 = arith.cmpi ne, %convert_element_type3A_130, %cond3A_131 : i32
      scf.if %cond3A_132 {
        %add3A_215 = arith.constant 2 : i32
        %add3A_216 = arith.addi %add3A_120, %add3A_215 : i32
        %dma_start3A_217 = arith.constant 3 : i32
        %dma_start3A_218 = arith.constant 0 : i32
        %dma_start3A_219 = tpu.memref_slice %arg6[%add3A_216, %dma_start3A_218] : memref<100x100xi32, #tpu.memory_space<vmem>> -> memref<1x100xi32, #tpu.memory_space<vmem>>
        %dma_start3A_220 = tpu.memref_squeeze %dma_start3A_219 : memref<1x100xi32, #tpu.memory_space<vmem>> -> memref<100xi32, #tpu.memory_space<vmem>>
        %dma_start3A_221 = arith.constant 0 : i32
        %dma_start3A_222 = arith.constant 0 : i32
        %dma_start3A_223 = tpu.memref_slice %arg13[%dma_start3A_221, %dma_start3A_222] : memref<10000x64xf32, #tpu.memory_space<vmem_shared>> -> memref<10000x64xf32, #tpu.memory_space<vmem_shared>>
        %dma_start3A_224 = tpu.memref_slice %arg16[%dma_start3A_217] : memref<4x!tpu.dma_semaphore, #tpu.memory_space<semaphore_mem>> -> memref<1x!tpu.dma_semaphore, #tpu.memory_space<semaphore_mem>>
        %dma_start3A_225 = tpu.memref_squeeze %dma_start3A_224 : memref<1x!tpu.dma_semaphore, #tpu.memory_space<semaphore_mem>> -> memref<!tpu.dma_semaphore, #tpu.memory_space<semaphore_mem>>
        tpu.enqueue_indirect_dma source(%dma_start3A_223 : memref<10000x64xf32, #tpu.memory_space<vmem_shared>>) target(%arg11 : memref<100x64xf32, #tpu.memory_space<vmem>>) offsets(%dma_start3A_220 : memref<100xi32, #tpu.memory_space<vmem>>) semaphore(%dma_start3A_225 : memref<!tpu.dma_semaphore, #tpu.memory_space<semaphore_mem>>)
      } else {
      }
      %dma_wait3A_133 = arith.constant 1 : i32
      %dma_wait3A_134 = arith.constant 0 : i32
      %dma_wait3A_135 = tpu.memref_slice %arg6[%add3A_120, %dma_wait3A_134] : memref<100x100xi32, #tpu.memory_space<vmem>> -> memref<1x100xi32, #tpu.memory_space<vmem>>
      %dma_wait3A_136 = tpu.memref_squeeze %dma_wait3A_135 : memref<1x100xi32, #tpu.memory_space<vmem>> -> memref<100xi32, #tpu.memory_space<vmem>>
      %dma_wait3A_137 = arith.constant 0 : i32
      %dma_wait3A_138 = arith.constant 0 : i32
      %dma_wait3A_139 = tpu.memref_slice %arg13[%dma_wait3A_137, %dma_wait3A_138] : memref<10000x64xf32, #tpu.memory_space<vmem_shared>> -> memref<10000x64xf32, #tpu.memory_space<vmem_shared>>
      %dma_wait3A_140 = tpu.memref_slice %arg16[%dma_wait3A_133] : memref<4x!tpu.dma_semaphore, #tpu.memory_space<semaphore_mem>> -> memref<1x!tpu.dma_semaphore, #tpu.memory_space<semaphore_mem>>
      %dma_wait3A_141 = tpu.memref_squeeze %dma_wait3A_140 : memref<1x!tpu.dma_semaphore, #tpu.memory_space<semaphore_mem>> -> memref<!tpu.dma_semaphore, #tpu.memory_space<semaphore_mem>>
      tpu.wait_indirect_dma semaphore(%dma_wait3A_141 : memref<!tpu.dma_semaphore, #tpu.memory_space<semaphore_mem>>) src(%dma_wait3A_139 : memref<10000x64xf32, #tpu.memory_space<vmem_shared>>) dst(%arg9 : memref<100x64xf32, #tpu.memory_space<vmem>>)
      %dma_start3A_142 = arith.constant 1 : i32
      %dma_start3A_143 = arith.constant 0 : i32
      %dma_start3A_144 = tpu.memref_slice %arg7[%add3A_120, %dma_start3A_143] : memref<100x100xi32, #tpu.memory_space<vmem>> -> memref<1x100xi32, #tpu.memory_space<vmem>>
      %dma_start3A_145 = tpu.memref_squeeze %dma_start3A_144 : memref<1x100xi32, #tpu.memory_space<vmem>> -> memref<100xi32, #tpu.memory_space<vmem>>
      %dma_start3A_146 = arith.constant 0 : i32
      %dma_start3A_147 = arith.constant 0 : i32
      %dma_start3A_148 = tpu.memref_slice %arg12[%dma_start3A_146, %dma_start3A_147] : memref<10000x64xf32, #tpu.memory_space<vmem_shared>> -> memref<10000x64xf32, #tpu.memory_space<vmem_shared>>
      %dma_start3A_149 = tpu.memref_slice %arg17[%dma_start3A_142] : memref<4x!tpu.dma_semaphore, #tpu.memory_space<semaphore_mem>> -> memref<1x!tpu.dma_semaphore, #tpu.memory_space<semaphore_mem>>
      %dma_start3A_150 = tpu.memref_squeeze %dma_start3A_149 : memref<1x!tpu.dma_semaphore, #tpu.memory_space<semaphore_mem>> -> memref<!tpu.dma_semaphore, #tpu.memory_space<semaphore_mem>>
      tpu.enqueue_indirect_dma source(%arg9 : memref<100x64xf32, #tpu.memory_space<vmem>>) target(%dma_start3A_148 : memref<10000x64xf32, #tpu.memory_space<vmem_shared>>) offsets(%dma_start3A_145 : memref<100xi32, #tpu.memory_space<vmem>>) semaphore(%dma_start3A_150 : memref<!tpu.dma_semaphore, #tpu.memory_space<semaphore_mem>>) {add = true}
      %add3A_151 = arith.constant 2 : i32
      %add3A_152 = arith.addi %add3A_87, %add3A_151 : i32
      %ge3A_153 = arith.constant 2 : i32
      %ge3A_154 = arith.cmpi sge, %add3A_152, %ge3A_153 : i32
      %convert_element_type3A_155 = arith.extui %ge3A_154 : i1 to i32
      %cond3A_156 = arith.constant 0 : i32
      %cond3A_157 = arith.cmpi ne, %convert_element_type3A_155, %cond3A_156 : i32
      scf.if %cond3A_157 {
        %sub3A = arith.constant 2 : i32
        %sub3A_215 = arith.subi %add3A_152, %sub3A : i32
        %dma_wait3A_216 = arith.constant 0 : i32
        %dma_wait3A_217 = arith.constant 0 : i32
        %dma_wait3A_218 = tpu.memref_slice %arg7[%sub3A_215, %dma_wait3A_217] : memref<100x100xi32, #tpu.memory_space<vmem>> -> memref<1x100xi32, #tpu.memory_space<vmem>>
        %dma_wait3A_219 = tpu.memref_squeeze %dma_wait3A_218 : memref<1x100xi32, #tpu.memory_space<vmem>> -> memref<100xi32, #tpu.memory_space<vmem>>
        %dma_wait3A_220 = arith.constant 0 : i32
        %dma_wait3A_221 = arith.constant 0 : i32
        %dma_wait3A_222 = tpu.memref_slice %arg12[%dma_wait3A_220, %dma_wait3A_221] : memref<10000x64xf32, #tpu.memory_space<vmem_shared>> -> memref<10000x64xf32, #tpu.memory_space<vmem_shared>>
        %dma_wait3A_223 = tpu.memref_slice %arg17[%dma_wait3A_216] : memref<4x!tpu.dma_semaphore, #tpu.memory_space<semaphore_mem>> -> memref<1x!tpu.dma_semaphore, #tpu.memory_space<semaphore_mem>>
        %dma_wait3A_224 = tpu.memref_squeeze %dma_wait3A_223 : memref<1x!tpu.dma_semaphore, #tpu.memory_space<semaphore_mem>> -> memref<!tpu.dma_semaphore, #tpu.memory_space<semaphore_mem>>
        tpu.wait_indirect_dma semaphore(%dma_wait3A_224 : memref<!tpu.dma_semaphore, #tpu.memory_space<semaphore_mem>>) src(%arg8 : memref<100x64xf32, #tpu.memory_space<vmem>>) dst(%dma_wait3A_222 : memref<10000x64xf32, #tpu.memory_space<vmem_shared>>)
      } else {
      }
      %add3A_158 = arith.constant 2 : i32
      %add3A_159 = arith.addi %add3A_152, %add3A_158 : i32
      %lt3A_160 = arith.constant 100 : i32
      %lt3A_161 = arith.cmpi slt, %add3A_159, %lt3A_160 : i32
      %convert_element_type3A_162 = arith.extui %lt3A_161 : i1 to i32
      %cond3A_163 = arith.constant 0 : i32
      %cond3A_164 = arith.cmpi ne, %convert_element_type3A_162, %cond3A_163 : i32
      scf.if %cond3A_164 {
        %add3A_215 = arith.constant 2 : i32
        %add3A_216 = arith.addi %add3A_152, %add3A_215 : i32
        %dma_start3A_217 = arith.constant 0 : i32
        %dma_start3A_218 = arith.constant 0 : i32
        %dma_start3A_219 = tpu.memref_slice %arg6[%add3A_216, %dma_start3A_218] : memref<100x100xi32, #tpu.memory_space<vmem>> -> memref<1x100xi32, #tpu.memory_space<vmem>>
        %dma_start3A_220 = tpu.memref_squeeze %dma_start3A_219 : memref<1x100xi32, #tpu.memory_space<vmem>> -> memref<100xi32, #tpu.memory_space<vmem>>
        %dma_start3A_221 = arith.constant 0 : i32
        %dma_start3A_222 = arith.constant 0 : i32
        %dma_start3A_223 = tpu.memref_slice %arg13[%dma_start3A_221, %dma_start3A_222] : memref<10000x64xf32, #tpu.memory_space<vmem_shared>> -> memref<10000x64xf32, #tpu.memory_space<vmem_shared>>
        %dma_start3A_224 = tpu.memref_slice %arg16[%dma_start3A_217] : memref<4x!tpu.dma_semaphore, #tpu.memory_space<semaphore_mem>> -> memref<1x!tpu.dma_semaphore, #tpu.memory_space<semaphore_mem>>
        %dma_start3A_225 = tpu.memref_squeeze %dma_start3A_224 : memref<1x!tpu.dma_semaphore, #tpu.memory_space<semaphore_mem>> -> memref<!tpu.dma_semaphore, #tpu.memory_space<semaphore_mem>>
        tpu.enqueue_indirect_dma source(%dma_start3A_223 : memref<10000x64xf32, #tpu.memory_space<vmem_shared>>) target(%arg8 : memref<100x64xf32, #tpu.memory_space<vmem>>) offsets(%dma_start3A_220 : memref<100xi32, #tpu.memory_space<vmem>>) semaphore(%dma_start3A_225 : memref<!tpu.dma_semaphore, #tpu.memory_space<semaphore_mem>>)
      } else {
      }
      %dma_wait3A_165 = arith.constant 2 : i32
      %dma_wait3A_166 = arith.constant 0 : i32
      %dma_wait3A_167 = tpu.memref_slice %arg6[%add3A_152, %dma_wait3A_166] : memref<100x100xi32, #tpu.memory_space<vmem>> -> memref<1x100xi32, #tpu.memory_space<vmem>>
      %dma_wait3A_168 = tpu.memref_squeeze %dma_wait3A_167 : memref<1x100xi32, #tpu.memory_space<vmem>> -> memref<100xi32, #tpu.memory_space<vmem>>
      %dma_wait3A_169 = arith.constant 0 : i32
      %dma_wait3A_170 = arith.constant 0 : i32
      %dma_wait3A_171 = tpu.memref_slice %arg13[%dma_wait3A_169, %dma_wait3A_170] : memref<10000x64xf32, #tpu.memory_space<vmem_shared>> -> memref<10000x64xf32, #tpu.memory_space<vmem_shared>>
      %dma_wait3A_172 = tpu.memref_slice %arg16[%dma_wait3A_165] : memref<4x!tpu.dma_semaphore, #tpu.memory_space<semaphore_mem>> -> memref<1x!tpu.dma_semaphore, #tpu.memory_space<semaphore_mem>>
      %dma_wait3A_173 = tpu.memref_squeeze %dma_wait3A_172 : memref<1x!tpu.dma_semaphore, #tpu.memory_space<semaphore_mem>> -> memref<!tpu.dma_semaphore, #tpu.memory_space<semaphore_mem>>
      tpu.wait_indirect_dma semaphore(%dma_wait3A_173 : memref<!tpu.dma_semaphore, #tpu.memory_space<semaphore_mem>>) src(%dma_wait3A_171 : memref<10000x64xf32, #tpu.memory_space<vmem_shared>>) dst(%arg10 : memref<100x64xf32, #tpu.memory_space<vmem>>)
      %dma_start3A_174 = arith.constant 2 : i32
      %dma_start3A_175 = arith.constant 0 : i32
      %dma_start3A_176 = tpu.memref_slice %arg7[%add3A_152, %dma_start3A_175] : memref<100x100xi32, #tpu.memory_space<vmem>> -> memref<1x100xi32, #tpu.memory_space<vmem>>
      %dma_start3A_177 = tpu.memref_squeeze %dma_start3A_176 : memref<1x100xi32, #tpu.memory_space<vmem>> -> memref<100xi32, #tpu.memory_space<vmem>>
      %dma_start3A_178 = arith.constant 0 : i32
      %dma_start3A_179 = arith.constant 0 : i32
      %dma_start3A_180 = tpu.memref_slice %arg12[%dma_start3A_178, %dma_start3A_179] : memref<10000x64xf32, #tpu.memory_space<vmem_shared>> -> memref<10000x64xf32, #tpu.memory_space<vmem_shared>>
      %dma_start3A_181 = tpu.memref_slice %arg17[%dma_start3A_174] : memref<4x!tpu.dma_semaphore, #tpu.memory_space<semaphore_mem>> -> memref<1x!tpu.dma_semaphore, #tpu.memory_space<semaphore_mem>>
      %dma_start3A_182 = tpu.memref_squeeze %dma_start3A_181 : memref<1x!tpu.dma_semaphore, #tpu.memory_space<semaphore_mem>> -> memref<!tpu.dma_semaphore, #tpu.memory_space<semaphore_mem>>
      tpu.enqueue_indirect_dma source(%arg10 : memref<100x64xf32, #tpu.memory_space<vmem>>) target(%dma_start3A_180 : memref<10000x64xf32, #tpu.memory_space<vmem_shared>>) offsets(%dma_start3A_177 : memref<100xi32, #tpu.memory_space<vmem>>) semaphore(%dma_start3A_182 : memref<!tpu.dma_semaphore, #tpu.memory_space<semaphore_mem>>) {add = true}
      %add3A_183 = arith.constant 3 : i32
      %add3A_184 = arith.addi %add3A_87, %add3A_183 : i32
      %ge3A_185 = arith.constant 2 : i32
      %ge3A_186 = arith.cmpi sge, %add3A_184, %ge3A_185 : i32
      %convert_element_type3A_187 = arith.extui %ge3A_186 : i1 to i32
      %cond3A_188 = arith.constant 0 : i32
      %cond3A_189 = arith.cmpi ne, %convert_element_type3A_187, %cond3A_188 : i32
      scf.if %cond3A_189 {
        %sub3A = arith.constant 2 : i32
        %sub3A_215 = arith.subi %add3A_184, %sub3A : i32
        %dma_wait3A_216 = arith.constant 1 : i32
        %dma_wait3A_217 = arith.constant 0 : i32
        %dma_wait3A_218 = tpu.memref_slice %arg7[%sub3A_215, %dma_wait3A_217] : memref<100x100xi32, #tpu.memory_space<vmem>> -> memref<1x100xi32, #tpu.memory_space<vmem>>
        %dma_wait3A_219 = tpu.memref_squeeze %dma_wait3A_218 : memref<1x100xi32, #tpu.memory_space<vmem>> -> memref<100xi32, #tpu.memory_space<vmem>>
        %dma_wait3A_220 = arith.constant 0 : i32
        %dma_wait3A_221 = arith.constant 0 : i32
        %dma_wait3A_222 = tpu.memref_slice %arg12[%dma_wait3A_220, %dma_wait3A_221] : memref<10000x64xf32, #tpu.memory_space<vmem_shared>> -> memref<10000x64xf32, #tpu.memory_space<vmem_shared>>
        %dma_wait3A_223 = tpu.memref_slice %arg17[%dma_wait3A_216] : memref<4x!tpu.dma_semaphore, #tpu.memory_space<semaphore_mem>> -> memref<1x!tpu.dma_semaphore, #tpu.memory_space<semaphore_mem>>
        %dma_wait3A_224 = tpu.memref_squeeze %dma_wait3A_223 : memref<1x!tpu.dma_semaphore, #tpu.memory_space<semaphore_mem>> -> memref<!tpu.dma_semaphore, #tpu.memory_space<semaphore_mem>>
        tpu.wait_indirect_dma semaphore(%dma_wait3A_224 : memref<!tpu.dma_semaphore, #tpu.memory_space<semaphore_mem>>) src(%arg9 : memref<100x64xf32, #tpu.memory_space<vmem>>) dst(%dma_wait3A_222 : memref<10000x64xf32, #tpu.memory_space<vmem_shared>>)
      } else {
      }
      %add3A_190 = arith.constant 2 : i32
      %add3A_191 = arith.addi %add3A_184, %add3A_190 : i32
      %lt3A_192 = arith.constant 100 : i32
      %lt3A_193 = arith.cmpi slt, %add3A_191, %lt3A_192 : i32
      %convert_element_type3A_194 = arith.extui %lt3A_193 : i1 to i32
      %cond3A_195 = arith.constant 0 : i32
      %cond3A_196 = arith.cmpi ne, %convert_element_type3A_194, %cond3A_195 : i32
      scf.if %cond3A_196 {
        %add3A_215 = arith.constant 2 : i32
        %add3A_216 = arith.addi %add3A_184, %add3A_215 : i32
        %dma_start3A_217 = arith.constant 1 : i32
        %dma_start3A_218 = arith.constant 0 : i32
        %dma_start3A_219 = tpu.memref_slice %arg6[%add3A_216, %dma_start3A_218] : memref<100x100xi32, #tpu.memory_space<vmem>> -> memref<1x100xi32, #tpu.memory_space<vmem>>
        %dma_start3A_220 = tpu.memref_squeeze %dma_start3A_219 : memref<1x100xi32, #tpu.memory_space<vmem>> -> memref<100xi32, #tpu.memory_space<vmem>>
        %dma_start3A_221 = arith.constant 0 : i32
        %dma_start3A_222 = arith.constant 0 : i32
        %dma_start3A_223 = tpu.memref_slice %arg13[%dma_start3A_221, %dma_start3A_222] : memref<10000x64xf32, #tpu.memory_space<vmem_shared>> -> memref<10000x64xf32, #tpu.memory_space<vmem_shared>>
        %dma_start3A_224 = tpu.memref_slice %arg16[%dma_start3A_217] : memref<4x!tpu.dma_semaphore, #tpu.memory_space<semaphore_mem>> -> memref<1x!tpu.dma_semaphore, #tpu.memory_space<semaphore_mem>>
        %dma_start3A_225 = tpu.memref_squeeze %dma_start3A_224 : memref<1x!tpu.dma_semaphore, #tpu.memory_space<semaphore_mem>> -> memref<!tpu.dma_semaphore, #tpu.memory_space<semaphore_mem>>
        tpu.enqueue_indirect_dma source(%dma_start3A_223 : memref<10000x64xf32, #tpu.memory_space<vmem_shared>>) target(%arg9 : memref<100x64xf32, #tpu.memory_space<vmem>>) offsets(%dma_start3A_220 : memref<100xi32, #tpu.memory_space<vmem>>) semaphore(%dma_start3A_225 : memref<!tpu.dma_semaphore, #tpu.memory_space<semaphore_mem>>)
      } else {
      }
      %dma_wait3A_197 = arith.constant 3 : i32
      %dma_wait3A_198 = arith.constant 0 : i32
      %dma_wait3A_199 = tpu.memref_slice %arg6[%add3A_184, %dma_wait3A_198] : memref<100x100xi32, #tpu.memory_space<vmem>> -> memref<1x100xi32, #tpu.memory_space<vmem>>
      %dma_wait3A_200 = tpu.memref_squeeze %dma_wait3A_199 : memref<1x100xi32, #tpu.memory_space<vmem>> -> memref<100xi32, #tpu.memory_space<vmem>>
      %dma_wait3A_201 = arith.constant 0 : i32
      %dma_wait3A_202 = arith.constant 0 : i32
      %dma_wait3A_203 = tpu.memref_slice %arg13[%dma_wait3A_201, %dma_wait3A_202] : memref<10000x64xf32, #tpu.memory_space<vmem_shared>> -> memref<10000x64xf32, #tpu.memory_space<vmem_shared>>
      %dma_wait3A_204 = tpu.memref_slice %arg16[%dma_wait3A_197] : memref<4x!tpu.dma_semaphore, #tpu.memory_space<semaphore_mem>> -> memref<1x!tpu.dma_semaphore, #tpu.memory_space<semaphore_mem>>
      %dma_wait3A_205 = tpu.memref_squeeze %dma_wait3A_204 : memref<1x!tpu.dma_semaphore, #tpu.memory_space<semaphore_mem>> -> memref<!tpu.dma_semaphore, #tpu.memory_space<semaphore_mem>>
      tpu.wait_indirect_dma semaphore(%dma_wait3A_205 : memref<!tpu.dma_semaphore, #tpu.memory_space<semaphore_mem>>) src(%dma_wait3A_203 : memref<10000x64xf32, #tpu.memory_space<vmem_shared>>) dst(%arg11 : memref<100x64xf32, #tpu.memory_space<vmem>>)
      %dma_start3A_206 = arith.constant 3 : i32
      %dma_start3A_207 = arith.constant 0 : i32
      %dma_start3A_208 = tpu.memref_slice %arg7[%add3A_184, %dma_start3A_207] : memref<100x100xi32, #tpu.memory_space<vmem>> -> memref<1x100xi32, #tpu.memory_space<vmem>>
      %dma_start3A_209 = tpu.memref_squeeze %dma_start3A_208 : memref<1x100xi32, #tpu.memory_space<vmem>> -> memref<100xi32, #tpu.memory_space<vmem>>
      %dma_start3A_210 = arith.constant 0 : i32
      %dma_start3A_211 = arith.constant 0 : i32
      %dma_start3A_212 = tpu.memref_slice %arg12[%dma_start3A_210, %dma_start3A_211] : memref<10000x64xf32, #tpu.memory_space<vmem_shared>> -> memref<10000x64xf32, #tpu.memory_space<vmem_shared>>
      %dma_start3A_213 = tpu.memref_slice %arg17[%dma_start3A_206] : memref<4x!tpu.dma_semaphore, #tpu.memory_space<semaphore_mem>> -> memref<1x!tpu.dma_semaphore, #tpu.memory_space<semaphore_mem>>
      %dma_start3A_214 = tpu.memref_squeeze %dma_start3A_213 : memref<1x!tpu.dma_semaphore, #tpu.memory_space<semaphore_mem>> -> memref<!tpu.dma_semaphore, #tpu.memory_space<semaphore_mem>>
      tpu.enqueue_indirect_dma source(%arg11 : memref<100x64xf32, #tpu.memory_space<vmem>>) target(%dma_start3A_212 : memref<10000x64xf32, #tpu.memory_space<vmem_shared>>) offsets(%dma_start3A_209 : memref<100xi32, #tpu.memory_space<vmem>>) semaphore(%dma_start3A_214 : memref<!tpu.dma_semaphore, #tpu.memory_space<semaphore_mem>>) {add = true}
    }
    %scan3A_56 = arith.constant 25 : i32
    %dma_wait3A_57 = arith.constant 98 : i32
    %dma_wait3A_58 = arith.constant 2 : i32
    %dma_wait3A_59 = arith.constant 0 : i32
    %dma_wait3A_60 = tpu.memref_slice %arg7[%dma_wait3A_57, %dma_wait3A_59] : memref<100x100xi32, #tpu.memory_space<vmem>> -> memref<1x100xi32, #tpu.memory_space<vmem>>
    %dma_wait3A_61 = tpu.memref_squeeze %dma_wait3A_60 : memref<1x100xi32, #tpu.memory_space<vmem>> -> memref<100xi32, #tpu.memory_space<vmem>>
    %dma_wait3A_62 = arith.constant 0 : i32
    %dma_wait3A_63 = arith.constant 0 : i32
    %dma_wait3A_64 = tpu.memref_slice %arg12[%dma_wait3A_62, %dma_wait3A_63] : memref<10000x64xf32, #tpu.memory_space<vmem_shared>> -> memref<10000x64xf32, #tpu.memory_space<vmem_shared>>
    %dma_wait3A_65 = tpu.memref_slice %arg17[%dma_wait3A_58] : memref<4x!tpu.dma_semaphore, #tpu.memory_space<semaphore_mem>> -> memref<1x!tpu.dma_semaphore, #tpu.memory_space<semaphore_mem>>
    %dma_wait3A_66 = tpu.memref_squeeze %dma_wait3A_65 : memref<1x!tpu.dma_semaphore, #tpu.memory_space<semaphore_mem>> -> memref<!tpu.dma_semaphore, #tpu.memory_space<semaphore_mem>>
    tpu.wait_indirect_dma semaphore(%dma_wait3A_66 : memref<!tpu.dma_semaphore, #tpu.memory_space<semaphore_mem>>) src(%arg10 : memref<100x64xf32, #tpu.memory_space<vmem>>) dst(%dma_wait3A_64 : memref<10000x64xf32, #tpu.memory_space<vmem_shared>>)
    %dma_wait3A_67 = arith.constant 99 : i32
    %dma_wait3A_68 = arith.constant 3 : i32
    %dma_wait3A_69 = arith.constant 0 : i32
    %dma_wait3A_70 = tpu.memref_slice %arg7[%dma_wait3A_67, %dma_wait3A_69] : memref<100x100xi32, #tpu.memory_space<vmem>> -> memref<1x100xi32, #tpu.memory_space<vmem>>
    %dma_wait3A_71 = tpu.memref_squeeze %dma_wait3A_70 : memref<1x100xi32, #tpu.memory_space<vmem>> -> memref<100xi32, #tpu.memory_space<vmem>>
    %dma_wait3A_72 = arith.constant 0 : i32
    %dma_wait3A_73 = arith.constant 0 : i32
    %dma_wait3A_74 = tpu.memref_slice %arg12[%dma_wait3A_72, %dma_wait3A_73] : memref<10000x64xf32, #tpu.memory_space<vmem_shared>> -> memref<10000x64xf32, #tpu.memory_space<vmem_shared>>
    %dma_wait3A_75 = tpu.memref_slice %arg17[%dma_wait3A_68] : memref<4x!tpu.dma_semaphore, #tpu.memory_space<semaphore_mem>> -> memref<1x!tpu.dma_semaphore, #tpu.memory_space<semaphore_mem>>
    %dma_wait3A_76 = tpu.memref_squeeze %dma_wait3A_75 : memref<1x!tpu.dma_semaphore, #tpu.memory_space<semaphore_mem>> -> memref<!tpu.dma_semaphore, #tpu.memory_space<semaphore_mem>>
    tpu.wait_indirect_dma semaphore(%dma_wait3A_76 : memref<!tpu.dma_semaphore, #tpu.memory_space<semaphore_mem>>) src(%arg11 : memref<100x64xf32, #tpu.memory_space<vmem>>) dst(%dma_wait3A_74 : memref<10000x64xf32, #tpu.memory_space<vmem_shared>>)
    %barrier3A_77 = arith.constant 0 : index
    tpu.barrier barrier_id(%barrier3A_77)
    %lt3A_78 = arith.constant 10 : i32
    %lt3A_79 = arith.cmpi slt, %arg1, %lt3A_78 : i32
    %convert_element_type3A_80 = arith.extui %lt3A_79 : i1 to i32
    %cond3A_81 = arith.constant 0 : i32
    %cond3A_82 = arith.cmpi ne, %convert_element_type3A_80, %cond3A_81 : i32
    scf.if %cond3A_82 {
      %mul3A_83 = arith.constant 1000 : i32
      %mul3A_84 = arith.muli %arg1, %mul3A_83 : i32
      "tpu.region"() ({
        %run_scoped3A = tpu.sem_alloc : memref<!tpu.dma_semaphore, #tpu.memory_space<semaphore_mem>>
        %dma_start3A_85 = arith.constant 0 : i32
        %dma_start3A_86 = arith.constant 0 : i32
        %dma_start3A_87 = tpu.memref_slice %arg5[%arg0, %arg1, %dma_start3A_85, %dma_start3A_86] : memref<2x10x1000x64xf32, #tpu.memory_space<hbm>> -> memref<1x1x1000x64xf32, #tpu.memory_space<hbm>>
        %dma_start3A_88 = tpu.memref_squeeze %dma_start3A_87 : memref<1x1x1000x64xf32, #tpu.memory_space<hbm>> -> memref<1000x64xf32, #tpu.memory_space<hbm>>
        %dma_start3A_89 = arith.constant 0 : i32
        %dma_start3A_90 = tpu.memref_slice %arg12[%mul3A_84, %dma_start3A_89] : memref<10000x64xf32, #tpu.memory_space<vmem_shared>> -> memref<1000x64xf32, #tpu.memory_space<vmem_shared>>
        tpu.enqueue_dma source(%dma_start3A_90 : memref<1000x64xf32, #tpu.memory_space<vmem_shared>>) target(%dma_start3A_88 : memref<1000x64xf32, #tpu.memory_space<hbm>>) target_semaphore(%run_scoped3A : memref<!tpu.dma_semaphore, #tpu.memory_space<semaphore_mem>>)
        %dma_wait3A_91 = arith.constant 0 : i32
        %dma_wait3A_92 = arith.constant 0 : i32
        %dma_wait3A_93 = tpu.memref_slice %arg5[%arg0, %arg1, %dma_wait3A_91, %dma_wait3A_92] : memref<2x10x1000x64xf32, #tpu.memory_space<hbm>> -> memref<1x1x1000x64xf32, #tpu.memory_space<hbm>>
        %dma_wait3A_94 = tpu.memref_squeeze %dma_wait3A_93 : memref<1x1x1000x64xf32, #tpu.memory_space<hbm>> -> memref<1000x64xf32, #tpu.memory_space<hbm>>
        %dma_wait3A_95 = arith.constant 0 : i32
        %dma_wait3A_96 = tpu.memref_slice %arg12[%mul3A_84, %dma_wait3A_95] : memref<10000x64xf32, #tpu.memory_space<vmem_shared>> -> memref<1000x64xf32, #tpu.memory_space<vmem_shared>>
        tpu.wait_dma2 semaphore(%run_scoped3A : memref<!tpu.dma_semaphore, #tpu.memory_space<semaphore_mem>>) src(%dma_wait3A_96 : memref<1000x64xf32, #tpu.memory_space<vmem_shared>>) dst(%dma_wait3A_94 : memref<1000x64xf32, #tpu.memory_space<hbm>>)
        tpu.yield
      }) : () -> ()
    } else {
    }
    return
  }
}

#map = affine_map<(d0, d1) -> (0)>
#map1 = affine_map<(d0, d1) -> (0, 0, 0)>
module attributes {stable_mosaic.version = 14 : i64} {
  func.func @_deg_body(%arg0: i32, %arg1: i32, %arg2: memref<320000xi32, #tpu.memory_space<hbm>>, %arg3: memref<2x16x10000xf32, #tpu.memory_space<hbm>>, %arg4: memref<2000xi32, #tpu.memory_space<vmem>>, %arg5: memref<2000xi32, #tpu.memory_space<vmem>>, %arg6: memref<10000xf32, #tpu.memory_space<vmem>>, %arg7: memref<2x!tpu.dma_semaphore, #tpu.memory_space<semaphore_mem>>) attributes {dimension_semantics = [#tpu.dimension_semantics<core_parallel>, #tpu.dimension_semantics<subcore_parallel>], iteration_bounds = array<i64: 2, 16>, scalar_prefetch = 0 : i64, scratch_operands = 4 : i64, tpu.core_type = #tpu.core_type<sc_vector_subcore>, window_params = [{transform_indices = #map}, {transform_indices = #map1}]} {
    %mul3A = arith.constant 16 : i32
    %mul3A_0 = arith.muli %arg0, %mul3A : i32
    %add3A = arith.addi %mul3A_0, %arg1 : i32
    %mul3A_1 = arith.constant 10000 : i32
    %mul3A_2 = arith.muli %add3A, %mul3A_1 : i32
    %add3A_3 = arith.constant 0 : i32
    %add3A_4 = arith.addi %mul3A_2, %add3A_3 : i32
    %dma_start3A = arith.constant 0 : i32
    %dma_start3A_5 = tpu.memref_slice %arg2[%add3A_4] : memref<320000xi32, #tpu.memory_space<hbm>> -> memref<2000xi32, #tpu.memory_space<hbm>>
    %dma_start3A_6 = tpu.memref_slice %arg7[%dma_start3A] : memref<2x!tpu.dma_semaphore, #tpu.memory_space<semaphore_mem>> -> memref<1x!tpu.dma_semaphore, #tpu.memory_space<semaphore_mem>>
    %dma_start3A_7 = tpu.memref_squeeze %dma_start3A_6 : memref<1x!tpu.dma_semaphore, #tpu.memory_space<semaphore_mem>> -> memref<!tpu.dma_semaphore, #tpu.memory_space<semaphore_mem>>
    %dma_start3A_8 = tpu.memref_slice %arg2[%add3A_4] : memref<320000xi32, #tpu.memory_space<hbm>> -> memref<2000xi32, #tpu.memory_space<hbm>>
    tpu.enqueue_dma source(%dma_start3A_8 : memref<2000xi32, #tpu.memory_space<hbm>>) target(%arg4 : memref<2000xi32, #tpu.memory_space<vmem>>) target_semaphore(%dma_start3A_7 : memref<!tpu.dma_semaphore, #tpu.memory_space<semaphore_mem>>)
    %add3A_9 = arith.constant 2000 : i32
    %add3A_10 = arith.addi %mul3A_2, %add3A_9 : i32
    %dma_start3A_11 = arith.constant 1 : i32
    %dma_start3A_12 = tpu.memref_slice %arg2[%add3A_10] : memref<320000xi32, #tpu.memory_space<hbm>> -> memref<2000xi32, #tpu.memory_space<hbm>>
    %dma_start3A_13 = tpu.memref_slice %arg7[%dma_start3A_11] : memref<2x!tpu.dma_semaphore, #tpu.memory_space<semaphore_mem>> -> memref<1x!tpu.dma_semaphore, #tpu.memory_space<semaphore_mem>>
    %dma_start3A_14 = tpu.memref_squeeze %dma_start3A_13 : memref<1x!tpu.dma_semaphore, #tpu.memory_space<semaphore_mem>> -> memref<!tpu.dma_semaphore, #tpu.memory_space<semaphore_mem>>
    %dma_start3A_15 = tpu.memref_slice %arg2[%add3A_10] : memref<320000xi32, #tpu.memory_space<hbm>> -> memref<2000xi32, #tpu.memory_space<hbm>>
    tpu.enqueue_dma source(%dma_start3A_15 : memref<2000xi32, #tpu.memory_space<hbm>>) target(%arg5 : memref<2000xi32, #tpu.memory_space<vmem>>) target_semaphore(%dma_start3A_14 : memref<!tpu.dma_semaphore, #tpu.memory_space<semaphore_mem>>)
    %broadcast_in_dim3A = arith.constant 0.000000e+00 : f32
    %broadcast_in_dim3A_16 = vector.broadcast %broadcast_in_dim3A : f32 to vector<16xf32>
    %scan3A = arith.constant 0 : i32
    %scan3A_17 = arith.constant 0 : i32
    %scan3A_18 = arith.constant 624 : i32
    %scan3A_19 = arith.addi %scan3A_17, %scan3A_18 : i32
    %scan3A_20 = arith.constant 8 : i32
    %scan3A_21 = scf.for %scan3A_295 = %scan3A_17 to %scan3A_19 step %scan3A_20 iter_args(%scan3A_296 = %scan3A) -> (i32)  : i32 {
      %mul3A_297 = arith.constant 16 : i32
      %mul3A_298 = arith.muli %scan3A_295, %mul3A_297 : i32
      %swap3A_299 = arith.index_cast %mul3A_298 : i32 to index
      %swap3A_300 = tpu.vector_load %arg6[%swap3A_299] {strides = array<i32>} : memref<10000xf32, #tpu.memory_space<vmem>>, vector<16xf32>,
      tpu.vector_store %arg6[%swap3A_299], %broadcast_in_dim3A_16 {strides = array<i32>} : memref<10000xf32, #tpu.memory_space<vmem>>, vector<16xf32>,
      %scan3A_301 = arith.constant 0 : i32
      %scan3A_302 = arith.constant 1 : i32
      %scan3A_303 = arith.addi %scan3A_295, %scan3A_302 : i32
      %mul3A_304 = arith.constant 16 : i32
      %mul3A_305 = arith.muli %scan3A_303, %mul3A_304 : i32
      %swap3A_306 = arith.index_cast %mul3A_305 : i32 to index
      %swap3A_307 = tpu.vector_load %arg6[%swap3A_306] {strides = array<i32>} : memref<10000xf32, #tpu.memory_space<vmem>>, vector<16xf32>,
      tpu.vector_store %arg6[%swap3A_306], %broadcast_in_dim3A_16 {strides = array<i32>} : memref<10000xf32, #tpu.memory_space<vmem>>, vector<16xf32>,
      %scan3A_308 = arith.constant 0 : i32
      %scan3A_309 = arith.constant 2 : i32
      %scan3A_310 = arith.addi %scan3A_295, %scan3A_309 : i32
      %mul3A_311 = arith.constant 16 : i32
      %mul3A_312 = arith.muli %scan3A_310, %mul3A_311 : i32
      %swap3A_313 = arith.index_cast %mul3A_312 : i32 to index
      %swap3A_314 = tpu.vector_load %arg6[%swap3A_313] {strides = array<i32>} : memref<10000xf32, #tpu.memory_space<vmem>>, vector<16xf32>,
      tpu.vector_store %arg6[%swap3A_313], %broadcast_in_dim3A_16 {strides = array<i32>} : memref<10000xf32, #tpu.memory_space<vmem>>, vector<16xf32>,
      %scan3A_315 = arith.constant 0 : i32
      %scan3A_316 = arith.constant 3 : i32
      %scan3A_317 = arith.addi %scan3A_295, %scan3A_316 : i32
      %mul3A_318 = arith.constant 16 : i32
      %mul3A_319 = arith.muli %scan3A_317, %mul3A_318 : i32
      %swap3A_320 = arith.index_cast %mul3A_319 : i32 to index
      %swap3A_321 = tpu.vector_load %arg6[%swap3A_320] {strides = array<i32>} : memref<10000xf32, #tpu.memory_space<vmem>>, vector<16xf32>,
      tpu.vector_store %arg6[%swap3A_320], %broadcast_in_dim3A_16 {strides = array<i32>} : memref<10000xf32, #tpu.memory_space<vmem>>, vector<16xf32>,
      %scan3A_322 = arith.constant 0 : i32
      %scan3A_323 = arith.constant 4 : i32
      %scan3A_324 = arith.addi %scan3A_295, %scan3A_323 : i32
      %mul3A_325 = arith.constant 16 : i32
      %mul3A_326 = arith.muli %scan3A_324, %mul3A_325 : i32
      %swap3A_327 = arith.index_cast %mul3A_326 : i32 to index
      %swap3A_328 = tpu.vector_load %arg6[%swap3A_327] {strides = array<i32>} : memref<10000xf32, #tpu.memory_space<vmem>>, vector<16xf32>,
      tpu.vector_store %arg6[%swap3A_327], %broadcast_in_dim3A_16 {strides = array<i32>} : memref<10000xf32, #tpu.memory_space<vmem>>, vector<16xf32>,
      %scan3A_329 = arith.constant 0 : i32
      %scan3A_330 = arith.constant 5 : i32
      %scan3A_331 = arith.addi %scan3A_295, %scan3A_330 : i32
      %mul3A_332 = arith.constant 16 : i32
      %mul3A_333 = arith.muli %scan3A_331, %mul3A_332 : i32
      %swap3A_334 = arith.index_cast %mul3A_333 : i32 to index
      %swap3A_335 = tpu.vector_load %arg6[%swap3A_334] {strides = array<i32>} : memref<10000xf32, #tpu.memory_space<vmem>>, vector<16xf32>,
      tpu.vector_store %arg6[%swap3A_334], %broadcast_in_dim3A_16 {strides = array<i32>} : memref<10000xf32, #tpu.memory_space<vmem>>, vector<16xf32>,
      %scan3A_336 = arith.constant 0 : i32
      %scan3A_337 = arith.constant 6 : i32
      %scan3A_338 = arith.addi %scan3A_295, %scan3A_337 : i32
      %mul3A_339 = arith.constant 16 : i32
      %mul3A_340 = arith.muli %scan3A_338, %mul3A_339 : i32
      %swap3A_341 = arith.index_cast %mul3A_340 : i32 to index
      %swap3A_342 = tpu.vector_load %arg6[%swap3A_341] {strides = array<i32>} : memref<10000xf32, #tpu.memory_space<vmem>>, vector<16xf32>,
      tpu.vector_store %arg6[%swap3A_341], %broadcast_in_dim3A_16 {strides = array<i32>} : memref<10000xf32, #tpu.memory_space<vmem>>, vector<16xf32>,
      %scan3A_343 = arith.constant 0 : i32
      %scan3A_344 = arith.constant 7 : i32
      %scan3A_345 = arith.addi %scan3A_295, %scan3A_344 : i32
      %mul3A_346 = arith.constant 16 : i32
      %mul3A_347 = arith.muli %scan3A_345, %mul3A_346 : i32
      %swap3A_348 = arith.index_cast %mul3A_347 : i32 to index
      %swap3A_349 = tpu.vector_load %arg6[%swap3A_348] {strides = array<i32>} : memref<10000xf32, #tpu.memory_space<vmem>>, vector<16xf32>,
      tpu.vector_store %arg6[%swap3A_348], %broadcast_in_dim3A_16 {strides = array<i32>} : memref<10000xf32, #tpu.memory_space<vmem>>, vector<16xf32>,
      %scan3A_350 = arith.constant 0 : i32
      scf.yield %scan3A_350 : i32
    }
    %scan3A_22 = arith.constant 624 : i32
    %scan3A_23 = arith.addi %scan3A_17, %scan3A_22 : i32
    %mul3A_24 = arith.constant 16 : i32
    %mul3A_25 = arith.muli %scan3A_23, %mul3A_24 : i32
    %swap3A = arith.index_cast %mul3A_25 : i32 to index
    %swap3A_26 = tpu.vector_load %arg6[%swap3A] {strides = array<i32>} : memref<10000xf32, #tpu.memory_space<vmem>>, vector<16xf32>,
    tpu.vector_store %arg6[%swap3A], %broadcast_in_dim3A_16 {strides = array<i32>} : memref<10000xf32, #tpu.memory_space<vmem>>, vector<16xf32>,
    %scan3A_27 = arith.constant 0 : i32
    %scan3A_28 = arith.constant 625 : i32
    %broadcast_in_dim3A_29 = arith.constant 1.000000e+00 : f32
    %broadcast_in_dim3A_30 = vector.broadcast %broadcast_in_dim3A_29 : f32 to vector<16xf32>
    %add3A_31 = arith.constant 0 : i32
    %add3A_32 = arith.addi %mul3A_2, %add3A_31 : i32
    %dma_wait3A = arith.constant 0 : i32
    %dma_wait3A_33 = tpu.memref_slice %arg2[%add3A_32] : memref<320000xi32, #tpu.memory_space<hbm>> -> memref<2000xi32, #tpu.memory_space<hbm>>
    %dma_wait3A_34 = tpu.memref_slice %arg7[%dma_wait3A] : memref<2x!tpu.dma_semaphore, #tpu.memory_space<semaphore_mem>> -> memref<1x!tpu.dma_semaphore, #tpu.memory_space<semaphore_mem>>
    %dma_wait3A_35 = tpu.memref_squeeze %dma_wait3A_34 : memref<1x!tpu.dma_semaphore, #tpu.memory_space<semaphore_mem>> -> memref<!tpu.dma_semaphore, #tpu.memory_space<semaphore_mem>>
    %dma_wait3A_36 = tpu.memref_slice %arg2[%add3A_32] : memref<320000xi32, #tpu.memory_space<hbm>> -> memref<2000xi32, #tpu.memory_space<hbm>>
    tpu.wait_dma2 semaphore(%dma_wait3A_35 : memref<!tpu.dma_semaphore, #tpu.memory_space<semaphore_mem>>) src(%dma_wait3A_36 : memref<2000xi32, #tpu.memory_space<hbm>>) dst(%arg4 : memref<2000xi32, #tpu.memory_space<vmem>>)
    %scan3A_37 = arith.constant 0 : i32
    %scan3A_38 = arith.constant 0 : i32
    %scan3A_39 = arith.constant 120 : i32
    %scan3A_40 = arith.addi %scan3A_38, %scan3A_39 : i32
    %scan3A_41 = arith.constant 8 : i32
    %scan3A_42 = scf.for %scan3A_295 = %scan3A_38 to %scan3A_40 step %scan3A_41 iter_args(%scan3A_296 = %scan3A_37) -> (i32)  : i32 {
      %mul3A_297 = arith.constant 16 : i32
      %mul3A_298 = arith.muli %scan3A_295, %mul3A_297 : i32
      %get3A_299 = arith.index_cast %mul3A_298 : i32 to index
      %get3A_300 = tpu.vector_load %arg4[%get3A_299] {strides = array<i32>} : memref<2000xi32, #tpu.memory_space<vmem>>, vector<16xi32>,
      tpu.vector_store_idx %arg6[%get3A_300], %broadcast_in_dim3A_30 {add = true} : memref<10000xf32, #tpu.memory_space<vmem>>[vector<16xi32>], vector<16xf32>,
      %scan3A_301 = arith.constant 0 : i32
      %scan3A_302 = arith.constant 1 : i32
      %scan3A_303 = arith.addi %scan3A_295, %scan3A_302 : i32
      %mul3A_304 = arith.constant 16 : i32
      %mul3A_305 = arith.muli %scan3A_303, %mul3A_304 : i32
      %get3A_306 = arith.index_cast %mul3A_305 : i32 to index
      %get3A_307 = tpu.vector_load %arg4[%get3A_306] {strides = array<i32>} : memref<2000xi32, #tpu.memory_space<vmem>>, vector<16xi32>,
      tpu.vector_store_idx %arg6[%get3A_307], %broadcast_in_dim3A_30 {add = true} : memref<10000xf32, #tpu.memory_space<vmem>>[vector<16xi32>], vector<16xf32>,
      %scan3A_308 = arith.constant 0 : i32
      %scan3A_309 = arith.constant 2 : i32
      %scan3A_310 = arith.addi %scan3A_295, %scan3A_309 : i32
      %mul3A_311 = arith.constant 16 : i32
      %mul3A_312 = arith.muli %scan3A_310, %mul3A_311 : i32
      %get3A_313 = arith.index_cast %mul3A_312 : i32 to index
      %get3A_314 = tpu.vector_load %arg4[%get3A_313] {strides = array<i32>} : memref<2000xi32, #tpu.memory_space<vmem>>, vector<16xi32>,
      tpu.vector_store_idx %arg6[%get3A_314], %broadcast_in_dim3A_30 {add = true} : memref<10000xf32, #tpu.memory_space<vmem>>[vector<16xi32>], vector<16xf32>,
      %scan3A_315 = arith.constant 0 : i32
      %scan3A_316 = arith.constant 3 : i32
      %scan3A_317 = arith.addi %scan3A_295, %scan3A_316 : i32
      %mul3A_318 = arith.constant 16 : i32
      %mul3A_319 = arith.muli %scan3A_317, %mul3A_318 : i32
      %get3A_320 = arith.index_cast %mul3A_319 : i32 to index
      %get3A_321 = tpu.vector_load %arg4[%get3A_320] {strides = array<i32>} : memref<2000xi32, #tpu.memory_space<vmem>>, vector<16xi32>,
      tpu.vector_store_idx %arg6[%get3A_321], %broadcast_in_dim3A_30 {add = true} : memref<10000xf32, #tpu.memory_space<vmem>>[vector<16xi32>], vector<16xf32>,
      %scan3A_322 = arith.constant 0 : i32
      %scan3A_323 = arith.constant 4 : i32
      %scan3A_324 = arith.addi %scan3A_295, %scan3A_323 : i32
      %mul3A_325 = arith.constant 16 : i32
      %mul3A_326 = arith.muli %scan3A_324, %mul3A_325 : i32
      %get3A_327 = arith.index_cast %mul3A_326 : i32 to index
      %get3A_328 = tpu.vector_load %arg4[%get3A_327] {strides = array<i32>} : memref<2000xi32, #tpu.memory_space<vmem>>, vector<16xi32>,
      tpu.vector_store_idx %arg6[%get3A_328], %broadcast_in_dim3A_30 {add = true} : memref<10000xf32, #tpu.memory_space<vmem>>[vector<16xi32>], vector<16xf32>,
      %scan3A_329 = arith.constant 0 : i32
      %scan3A_330 = arith.constant 5 : i32
      %scan3A_331 = arith.addi %scan3A_295, %scan3A_330 : i32
      %mul3A_332 = arith.constant 16 : i32
      %mul3A_333 = arith.muli %scan3A_331, %mul3A_332 : i32
      %get3A_334 = arith.index_cast %mul3A_333 : i32 to index
      %get3A_335 = tpu.vector_load %arg4[%get3A_334] {strides = array<i32>} : memref<2000xi32, #tpu.memory_space<vmem>>, vector<16xi32>,
      tpu.vector_store_idx %arg6[%get3A_335], %broadcast_in_dim3A_30 {add = true} : memref<10000xf32, #tpu.memory_space<vmem>>[vector<16xi32>], vector<16xf32>,
      %scan3A_336 = arith.constant 0 : i32
      %scan3A_337 = arith.constant 6 : i32
      %scan3A_338 = arith.addi %scan3A_295, %scan3A_337 : i32
      %mul3A_339 = arith.constant 16 : i32
      %mul3A_340 = arith.muli %scan3A_338, %mul3A_339 : i32
      %get3A_341 = arith.index_cast %mul3A_340 : i32 to index
      %get3A_342 = tpu.vector_load %arg4[%get3A_341] {strides = array<i32>} : memref<2000xi32, #tpu.memory_space<vmem>>, vector<16xi32>,
      tpu.vector_store_idx %arg6[%get3A_342], %broadcast_in_dim3A_30 {add = true} : memref<10000xf32, #tpu.memory_space<vmem>>[vector<16xi32>], vector<16xf32>,
      %scan3A_343 = arith.constant 0 : i32
      %scan3A_344 = arith.constant 7 : i32
      %scan3A_345 = arith.addi %scan3A_295, %scan3A_344 : i32
      %mul3A_346 = arith.constant 16 : i32
      %mul3A_347 = arith.muli %scan3A_345, %mul3A_346 : i32
      %get3A_348 = arith.index_cast %mul3A_347 : i32 to index
      %get3A_349 = tpu.vector_load %arg4[%get3A_348] {strides = array<i32>} : memref<2000xi32, #tpu.memory_space<vmem>>, vector<16xi32>,
      tpu.vector_store_idx %arg6[%get3A_349], %broadcast_in_dim3A_30 {add = true} : memref<10000xf32, #tpu.memory_space<vmem>>[vector<16xi32>], vector<16xf32>,
      %scan3A_350 = arith.constant 0 : i32
      scf.yield %scan3A_350 : i32
    }
    %scan3A_43 = arith.constant 120 : i32
    %scan3A_44 = arith.addi %scan3A_38, %scan3A_43 : i32
    %mul3A_45 = arith.constant 16 : i32
    %mul3A_46 = arith.muli %scan3A_44, %mul3A_45 : i32
    %get3A = arith.index_cast %mul3A_46 : i32 to index
    %get3A_47 = tpu.vector_load %arg4[%get3A] {strides = array<i32>} : memref<2000xi32, #tpu.memory_space<vmem>>, vector<16xi32>,
    tpu.vector_store_idx %arg6[%get3A_47], %broadcast_in_dim3A_30 {add = true} : memref<10000xf32, #tpu.memory_space<vmem>>[vector<16xi32>], vector<16xf32>,
    %scan3A_48 = arith.constant 0 : i32
    %scan3A_49 = arith.constant 121 : i32
    %scan3A_50 = arith.addi %scan3A_38, %scan3A_49 : i32
    %mul3A_51 = arith.constant 16 : i32
    %mul3A_52 = arith.muli %scan3A_50, %mul3A_51 : i32
    %get3A_53 = arith.index_cast %mul3A_52 : i32 to index
    %get3A_54 = tpu.vector_load %arg4[%get3A_53] {strides = array<i32>} : memref<2000xi32, #tpu.memory_space<vmem>>, vector<16xi32>,
    tpu.vector_store_idx %arg6[%get3A_54], %broadcast_in_dim3A_30 {add = true} : memref<10000xf32, #tpu.memory_space<vmem>>[vector<16xi32>], vector<16xf32>,
    %scan3A_55 = arith.constant 0 : i32
    %scan3A_56 = arith.constant 122 : i32
    %scan3A_57 = arith.addi %scan3A_38, %scan3A_56 : i32
    %mul3A_58 = arith.constant 16 : i32
    %mul3A_59 = arith.muli %scan3A_57, %mul3A_58 : i32
    %get3A_60 = arith.index_cast %mul3A_59 : i32 to index
    %get3A_61 = tpu.vector_load %arg4[%get3A_60] {strides = array<i32>} : memref<2000xi32, #tpu.memory_space<vmem>>, vector<16xi32>,
    tpu.vector_store_idx %arg6[%get3A_61], %broadcast_in_dim3A_30 {add = true} : memref<10000xf32, #tpu.memory_space<vmem>>[vector<16xi32>], vector<16xf32>,
    %scan3A_62 = arith.constant 0 : i32
    %scan3A_63 = arith.constant 123 : i32
    %scan3A_64 = arith.addi %scan3A_38, %scan3A_63 : i32
    %mul3A_65 = arith.constant 16 : i32
    %mul3A_66 = arith.muli %scan3A_64, %mul3A_65 : i32
    %get3A_67 = arith.index_cast %mul3A_66 : i32 to index
    %get3A_68 = tpu.vector_load %arg4[%get3A_67] {strides = array<i32>} : memref<2000xi32, #tpu.memory_space<vmem>>, vector<16xi32>,
    tpu.vector_store_idx %arg6[%get3A_68], %broadcast_in_dim3A_30 {add = true} : memref<10000xf32, #tpu.memory_space<vmem>>[vector<16xi32>], vector<16xf32>,
    %scan3A_69 = arith.constant 0 : i32
    %scan3A_70 = arith.constant 124 : i32
    %scan3A_71 = arith.addi %scan3A_38, %scan3A_70 : i32
    %mul3A_72 = arith.constant 16 : i32
    %mul3A_73 = arith.muli %scan3A_71, %mul3A_72 : i32
    %get3A_74 = arith.index_cast %mul3A_73 : i32 to index
    %get3A_75 = tpu.vector_load %arg4[%get3A_74] {strides = array<i32>} : memref<2000xi32, #tpu.memory_space<vmem>>, vector<16xi32>,
    tpu.vector_store_idx %arg6[%get3A_75], %broadcast_in_dim3A_30 {add = true} : memref<10000xf32, #tpu.memory_space<vmem>>[vector<16xi32>], vector<16xf32>,
    %scan3A_76 = arith.constant 0 : i32
    %scan3A_77 = arith.constant 125 : i32
    %add3A_78 = arith.constant 4000 : i32
    %add3A_79 = arith.addi %mul3A_2, %add3A_78 : i32
    %dma_start3A_80 = arith.constant 0 : i32
    %dma_start3A_81 = tpu.memref_slice %arg2[%add3A_79] : memref<320000xi32, #tpu.memory_space<hbm>> -> memref<2000xi32, #tpu.memory_space<hbm>>
    %dma_start3A_82 = tpu.memref_slice %arg7[%dma_start3A_80] : memref<2x!tpu.dma_semaphore, #tpu.memory_space<semaphore_mem>> -> memref<1x!tpu.dma_semaphore, #tpu.memory_space<semaphore_mem>>
    %dma_start3A_83 = tpu.memref_squeeze %dma_start3A_82 : memref<1x!tpu.dma_semaphore, #tpu.memory_space<semaphore_mem>> -> memref<!tpu.dma_semaphore, #tpu.memory_space<semaphore_mem>>
    %dma_start3A_84 = tpu.memref_slice %arg2[%add3A_79] : memref<320000xi32, #tpu.memory_space<hbm>> -> memref<2000xi32, #tpu.memory_space<hbm>>
    tpu.enqueue_dma source(%dma_start3A_84 : memref<2000xi32, #tpu.memory_space<hbm>>) target(%arg4 : memref<2000xi32, #tpu.memory_space<vmem>>) target_semaphore(%dma_start3A_83 : memref<!tpu.dma_semaphore, #tpu.memory_space<semaphore_mem>>)
    %add3A_85 = arith.constant 2000 : i32
    %add3A_86 = arith.addi %mul3A_2, %add3A_85 : i32
    %dma_wait3A_87 = arith.constant 1 : i32
    %dma_wait3A_88 = tpu.memref_slice %arg2[%add3A_86] : memref<320000xi32, #tpu.memory_space<hbm>> -> memref<2000xi32, #tpu.memory_space<hbm>>
    %dma_wait3A_89 = tpu.memref_slice %arg7[%dma_wait3A_87] : memref<2x!tpu.dma_semaphore, #tpu.memory_space<semaphore_mem>> -> memref<1x!tpu.dma_semaphore, #tpu.memory_space<semaphore_mem>>
    %dma_wait3A_90 = tpu.memref_squeeze %dma_wait3A_89 : memref<1x!tpu.dma_semaphore, #tpu.memory_space<semaphore_mem>> -> memref<!tpu.dma_semaphore, #tpu.memory_space<semaphore_mem>>
    %dma_wait3A_91 = tpu.memref_slice %arg2[%add3A_86] : memref<320000xi32, #tpu.memory_space<hbm>> -> memref<2000xi32, #tpu.memory_space<hbm>>
    tpu.wait_dma2 semaphore(%dma_wait3A_90 : memref<!tpu.dma_semaphore, #tpu.memory_space<semaphore_mem>>) src(%dma_wait3A_91 : memref<2000xi32, #tpu.memory_space<hbm>>) dst(%arg5 : memref<2000xi32, #tpu.memory_space<vmem>>)
    %scan3A_92 = arith.constant 0 : i32
    %scan3A_93 = arith.constant 0 : i32
    %scan3A_94 = arith.constant 120 : i32
    %scan3A_95 = arith.addi %scan3A_93, %scan3A_94 : i32
    %scan3A_96 = arith.constant 8 : i32
    %scan3A_97 = scf.for %scan3A_295 = %scan3A_93 to %scan3A_95 step %scan3A_96 iter_args(%scan3A_296 = %scan3A_92) -> (i32)  : i32 {
      %mul3A_297 = arith.constant 16 : i32
      %mul3A_298 = arith.muli %scan3A_295, %mul3A_297 : i32
      %get3A_299 = arith.index_cast %mul3A_298 : i32 to index
      %get3A_300 = tpu.vector_load %arg5[%get3A_299] {strides = array<i32>} : memref<2000xi32, #tpu.memory_space<vmem>>, vector<16xi32>,
      tpu.vector_store_idx %arg6[%get3A_300], %broadcast_in_dim3A_30 {add = true} : memref<10000xf32, #tpu.memory_space<vmem>>[vector<16xi32>], vector<16xf32>,
      %scan3A_301 = arith.constant 0 : i32
      %scan3A_302 = arith.constant 1 : i32
      %scan3A_303 = arith.addi %scan3A_295, %scan3A_302 : i32
      %mul3A_304 = arith.constant 16 : i32
      %mul3A_305 = arith.muli %scan3A_303, %mul3A_304 : i32
      %get3A_306 = arith.index_cast %mul3A_305 : i32 to index
      %get3A_307 = tpu.vector_load %arg5[%get3A_306] {strides = array<i32>} : memref<2000xi32, #tpu.memory_space<vmem>>, vector<16xi32>,
      tpu.vector_store_idx %arg6[%get3A_307], %broadcast_in_dim3A_30 {add = true} : memref<10000xf32, #tpu.memory_space<vmem>>[vector<16xi32>], vector<16xf32>,
      %scan3A_308 = arith.constant 0 : i32
      %scan3A_309 = arith.constant 2 : i32
      %scan3A_310 = arith.addi %scan3A_295, %scan3A_309 : i32
      %mul3A_311 = arith.constant 16 : i32
      %mul3A_312 = arith.muli %scan3A_310, %mul3A_311 : i32
      %get3A_313 = arith.index_cast %mul3A_312 : i32 to index
      %get3A_314 = tpu.vector_load %arg5[%get3A_313] {strides = array<i32>} : memref<2000xi32, #tpu.memory_space<vmem>>, vector<16xi32>,
      tpu.vector_store_idx %arg6[%get3A_314], %broadcast_in_dim3A_30 {add = true} : memref<10000xf32, #tpu.memory_space<vmem>>[vector<16xi32>], vector<16xf32>,
      %scan3A_315 = arith.constant 0 : i32
      %scan3A_316 = arith.constant 3 : i32
      %scan3A_317 = arith.addi %scan3A_295, %scan3A_316 : i32
      %mul3A_318 = arith.constant 16 : i32
      %mul3A_319 = arith.muli %scan3A_317, %mul3A_318 : i32
      %get3A_320 = arith.index_cast %mul3A_319 : i32 to index
      %get3A_321 = tpu.vector_load %arg5[%get3A_320] {strides = array<i32>} : memref<2000xi32, #tpu.memory_space<vmem>>, vector<16xi32>,
      tpu.vector_store_idx %arg6[%get3A_321], %broadcast_in_dim3A_30 {add = true} : memref<10000xf32, #tpu.memory_space<vmem>>[vector<16xi32>], vector<16xf32>,
      %scan3A_322 = arith.constant 0 : i32
      %scan3A_323 = arith.constant 4 : i32
      %scan3A_324 = arith.addi %scan3A_295, %scan3A_323 : i32
      %mul3A_325 = arith.constant 16 : i32
      %mul3A_326 = arith.muli %scan3A_324, %mul3A_325 : i32
      %get3A_327 = arith.index_cast %mul3A_326 : i32 to index
      %get3A_328 = tpu.vector_load %arg5[%get3A_327] {strides = array<i32>} : memref<2000xi32, #tpu.memory_space<vmem>>, vector<16xi32>,
      tpu.vector_store_idx %arg6[%get3A_328], %broadcast_in_dim3A_30 {add = true} : memref<10000xf32, #tpu.memory_space<vmem>>[vector<16xi32>], vector<16xf32>,
      %scan3A_329 = arith.constant 0 : i32
      %scan3A_330 = arith.constant 5 : i32
      %scan3A_331 = arith.addi %scan3A_295, %scan3A_330 : i32
      %mul3A_332 = arith.constant 16 : i32
      %mul3A_333 = arith.muli %scan3A_331, %mul3A_332 : i32
      %get3A_334 = arith.index_cast %mul3A_333 : i32 to index
      %get3A_335 = tpu.vector_load %arg5[%get3A_334] {strides = array<i32>} : memref<2000xi32, #tpu.memory_space<vmem>>, vector<16xi32>,
      tpu.vector_store_idx %arg6[%get3A_335], %broadcast_in_dim3A_30 {add = true} : memref<10000xf32, #tpu.memory_space<vmem>>[vector<16xi32>], vector<16xf32>,
      %scan3A_336 = arith.constant 0 : i32
      %scan3A_337 = arith.constant 6 : i32
      %scan3A_338 = arith.addi %scan3A_295, %scan3A_337 : i32
      %mul3A_339 = arith.constant 16 : i32
      %mul3A_340 = arith.muli %scan3A_338, %mul3A_339 : i32
      %get3A_341 = arith.index_cast %mul3A_340 : i32 to index
      %get3A_342 = tpu.vector_load %arg5[%get3A_341] {strides = array<i32>} : memref<2000xi32, #tpu.memory_space<vmem>>, vector<16xi32>,
      tpu.vector_store_idx %arg6[%get3A_342], %broadcast_in_dim3A_30 {add = true} : memref<10000xf32, #tpu.memory_space<vmem>>[vector<16xi32>], vector<16xf32>,
      %scan3A_343 = arith.constant 0 : i32
      %scan3A_344 = arith.constant 7 : i32
      %scan3A_345 = arith.addi %scan3A_295, %scan3A_344 : i32
      %mul3A_346 = arith.constant 16 : i32
      %mul3A_347 = arith.muli %scan3A_345, %mul3A_346 : i32
      %get3A_348 = arith.index_cast %mul3A_347 : i32 to index
      %get3A_349 = tpu.vector_load %arg5[%get3A_348] {strides = array<i32>} : memref<2000xi32, #tpu.memory_space<vmem>>, vector<16xi32>,
      tpu.vector_store_idx %arg6[%get3A_349], %broadcast_in_dim3A_30 {add = true} : memref<10000xf32, #tpu.memory_space<vmem>>[vector<16xi32>], vector<16xf32>,
      %scan3A_350 = arith.constant 0 : i32
      scf.yield %scan3A_350 : i32
    }
    %scan3A_98 = arith.constant 120 : i32
    %scan3A_99 = arith.addi %scan3A_93, %scan3A_98 : i32
    %mul3A_100 = arith.constant 16 : i32
    %mul3A_101 = arith.muli %scan3A_99, %mul3A_100 : i32
    %get3A_102 = arith.index_cast %mul3A_101 : i32 to index
    %get3A_103 = tpu.vector_load %arg5[%get3A_102] {strides = array<i32>} : memref<2000xi32, #tpu.memory_space<vmem>>, vector<16xi32>,
    tpu.vector_store_idx %arg6[%get3A_103], %broadcast_in_dim3A_30 {add = true} : memref<10000xf32, #tpu.memory_space<vmem>>[vector<16xi32>], vector<16xf32>,
    %scan3A_104 = arith.constant 0 : i32
    %scan3A_105 = arith.constant 121 : i32
    %scan3A_106 = arith.addi %scan3A_93, %scan3A_105 : i32
    %mul3A_107 = arith.constant 16 : i32
    %mul3A_108 = arith.muli %scan3A_106, %mul3A_107 : i32
    %get3A_109 = arith.index_cast %mul3A_108 : i32 to index
    %get3A_110 = tpu.vector_load %arg5[%get3A_109] {strides = array<i32>} : memref<2000xi32, #tpu.memory_space<vmem>>, vector<16xi32>,
    tpu.vector_store_idx %arg6[%get3A_110], %broadcast_in_dim3A_30 {add = true} : memref<10000xf32, #tpu.memory_space<vmem>>[vector<16xi32>], vector<16xf32>,
    %scan3A_111 = arith.constant 0 : i32
    %scan3A_112 = arith.constant 122 : i32
    %scan3A_113 = arith.addi %scan3A_93, %scan3A_112 : i32
    %mul3A_114 = arith.constant 16 : i32
    %mul3A_115 = arith.muli %scan3A_113, %mul3A_114 : i32
    %get3A_116 = arith.index_cast %mul3A_115 : i32 to index
    %get3A_117 = tpu.vector_load %arg5[%get3A_116] {strides = array<i32>} : memref<2000xi32, #tpu.memory_space<vmem>>, vector<16xi32>,
    tpu.vector_store_idx %arg6[%get3A_117], %broadcast_in_dim3A_30 {add = true} : memref<10000xf32, #tpu.memory_space<vmem>>[vector<16xi32>], vector<16xf32>,
    %scan3A_118 = arith.constant 0 : i32
    %scan3A_119 = arith.constant 123 : i32
    %scan3A_120 = arith.addi %scan3A_93, %scan3A_119 : i32
    %mul3A_121 = arith.constant 16 : i32
    %mul3A_122 = arith.muli %scan3A_120, %mul3A_121 : i32
    %get3A_123 = arith.index_cast %mul3A_122 : i32 to index
    %get3A_124 = tpu.vector_load %arg5[%get3A_123] {strides = array<i32>} : memref<2000xi32, #tpu.memory_space<vmem>>, vector<16xi32>,
    tpu.vector_store_idx %arg6[%get3A_124], %broadcast_in_dim3A_30 {add = true} : memref<10000xf32, #tpu.memory_space<vmem>>[vector<16xi32>], vector<16xf32>,
    %scan3A_125 = arith.constant 0 : i32
    %scan3A_126 = arith.constant 124 : i32
    %scan3A_127 = arith.addi %scan3A_93, %scan3A_126 : i32
    %mul3A_128 = arith.constant 16 : i32
    %mul3A_129 = arith.muli %scan3A_127, %mul3A_128 : i32
    %get3A_130 = arith.index_cast %mul3A_129 : i32 to index
    %get3A_131 = tpu.vector_load %arg5[%get3A_130] {strides = array<i32>} : memref<2000xi32, #tpu.memory_space<vmem>>, vector<16xi32>,
    tpu.vector_store_idx %arg6[%get3A_131], %broadcast_in_dim3A_30 {add = true} : memref<10000xf32, #tpu.memory_space<vmem>>[vector<16xi32>], vector<16xf32>,
    %scan3A_132 = arith.constant 0 : i32
    %scan3A_133 = arith.constant 125 : i32
    %add3A_134 = arith.constant 6000 : i32
    %add3A_135 = arith.addi %mul3A_2, %add3A_134 : i32
    %dma_start3A_136 = arith.constant 1 : i32
    %dma_start3A_137 = tpu.memref_slice %arg2[%add3A_135] : memref<320000xi32, #tpu.memory_space<hbm>> -> memref<2000xi32, #tpu.memory_space<hbm>>
    %dma_start3A_138 = tpu.memref_slice %arg7[%dma_start3A_136] : memref<2x!tpu.dma_semaphore, #tpu.memory_space<semaphore_mem>> -> memref<1x!tpu.dma_semaphore, #tpu.memory_space<semaphore_mem>>
    %dma_start3A_139 = tpu.memref_squeeze %dma_start3A_138 : memref<1x!tpu.dma_semaphore, #tpu.memory_space<semaphore_mem>> -> memref<!tpu.dma_semaphore, #tpu.memory_space<semaphore_mem>>
    %dma_start3A_140 = tpu.memref_slice %arg2[%add3A_135] : memref<320000xi32, #tpu.memory_space<hbm>> -> memref<2000xi32, #tpu.memory_space<hbm>>
    tpu.enqueue_dma source(%dma_start3A_140 : memref<2000xi32, #tpu.memory_space<hbm>>) target(%arg5 : memref<2000xi32, #tpu.memory_space<vmem>>) target_semaphore(%dma_start3A_139 : memref<!tpu.dma_semaphore, #tpu.memory_space<semaphore_mem>>)
    %add3A_141 = arith.constant 4000 : i32
    %add3A_142 = arith.addi %mul3A_2, %add3A_141 : i32
    %dma_wait3A_143 = arith.constant 0 : i32
    %dma_wait3A_144 = tpu.memref_slice %arg2[%add3A_142] : memref<320000xi32, #tpu.memory_space<hbm>> -> memref<2000xi32, #tpu.memory_space<hbm>>
    %dma_wait3A_145 = tpu.memref_slice %arg7[%dma_wait3A_143] : memref<2x!tpu.dma_semaphore, #tpu.memory_space<semaphore_mem>> -> memref<1x!tpu.dma_semaphore, #tpu.memory_space<semaphore_mem>>
    %dma_wait3A_146 = tpu.memref_squeeze %dma_wait3A_145 : memref<1x!tpu.dma_semaphore, #tpu.memory_space<semaphore_mem>> -> memref<!tpu.dma_semaphore, #tpu.memory_space<semaphore_mem>>
    %dma_wait3A_147 = tpu.memref_slice %arg2[%add3A_142] : memref<320000xi32, #tpu.memory_space<hbm>> -> memref<2000xi32, #tpu.memory_space<hbm>>
    tpu.wait_dma2 semaphore(%dma_wait3A_146 : memref<!tpu.dma_semaphore, #tpu.memory_space<semaphore_mem>>) src(%dma_wait3A_147 : memref<2000xi32, #tpu.memory_space<hbm>>) dst(%arg4 : memref<2000xi32, #tpu.memory_space<vmem>>)
    %scan3A_148 = arith.constant 0 : i32
    %scan3A_149 = arith.constant 0 : i32
    %scan3A_150 = arith.constant 120 : i32
    %scan3A_151 = arith.addi %scan3A_149, %scan3A_150 : i32
    %scan3A_152 = arith.constant 8 : i32
    %scan3A_153 = scf.for %scan3A_295 = %scan3A_149 to %scan3A_151 step %scan3A_152 iter_args(%scan3A_296 = %scan3A_148) -> (i32)  : i32 {
      %mul3A_297 = arith.constant 16 : i32
      %mul3A_298 = arith.muli %scan3A_295, %mul3A_297 : i32
      %get3A_299 = arith.index_cast %mul3A_298 : i32 to index
      %get3A_300 = tpu.vector_load %arg4[%get3A_299] {strides = array<i32>} : memref<2000xi32, #tpu.memory_space<vmem>>, vector<16xi32>,
      tpu.vector_store_idx %arg6[%get3A_300], %broadcast_in_dim3A_30 {add = true} : memref<10000xf32, #tpu.memory_space<vmem>>[vector<16xi32>], vector<16xf32>,
      %scan3A_301 = arith.constant 0 : i32
      %scan3A_302 = arith.constant 1 : i32
      %scan3A_303 = arith.addi %scan3A_295, %scan3A_302 : i32
      %mul3A_304 = arith.constant 16 : i32
      %mul3A_305 = arith.muli %scan3A_303, %mul3A_304 : i32
      %get3A_306 = arith.index_cast %mul3A_305 : i32 to index
      %get3A_307 = tpu.vector_load %arg4[%get3A_306] {strides = array<i32>} : memref<2000xi32, #tpu.memory_space<vmem>>, vector<16xi32>,
      tpu.vector_store_idx %arg6[%get3A_307], %broadcast_in_dim3A_30 {add = true} : memref<10000xf32, #tpu.memory_space<vmem>>[vector<16xi32>], vector<16xf32>,
      %scan3A_308 = arith.constant 0 : i32
      %scan3A_309 = arith.constant 2 : i32
      %scan3A_310 = arith.addi %scan3A_295, %scan3A_309 : i32
      %mul3A_311 = arith.constant 16 : i32
      %mul3A_312 = arith.muli %scan3A_310, %mul3A_311 : i32
      %get3A_313 = arith.index_cast %mul3A_312 : i32 to index
      %get3A_314 = tpu.vector_load %arg4[%get3A_313] {strides = array<i32>} : memref<2000xi32, #tpu.memory_space<vmem>>, vector<16xi32>,
      tpu.vector_store_idx %arg6[%get3A_314], %broadcast_in_dim3A_30 {add = true} : memref<10000xf32, #tpu.memory_space<vmem>>[vector<16xi32>], vector<16xf32>,
      %scan3A_315 = arith.constant 0 : i32
      %scan3A_316 = arith.constant 3 : i32
      %scan3A_317 = arith.addi %scan3A_295, %scan3A_316 : i32
      %mul3A_318 = arith.constant 16 : i32
      %mul3A_319 = arith.muli %scan3A_317, %mul3A_318 : i32
      %get3A_320 = arith.index_cast %mul3A_319 : i32 to index
      %get3A_321 = tpu.vector_load %arg4[%get3A_320] {strides = array<i32>} : memref<2000xi32, #tpu.memory_space<vmem>>, vector<16xi32>,
      tpu.vector_store_idx %arg6[%get3A_321], %broadcast_in_dim3A_30 {add = true} : memref<10000xf32, #tpu.memory_space<vmem>>[vector<16xi32>], vector<16xf32>,
      %scan3A_322 = arith.constant 0 : i32
      %scan3A_323 = arith.constant 4 : i32
      %scan3A_324 = arith.addi %scan3A_295, %scan3A_323 : i32
      %mul3A_325 = arith.constant 16 : i32
      %mul3A_326 = arith.muli %scan3A_324, %mul3A_325 : i32
      %get3A_327 = arith.index_cast %mul3A_326 : i32 to index
      %get3A_328 = tpu.vector_load %arg4[%get3A_327] {strides = array<i32>} : memref<2000xi32, #tpu.memory_space<vmem>>, vector<16xi32>,
      tpu.vector_store_idx %arg6[%get3A_328], %broadcast_in_dim3A_30 {add = true} : memref<10000xf32, #tpu.memory_space<vmem>>[vector<16xi32>], vector<16xf32>,
      %scan3A_329 = arith.constant 0 : i32
      %scan3A_330 = arith.constant 5 : i32
      %scan3A_331 = arith.addi %scan3A_295, %scan3A_330 : i32
      %mul3A_332 = arith.constant 16 : i32
      %mul3A_333 = arith.muli %scan3A_331, %mul3A_332 : i32
      %get3A_334 = arith.index_cast %mul3A_333 : i32 to index
      %get3A_335 = tpu.vector_load %arg4[%get3A_334] {strides = array<i32>} : memref<2000xi32, #tpu.memory_space<vmem>>, vector<16xi32>,
      tpu.vector_store_idx %arg6[%get3A_335], %broadcast_in_dim3A_30 {add = true} : memref<10000xf32, #tpu.memory_space<vmem>>[vector<16xi32>], vector<16xf32>,
      %scan3A_336 = arith.constant 0 : i32
      %scan3A_337 = arith.constant 6 : i32
      %scan3A_338 = arith.addi %scan3A_295, %scan3A_337 : i32
      %mul3A_339 = arith.constant 16 : i32
      %mul3A_340 = arith.muli %scan3A_338, %mul3A_339 : i32
      %get3A_341 = arith.index_cast %mul3A_340 : i32 to index
      %get3A_342 = tpu.vector_load %arg4[%get3A_341] {strides = array<i32>} : memref<2000xi32, #tpu.memory_space<vmem>>, vector<16xi32>,
      tpu.vector_store_idx %arg6[%get3A_342], %broadcast_in_dim3A_30 {add = true} : memref<10000xf32, #tpu.memory_space<vmem>>[vector<16xi32>], vector<16xf32>,
      %scan3A_343 = arith.constant 0 : i32
      %scan3A_344 = arith.constant 7 : i32
      %scan3A_345 = arith.addi %scan3A_295, %scan3A_344 : i32
      %mul3A_346 = arith.constant 16 : i32
      %mul3A_347 = arith.muli %scan3A_345, %mul3A_346 : i32
      %get3A_348 = arith.index_cast %mul3A_347 : i32 to index
      %get3A_349 = tpu.vector_load %arg4[%get3A_348] {strides = array<i32>} : memref<2000xi32, #tpu.memory_space<vmem>>, vector<16xi32>,
      tpu.vector_store_idx %arg6[%get3A_349], %broadcast_in_dim3A_30 {add = true} : memref<10000xf32, #tpu.memory_space<vmem>>[vector<16xi32>], vector<16xf32>,
      %scan3A_350 = arith.constant 0 : i32
      scf.yield %scan3A_350 : i32
    }
    %scan3A_154 = arith.constant 120 : i32
    %scan3A_155 = arith.addi %scan3A_149, %scan3A_154 : i32
    %mul3A_156 = arith.constant 16 : i32
    %mul3A_157 = arith.muli %scan3A_155, %mul3A_156 : i32
    %get3A_158 = arith.index_cast %mul3A_157 : i32 to index
    %get3A_159 = tpu.vector_load %arg4[%get3A_158] {strides = array<i32>} : memref<2000xi32, #tpu.memory_space<vmem>>, vector<16xi32>,
    tpu.vector_store_idx %arg6[%get3A_159], %broadcast_in_dim3A_30 {add = true} : memref<10000xf32, #tpu.memory_space<vmem>>[vector<16xi32>], vector<16xf32>,
    %scan3A_160 = arith.constant 0 : i32
    %scan3A_161 = arith.constant 121 : i32
    %scan3A_162 = arith.addi %scan3A_149, %scan3A_161 : i32
    %mul3A_163 = arith.constant 16 : i32
    %mul3A_164 = arith.muli %scan3A_162, %mul3A_163 : i32
    %get3A_165 = arith.index_cast %mul3A_164 : i32 to index
    %get3A_166 = tpu.vector_load %arg4[%get3A_165] {strides = array<i32>} : memref<2000xi32, #tpu.memory_space<vmem>>, vector<16xi32>,
    tpu.vector_store_idx %arg6[%get3A_166], %broadcast_in_dim3A_30 {add = true} : memref<10000xf32, #tpu.memory_space<vmem>>[vector<16xi32>], vector<16xf32>,
    %scan3A_167 = arith.constant 0 : i32
    %scan3A_168 = arith.constant 122 : i32
    %scan3A_169 = arith.addi %scan3A_149, %scan3A_168 : i32
    %mul3A_170 = arith.constant 16 : i32
    %mul3A_171 = arith.muli %scan3A_169, %mul3A_170 : i32
    %get3A_172 = arith.index_cast %mul3A_171 : i32 to index
    %get3A_173 = tpu.vector_load %arg4[%get3A_172] {strides = array<i32>} : memref<2000xi32, #tpu.memory_space<vmem>>, vector<16xi32>,
    tpu.vector_store_idx %arg6[%get3A_173], %broadcast_in_dim3A_30 {add = true} : memref<10000xf32, #tpu.memory_space<vmem>>[vector<16xi32>], vector<16xf32>,
    %scan3A_174 = arith.constant 0 : i32
    %scan3A_175 = arith.constant 123 : i32
    %scan3A_176 = arith.addi %scan3A_149, %scan3A_175 : i32
    %mul3A_177 = arith.constant 16 : i32
    %mul3A_178 = arith.muli %scan3A_176, %mul3A_177 : i32
    %get3A_179 = arith.index_cast %mul3A_178 : i32 to index
    %get3A_180 = tpu.vector_load %arg4[%get3A_179] {strides = array<i32>} : memref<2000xi32, #tpu.memory_space<vmem>>, vector<16xi32>,
    tpu.vector_store_idx %arg6[%get3A_180], %broadcast_in_dim3A_30 {add = true} : memref<10000xf32, #tpu.memory_space<vmem>>[vector<16xi32>], vector<16xf32>,
    %scan3A_181 = arith.constant 0 : i32
    %scan3A_182 = arith.constant 124 : i32
    %scan3A_183 = arith.addi %scan3A_149, %scan3A_182 : i32
    %mul3A_184 = arith.constant 16 : i32
    %mul3A_185 = arith.muli %scan3A_183, %mul3A_184 : i32
    %get3A_186 = arith.index_cast %mul3A_185 : i32 to index
    %get3A_187 = tpu.vector_load %arg4[%get3A_186] {strides = array<i32>} : memref<2000xi32, #tpu.memory_space<vmem>>, vector<16xi32>,
    tpu.vector_store_idx %arg6[%get3A_187], %broadcast_in_dim3A_30 {add = true} : memref<10000xf32, #tpu.memory_space<vmem>>[vector<16xi32>], vector<16xf32>,
    %scan3A_188 = arith.constant 0 : i32
    %scan3A_189 = arith.constant 125 : i32
    %add3A_190 = arith.constant 8000 : i32
    %add3A_191 = arith.addi %mul3A_2, %add3A_190 : i32
    %dma_start3A_192 = arith.constant 0 : i32
    %dma_start3A_193 = tpu.memref_slice %arg2[%add3A_191] : memref<320000xi32, #tpu.memory_space<hbm>> -> memref<2000xi32, #tpu.memory_space<hbm>>
    %dma_start3A_194 = tpu.memref_slice %arg7[%dma_start3A_192] : memref<2x!tpu.dma_semaphore, #tpu.memory_space<semaphore_mem>> -> memref<1x!tpu.dma_semaphore, #tpu.memory_space<semaphore_mem>>
    %dma_start3A_195 = tpu.memref_squeeze %dma_start3A_194 : memref<1x!tpu.dma_semaphore, #tpu.memory_space<semaphore_mem>> -> memref<!tpu.dma_semaphore, #tpu.memory_space<semaphore_mem>>
    %dma_start3A_196 = tpu.memref_slice %arg2[%add3A_191] : memref<320000xi32, #tpu.memory_space<hbm>> -> memref<2000xi32, #tpu.memory_space<hbm>>
    tpu.enqueue_dma source(%dma_start3A_196 : memref<2000xi32, #tpu.memory_space<hbm>>) target(%arg4 : memref<2000xi32, #tpu.memory_space<vmem>>) target_semaphore(%dma_start3A_195 : memref<!tpu.dma_semaphore, #tpu.memory_space<semaphore_mem>>)
    %add3A_197 = arith.constant 6000 : i32
    %add3A_198 = arith.addi %mul3A_2, %add3A_197 : i32
    %dma_wait3A_199 = arith.constant 1 : i32
    %dma_wait3A_200 = tpu.memref_slice %arg2[%add3A_198] : memref<320000xi32, #tpu.memory_space<hbm>> -> memref<2000xi32, #tpu.memory_space<hbm>>
    %dma_wait3A_201 = tpu.memref_slice %arg7[%dma_wait3A_199] : memref<2x!tpu.dma_semaphore, #tpu.memory_space<semaphore_mem>> -> memref<1x!tpu.dma_semaphore, #tpu.memory_space<semaphore_mem>>
    %dma_wait3A_202 = tpu.memref_squeeze %dma_wait3A_201 : memref<1x!tpu.dma_semaphore, #tpu.memory_space<semaphore_mem>> -> memref<!tpu.dma_semaphore, #tpu.memory_space<semaphore_mem>>
    %dma_wait3A_203 = tpu.memref_slice %arg2[%add3A_198] : memref<320000xi32, #tpu.memory_space<hbm>> -> memref<2000xi32, #tpu.memory_space<hbm>>
    tpu.wait_dma2 semaphore(%dma_wait3A_202 : memref<!tpu.dma_semaphore, #tpu.memory_space<semaphore_mem>>) src(%dma_wait3A_203 : memref<2000xi32, #tpu.memory_space<hbm>>) dst(%arg5 : memref<2000xi32, #tpu.memory_space<vmem>>)
    %scan3A_204 = arith.constant 0 : i32
    %scan3A_205 = arith.constant 0 : i32
    %scan3A_206 = arith.constant 120 : i32
    %scan3A_207 = arith.addi %scan3A_205, %scan3A_206 : i32
    %scan3A_208 = arith.constant 8 : i32
    %scan3A_209 = scf.for %scan3A_295 = %scan3A_205 to %scan3A_207 step %scan3A_208 iter_args(%scan3A_296 = %scan3A_204) -> (i32)  : i32 {
      %mul3A_297 = arith.constant 16 : i32
      %mul3A_298 = arith.muli %scan3A_295, %mul3A_297 : i32
      %get3A_299 = arith.index_cast %mul3A_298 : i32 to index
      %get3A_300 = tpu.vector_load %arg5[%get3A_299] {strides = array<i32>} : memref<2000xi32, #tpu.memory_space<vmem>>, vector<16xi32>,
      tpu.vector_store_idx %arg6[%get3A_300], %broadcast_in_dim3A_30 {add = true} : memref<10000xf32, #tpu.memory_space<vmem>>[vector<16xi32>], vector<16xf32>,
      %scan3A_301 = arith.constant 0 : i32
      %scan3A_302 = arith.constant 1 : i32
      %scan3A_303 = arith.addi %scan3A_295, %scan3A_302 : i32
      %mul3A_304 = arith.constant 16 : i32
      %mul3A_305 = arith.muli %scan3A_303, %mul3A_304 : i32
      %get3A_306 = arith.index_cast %mul3A_305 : i32 to index
      %get3A_307 = tpu.vector_load %arg5[%get3A_306] {strides = array<i32>} : memref<2000xi32, #tpu.memory_space<vmem>>, vector<16xi32>,
      tpu.vector_store_idx %arg6[%get3A_307], %broadcast_in_dim3A_30 {add = true} : memref<10000xf32, #tpu.memory_space<vmem>>[vector<16xi32>], vector<16xf32>,
      %scan3A_308 = arith.constant 0 : i32
      %scan3A_309 = arith.constant 2 : i32
      %scan3A_310 = arith.addi %scan3A_295, %scan3A_309 : i32
      %mul3A_311 = arith.constant 16 : i32
      %mul3A_312 = arith.muli %scan3A_310, %mul3A_311 : i32
      %get3A_313 = arith.index_cast %mul3A_312 : i32 to index
      %get3A_314 = tpu.vector_load %arg5[%get3A_313] {strides = array<i32>} : memref<2000xi32, #tpu.memory_space<vmem>>, vector<16xi32>,
      tpu.vector_store_idx %arg6[%get3A_314], %broadcast_in_dim3A_30 {add = true} : memref<10000xf32, #tpu.memory_space<vmem>>[vector<16xi32>], vector<16xf32>,
      %scan3A_315 = arith.constant 0 : i32
      %scan3A_316 = arith.constant 3 : i32
      %scan3A_317 = arith.addi %scan3A_295, %scan3A_316 : i32
      %mul3A_318 = arith.constant 16 : i32
      %mul3A_319 = arith.muli %scan3A_317, %mul3A_318 : i32
      %get3A_320 = arith.index_cast %mul3A_319 : i32 to index
      %get3A_321 = tpu.vector_load %arg5[%get3A_320] {strides = array<i32>} : memref<2000xi32, #tpu.memory_space<vmem>>, vector<16xi32>,
      tpu.vector_store_idx %arg6[%get3A_321], %broadcast_in_dim3A_30 {add = true} : memref<10000xf32, #tpu.memory_space<vmem>>[vector<16xi32>], vector<16xf32>,
      %scan3A_322 = arith.constant 0 : i32
      %scan3A_323 = arith.constant 4 : i32
      %scan3A_324 = arith.addi %scan3A_295, %scan3A_323 : i32
      %mul3A_325 = arith.constant 16 : i32
      %mul3A_326 = arith.muli %scan3A_324, %mul3A_325 : i32
      %get3A_327 = arith.index_cast %mul3A_326 : i32 to index
      %get3A_328 = tpu.vector_load %arg5[%get3A_327] {strides = array<i32>} : memref<2000xi32, #tpu.memory_space<vmem>>, vector<16xi32>,
      tpu.vector_store_idx %arg6[%get3A_328], %broadcast_in_dim3A_30 {add = true} : memref<10000xf32, #tpu.memory_space<vmem>>[vector<16xi32>], vector<16xf32>,
      %scan3A_329 = arith.constant 0 : i32
      %scan3A_330 = arith.constant 5 : i32
      %scan3A_331 = arith.addi %scan3A_295, %scan3A_330 : i32
      %mul3A_332 = arith.constant 16 : i32
      %mul3A_333 = arith.muli %scan3A_331, %mul3A_332 : i32
      %get3A_334 = arith.index_cast %mul3A_333 : i32 to index
      %get3A_335 = tpu.vector_load %arg5[%get3A_334] {strides = array<i32>} : memref<2000xi32, #tpu.memory_space<vmem>>, vector<16xi32>,
      tpu.vector_store_idx %arg6[%get3A_335], %broadcast_in_dim3A_30 {add = true} : memref<10000xf32, #tpu.memory_space<vmem>>[vector<16xi32>], vector<16xf32>,
      %scan3A_336 = arith.constant 0 : i32
      %scan3A_337 = arith.constant 6 : i32
      %scan3A_338 = arith.addi %scan3A_295, %scan3A_337 : i32
      %mul3A_339 = arith.constant 16 : i32
      %mul3A_340 = arith.muli %scan3A_338, %mul3A_339 : i32
      %get3A_341 = arith.index_cast %mul3A_340 : i32 to index
      %get3A_342 = tpu.vector_load %arg5[%get3A_341] {strides = array<i32>} : memref<2000xi32, #tpu.memory_space<vmem>>, vector<16xi32>,
      tpu.vector_store_idx %arg6[%get3A_342], %broadcast_in_dim3A_30 {add = true} : memref<10000xf32, #tpu.memory_space<vmem>>[vector<16xi32>], vector<16xf32>,
      %scan3A_343 = arith.constant 0 : i32
      %scan3A_344 = arith.constant 7 : i32
      %scan3A_345 = arith.addi %scan3A_295, %scan3A_344 : i32
      %mul3A_346 = arith.constant 16 : i32
      %mul3A_347 = arith.muli %scan3A_345, %mul3A_346 : i32
      %get3A_348 = arith.index_cast %mul3A_347 : i32 to index
      %get3A_349 = tpu.vector_load %arg5[%get3A_348] {strides = array<i32>} : memref<2000xi32, #tpu.memory_space<vmem>>, vector<16xi32>,
      tpu.vector_store_idx %arg6[%get3A_349], %broadcast_in_dim3A_30 {add = true} : memref<10000xf32, #tpu.memory_space<vmem>>[vector<16xi32>], vector<16xf32>,
      %scan3A_350 = arith.constant 0 : i32
      scf.yield %scan3A_350 : i32
    }
    %scan3A_210 = arith.constant 120 : i32
    %scan3A_211 = arith.addi %scan3A_205, %scan3A_210 : i32
    %mul3A_212 = arith.constant 16 : i32
    %mul3A_213 = arith.muli %scan3A_211, %mul3A_212 : i32
    %get3A_214 = arith.index_cast %mul3A_213 : i32 to index
    %get3A_215 = tpu.vector_load %arg5[%get3A_214] {strides = array<i32>} : memref<2000xi32, #tpu.memory_space<vmem>>, vector<16xi32>,
    tpu.vector_store_idx %arg6[%get3A_215], %broadcast_in_dim3A_30 {add = true} : memref<10000xf32, #tpu.memory_space<vmem>>[vector<16xi32>], vector<16xf32>,
    %scan3A_216 = arith.constant 0 : i32
    %scan3A_217 = arith.constant 121 : i32
    %scan3A_218 = arith.addi %scan3A_205, %scan3A_217 : i32
    %mul3A_219 = arith.constant 16 : i32
    %mul3A_220 = arith.muli %scan3A_218, %mul3A_219 : i32
    %get3A_221 = arith.index_cast %mul3A_220 : i32 to index
    %get3A_222 = tpu.vector_load %arg5[%get3A_221] {strides = array<i32>} : memref<2000xi32, #tpu.memory_space<vmem>>, vector<16xi32>,
    tpu.vector_store_idx %arg6[%get3A_222], %broadcast_in_dim3A_30 {add = true} : memref<10000xf32, #tpu.memory_space<vmem>>[vector<16xi32>], vector<16xf32>,
    %scan3A_223 = arith.constant 0 : i32
    %scan3A_224 = arith.constant 122 : i32
    %scan3A_225 = arith.addi %scan3A_205, %scan3A_224 : i32
    %mul3A_226 = arith.constant 16 : i32
    %mul3A_227 = arith.muli %scan3A_225, %mul3A_226 : i32
    %get3A_228 = arith.index_cast %mul3A_227 : i32 to index
    %get3A_229 = tpu.vector_load %arg5[%get3A_228] {strides = array<i32>} : memref<2000xi32, #tpu.memory_space<vmem>>, vector<16xi32>,
    tpu.vector_store_idx %arg6[%get3A_229], %broadcast_in_dim3A_30 {add = true} : memref<10000xf32, #tpu.memory_space<vmem>>[vector<16xi32>], vector<16xf32>,
    %scan3A_230 = arith.constant 0 : i32
    %scan3A_231 = arith.constant 123 : i32
    %scan3A_232 = arith.addi %scan3A_205, %scan3A_231 : i32
    %mul3A_233 = arith.constant 16 : i32
    %mul3A_234 = arith.muli %scan3A_232, %mul3A_233 : i32
    %get3A_235 = arith.index_cast %mul3A_234 : i32 to index
    %get3A_236 = tpu.vector_load %arg5[%get3A_235] {strides = array<i32>} : memref<2000xi32, #tpu.memory_space<vmem>>, vector<16xi32>,
    tpu.vector_store_idx %arg6[%get3A_236], %broadcast_in_dim3A_30 {add = true} : memref<10000xf32, #tpu.memory_space<vmem>>[vector<16xi32>], vector<16xf32>,
    %scan3A_237 = arith.constant 0 : i32
    %scan3A_238 = arith.constant 124 : i32
    %scan3A_239 = arith.addi %scan3A_205, %scan3A_238 : i32
    %mul3A_240 = arith.constant 16 : i32
    %mul3A_241 = arith.muli %scan3A_239, %mul3A_240 : i32
    %get3A_242 = arith.index_cast %mul3A_241 : i32 to index
    %get3A_243 = tpu.vector_load %arg5[%get3A_242] {strides = array<i32>} : memref<2000xi32, #tpu.memory_space<vmem>>, vector<16xi32>,
    tpu.vector_store_idx %arg6[%get3A_243], %broadcast_in_dim3A_30 {add = true} : memref<10000xf32, #tpu.memory_space<vmem>>[vector<16xi32>], vector<16xf32>,
    %scan3A_244 = arith.constant 0 : i32
    %scan3A_245 = arith.constant 125 : i32
    %add3A_246 = arith.constant 8000 : i32
    %add3A_247 = arith.addi %mul3A_2, %add3A_246 : i32
    %dma_wait3A_248 = arith.constant 0 : i32
    %dma_wait3A_249 = tpu.memref_slice %arg2[%add3A_247] : memref<320000xi32, #tpu.memory_space<hbm>> -> memref<2000xi32, #tpu.memory_space<hbm>>
    %dma_wait3A_250 = tpu.memref_slice %arg7[%dma_wait3A_248] : memref<2x!tpu.dma_semaphore, #tpu.memory_space<semaphore_mem>> -> memref<1x!tpu.dma_semaphore, #tpu.memory_space<semaphore_mem>>
    %dma_wait3A_251 = tpu.memref_squeeze %dma_wait3A_250 : memref<1x!tpu.dma_semaphore, #tpu.memory_space<semaphore_mem>> -> memref<!tpu.dma_semaphore, #tpu.memory_space<semaphore_mem>>
    %dma_wait3A_252 = tpu.memref_slice %arg2[%add3A_247] : memref<320000xi32, #tpu.memory_space<hbm>> -> memref<2000xi32, #tpu.memory_space<hbm>>
    tpu.wait_dma2 semaphore(%dma_wait3A_251 : memref<!tpu.dma_semaphore, #tpu.memory_space<semaphore_mem>>) src(%dma_wait3A_252 : memref<2000xi32, #tpu.memory_space<hbm>>) dst(%arg4 : memref<2000xi32, #tpu.memory_space<vmem>>)
    %scan3A_253 = arith.constant 0 : i32
    %scan3A_254 = arith.constant 0 : i32
    %scan3A_255 = arith.constant 120 : i32
    %scan3A_256 = arith.addi %scan3A_254, %scan3A_255 : i32
    %scan3A_257 = arith.constant 8 : i32
    %scan3A_258 = scf.for %scan3A_295 = %scan3A_254 to %scan3A_256 step %scan3A_257 iter_args(%scan3A_296 = %scan3A_253) -> (i32)  : i32 {
      %mul3A_297 = arith.constant 16 : i32
      %mul3A_298 = arith.muli %scan3A_295, %mul3A_297 : i32
      %get3A_299 = arith.index_cast %mul3A_298 : i32 to index
      %get3A_300 = tpu.vector_load %arg4[%get3A_299] {strides = array<i32>} : memref<2000xi32, #tpu.memory_space<vmem>>, vector<16xi32>,
      tpu.vector_store_idx %arg6[%get3A_300], %broadcast_in_dim3A_30 {add = true} : memref<10000xf32, #tpu.memory_space<vmem>>[vector<16xi32>], vector<16xf32>,
      %scan3A_301 = arith.constant 0 : i32
      %scan3A_302 = arith.constant 1 : i32
      %scan3A_303 = arith.addi %scan3A_295, %scan3A_302 : i32
      %mul3A_304 = arith.constant 16 : i32
      %mul3A_305 = arith.muli %scan3A_303, %mul3A_304 : i32
      %get3A_306 = arith.index_cast %mul3A_305 : i32 to index
      %get3A_307 = tpu.vector_load %arg4[%get3A_306] {strides = array<i32>} : memref<2000xi32, #tpu.memory_space<vmem>>, vector<16xi32>,
      tpu.vector_store_idx %arg6[%get3A_307], %broadcast_in_dim3A_30 {add = true} : memref<10000xf32, #tpu.memory_space<vmem>>[vector<16xi32>], vector<16xf32>,
      %scan3A_308 = arith.constant 0 : i32
      %scan3A_309 = arith.constant 2 : i32
      %scan3A_310 = arith.addi %scan3A_295, %scan3A_309 : i32
      %mul3A_311 = arith.constant 16 : i32
      %mul3A_312 = arith.muli %scan3A_310, %mul3A_311 : i32
      %get3A_313 = arith.index_cast %mul3A_312 : i32 to index
      %get3A_314 = tpu.vector_load %arg4[%get3A_313] {strides = array<i32>} : memref<2000xi32, #tpu.memory_space<vmem>>, vector<16xi32>,
      tpu.vector_store_idx %arg6[%get3A_314], %broadcast_in_dim3A_30 {add = true} : memref<10000xf32, #tpu.memory_space<vmem>>[vector<16xi32>], vector<16xf32>,
      %scan3A_315 = arith.constant 0 : i32
      %scan3A_316 = arith.constant 3 : i32
      %scan3A_317 = arith.addi %scan3A_295, %scan3A_316 : i32
      %mul3A_318 = arith.constant 16 : i32
      %mul3A_319 = arith.muli %scan3A_317, %mul3A_318 : i32
      %get3A_320 = arith.index_cast %mul3A_319 : i32 to index
      %get3A_321 = tpu.vector_load %arg4[%get3A_320] {strides = array<i32>} : memref<2000xi32, #tpu.memory_space<vmem>>, vector<16xi32>,
      tpu.vector_store_idx %arg6[%get3A_321], %broadcast_in_dim3A_30 {add = true} : memref<10000xf32, #tpu.memory_space<vmem>>[vector<16xi32>], vector<16xf32>,
      %scan3A_322 = arith.constant 0 : i32
      %scan3A_323 = arith.constant 4 : i32
      %scan3A_324 = arith.addi %scan3A_295, %scan3A_323 : i32
      %mul3A_325 = arith.constant 16 : i32
      %mul3A_326 = arith.muli %scan3A_324, %mul3A_325 : i32
      %get3A_327 = arith.index_cast %mul3A_326 : i32 to index
      %get3A_328 = tpu.vector_load %arg4[%get3A_327] {strides = array<i32>} : memref<2000xi32, #tpu.memory_space<vmem>>, vector<16xi32>,
      tpu.vector_store_idx %arg6[%get3A_328], %broadcast_in_dim3A_30 {add = true} : memref<10000xf32, #tpu.memory_space<vmem>>[vector<16xi32>], vector<16xf32>,
      %scan3A_329 = arith.constant 0 : i32
      %scan3A_330 = arith.constant 5 : i32
      %scan3A_331 = arith.addi %scan3A_295, %scan3A_330 : i32
      %mul3A_332 = arith.constant 16 : i32
      %mul3A_333 = arith.muli %scan3A_331, %mul3A_332 : i32
      %get3A_334 = arith.index_cast %mul3A_333 : i32 to index
      %get3A_335 = tpu.vector_load %arg4[%get3A_334] {strides = array<i32>} : memref<2000xi32, #tpu.memory_space<vmem>>, vector<16xi32>,
      tpu.vector_store_idx %arg6[%get3A_335], %broadcast_in_dim3A_30 {add = true} : memref<10000xf32, #tpu.memory_space<vmem>>[vector<16xi32>], vector<16xf32>,
      %scan3A_336 = arith.constant 0 : i32
      %scan3A_337 = arith.constant 6 : i32
      %scan3A_338 = arith.addi %scan3A_295, %scan3A_337 : i32
      %mul3A_339 = arith.constant 16 : i32
      %mul3A_340 = arith.muli %scan3A_338, %mul3A_339 : i32
      %get3A_341 = arith.index_cast %mul3A_340 : i32 to index
      %get3A_342 = tpu.vector_load %arg4[%get3A_341] {strides = array<i32>} : memref<2000xi32, #tpu.memory_space<vmem>>, vector<16xi32>,
      tpu.vector_store_idx %arg6[%get3A_342], %broadcast_in_dim3A_30 {add = true} : memref<10000xf32, #tpu.memory_space<vmem>>[vector<16xi32>], vector<16xf32>,
      %scan3A_343 = arith.constant 0 : i32
      %scan3A_344 = arith.constant 7 : i32
      %scan3A_345 = arith.addi %scan3A_295, %scan3A_344 : i32
      %mul3A_346 = arith.constant 16 : i32
      %mul3A_347 = arith.muli %scan3A_345, %mul3A_346 : i32
      %get3A_348 = arith.index_cast %mul3A_347 : i32 to index
      %get3A_349 = tpu.vector_load %arg4[%get3A_348] {strides = array<i32>} : memref<2000xi32, #tpu.memory_space<vmem>>, vector<16xi32>,
      tpu.vector_store_idx %arg6[%get3A_349], %broadcast_in_dim3A_30 {add = true} : memref<10000xf32, #tpu.memory_space<vmem>>[vector<16xi32>], vector<16xf32>,
      %scan3A_350 = arith.constant 0 : i32
      scf.yield %scan3A_350 : i32
    }
    %scan3A_259 = arith.constant 120 : i32
    %scan3A_260 = arith.addi %scan3A_254, %scan3A_259 : i32
    %mul3A_261 = arith.constant 16 : i32
    %mul3A_262 = arith.muli %scan3A_260, %mul3A_261 : i32
    %get3A_263 = arith.index_cast %mul3A_262 : i32 to index
    %get3A_264 = tpu.vector_load %arg4[%get3A_263] {strides = array<i32>} : memref<2000xi32, #tpu.memory_space<vmem>>, vector<16xi32>,
    tpu.vector_store_idx %arg6[%get3A_264], %broadcast_in_dim3A_30 {add = true} : memref<10000xf32, #tpu.memory_space<vmem>>[vector<16xi32>], vector<16xf32>,
    %scan3A_265 = arith.constant 0 : i32
    %scan3A_266 = arith.constant 121 : i32
    %scan3A_267 = arith.addi %scan3A_254, %scan3A_266 : i32
    %mul3A_268 = arith.constant 16 : i32
    %mul3A_269 = arith.muli %scan3A_267, %mul3A_268 : i32
    %get3A_270 = arith.index_cast %mul3A_269 : i32 to index
    %get3A_271 = tpu.vector_load %arg4[%get3A_270] {strides = array<i32>} : memref<2000xi32, #tpu.memory_space<vmem>>, vector<16xi32>,
    tpu.vector_store_idx %arg6[%get3A_271], %broadcast_in_dim3A_30 {add = true} : memref<10000xf32, #tpu.memory_space<vmem>>[vector<16xi32>], vector<16xf32>,
    %scan3A_272 = arith.constant 0 : i32
    %scan3A_273 = arith.constant 122 : i32
    %scan3A_274 = arith.addi %scan3A_254, %scan3A_273 : i32
    %mul3A_275 = arith.constant 16 : i32
    %mul3A_276 = arith.muli %scan3A_274, %mul3A_275 : i32
    %get3A_277 = arith.index_cast %mul3A_276 : i32 to index
    %get3A_278 = tpu.vector_load %arg4[%get3A_277] {strides = array<i32>} : memref<2000xi32, #tpu.memory_space<vmem>>, vector<16xi32>,
    tpu.vector_store_idx %arg6[%get3A_278], %broadcast_in_dim3A_30 {add = true} : memref<10000xf32, #tpu.memory_space<vmem>>[vector<16xi32>], vector<16xf32>,
    %scan3A_279 = arith.constant 0 : i32
    %scan3A_280 = arith.constant 123 : i32
    %scan3A_281 = arith.addi %scan3A_254, %scan3A_280 : i32
    %mul3A_282 = arith.constant 16 : i32
    %mul3A_283 = arith.muli %scan3A_281, %mul3A_282 : i32
    %get3A_284 = arith.index_cast %mul3A_283 : i32 to index
    %get3A_285 = tpu.vector_load %arg4[%get3A_284] {strides = array<i32>} : memref<2000xi32, #tpu.memory_space<vmem>>, vector<16xi32>,
    tpu.vector_store_idx %arg6[%get3A_285], %broadcast_in_dim3A_30 {add = true} : memref<10000xf32, #tpu.memory_space<vmem>>[vector<16xi32>], vector<16xf32>,
    %scan3A_286 = arith.constant 0 : i32
    %scan3A_287 = arith.constant 124 : i32
    %scan3A_288 = arith.addi %scan3A_254, %scan3A_287 : i32
    %mul3A_289 = arith.constant 16 : i32
    %mul3A_290 = arith.muli %scan3A_288, %mul3A_289 : i32
    %get3A_291 = arith.index_cast %mul3A_290 : i32 to index
    %get3A_292 = tpu.vector_load %arg4[%get3A_291] {strides = array<i32>} : memref<2000xi32, #tpu.memory_space<vmem>>, vector<16xi32>,
    tpu.vector_store_idx %arg6[%get3A_292], %broadcast_in_dim3A_30 {add = true} : memref<10000xf32, #tpu.memory_space<vmem>>[vector<16xi32>], vector<16xf32>,
    %scan3A_293 = arith.constant 0 : i32
    %scan3A_294 = arith.constant 125 : i32
    "tpu.region"() ({
      %run_scoped3A = tpu.sem_alloc : memref<!tpu.dma_semaphore, #tpu.memory_space<semaphore_mem>>
      %dma_start3A_295 = arith.constant 0 : i32
      %dma_start3A_296 = tpu.memref_slice %arg3[%arg0, %arg1, %dma_start3A_295] : memref<2x16x10000xf32, #tpu.memory_space<hbm>> -> memref<1x1x10000xf32, #tpu.memory_space<hbm>>
      %dma_start3A_297 = tpu.memref_squeeze %dma_start3A_296 : memref<1x1x10000xf32, #tpu.memory_space<hbm>> -> memref<10000xf32, #tpu.memory_space<hbm>>
      %dma_start3A_298 = arith.constant 0 : i32
      %dma_start3A_299 = tpu.memref_slice %arg3[%arg0, %arg1, %dma_start3A_298] : memref<2x16x10000xf32, #tpu.memory_space<hbm>> -> memref<1x1x10000xf32, #tpu.memory_space<hbm>>
      %dma_start3A_300 = tpu.memref_squeeze %dma_start3A_299 : memref<1x1x10000xf32, #tpu.memory_space<hbm>> -> memref<10000xf32, #tpu.memory_space<hbm>>
      tpu.enqueue_dma source(%arg6 : memref<10000xf32, #tpu.memory_space<vmem>>) target(%dma_start3A_300 : memref<10000xf32, #tpu.memory_space<hbm>>) target_semaphore(%run_scoped3A : memref<!tpu.dma_semaphore, #tpu.memory_space<semaphore_mem>>)
      %dma_wait3A_301 = arith.constant 0 : i32
      %dma_wait3A_302 = tpu.memref_slice %arg3[%arg0, %arg1, %dma_wait3A_301] : memref<2x16x10000xf32, #tpu.memory_space<hbm>> -> memref<1x1x10000xf32, #tpu.memory_space<hbm>>
      %dma_wait3A_303 = tpu.memref_squeeze %dma_wait3A_302 : memref<1x1x10000xf32, #tpu.memory_space<hbm>> -> memref<10000xf32, #tpu.memory_space<hbm>>
      %dma_wait3A_304 = arith.constant 0 : i32
      %dma_wait3A_305 = tpu.memref_slice %arg3[%arg0, %arg1, %dma_wait3A_304] : memref<2x16x10000xf32, #tpu.memory_space<hbm>> -> memref<1x1x10000xf32, #tpu.memory_space<hbm>>
      %dma_wait3A_306 = tpu.memref_squeeze %dma_wait3A_305 : memref<1x1x10000xf32, #tpu.memory_space<hbm>> -> memref<10000xf32, #tpu.memory_space<hbm>>
      tpu.wait_dma2 semaphore(%run_scoped3A : memref<!tpu.dma_semaphore, #tpu.memory_space<semaphore_mem>>) src(%arg6 : memref<10000xf32, #tpu.memory_space<vmem>>) dst(%dma_wait3A_306 : memref<10000xf32, #tpu.memory_space<hbm>>)
      tpu.yield
    }) : () -> ()
    return
  }
}

module attributes {stable_mosaic.version = 14 : i64} {
  func.func @_ab_body(%arg0: memref<10000x128xf32, #tpu.memory_space<vmem>>, %arg1: memref<64x128xf32, #tpu.memory_space<vmem>>, %arg2: memref<2x16x10000xf32, #tpu.memory_space<vmem>>, %arg3: memref<1x10000xf32, #tpu.memory_space<vmem>>, %arg4: memref<1x10000xf32, #tpu.memory_space<vmem>>, %arg5: memref<10000x64xf32, #tpu.memory_space<vmem>>) attributes {dimension_semantics = [], scalar_prefetch = 0 : i64, scratch_operands = 0 : i64, tpu.core_type = #tpu.core_type<tc>} {
    %get3A = arith.constant 0 : index
    %get3A_0 = arith.constant 0 : index
    %get3A_1 = vector.load %arg0[%get3A, %get3A_0] : memref<10000x128xf32, #tpu.memory_space<vmem>>, vector<10000x128xf32>
    %get3A_2 = arith.constant 0 : index
    %get3A_3 = arith.constant 0 : index
    %get3A_4 = vector.load %arg1[%get3A_2, %get3A_3] : memref<64x128xf32, #tpu.memory_space<vmem>>, vector<64x128xf32>
    %dot_general3A = arith.constant dense<0.000000e+00> : vector<10000x64xf32>
    %dot_general3A_5 = tpu.matmul %get3A_1, %get3A_4, %dot_general3A {dimension_numbers = #tpu.dot_dimension_numbers<[1], [1], [0], [0], [0, 0, 1, 0], [], []>, transpose_lhs_hint = false} : vector<10000x128xf32>, vector<64x128xf32>, vector<10000x64xf32> -> vector<10000x64xf32>
    %get3A_6 = arith.constant 0 : index
    %get3A_7 = arith.constant 0 : index
    %get3A_8 = arith.constant 0 : index
    %get3A_9 = vector.load %arg2[%get3A_6, %get3A_7, %get3A_8] : memref<2x16x10000xf32, #tpu.memory_space<vmem>>, vector<2x16x10000xf32>
    %reduce_sum3A = arith.constant dense<0.000000e+00> : vector<10000xf32>
    %reduce_sum3A_10 = vector.multi_reduction <add>, %get3A_9, %reduce_sum3A [0, 1] : vector<2x16x10000xf32> to vector<10000xf32>
    %reshape3A = vector.shape_cast %reduce_sum3A_10 : vector<10000xf32> to vector<1x10000xf32>
    %add3A = arith.constant 1.000000e+00 : f32
    %add3A_11 = vector.broadcast %add3A : f32 to vector<1x10000xf32>
    %add3A_12 = arith.addf %reshape3A, %add3A_11 : vector<1x10000xf32>
    %rsqrt3A = math.rsqrt %add3A_12 : vector<1x10000xf32>
    %swap3A = arith.constant 0 : index
    %swap3A_13 = arith.constant 0 : index
    %swap3A_14 = vector.load %arg3[%swap3A, %swap3A_13] : memref<1x10000xf32, #tpu.memory_space<vmem>>, vector<1x10000xf32>
    tpu.vector_store %arg3[%swap3A, %swap3A_13], %rsqrt3A {strides = array<i32>} : memref<1x10000xf32, #tpu.memory_space<vmem>>, vector<1x10000xf32>,
    %div3A = arith.constant 1.000000e+00 : f32
    %div3A_15 = vector.broadcast %div3A : f32 to vector<1x10000xf32>
    %div3A_16 = arith.divf %div3A_15, %add3A_12 : vector<1x10000xf32>
    %swap3A_17 = arith.constant 0 : index
    %swap3A_18 = arith.constant 0 : index
    %swap3A_19 = vector.load %arg4[%swap3A_17, %swap3A_18] : memref<1x10000xf32, #tpu.memory_space<vmem>>, vector<1x10000xf32>
    tpu.vector_store %arg4[%swap3A_17, %swap3A_18], %div3A_16 {strides = array<i32>} : memref<1x10000xf32, #tpu.memory_space<vmem>>, vector<1x10000xf32>,
    %reshape3A_20 = vector.shape_cast %rsqrt3A : vector<1x10000xf32> to vector<10000x1xf32>
    %mul3A = vector.broadcast %reshape3A_20 : vector<10000x1xf32> to vector<10000x64xf32>
    %mul3A_21 = arith.mulf %mul3A, %dot_general3A_5 : vector<10000x64xf32>
    %swap3A_22 = arith.constant 0 : index
    %swap3A_23 = arith.constant 0 : index
    %swap3A_24 = vector.load %arg5[%swap3A_22, %swap3A_23] : memref<10000x64xf32, #tpu.memory_space<vmem>>, vector<10000x64xf32>
    tpu.vector_store %arg5[%swap3A_22, %swap3A_23], %mul3A_21 {strides = array<i32>} : memref<10000x64xf32, #tpu.memory_space<vmem>>, vector<10000x64xf32>,
    return
  }
}

module attributes {stable_mosaic.version = 14 : i64} {
  func.func @_mid_body(%arg0: memref<20000x64xf32, #tpu.memory_space<vmem>>, %arg1: memref<10000x64xf32, #tpu.memory_space<vmem>>, %arg2: memref<1x64xf32, #tpu.memory_space<vmem>>, %arg3: memref<1x64xf32, #tpu.memory_space<vmem>>, %arg4: memref<1x10000xf32, #tpu.memory_space<vmem>>, %arg5: memref<1x10000xf32, #tpu.memory_space<vmem>>, %arg6: memref<1x10000xf32, #tpu.memory_space<vmem>>) attributes {dimension_semantics = [], scalar_prefetch = 0 : i64, scratch_operands = 0 : i64, tpu.core_type = #tpu.core_type<tc>} {
    %get3A = arith.constant 0 : index
    %get3A_0 = arith.constant 0 : index
    %get3A_1 = vector.load %arg4[%get3A, %get3A_0] : memref<1x10000xf32, #tpu.memory_space<vmem>>, vector<1x10000xf32>
    %reshape3A = vector.shape_cast %get3A_1 : vector<1x10000xf32> to vector<10000x1xf32>
    %get3A_2 = arith.constant 0 : index
    %get3A_3 = arith.constant 0 : index
    %get3A_4 = vector.load %arg0[%get3A_2, %get3A_3] : memref<20000x64xf32, #tpu.memory_space<vmem>>, vector<10000x64xf32>
    %get3A_5 = arith.constant 10000 : index
    %get3A_6 = arith.constant 0 : index
    %get3A_7 = vector.load %arg0[%get3A_5, %get3A_6] : memref<20000x64xf32, #tpu.memory_space<vmem>>, vector<10000x64xf32>
    %add3A = arith.addf %get3A_4, %get3A_7 : vector<10000x64xf32>
    %get3A_8 = arith.constant 0 : index
    %get3A_9 = arith.constant 0 : index
    %get3A_10 = vector.load %arg1[%get3A_8, %get3A_9] : memref<10000x64xf32, #tpu.memory_space<vmem>>, vector<10000x64xf32>
    %sub3A = arith.subf %add3A, %get3A_10 : vector<10000x64xf32>
    %mul3A = vector.broadcast %reshape3A : vector<10000x1xf32> to vector<10000x64xf32>
    %mul3A_11 = arith.mulf %mul3A, %sub3A : vector<10000x64xf32>
    %get3A_12 = arith.constant 0 : index
    %get3A_13 = arith.constant 0 : index
    %get3A_14 = vector.load %arg2[%get3A_12, %get3A_13] : memref<1x64xf32, #tpu.memory_space<vmem>>, vector<1x64xf32>
    %add3A_15 = vector.broadcast %get3A_14 : vector<1x64xf32> to vector<10000x64xf32>
    %add3A_16 = arith.addf %mul3A_11, %add3A_15 : vector<10000x64xf32>
    %max3A = arith.constant 0.000000e+00 : f32
    %max3A_17 = vector.broadcast %max3A : f32 to vector<10000x64xf32>
    %max3A_18 = arith.maximumf %add3A_16, %max3A_17 : vector<10000x64xf32>
    %get3A_19 = arith.constant 0 : index
    %get3A_20 = arith.constant 0 : index
    %get3A_21 = vector.load %arg3[%get3A_19, %get3A_20] : memref<1x64xf32, #tpu.memory_space<vmem>>, vector<1x64xf32>
    %dot_general3A = arith.constant dense<0.000000e+00> : vector<1x10000xf32>
    %dot_general3A_22 = tpu.matmul %get3A_21, %max3A_18, %dot_general3A {dimension_numbers = #tpu.dot_dimension_numbers<[1], [1], [0], [0], [0, 0, 1, 0], [], []>, transpose_lhs_hint = false} : vector<1x64xf32>, vector<10000x64xf32>, vector<1x10000xf32> -> vector<1x10000xf32>
    %swap3A = arith.constant 0 : index
    %swap3A_23 = arith.constant 0 : index
    %swap3A_24 = vector.load %arg5[%swap3A, %swap3A_23] : memref<1x10000xf32, #tpu.memory_space<vmem>>, vector<1x10000xf32>
    tpu.vector_store %arg5[%swap3A, %swap3A_23], %dot_general3A_22 {strides = array<i32>} : memref<1x10000xf32, #tpu.memory_space<vmem>>, vector<1x10000xf32>,
    %get3A_25 = arith.constant 0 : index
    %get3A_26 = arith.constant 0 : index
    %get3A_27 = vector.load %arg4[%get3A_25, %get3A_26] : memref<1x10000xf32, #tpu.memory_space<vmem>>, vector<1x10000xf32>
    %mul3A_28 = arith.mulf %get3A_27, %dot_general3A_22 : vector<1x10000xf32>
    %swap3A_29 = arith.constant 0 : index
    %swap3A_30 = arith.constant 0 : index
    %swap3A_31 = vector.load %arg6[%swap3A_29, %swap3A_30] : memref<1x10000xf32, #tpu.memory_space<vmem>>, vector<1x10000xf32>
    tpu.vector_store %arg6[%swap3A_29, %swap3A_30], %mul3A_28 {strides = array<i32>} : memref<1x10000xf32, #tpu.memory_space<vmem>>, vector<1x10000xf32>,
    return
  }
}

module attributes {stable_mosaic.version = 14 : i64} {
  func.func @_final_body(%arg0: memref<32x10000xf32, #tpu.memory_space<vmem>>, %arg1: memref<1x10000xf32, #tpu.memory_space<vmem>>, %arg2: memref<1x10000xf32, #tpu.memory_space<vmem>>, %arg3: memref<1x10000xf32, #tpu.memory_space<vmem>>, %arg4: memref<1x1xf32, #tpu.memory_space<vmem>>, %arg5: memref<1x10000xf32, #tpu.memory_space<vmem>>) attributes {dimension_semantics = [], scalar_prefetch = 0 : i64, scratch_operands = 0 : i64, tpu.core_type = #tpu.core_type<tc>} {
    %get3A = arith.constant 0 : index
    %get3A_0 = arith.constant 0 : index
    %get3A_1 = vector.load %arg2[%get3A, %get3A_0] : memref<1x10000xf32, #tpu.memory_space<vmem>>, vector<1x10000xf32>
    %get3A_2 = arith.constant 0 : index
    %get3A_3 = arith.constant 0 : index
    %get3A_4 = vector.load %arg0[%get3A_2, %get3A_3] : memref<32x10000xf32, #tpu.memory_space<vmem>>, vector<32x10000xf32>
    %reduce_sum3A = arith.constant dense<0.000000e+00> : vector<10000xf32>
    %reduce_sum3A_5 = vector.multi_reduction <add>, %get3A_4, %reduce_sum3A [0] : vector<32x10000xf32> to vector<10000xf32>
    %broadcast_in_dim3A = vector.shape_cast %reduce_sum3A_5 : vector<10000xf32> to vector<1x10000xf32>
    %mul3A = arith.mulf %get3A_1, %broadcast_in_dim3A : vector<1x10000xf32>
    %get3A_6 = arith.constant 0 : index
    %get3A_7 = arith.constant 0 : index
    %get3A_8 = vector.load %arg3[%get3A_6, %get3A_7] : memref<1x10000xf32, #tpu.memory_space<vmem>>, vector<1x10000xf32>
    %get3A_9 = arith.constant 0 : index
    %get3A_10 = arith.constant 0 : index
    %get3A_11 = vector.load %arg1[%get3A_9, %get3A_10] : memref<1x10000xf32, #tpu.memory_space<vmem>>, vector<1x10000xf32>
    %mul3A_12 = arith.mulf %get3A_8, %get3A_11 : vector<1x10000xf32>
    %add3A = arith.addf %mul3A, %mul3A_12 : vector<1x10000xf32>
    %get3A_13 = arith.constant 0 : index
    %get3A_14 = arith.constant 0 : index
    %get3A_15 = vector.load %arg4[%get3A_13, %get3A_14] : memref<1x1xf32, #tpu.memory_space<vmem>>, vector<1x1xf32>
    %add3A_16 = vector.broadcast %get3A_15 : vector<1x1xf32> to vector<1x10000xf32>
    %add3A_17 = arith.addf %add3A, %add3A_16 : vector<1x10000xf32>
    %swap3A = arith.constant 0 : index
    %swap3A_18 = arith.constant 0 : index
    %swap3A_19 = vector.load %arg5[%swap3A, %swap3A_18] : memref<1x10000xf32, #tpu.memory_space<vmem>>, vector<1x10000xf32>
    tpu.vector_store %arg5[%swap3A, %swap3A_18], %add3A_17 {strides = array<i32>} : memref<1x10000xf32, #tpu.memory_space<vmem>>, vector<1x10000xf32>,
    return
  }
}

</mosaic_0001>

<sc_bundles>
// kernel: kernel.11.cloned.1.call-start
scs
__scs_entry_jumppad:
0x0: {  	(pc) =	sbr.rel $0x88, $3  }
0x1: {  	(tag) =	ssettag $0x0;
	lr =	simm.s32 $0x1  }
0x2: {  	[smem:$0x3F9B] =	sst lr;
	_ =	strace $0xD0000000  }
0x3: {  	_ = 	snop  }
0x4: {  	_ = 	snop  }
0x5: {  	_ = 	snop  }
0x6: {  	_ = 	snop  }
0x7: {  	_ = 	snop  }
__scs_overlays_trampoline_lowered:
0x8: {  	[smem:$0x3FAA] =	sst s0  }
0x9: {  	[smem:$0x3FAB] =	sst s1  }
0xa: {  	[smem:$0x3FAC] =	sst s2  }
0xb: {  	[smem:$0x3FAD] =	sst s3  }
0xc: {  	[smem:$0x3FAE] =	sst s4  }
0xd: {  	[smem:$0x3FAF] =	sst s5  }
0xe: {  	[smem:$0x3FB0] =	sst s6  }
0xf: {  	[smem:$0x3FB1] =	sst s7  }
0x10: {  	[smem:$0x3FB2] =	sst s8  }
0x11: {  	[smem:$0x3FB3] =	sst s9;
	s0 =	simm.s32 @!p0 $0x0  }
0x12: {  	s1 =	sld [smem:$0x3F99];
	s0 =	simm.s32 @p0 $0x1  }
0x13: {  	[smem:$0x3FB4] =	sst s0;
	s0 =	simm.s32 @!p1 $0x0  }
0x14: {  	s2 =	sld [smem:$0x3F98];
	s0 =	simm.s32 @p1 $0x1  }
0x15: {  	[smem:$0x3FB5] =	sst s0;
	s0 =	simm.s32 @!p2 $0x0  }
0x16: {  	s3 =	sld [smem:$0x3FDB];
	s0 =	simm.s32 @p2 $0x1  }
0x17: {  	s4 =	simm.s32 $0x1BF5;
	[smem:$0x3FB7] =	sst s0  }
0x18: {  	s0 =	sld [smem:$0x3F9A];
	_ =	swait.ge [sflag:s4], $0x0  }
0x19: {  	s7 =	sld [smem:$0x3F9B]  }
0x1a: {  	s8 =	sadd.s32 $0xFFFFE003, lr  }
0x1b: {  	s9 =	sadd.s32 $0xFFFFFEF7, lr;
	s5 =	simm.s32 $0xFFFFFFFF;
	p2 =	slt.u32 s8, $0xFFFFF086  }
0x1c: {  	p1 =	slt.u32 s9, $0xF7A;
	s5 =	simm.s32 @!p2 $0x0  }
0x1d: {  	s5 =	simm.s32 @p1 $0x1;
	p0 =	seq.s32 s7, s2  }
0x1e: {  	s7 =	smul.u32 @!p0 $0xF7A, s2;
	p2 =	seq.s32 @!p0 s5, $0x0  }
0x1f: {  	s9 =	smul.u32 $0xF7A, s1;
	s8 =	simm.s32 @!p0 $0x1BF5;
	p2 =	por !p2, p0  }
0x20: {  	[sflag:s8] =	ssyncset.s32 @!p0 $0xFFFFF086;
	s6 =	sadd.s32 @!p0 s3, s7;
	s7 =	simm.s32 @!p0 $0x108  }
0x21: {  	s3 =	sadd.s32 s3, s9;
	s6 =	sadd.s32 @!p0 $0x88, s6;
	s7 =	simm.s32 @p2 $0x1082  }
0x22: {  	[simem:s7], [sflag:s8] =	dma.local @!p0 [hbm:s6], $0xF7A  }
0x23: {  	s9 =	sor.u32 $0xD0000000, s2;
	s6 =	simm.s32 $0x108;
	_ =	swait.ge @!p0 [sflag:s8], $0x0  }
0x24: {  	s3 =	sadd.s32 $0x88, s3;
	s6 =	simm.s32 @!p1 $0x1082;
	[sflag:s4] =	ssyncset.s32 $0xFFFFF086  }
0x25: {  	[simem:s6], [sflag:s4] =	dma.local [hbm:s3], $0xF7A  }
0x26: {  	[smem:$0x3F9B] =	sst s1;
	(tag) =	ssettag s2;
	_ =	strace s9  }
0x27: {  	s1 =	sld [smem:$0x3FAB]  }
0x28: {  	s2 =	sld [smem:$0x3FAC]  }
0x29: {  	s4 =	sld [smem:$0x3FAE]  }
0x2a: {  	p0 =	seq.s32 s5, $0x0;
	s5 =	sld [smem:$0x3FAF]  }
0x2b: {  	s6 =	sld [smem:$0x3FB0]  }
0x2c: {  	s7 =	sld [smem:$0x3FB1]  }
0x2d: {  	s3 =	simm.s32 $0x108;
	s8 =	sld [smem:$0x3FB2]  }
0x2e: {  	s3 =	simm.s32 @!p0 $0x1082;
	s9 =	sld [smem:$0x3FB3]  }
0x2f: {  	lr =	sadd.s32 s0, s3;
	s0 =	sld [smem:$0x3FAA]  }
0x30: {  	s3 =	sld [smem:$0x3FAD]  }
0x31: {  	[smem:$0x3FB6] =	sst s10  }
0x32: {  	s10 =	sld [smem:$0x3FB4];
	_ =	sdelay $0x3  }
0x33: {  	p0 =	seq.s32 s10, $0x1;
	s10 =	sld [smem:$0x3FB6];
	_ =	sdelay $0x3  }
0x34: {  	[smem:$0x3FB6] =	sst s10  }
0x35: {  	s10 =	sld [smem:$0x3FB5];
	_ =	sdelay $0x3  }
0x36: {  	p1 =	seq.s32 s10, $0x1;
	s10 =	sld [smem:$0x3FB6];
	_ =	sdelay $0x3  }
0x37: {  	[smem:$0x3FB6] =	sst s10  }
0x38: {  	s10 =	sld [smem:$0x3FB7]  }
0x39: {  	_ = 	snop;
	(pc) =	sbr.ind lr, $3  }
0x3a: {  	_ = 	snop  }
0x3b: {  	_ = 	snop  }
0x3c: {  	p2 =	seq.s32 s10, $0x1;
	s10 =	sld [smem:$0x3FB6]  }
0x3d: {  	_ =	shalt  }
0x3e: {  	_ =	shalt  }
0x3f: {  	_ =	shalt  }
0x40: {  	_ =	shalt  }
0x41: {  	_ =	shalt  }
0x42: {  	_ =	shalt  }
0x43: {  	_ =	shalt  }
0x44: {  	_ =	shalt  }
0x45: {  	_ =	shalt  }
0x46: {  	_ =	shalt  }
0x47: {  	_ =	shalt  }
0x48: {  	_ =	shalt  }
0x49: {  	_ =	shalt  }
0x4a: {  	_ =	shalt  }
0x4b: {  	_ =	shalt  }
0x4c: {  	_ =	shalt  }
0x4d: {  	_ =	shalt  }
0x4e: {  	_ =	shalt  }
0x4f: {  	_ =	shalt  }
0x50: {  	_ =	shalt  }
0x51: {  	_ =	shalt  }
0x52: {  	_ =	shalt  }
0x53: {  	_ =	shalt  }
0x54: {  	_ =	shalt  }
0x55: {  	_ =	shalt  }
0x56: {  	_ =	shalt  }
0x57: {  	_ =	shalt  }
0x58: {  	_ =	shalt  }
0x59: {  	_ =	shalt  }
0x5a: {  	_ =	shalt  }
0x5b: {  	_ =	shalt  }
0x5c: {  	_ =	shalt  }
0x5d: {  	_ =	shalt  }
0x5e: {  	_ =	shalt  }
0x5f: {  	_ =	shalt  }
0x60: {  	_ =	shalt  }
0x61: {  	_ =	shalt  }
0x62: {  	_ =	shalt  }
0x63: {  	_ =	shalt  }
0x64: {  	_ =	shalt  }
0x65: {  	_ =	shalt  }
0x66: {  	_ =	shalt  }
0x67: {  	_ =	shalt  }
0x68: {  	_ =	shalt  }
0x69: {  	_ =	shalt  }
0x6a: {  	_ =	shalt  }
0x6b: {  	_ =	shalt  }
0x6c: {  	_ =	shalt  }
0x6d: {  	_ =	shalt  }
0x6e: {  	_ =	shalt  }
0x6f: {  	_ =	shalt  }
0x70: {  	_ =	shalt  }
0x71: {  	_ =	shalt  }
0x72: {  	_ =	shalt  }
0x73: {  	_ =	shalt  }
0x74: {  	_ =	shalt  }
0x75: {  	_ =	shalt  }
0x76: {  	_ =	shalt  }
0x77: {  	_ =	shalt  }
0x78: {  	_ =	shalt  }
0x79: {  	_ =	shalt  }
0x7a: {  	_ =	shalt  }
0x7b: {  	_ =	shalt  }
0x7c: {  	_ =	shalt  }
0x7d: {  	_ =	shalt  }
0x7e: {  	_ =	shalt  }
0x7f: {  	_ =	shalt  }
0x80: {  	_ =	shalt  }
0x81: {  	_ =	shalt  }
0x82: {  	_ =	shalt  }
0x83: {  	_ =	shalt  }
0x84: {  	_ =	shalt  }
0x85: {  	_ =	shalt  }
0x86: {  	_ =	shalt  }
0x87: {  	_ =	shalt  }
.Lfunc_end0:
.L_simem_size_0:
called_computation.1_lowered:
.L_overlay_start_0:
0x88: {  	s2 =	sld [smem:$0x3FD9]  }
0x89: {  	s3 =	sld [smem:$0x3FFE];
	_ =	sdelay $0x1  }
0x8a: {  	s1 =	srdreg.scid  }
0x8b: {  	s0 =	sand.u32 $0x1, s1  }
0x8c: {  	s16 =	sshll.u32 s0, $0xA;
	s2 =	sadd.s32 s3, s2  }
0x8d: {  	s2 =	sadd.s32 s2, s16  }
0x8e: {  	[smem:$0x3FC2] =	sst s2  }
0x8f: {  	_ = 	snop  }
0x90: {  	(tm) =	ssettm $0x1  }
0x91: {  	s17 =	sld [smem:$0x3FFB];
	_ =	sdelay $0x3  }
0x92: {  	_ =	strace s17  }
0x93: {  	s2 =	sld [smem:$0x3FFC];
	_ =	sdelay $0x3  }
0x94: {  	_ =	strace s2  }
0x95: {  	s2 =	sld [smem:$0x3FFD];
	_ =	sdelay $0x3  }
0x96: {  	_ =	strace s2  }
0x97: {  	_ =	strace $0x8FFFFFFF  }
0x98: {  	s18 =	sld [smem:$0x3FDB];
	_ =	sdelay $0x1  }
0x99: {  	s19 =	simm.s32 $_scs_section_size  }
0x9a: {  	s4 =	simm.s32 $_size__tile_overlayer_lowered;
	s5 =	simm.s32 $_tile_overlayer_lowered  }
0x9b: {  	s22 =	simm.s32 $0x1BFF;
	s21 =	sshll.u32 s5, $0x1;
	s2 =	sadd.s32 s19, s18  }
0x9c: {  	s6 =	simm.s32 $0x0;
	s20 =	sshll.u32 s4, $0x1;
	s4 =	sadd.s32 s21, s2  }
0x9d: {  	[timem:s6], [sflag:s22] =	dma.local [hbm:s4], s20  }
0x9e: {  	_ =	swait.ge [sflag:s22], s20  }
0x9f: {  	s3 =	ssub.s32 $0x0, s20;
	[sflag:s22] =	ssyncset.done $0x0  }
0xa0: {  	[sflag:s22] =	ssyncadd.s32 s3;
	_ =	sdelay $0x1  }
0xa1: {  	s23 =	simm.s32 $0x1B8B  }
0xa2: {  	_ =	swait.ge [sflag:s23], $0x1  }
0xa3: {  	[sflag:s23] =	ssyncset.done $0x0  }
0xa4: {  	s25 =	simm.s32 $0x1B8E;
	s24 =	sld [smem:$0x3FFE];
	[sflag:s23] =	ssyncadd.s32 $0xFFFFFFFF  }
0xa5: {  	s26 =	simm.s32 $execute0_lowered;
	[smem:$0x3FD2] =	sst s25  }
0xa6: {  	s4 =	sshll.u32 s26, $0x1;
	_ =	strace $0x80000049;
	[dreg:$0x1] =	wrdreg $0xFFFFFFFF  }
0xa7: {  	s28 =	simm.s32 $_size_execute0_lowered;
	s2 =	sadd.s32 s2, s4;
	[dreg:$0x0] =	wrdreg $0x0  }
0xa8: {  	s4 =	sshll.u32 s28, $0x1;
	[dreg:$0x2] =	wrdreg s2  }
0xa9: {  	[dreg:$0x3] =	wrdreg s4  }
0xaa: {  	[dreg:$0x4] =	wrdreg $0xC0  }
0xab: {  	_ =	task [dreg:s6], $0x5FFFF  }
0xac: {  	[dreg:$0x1] =	wrdreg $0xFFFFFFFF  }
0xad: {  	[dreg:$0x0] =	wrdreg $0x60  }
0xae: {  	[dreg:$0x2] =	wrdreg s24  }
0xaf: {  	[dreg:$0x3] =	wrdreg $0xB5400  }
0xb0: {  	[dreg:$0x4] =	wrdreg $0x151800  }
0xb1: {  	[dreg:$0x5] =	wrdreg $0x9  }
0xb2: {  	_ =	task.clear_ibuf [dreg:s6], $0x6FFFF;
	_ =	strace $0x90000049  }
0xb3: {  	s29 =	simm.s32 $0x9;
	_ =	strace $0x8000004B  }
0xb4: {  	_ =	swait.ge [sflag:s29], $0x1  }
0xb5: {  	[sflag:s29] =	ssyncadd.s32 $0xFFFFFFFF  }
0xb6: {  	_ =	strace $0x9000004B  }
0xb7: {  	_ =	sfence  }
0xb8: {  	s30 =	sld [smem:$0x0];
	_ =	sdelay $0x2  }
0xb9: {  	s31 =	sshll.u32 s1, $0xD;
	s1 =	sshrl.u32 s1, $0x2  }
0xba: {  	s3 =	sand.u32 $0x4000, s31;
	s1 =	sadd.s32 s1, s30  }
0xbb: {  	s0 =	sor.u32 s3, s0;
	s1 =	sshll.u32 s1, $0x11  }
0xbc: {  	s0 =	sor.u32 s1, s0  }
0xbd: {  	s0 =	sadd.s32 $0x8F2B, s0  }
0xbe: {  	[sflag:s0] =	ssyncadd.remote.s32 $0x1  }
0xbf: {  	_ =	sfence.sel $0xFFFF  }
0xc0: {  	[dreg:$0x0] =	wrdreg $0xFFFFFFFF;
	(pc) =	sbr.abs _section_cstart, $3  }
0xc1: {  	[dreg:$0x1] =	wrdreg $0xFFFFFFFF  }
0xc2: {  	_ =	task.clear_ibuf [dreg:s6], $0x2FFFF;
	_ =	strace $0x9FFFFFFF  }
0xc3: {  	(tm) =	ssettm $0x7FFFFFFF  }
tec
execute0_lowered:
.L_overlay_start_1:
0x0: {  	(tag) =	ssettag $0x1  }
0x1: {  	s0 =	rddreg [dreg:$0x0]  }
0x2: {  	s2 =	rddreg [dreg:$0x1]  }
0x3: {  	s3 =	rddreg [dreg:$0x2]  }
0x4: {  	s1 =	srdreg.scid;
	s11 =	stileid.u32;
	s4 =	simm.s32 $0x0  }
0x5: {  	s14 =	simm.s32 $0x1;
	s15 =	simm.s32 $0x2;
	s16 =	simm.s32 $0x64  }
0x6: {  	s17 =	simm.s32 $0x5140;
	s19 =	simm.s32 $0x6A40;
	s21 =	simm.s32 $0x8340  }
0x7: {  	s22 =	simm.s32 $0x3;
	s29 =	simm.s32 $0x7;
	s31 =	simm.s32 $0x5  }
0x8: {  	s20 =	simm.s32 $0x6;
	s28 =	simm.s32 $0x9;
	s30 =	simm.s32 $0xA  }
0x9: {  	s1 =	sand.u32 $0x1, s1;
	s8 =	smul.u32 $0xFA00, s11;
	[smem:$0x7FF] =	sst s4  }
0xa: {  	s10 =	smul.u32 $0x3E800, s11;
	p0 =	sgt.u32 s11, $0x9;
	s5 =	sshll.u32 s1, $0x4  }
0xb: {  	s6 =	smul.u32 $0x9C400, s1;
	_ =	strace $0x8000004A;
	s1 =	ssub.s32 $0x2, s1  }
0xc: {  	s5 =	sor.u32 s11, s5;
	s7 =	sshrl.u32 s8, $0x3;
	s24 =	sshrl.u32 s1, $0x1  }
0xd: {  	s12 =	sadd.s32 s8, s2;
	s13 =	sadd.s32 s8, s3;
	s26 =	sshrl.u32 s10, $0x2  }
0xe: {  	s10 =	simm.s32 $0x28A0;
	s5 =	smul.u32 $0x514, s5;
	s7 =	sadd.s32 s7, s0  }
0xf: {  	s6 =	sadd.s32 s8, s6;
	s1 =	ssub.s32 s1, s24;
	s12 =	sshrl.u32 @!p0 s12, $0x3  }
0x10: {  	s13 =	sshrl.u32 @!p0 s13, $0x3;
	s24 =	simm.s32 $0x9C40;
	s23 =	sshrl.u32 s6, $0x3  }
0x11: {  	s7 =	sadd.s32 $0x33A00, s7;
	s9 =	sadd.s32 s5, s0;
	s0 =	sadd.s32 s23, s0  }
0x12: {  	s23 =	simm.s32 $0x0;
	s25 =	sadd.s32 $0x29600, s9;
	s6 =	sadd.s32 $0x1F200, s9  }
0x13: {  	s8 =	sadd.s32 $0x47400, s0;
	s0 =	sadd.s32 s26, s2;
	s9 =	smax.u32 s1, $0x1  }
0x14: {  	s1 =	sshll.u32 @!p0 s11, $0x6;
	s26 =	simm.s32 $0x4;
	[dreg:$0x4] =	wrdreg s25  }
0x15: {  	s11 =	sor.u32 @!p0 $0x1C0B, s1;
	s25 =	sshrl.u32 @!p0 s0, $0x3;
	s1 =	simm.s32 $0x8  }
.LBB2_1:
0x16: {  	s0 =	rddreg [dreg:$0x4]  }
0x17: {  	[tilespmem:s4], [sflag:$0x1] =	stream.linear.gather [hbm4b:s0+s4], $0x28A0, $0x38;
	[tilespmem:$0x1EDC0] =	vst v63  }
0x18: {  	s0 =	simm.s32 @!p0 $0xB  }
0x19: {  	[tilespmem:s10], [sflag:$0x2] =	stream.linear.gather [hbm4b:s6+s4], $0x28A0, $0x38;
	[tilespmem:$0x1EDC0] =	vst v63  }
0x1a: {  	[spmem:s12], [sflag:s11] =	dma.local @!p0 [hbm:s7], $0x1F40  }
0x1b: {  	_ =	swait.ge @!p0 [sflag:s0], $0x1F40  }
0x1c: {  	[sflag:s0] =	ssyncset.done @!p0 $0x0  }
0x1d: {  	[sflag:s0] =	ssyncadd.s32 @!p0 $0xFFFFE0C0  }
0x1e: {  	[spmem:s13], [sflag:s11] =	dma.local @!p0 [hbm:s7], $0x1F40  }
0x1f: {  	_ =	swait.ge @!p0 [sflag:s0], $0x1F40  }
0x20: {  	[sflag:s0] =	ssyncset.done @!p0 $0x0  }
0x21: {  	[sflag:s0] =	ssyncadd.s32 @!p0 $0xFFFFE0C0  }
0x22: {  	_ =	swait.ge [sflag:s14], $0x28A0  }
0x23: {  	[sflag:s14] =	ssyncset.done $0x0  }
0x24: {  	[sflag:s14] =	ssyncadd.s32 $0xFFFFD760  }
0x25: {  	_ =	swait.ge [sflag:s15], $0x28A0  }
0x26: {  	[sflag:s15] =	ssyncset.done $0x0  }
0x27: {  	[sflag:s15] =	ssyncadd.s32 $0xFFFFD760  }
0x28: {  	[bflag:$0x0] =	sbarrier.arrive $0xFFFF  }
0x29: {  	[tilespmem:s17], [sflag:$0x3] =	stream.indirect.gather [spmem:s3], $0x40, s4, s16, $0xb8;
	[tilespmem:$0x1EDC0] =	vst v63  }
0x2a: {  	s18 =	simm.s32 $0x68  }
0x2b: {  	[tilespmem:s19], [sflag:$0x4] =	stream.indirect.gather [spmem:s3], $0x40, s18, s16, $0xb8;
	[tilespmem:$0x1EDC0] =	vst v63  }
0x2c: {  	s5 =	simm.s32 $0xD0  }
0x2d: {  	[tilespmem:s21], [sflag:$0x5] =	stream.indirect.gather [spmem:s3], $0x40, s5, s16, $0xb8;
	[tilespmem:$0x1EDC0] =	vst v63  }
0x2e: {  	_ =	swait.ge [sflag:s22], $0x1900  }
0x2f: {  	[sflag:s22] =	ssyncset.done $0x0  }
0x30: {  	[sflag:s22] =	ssyncadd.s32 $0xFFFFE700  }
0x31: {  	[spmem:s2] =	stream.indirect.scatter.add.f32 [tilespmem:s17], [sflag:$0x7], $0x40, s10, s16, $0xb8;
	[tilespmem:$0x1EDC0] =	vst v63  }
0x32: {  	s18 =	simm.s32 $0x138  }
0x33: {  	[tilespmem:s24], [sflag:$0x6] =	stream.indirect.gather [spmem:s3], $0x40, s18, s16, $0xb8;
	[tilespmem:$0x1EDC0] =	vst v63  }
0x34: {  	_ =	swait.ge [sflag:s26], $0x1900  }
0x35: {  	[sflag:s26] =	ssyncset.done $0x0  }
0x36: {  	s5 =	simm.s32 $0x2908;
	[sflag:s26] =	ssyncadd.s32 $0xFFFFE700  }
0x37: {  	[spmem:s2] =	stream.indirect.scatter.add.f32 [tilespmem:s19], [sflag:$0x8], $0x40, s5, s16, $0xb8;
	[tilespmem:$0x1EDC0] =	vst v63  }
0x38: {  	_ =	swait.ge [sflag:s29], $0x1900  }
0x39: {  	[sflag:s29] =	ssyncset.done $0x0  }
0x3a: {  	s18 =	simm.s32 $0x1A0;
	[sflag:s29] =	ssyncadd.s32 $0xFFFFE700  }
0x3b: {  	[tilespmem:s17], [sflag:$0x3] =	stream.indirect.gather [spmem:s3], $0x40, s18, s16, $0xb8;
	[tilespmem:$0x1EDC0] =	vst v63  }
0x3c: {  	_ =	swait.ge [sflag:s31], $0x1900  }
0x3d: {  	[sflag:s31] =	ssyncset.done $0x0  }
0x3e: {  	s5 =	simm.s32 $0x2970;
	[sflag:s31] =	ssyncadd.s32 $0xFFFFE700  }
0x3f: {  	[spmem:s2] =	stream.indirect.scatter.add.f32 [tilespmem:s21], [sflag:$0x9], $0x40, s5, s16, $0xb8;
	[tilespmem:$0x1EDC0] =	vst v63  }
0x40: {  	_ =	swait.ge [sflag:s1], $0x1900  }
0x41: {  	[sflag:s1] =	ssyncset.done $0x0  }
0x42: {  	s18 =	simm.s32 $0x208;
	[sflag:s1] =	ssyncadd.s32 $0xFFFFE700  }
0x43: {  	[tilespmem:s19], [sflag:$0x4] =	stream.indirect.gather [spmem:s3], $0x40, s18, s16, $0xb8;
	[tilespmem:$0x1EDC0] =	vst v63  }
0x44: {  	_ =	swait.ge [sflag:s20], $0x1900  }
0x45: {  	[sflag:s20] =	ssyncset.done $0x0  }
0x46: {  	s5 =	simm.s32 $0x29D8;
	[sflag:s20] =	ssyncadd.s32 $0xFFFFE700  }
0x47: {  	[spmem:s2] =	stream.indirect.scatter.add.f32 [tilespmem:s24], [sflag:$0xA], $0x40, s5, s16, $0xb8;
	[tilespmem:$0x1EDC0] =	vst v63  }
0x48: {  	_ =	swait.ge [sflag:s28], $0x1900  }
0x49: {  	[sflag:s28] =	ssyncset.done $0x0  }
0x4a: {  	s18 =	simm.s32 $0x270;
	[sflag:s28] =	ssyncadd.s32 $0xFFFFE700  }
0x4b: {  	[tilespmem:s21], [sflag:$0x5] =	stream.indirect.gather [spmem:s3], $0x40, s18, s16, $0xb8;
	[tilespmem:$0x1EDC0] =	vst v63  }
0x4c: {  	_ =	swait.ge [sflag:s22], $0x1900  }
0x4d: {  	[sflag:s22] =	ssyncset.done $0x0  }
0x4e: {  	s5 =	simm.s32 $0x2A40;
	[sflag:s22] =	ssyncadd.s32 $0xFFFFE700  }
0x4f: {  	[spmem:s2] =	stream.indirect.scatter.add.f32 [tilespmem:s17], [sflag:$0x7], $0x40, s5, s16, $0xb8;
	[tilespmem:$0x1EDC0] =	vst v63  }
0x50: {  	_ =	swait.ge [sflag:s30], $0x1900  }
0x51: {  	[sflag:s30] =	ssyncset.done $0x0  }
0x52: {  	s18 =	simm.s32 $0x2D8;
	[sflag:s30] =	ssyncadd.s32 $0xFFFFE700  }
0x53: {  	[tilespmem:s24], [sflag:$0x6] =	stream.indirect.gather [spmem:s3], $0x40, s18, s16, $0xb8;
	[tilespmem:$0x1EDC0] =	vst v63  }
0x54: {  	_ =	swait.ge [sflag:s26], $0x1900  }
0x55: {  	[sflag:s26] =	ssyncset.done $0x0  }
0x56: {  	s5 =	simm.s32 $0x2AA8;
	[sflag:s26] =	ssyncadd.s32 $0xFFFFE700  }
0x57: {  	[spmem:s2] =	stream.indirect.scatter.add.f32 [tilespmem:s19], [sflag:$0x8], $0x40, s5, s16, $0xb8;
	[tilespmem:$0x1EDC0] =	vst v63  }
0x58: {  	_ =	swait.ge [sflag:s29], $0x1900  }
0x59: {  	[sflag:s29] =	ssyncset.done $0x0  }
0x5a: {  	s18 =	simm.s32 $0x340;
	[sflag:s29] =	ssyncadd.s32 $0xFFFFE700  }
0x5b: {  	[tilespmem:s17], [sflag:$0x3] =	stream.indirect.gather [spmem:s3], $0x40, s18, s16, $0xb8;
	[tilespmem:$0x1EDC0] =	vst v63  }
0x5c: {  	_ =	swait.ge [sflag:s31], $0x1900  }
0x5d: {  	[sflag:s31] =	ssyncset.done $0x0  }
0x5e: {  	s5 =	simm.s32 $0x2B10;
	[sflag:s31] =	ssyncadd.s32 $0xFFFFE700  }
0x5f: {  	[spmem:s2] =	stream.indirect.scatter.add.f32 [tilespmem:s21], [sflag:$0x9], $0x40, s5, s16, $0xb8;
	[tilespmem:$0x1EDC0] =	vst v63  }
0x60: {  	_ =	swait.ge [sflag:s1], $0x1900  }
0x61: {  	[sflag:s1] =	ssyncset.done $0x0  }
0x62: {  	s18 =	simm.s32 $0x3A8;
	[sflag:s1] =	ssyncadd.s32 $0xFFFFE700  }
0x63: {  	[tilespmem:s19], [sflag:$0x4] =	stream.indirect.gather [spmem:s3], $0x40, s18, s16, $0xb8;
	[tilespmem:$0x1EDC0] =	vst v63  }
0x64: {  	_ =	swait.ge [sflag:s20], $0x1900  }
0x65: {  	[sflag:s20] =	ssyncset.done $0x0  }
0x66: {  	s0 =	simm.s32 $0x680;
	s18 =	simm.s32 $0x2B78;
	[sflag:s20] =	ssyncadd.s32 $0xFFFFE700  }
.LBB2_2:
0x67: {  	[spmem:s2] =	stream.indirect.scatter.add.f32 [tilespmem:s24], [sflag:$0xA], $0x40, s18, s16, $0xb8;
	[tilespmem:$0x1EDC0] =	vst v63  }
0x68: {  	s18 =	smov.u32 s0;
	s0 =	sadd.s32 $0x680, s0;
	_ =	swait.ge [sflag:s28], $0x1900  }
0x69: {  	s18 =	sshra.s32 s18, $0x2;
	p1 =	sne.s32 s0, $0x9580;
	[sflag:s28] =	ssyncset.done $0x0  }
0x6a: {  	s5 =	sadd.s32 $0x270, s18;
	[sflag:s28] =	ssyncadd.s32 $0xFFFFE700  }
0x6b: {  	[tilespmem:s21], [sflag:$0x5] =	stream.indirect.gather [spmem:s3], $0x40, s5, s16, $0xb8;
	[tilespmem:$0x1EDC0] =	vst v63  }
0x6c: {  	_ =	swait.ge [sflag:s22], $0x1900  }
0x6d: {  	[sflag:s22] =	ssyncset.done $0x0  }
0x6e: {  	s5 =	sadd.s32 $0x2A40, s18;
	[sflag:s22] =	ssyncadd.s32 $0xFFFFE700  }
0x6f: {  	[spmem:s2] =	stream.indirect.scatter.add.f32 [tilespmem:s17], [sflag:$0x7], $0x40, s5, s16, $0xb8;
	[tilespmem:$0x1EDC0] =	vst v63  }
0x70: {  	_ =	swait.ge [sflag:s30], $0x1900  }
0x71: {  	[sflag:s30] =	ssyncset.done $0x0  }
0x72: {  	s5 =	sadd.s32 $0x2D8, s18;
	[sflag:s30] =	ssyncadd.s32 $0xFFFFE700  }
0x73: {  	[tilespmem:s24], [sflag:$0x6] =	stream.indirect.gather [spmem:s3], $0x40, s5, s16, $0xb8;
	[tilespmem:$0x1EDC0] =	vst v63  }
0x74: {  	_ =	swait.ge [sflag:s26], $0x1900  }
0x75: {  	[sflag:s26] =	ssyncset.done $0x0  }
0x76: {  	s5 =	sadd.s32 $0x2AA8, s18;
	[sflag:s26] =	ssyncadd.s32 $0xFFFFE700  }
0x77: {  	[spmem:s2] =	stream.indirect.scatter.add.f32 [tilespmem:s19], [sflag:$0x8], $0x40, s5, s16, $0xb8;
	[tilespmem:$0x1EDC0] =	vst v63  }
0x78: {  	_ =	swait.ge [sflag:s29], $0x1900  }
0x79: {  	[sflag:s29] =	ssyncset.done $0x0  }
0x7a: {  	s5 =	sadd.s32 $0x340, s18;
	[sflag:s29] =	ssyncadd.s32 $0xFFFFE700  }
0x7b: {  	[tilespmem:s17], [sflag:$0x3] =	stream.indirect.gather [spmem:s3], $0x40, s5, s16, $0xb8;
	[tilespmem:$0x1EDC0] =	vst v63  }
0x7c: {  	_ =	swait.ge [sflag:s31], $0x1900  }
0x7d: {  	[sflag:s31] =	ssyncset.done $0x0  }
0x7e: {  	s5 =	sadd.s32 $0x2B10, s18;
	[sflag:s31] =	ssyncadd.s32 $0xFFFFE700  }
0x7f: {  	[spmem:s2] =	stream.indirect.scatter.add.f32 [tilespmem:s21], [sflag:$0x9], $0x40, s5, s16, $0xb8;
	[tilespmem:$0x1EDC0] =	vst v63  }
0x80: {  	_ =	swait.ge [sflag:s1], $0x1900  }
0x81: {  	[sflag:s1] =	ssyncset.done $0x0  }
.Ltmp0:
0x82: {  	s5 =	sadd.s32 $0x3A8, s18;
	[sflag:s1] =	ssyncadd.s32 $0xFFFFE700;
	(pc) =	sbr.rel @p1 .LBB2_2-.Ltmp0, $4  }
0x83: {  	[tilespmem:s19], [sflag:$0x4] =	stream.indirect.gather [spmem:s3], $0x40, s5, s16, $0xb8;
	[tilespmem:$0x1EDC0] =	vst v63  }
0x84: {  	_ =	swait.ge [sflag:s20], $0x1900  }
0x85: {  	[sflag:s20] =	ssyncset.done $0x0  }
0x86: {  	s18 =	sadd.s32 $0x2B78, s18;
	[sflag:s20] =	ssyncadd.s32 $0xFFFFE700  }
0x87: {  	[spmem:s2] =	stream.indirect.scatter.add.f32 [tilespmem:s24], [sflag:$0xA], $0x40, s18, s16, $0xb8;
	[tilespmem:$0x1EDC0] =	vst v63  }
0x88: {  	_ =	swait.ge [sflag:s28], $0x1900  }
0x89: {  	[sflag:s28] =	ssyncset.done $0x0  }
0x8a: {  	s5 =	simm.s32 $0x27D0;
	[sflag:s28] =	ssyncadd.s32 $0xFFFFE700  }
0x8b: {  	[tilespmem:s21], [sflag:$0x5] =	stream.indirect.gather [spmem:s3], $0x40, s5, s16, $0xb8;
	[tilespmem:$0x1EDC0] =	vst v63  }
0x8c: {  	_ =	swait.ge [sflag:s22], $0x1900  }
0x8d: {  	s0 =	sshra.s32 s0, $0x2;
	[sflag:s22] =	ssyncset.done $0x0  }
0x8e: {  	s18 =	sadd.s32 $0x2A40, s0;
	[sflag:s22] =	ssyncadd.s32 $0xFFFFE700  }
0x8f: {  	[spmem:s2] =	stream.indirect.scatter.add.f32 [tilespmem:s17], [sflag:$0x7], $0x40, s18, s16, $0xb8;
	[tilespmem:$0x1EDC0] =	vst v63  }
0x90: {  	_ =	swait.ge [sflag:s30], $0x1900  }
0x91: {  	[sflag:s30] =	ssyncset.done $0x0  }
0x92: {  	s18 =	sadd.s32 $0x2D8, s0;
	[sflag:s30] =	ssyncadd.s32 $0xFFFFE700  }
0x93: {  	[tilespmem:s24], [sflag:$0x6] =	stream.indirect.gather [spmem:s3], $0x40, s18, s16, $0xb8;
	[tilespmem:$0x1EDC0] =	vst v63  }
0x94: {  	_ =	swait.ge [sflag:s26], $0x1900  }
0x95: {  	[sflag:s26] =	ssyncset.done $0x0  }
0x96: {  	s18 =	sadd.s32 $0x2AA8, s0;
	[sflag:s26] =	ssyncadd.s32 $0xFFFFE700  }
0x97: {  	[spmem:s2] =	stream.indirect.scatter.add.f32 [tilespmem:s19], [sflag:$0x8], $0x40, s18, s16, $0xb8;
	[tilespmem:$0x1EDC0] =	vst v63  }
0x98: {  	_ =	swait.ge [sflag:s29], $0x1900  }
0x99: {  	[sflag:s29] =	ssyncset.done $0x0  }
0x9a: {  	[sflag:s29] =	ssyncadd.s32 $0xFFFFE700  }
0x9b: {  	_ =	swait.ge [sflag:s31], $0x1900  }
0x9c: {  	[sflag:s31] =	ssyncset.done $0x0  }
0x9d: {  	s18 =	simm.s32 $0x5070;
	[sflag:s31] =	ssyncadd.s32 $0xFFFFE700  }
0x9e: {  	[spmem:s2] =	stream.indirect.scatter.add.f32 [tilespmem:s21], [sflag:$0x9], $0x40, s18, s16, $0xb8;
	[tilespmem:$0x1EDC0] =	vst v63  }
0x9f: {  	_ =	swait.ge [sflag:s1], $0x1900  }
0xa0: {  	[sflag:s1] =	ssyncset.done $0x0  }
0xa1: {  	[sflag:s1] =	ssyncadd.s32 $0xFFFFE700  }
0xa2: {  	_ =	swait.ge [sflag:s20], $0x1900  }
0xa3: {  	[sflag:s20] =	ssyncset.done $0x0  }
0xa4: {  	s0 =	sadd.s32 $0x2B78, s0;
	[sflag:s20] =	ssyncadd.s32 $0xFFFFE700  }
0xa5: {  	[spmem:s2] =	stream.indirect.scatter.add.f32 [tilespmem:s24], [sflag:$0xA], $0x40, s0, s16, $0xb8;
	[tilespmem:$0x1EDC0] =	vst v63  }
0xa6: {  	_ =	swait.ge [sflag:s28], $0x1900  }
0xa7: {  	[sflag:s28] =	ssyncset.done $0x0  }
0xa8: {  	[sflag:s28] =	ssyncadd.s32 $0xFFFFE700  }
0xa9: {  	_ =	swait.ge [sflag:s30], $0x1900  }
0xaa: {  	s23 =	sadd.s32 $0x1, s23;
	[sflag:s30] =	ssyncset.done $0x0  }
0xab: {  	p1 =	sne.s32 s23, s9;
	[sflag:s30] =	ssyncadd.s32 $0xFFFFE700  }
.Ltmp1:
0xac: {  	s0 =	simm.s32 @!p0 $0xB;
	[bflag:$0x0] =	sbarrier.arrive $0xFFFF;
	(pc) =	sbr.rel @p1 .LBB2_1-.Ltmp1, $4  }
0xad: {  	[hbm:s8], [sflag:s11] =	dma.local @!p0 [spmem:s25], $0x1F40  }
0xae: {  	_ =	swait.ge @!p0 [sflag:s0], $0x1F40  }
0xaf: {  	[sflag:s0] =	ssyncset.done @!p0 $0x0  }
0xb0: {  	[sflag:s0] =	ssyncadd.s32 @!p0 $0xFFFFE0C0  }
0xb1: {  	_ =	sfence.sel $0x180000  }
0xb2: {  	[bflag:$0x0] =	sbarrier.arrive $0xFFFF  }
0xb3: {  	_ =	strace $0x9000004A  }
0xb4: {  	s0 =	stileid.u32;
	[bflag:$0x2] =	sbarrier.arrive $0xFFFF  }
0xb5: {  	p0 =	sne.s32 s0, $0x0;
	s0 =	rddreg [dreg:$0x3]  }
0xb6: {  	s0 =	sadd.s32 @!p0 $0x100000, s0  }
0xb7: {  	[sflag:s0] =	ssyncadd.tile.s32 @!p0 $0x1;
	_ =	shalt  }
.Lfunc_end2:
_tile_overlayer_lowered:
.L_overlay_start_2:
0xb8: {  	(tag) =	ssettag $0x2  }
0xb9: {  	s0 =	rddreg [dreg:$0x0];
	s2 =	stileid.u32  }
0xba: {  	s1 =	rddreg [dreg:$0x1];
	p0 =	sne.s32 s2, $0x0  }
0xbb: {  	s3 =	rddreg [dreg:$0x2];
	[bflag:$0x3] =	sbarrier.arrive $0xFFFF;
	s2 =	simm.s32 @!p0 $0x1C0B  }
0xbc: {  	[timem:s3], [sflag:s2] =	dma.local @!p0 [hbm:s0], s1  }
0xbd: {  	s0 =	simm.s32 @!p0 $0xB  }
0xbe: {  	_ =	swait.ge @!p0 [sflag:s0], s1  }
0xbf: {  	s1 =	ssub.s32 @!p0 $0x0, s1;
	[sflag:s0] =	ssyncset.done @!p0 $0x0  }
0xc0: {  	[sflag:s0] =	ssyncadd.s32 @!p0 s1  }
0xc1: {  	[bflag:$0x3] =	sbarrier.arrive $0xFFFF  }
0xc2: {  	_ =	shalt  }

// kernel: kernel.14.cloned.1.call-start
scs
__scs_entry_jumppad:
0x0: {  	(pc) =	sbr.rel $0x88, $3  }
0x1: {  	(tag) =	ssettag $0x0;
	lr =	simm.s32 $0x1  }
0x2: {  	[smem:$0x3F9B] =	sst lr;
	_ =	strace $0xD0000000  }
0x3: {  	_ = 	snop  }
0x4: {  	_ = 	snop  }
0x5: {  	_ = 	snop  }
0x6: {  	_ = 	snop  }
0x7: {  	_ = 	snop  }
__scs_overlays_trampoline_lowered:
0x8: {  	[smem:$0x3FAA] =	sst s0  }
0x9: {  	[smem:$0x3FAB] =	sst s1  }
0xa: {  	[smem:$0x3FAC] =	sst s2  }
0xb: {  	[smem:$0x3FAD] =	sst s3  }
0xc: {  	[smem:$0x3FAE] =	sst s4  }
0xd: {  	[smem:$0x3FAF] =	sst s5  }
0xe: {  	[smem:$0x3FB0] =	sst s6  }
0xf: {  	[smem:$0x3FB1] =	sst s7  }
0x10: {  	[smem:$0x3FB2] =	sst s8  }
0x11: {  	[smem:$0x3FB3] =	sst s9;
	s0 =	simm.s32 @!p0 $0x0  }
0x12: {  	s1 =	sld [smem:$0x3F99];
	s0 =	simm.s32 @p0 $0x1  }
0x13: {  	[smem:$0x3FB4] =	sst s0;
	s0 =	simm.s32 @!p1 $0x0  }
0x14: {  	s2 =	sld [smem:$0x3F98];
	s0 =	simm.s32 @p1 $0x1  }
0x15: {  	[smem:$0x3FB5] =	sst s0;
	s0 =	simm.s32 @!p2 $0x0  }
0x16: {  	s3 =	sld [smem:$0x3FDB];
	s0 =	simm.s32 @p2 $0x1  }
0x17: {  	s4 =	simm.s32 $0x1BF5;
	[smem:$0x3FB7] =	sst s0  }
0x18: {  	s0 =	sld [smem:$0x3F9A];
	_ =	swait.ge [sflag:s4], $0x0  }
0x19: {  	s7 =	sld [smem:$0x3F9B]  }
0x1a: {  	s8 =	sadd.s32 $0xFFFFE003, lr  }
0x1b: {  	s9 =	sadd.s32 $0xFFFFFEF7, lr;
	s5 =	simm.s32 $0xFFFFFFFF;
	p2 =	slt.u32 s8, $0xFFFFF086  }
0x1c: {  	p1 =	slt.u32 s9, $0xF7A;
	s5 =	simm.s32 @!p2 $0x0  }
0x1d: {  	s5 =	simm.s32 @p1 $0x1;
	p0 =	seq.s32 s7, s2  }
0x1e: {  	s7 =	smul.u32 @!p0 $0xF7A, s2;
	p2 =	seq.s32 @!p0 s5, $0x0  }
0x1f: {  	s9 =	smul.u32 $0xF7A, s1;
	s8 =	simm.s32 @!p0 $0x1BF5;
	p2 =	por !p2, p0  }
0x20: {  	[sflag:s8] =	ssyncset.s32 @!p0 $0xFFFFF086;
	s6 =	sadd.s32 @!p0 s3, s7;
	s7 =	simm.s32 @!p0 $0x108  }
0x21: {  	s3 =	sadd.s32 s3, s9;
	s6 =	sadd.s32 @!p0 $0x88, s6;
	s7 =	simm.s32 @p2 $0x1082  }
0x22: {  	[simem:s7], [sflag:s8] =	dma.local @!p0 [hbm:s6], $0xF7A  }
0x23: {  	s9 =	sor.u32 $0xD0000000, s2;
	s6 =	simm.s32 $0x108;
	_ =	swait.ge @!p0 [sflag:s8], $0x0  }
0x24: {  	s3 =	sadd.s32 $0x88, s3;
	s6 =	simm.s32 @!p1 $0x1082;
	[sflag:s4] =	ssyncset.s32 $0xFFFFF086  }
0x25: {  	[simem:s6], [sflag:s4] =	dma.local [hbm:s3], $0xF7A  }
0x26: {  	[smem:$0x3F9B] =	sst s1;
	(tag) =	ssettag s2;
	_ =	strace s9  }
0x27: {  	s1 =	sld [smem:$0x3FAB]  }
0x28: {  	s2 =	sld [smem:$0x3FAC]  }
0x29: {  	s4 =	sld [smem:$0x3FAE]  }
0x2a: {  	p0 =	seq.s32 s5, $0x0;
	s5 =	sld [smem:$0x3FAF]  }
0x2b: {  	s6 =	sld [smem:$0x3FB0]  }
0x2c: {  	s7 =	sld [smem:$0x3FB1]  }
0x2d: {  	s3 =	simm.s32 $0x108;
	s8 =	sld [smem:$0x3FB2]  }
0x2e: {  	s3 =	simm.s32 @!p0 $0x1082;
	s9 =	sld [smem:$0x3FB3]  }
0x2f: {  	lr =	sadd.s32 s0, s3;
	s0 =	sld [smem:$0x3FAA]  }
0x30: {  	s3 =	sld [smem:$0x3FAD]  }
0x31: {  	[smem:$0x3FB6] =	sst s10  }
0x32: {  	s10 =	sld [smem:$0x3FB4];
	_ =	sdelay $0x3  }
0x33: {  	p0 =	seq.s32 s10, $0x1;
	s10 =	sld [smem:$0x3FB6];
	_ =	sdelay $0x3  }
0x34: {  	[smem:$0x3FB6] =	sst s10  }
0x35: {  	s10 =	sld [smem:$0x3FB5];
	_ =	sdelay $0x3  }
0x36: {  	p1 =	seq.s32 s10, $0x1;
	s10 =	sld [smem:$0x3FB6];
	_ =	sdelay $0x3  }
0x37: {  	[smem:$0x3FB6] =	sst s10  }
0x38: {  	s10 =	sld [smem:$0x3FB7]  }
0x39: {  	_ = 	snop;
	(pc) =	sbr.ind lr, $3  }
0x3a: {  	_ = 	snop  }
0x3b: {  	_ = 	snop  }
0x3c: {  	p2 =	seq.s32 s10, $0x1;
	s10 =	sld [smem:$0x3FB6]  }
0x3d: {  	_ =	shalt  }
0x3e: {  	_ =	shalt  }
0x3f: {  	_ =	shalt  }
0x40: {  	_ =	shalt  }
0x41: {  	_ =	shalt  }
0x42: {  	_ =	shalt  }
0x43: {  	_ =	shalt  }
0x44: {  	_ =	shalt  }
0x45: {  	_ =	shalt  }
0x46: {  	_ =	shalt  }
0x47: {  	_ =	shalt  }
0x48: {  	_ =	shalt  }
0x49: {  	_ =	shalt  }
0x4a: {  	_ =	shalt  }
0x4b: {  	_ =	shalt  }
0x4c: {  	_ =	shalt  }
0x4d: {  	_ =	shalt  }
0x4e: {  	_ =	shalt  }
0x4f: {  	_ =	shalt  }
0x50: {  	_ =	shalt  }
0x51: {  	_ =	shalt  }
0x52: {  	_ =	shalt  }
0x53: {  	_ =	shalt  }
0x54: {  	_ =	shalt  }
0x55: {  	_ =	shalt  }
0x56: {  	_ =	shalt  }
0x57: {  	_ =	shalt  }
0x58: {  	_ =	shalt  }
0x59: {  	_ =	shalt  }
0x5a: {  	_ =	shalt  }
0x5b: {  	_ =	shalt  }
0x5c: {  	_ =	shalt  }
0x5d: {  	_ =	shalt  }
0x5e: {  	_ =	shalt  }
0x5f: {  	_ =	shalt  }
0x60: {  	_ =	shalt  }
0x61: {  	_ =	shalt  }
0x62: {  	_ =	shalt  }
0x63: {  	_ =	shalt  }
0x64: {  	_ =	shalt  }
0x65: {  	_ =	shalt  }
0x66: {  	_ =	shalt  }
0x67: {  	_ =	shalt  }
0x68: {  	_ =	shalt  }
0x69: {  	_ =	shalt  }
0x6a: {  	_ =	shalt  }
0x6b: {  	_ =	shalt  }
0x6c: {  	_ =	shalt  }
0x6d: {  	_ =	shalt  }
0x6e: {  	_ =	shalt  }
0x6f: {  	_ =	shalt  }
0x70: {  	_ =	shalt  }
0x71: {  	_ =	shalt  }
0x72: {  	_ =	shalt  }
0x73: {  	_ =	shalt  }
0x74: {  	_ =	shalt  }
0x75: {  	_ =	shalt  }
0x76: {  	_ =	shalt  }
0x77: {  	_ =	shalt  }
0x78: {  	_ =	shalt  }
0x79: {  	_ =	shalt  }
0x7a: {  	_ =	shalt  }
0x7b: {  	_ =	shalt  }
0x7c: {  	_ =	shalt  }
0x7d: {  	_ =	shalt  }
0x7e: {  	_ =	shalt  }
0x7f: {  	_ =	shalt  }
0x80: {  	_ =	shalt  }
0x81: {  	_ =	shalt  }
0x82: {  	_ =	shalt  }
0x83: {  	_ =	shalt  }
0x84: {  	_ =	shalt  }
0x85: {  	_ =	shalt  }
0x86: {  	_ =	shalt  }
0x87: {  	_ =	shalt  }
.Lfunc_end0:
.L_simem_size_0:
called_computation.2_lowered:
.L_overlay_start_0:
0x88: {  	s2 =	sld [smem:$0x3FD9]  }
0x89: {  	s3 =	sld [smem:$0x3FFE];
	_ =	sdelay $0x1  }
0x8a: {  	s1 =	srdreg.scid  }
0x8b: {  	s0 =	sand.u32 $0x1, s1  }
0x8c: {  	s16 =	sshll.u32 s0, $0xA;
	s2 =	sadd.s32 s3, s2  }
0x8d: {  	s2 =	sadd.s32 s2, s16  }
0x8e: {  	[smem:$0x3FC2] =	sst s2  }
0x8f: {  	_ = 	snop  }
0x90: {  	(tm) =	ssettm $0x1  }
0x91: {  	s17 =	sld [smem:$0x3FFB];
	_ =	sdelay $0x3  }
0x92: {  	_ =	strace s17  }
0x93: {  	s2 =	sld [smem:$0x3FFC];
	_ =	sdelay $0x3  }
0x94: {  	_ =	strace s2  }
0x95: {  	s2 =	sld [smem:$0x3FFD];
	_ =	sdelay $0x3  }
0x96: {  	_ =	strace s2  }
0x97: {  	_ =	strace $0x8FFFFFFF  }
0x98: {  	s18 =	sld [smem:$0x3FDB];
	_ =	sdelay $0x1  }
0x99: {  	s19 =	simm.s32 $_scs_section_size  }
0x9a: {  	s4 =	simm.s32 $_size__tile_overlayer_lowered;
	s5 =	simm.s32 $_tile_overlayer_lowered  }
0x9b: {  	s22 =	simm.s32 $0x1BFF;
	s21 =	sshll.u32 s5, $0x1;
	s2 =	sadd.s32 s19, s18  }
0x9c: {  	s6 =	simm.s32 $0x0;
	s20 =	sshll.u32 s4, $0x1;
	s4 =	sadd.s32 s21, s2  }
0x9d: {  	[timem:s6], [sflag:s22] =	dma.local [hbm:s4], s20  }
0x9e: {  	_ =	swait.ge [sflag:s22], s20  }
0x9f: {  	s3 =	ssub.s32 $0x0, s20;
	[sflag:s22] =	ssyncset.done $0x0  }
0xa0: {  	[sflag:s22] =	ssyncadd.s32 s3;
	_ =	sdelay $0x1  }
0xa1: {  	s23 =	simm.s32 $0x1B8B  }
0xa2: {  	_ =	swait.ge [sflag:s23], $0x1  }
0xa3: {  	[sflag:s23] =	ssyncset.done $0x0  }
0xa4: {  	s25 =	simm.s32 $0x1B8E;
	s24 =	sld [smem:$0x3FFE];
	[sflag:s23] =	ssyncadd.s32 $0xFFFFFFFF  }
0xa5: {  	s26 =	simm.s32 $execute0_lowered;
	[smem:$0x3FD2] =	sst s25  }
0xa6: {  	s4 =	sshll.u32 s26, $0x1;
	_ =	strace $0x8000004C;
	[dreg:$0x1] =	wrdreg $0xFFFFFFFF  }
0xa7: {  	s28 =	simm.s32 $_size_execute0_lowered;
	s2 =	sadd.s32 s2, s4;
	[dreg:$0x0] =	wrdreg $0x0  }
0xa8: {  	s4 =	sshll.u32 s28, $0x1;
	[dreg:$0x2] =	wrdreg s2  }
0xa9: {  	[dreg:$0x3] =	wrdreg s4  }
0xaa: {  	[dreg:$0x4] =	wrdreg $0xC0  }
0xab: {  	_ =	task [dreg:s6], $0x5FFFF  }
0xac: {  	[dreg:$0x1] =	wrdreg $0xFFFFFFFF  }
0xad: {  	[dreg:$0x0] =	wrdreg $0x60  }
0xae: {  	[dreg:$0x2] =	wrdreg s24  }
0xaf: {  	[dreg:$0x3] =	wrdreg $0x9  }
0xb0: {  	_ =	task.clear_ibuf [dreg:s6], $0x4FFFF;
	_ =	strace $0x9000004C  }
0xb1: {  	s29 =	simm.s32 $0x9;
	_ =	strace $0x8000004E  }
0xb2: {  	_ =	swait.ge [sflag:s29], $0x1  }
0xb3: {  	[sflag:s29] =	ssyncadd.s32 $0xFFFFFFFF  }
0xb4: {  	_ =	strace $0x9000004E  }
0xb5: {  	_ =	sfence  }
0xb6: {  	s30 =	sld [smem:$0x0];
	_ =	sdelay $0x2  }
0xb7: {  	s31 =	sshll.u32 s1, $0xD;
	s1 =	sshrl.u32 s1, $0x2  }
0xb8: {  	s3 =	sand.u32 $0x4000, s31;
	s1 =	sadd.s32 s1, s30  }
0xb9: {  	s0 =	sor.u32 s3, s0;
	s1 =	sshll.u32 s1, $0x11  }
0xba: {  	s0 =	sor.u32 s1, s0  }
0xbb: {  	s0 =	sadd.s32 $0x8F2B, s0  }
0xbc: {  	[sflag:s0] =	ssyncadd.remote.s32 $0x1  }
0xbd: {  	_ =	sfence.sel $0xFFFF  }
0xbe: {  	[dreg:$0x0] =	wrdreg $0xFFFFFFFF;
	(pc) =	sbr.abs _section_cstart, $3  }
0xbf: {  	[dreg:$0x1] =	wrdreg $0xFFFFFFFF  }
0xc0: {  	_ =	task.clear_ibuf [dreg:s6], $0x2FFFF;
	_ =	strace $0x9FFFFFFF  }
0xc1: {  	(tm) =	ssettm $0x7FFFFFFF  }
tec
execute0_lowered:
.L_overlay_start_1:
0x0: {  	(tag) =	ssettag $0x1  }
0x1: {  	s4 =	rddreg [dreg:$0x0]  }
0x2: {  	s0 =	rddreg [dreg:$0x1];
	s2 =	simm.s32 $0x0;
	s3 =	srdreg.scid  }
0x3: {  	s1 =	stileid.u32;
	s17 =	simm.s32 $0x3780;
	s18 =	simm.s32 $0x2F80  }
0x4: {  	s19 =	simm.s32 $0x3F80;
	s20 =	simm.s32 $0x1;
	s21 =	simm.s32 $0x2  }
0x5: {  	s22 =	simm.s32 $0x4780;
	s23 =	simm.s32 $0x3;
	s24 =	simm.s32 $0x80  }
0x6: {  	s25 =	simm.s32 $0x400;
	s28 =	simm.s32 $0x0;
	[smem:$0x7FF] =	sst s2  }
0x7: {  	s5 =	sand.u32 $0x1, s3;
	s7 =	sshrl.u32 s1, $0x3;
	s3 =	sadd.s32 $0x15400, s4  }
0x8: {  	s12 =	sadd.s32 $0xB600, s4;
	s9 =	sshll.u32 s1, $0x7;
	s6 =	smul.u32 $0x27800, s5  }
0x9: {  	s13 =	sadd.s32 $0x1800, s4;
	s7 =	smul.u32 $0x13C00, s7;
	s8 =	sshll.u32 s5, $0x4  }
0xa: {  	s26 =	sand.u32 $0x380, s9;
	s5 =	ssub.s32 $0x2, s5;
	s8 =	sor.u32 s1, s8  }
0xb: {  	s29 =	sshrl.u32 s5, $0x1;
	s6 =	sadd.s32 s6, s7;
	s8 =	smul.u32 $0x2710, s8  }
0xc: {  	_ =	strace $0x8000004D;
	s15 =	ssub.s32 s5, s29;
	s6 =	sor.u32 s26, s6  }
0xd: {  	s15 =	smax.u32 s15, $0x1;
	s6 =	sshrl.u32 s6, $0x3;
	s10 =	sshrl.u32 s8, $0x3  }
0xe: {  	s26 =	simm.s32 $0x4;
	s14 =	sadd.s32 s6, s4;
	s4 =	sadd.s32 s12, s10  }
0xf: {  	s5 =	sadd.s32 s13, s10;
	s30 =	sadd.s32 $0xFA, s10;
	s31 =	sadd.s32 $0x1F4, s10  }
0x10: {  	s11 =	sadd.s32 $0x2EE, s10;
	s16 =	sadd.s32 $0x3E8, s10;
	s6 =	sadd.s32 s12, s30  }
0x11: {  	s7 =	sadd.s32 s13, s30;
	s8 =	sadd.s32 s12, s31;
	s9 =	sadd.s32 s13, s31  }
0x12: {  	s10 =	sadd.s32 s12, s11;
	s11 =	sadd.s32 s13, s11;
	s12 =	sadd.s32 s12, s16  }
0x13: {  	v0 =	vimm.f32 $0.0e+00;
	s13 =	sadd.s32 s13, s16;
	s14 =	sadd.s32 $0x15A00, s14;
	s16 =	simm.s32 $0x2780  }
.LBB2_1:
0x14: {  	[tilespmem:s2], [sflag:$0x1] =	stream.linear.gather [hbm4b:s3+s2], $0x2780, $0x38;
	[tilespmem:$0x6F00] =	vst v63  }
0x15: {  	_ = 	snop  }
0x16: {  	[tilespmem:s16], [sflag:$0x2] =	stream.linear.gather [hbm4b:s4+s2], $0x7D0, $0x38;
	[tilespmem:$0x6F00] =	vst v63  }
0x17: {  	_ = 	snop  }
0x18: {  	[tilespmem:s17], [sflag:$0x2] =	stream.linear.gather [hbm4b:s5+s2], $0x7D0, $0x38;
	[tilespmem:$0x6F00] =	vst v63  }
0x19: {  	_ = 	snop  }
0x1a: {  	[tilespmem:s18], [sflag:$0x3] =	stream.linear.gather [hbm4b:s6+s2], $0x7D0, $0x38;
	[tilespmem:$0x6F00] =	vst v63  }
0x1b: {  	s29 =	simm.s32 $0x47C0  }
0x1c: {  	[tilespmem:s19], [sflag:$0x3] =	stream.linear.gather [hbm4b:s7+s2], $0x7D0, $0x38;
	[tilespmem:$0x6F00] =	vst v63  }
0x1d: {  	[tilespmem:s29+$0xFFFFFFC0] =	vst v0  }
0x1e: {  	[tilespmem:s29+$0x30] =	vst v0  }
0x1f: {  	[tilespmem:s29+$0x20] =	vst v0  }
0x20: {  	[tilespmem:s29+$0x10] =	vst v0  }
0x21: {  	[tilespmem:s29+$0x0] =	vst v0  }
0x22: {  	[tilespmem:s29+$0xFFFFFFF0] =	vst v0  }
0x23: {  	s30 =	simm.s32 $0x0;
	[tilespmem:s29+$0xFFFFFFE0] =	vst v0  }
.LBB2_2:
0x24: {  	s30 =	sadd.s32 $0x8, s30;
	[tilespmem:s29+$0xFFFFFFD0] =	vst v0;
	s29 =	sadd.s32 $0x80, s29  }
0x25: {  	[tilespmem:s29+$0xFFFFFFC0] =	vst v0;
	p0 =	slt.u32 s30, $0x268  }
0x26: {  	[tilespmem:s29+$0x30] =	vst v0  }
.Ltmp0:
0x27: {  	[tilespmem:s29+$0x20] =	vst v0;
	(pc) =	sbr.rel @p0 .LBB2_2-.Ltmp0, $4  }
0x28: {  	[tilespmem:s29+$0x10] =	vst v0  }
0x29: {  	[tilespmem:s29+$0x0] =	vst v0  }
0x2a: {  	[tilespmem:s29+$0xFFFFFFF0] =	vst v0  }
0x2b: {  	[tilespmem:s29+$0xFFFFFFE0] =	vst v0  }
0x2c: {  	[tilespmem:s29+$0xFFFFFFD0] =	vst v0  }
0x2d: {  	[tilespmem:$0x6E80] =	vst v0  }
0x2e: {  	_ =	swait.ge [sflag:s20], $0x2780  }
0x2f: {  	[sflag:s20] =	ssyncset.done $0x0  }
0x30: {  	[sflag:s20] =	ssyncadd.s32 $0xFFFFD880  }
0x31: {  	_ =	swait.ge [sflag:s21], $0x7D0  }
0x32: {  	[sflag:s21] =	ssyncset.done $0x0  }
0x33: {  	[sflag:s21] =	ssyncadd.s32 $0xFFFFF830  }
0x34: {  	_ =	swait.ge [sflag:s21], $0x7D0  }
0x35: {  	s29 =	simm.s32 $0xFFFFFFF8;
	[sflag:s21] =	ssyncset.done $0x0  }
0x36: {  	s30 =	simm.s32 $0x27C0;
	s31 =	simm.s32 $0x37C0;
	[sflag:s21] =	ssyncadd.s32 $0xFFFFF830  }
.LBB2_4:
0x37: {  	v1 =	vld [tilespmem:s30+$0xFFFFFFC0];
	_ =	sdelay $0x4  }
0x38: {  	v2 =	vld [tilespmem:s31+$0xFFFFFFC0];
	_ =	sdelay $0x2  }
0x39: {  	v1 =	vld.idx.msk [tilespmem:v1+s2+$0x0], $0xffff;
	_ =	sdelay $0x4  }
0x3a: {  	[tilespmem:v2+s22+$0x0] =	vst.idx.add.f32.msk $0xffff, v1  }
0x3b: {  	v1 =	vld [tilespmem:s30+$0xFFFFFFD0];
	_ =	sdelay $0x4  }
0x3c: {  	v2 =	vld [tilespmem:s31+$0xFFFFFFD0];
	_ =	sdelay $0x2  }
0x3d: {  	v1 =	vld.idx.msk [tilespmem:v1+s2+$0x0], $0xffff;
	_ =	sdelay $0x4  }
0x3e: {  	[tilespmem:v2+s22+$0x0] =	vst.idx.add.f32.msk $0xffff, v1  }
0x3f: {  	v1 =	vld [tilespmem:s30+$0xFFFFFFE0];
	_ =	sdelay $0x4  }
0x40: {  	v2 =	vld [tilespmem:s31+$0xFFFFFFE0];
	_ =	sdelay $0x2  }
0x41: {  	v1 =	vld.idx.msk [tilespmem:v1+s2+$0x0], $0xffff;
	_ =	sdelay $0x4  }
0x42: {  	[tilespmem:v2+s22+$0x0] =	vst.idx.add.f32.msk $0xffff, v1  }
0x43: {  	v1 =	vld [tilespmem:s30+$0xFFFFFFF0];
	_ =	sdelay $0x4  }
0x44: {  	v2 =	vld [tilespmem:s31+$0xFFFFFFF0];
	_ =	sdelay $0x2  }
0x45: {  	v1 =	vld.idx.msk [tilespmem:v1+s2+$0x0], $0xffff;
	_ =	sdelay $0x4  }
0x46: {  	[tilespmem:v2+s22+$0x0] =	vst.idx.add.f32.msk $0xffff, v1  }
0x47: {  	v1 =	vld [tilespmem:s30+$0x0];
	_ =	sdelay $0x4  }
0x48: {  	v2 =	vld [tilespmem:s31+$0x0];
	_ =	sdelay $0x2  }
0x49: {  	v1 =	vld.idx.msk [tilespmem:v1+s2+$0x0], $0xffff;
	_ =	sdelay $0x4  }
0x4a: {  	[tilespmem:v2+s22+$0x0] =	vst.idx.add.f32.msk $0xffff, v1  }
0x4b: {  	v1 =	vld [tilespmem:s30+$0x10];
	_ =	sdelay $0x4  }
0x4c: {  	v2 =	vld [tilespmem:s31+$0x10];
	_ =	sdelay $0x2  }
0x4d: {  	v1 =	vld.idx.msk [tilespmem:v1+s2+$0x0], $0xffff;
	_ =	sdelay $0x4  }
0x4e: {  	[tilespmem:v2+s22+$0x0] =	vst.idx.add.f32.msk $0xffff, v1  }
0x4f: {  	v1 =	vld [tilespmem:s30+$0x20];
	_ =	sdelay $0x4  }
0x50: {  	v2 =	vld [tilespmem:s31+$0x20];
	_ =	sdelay $0x2  }
0x51: {  	v1 =	vld.idx.msk [tilespmem:v1+s2+$0x0], $0xffff;
	_ =	sdelay $0x4  }
0x52: {  	[tilespmem:v2+s22+$0x0] =	vst.idx.add.f32.msk $0xffff, v1  }
0x53: {  	v1 =	vld [tilespmem:s30+$0x30];
	_ =	sdelay $0x4  }
0x54: {  	v2 =	vld [tilespmem:s31+$0x30];
	_ =	sdelay $0x1  }
0x55: {  	s29 =	sadd.s32 $0x8, s29  }
0x56: {  	p0 =	slt.u32 s29, $0x70;
	v1 =	vld.idx.msk [tilespmem:v1+s2+$0x0], $0xffff  }
.Ltmp1:
0x57: {  	_ = 	snop;
	(pc) =	sbr.rel @p0 .LBB2_4-.Ltmp1, $2  }
0x58: {  	_ =	sdelay $0x2  }
0x59: {  	s30 =	sadd.s32 $0x80, s30;
	s31 =	sadd.s32 $0x80, s31;
	[tilespmem:v2+s22+$0x0] =	vst.idx.add.f32.msk $0xffff, v1  }
0x5a: {  	v1 =	vld [tilespmem:$0x2F00];
	_ =	sdelay $0x4  }
0x5b: {  	v2 =	vld [tilespmem:$0x3F00];
	_ =	sdelay $0x2  }
0x5c: {  	v1 =	vld.idx.msk [tilespmem:v1+s2+$0x0], $0xffff;
	_ =	sdelay $0x4  }
0x5d: {  	[tilespmem:v2+s22+$0x0] =	vst.idx.add.f32.msk $0xffff, v1  }
0x5e: {  	v1 =	vld [tilespmem:$0x2F10];
	_ =	sdelay $0x4  }
0x5f: {  	v2 =	vld [tilespmem:$0x3F10];
	_ =	sdelay $0x2  }
0x60: {  	v1 =	vld.idx.msk [tilespmem:v1+s2+$0x0], $0xffff;
	_ =	sdelay $0x4  }
0x61: {  	[tilespmem:v2+s22+$0x0] =	vst.idx.add.f32.msk $0xffff, v1  }
0x62: {  	v1 =	vld [tilespmem:$0x2F20];
	_ =	sdelay $0x4  }
0x63: {  	v2 =	vld [tilespmem:$0x3F20];
	_ =	sdelay $0x2  }
0x64: {  	v1 =	vld.idx.msk [tilespmem:v1+s2+$0x0], $0xffff;
	_ =	sdelay $0x4  }
0x65: {  	[tilespmem:v2+s22+$0x0] =	vst.idx.add.f32.msk $0xffff, v1  }
0x66: {  	v1 =	vld [tilespmem:$0x2F30];
	_ =	sdelay $0x4  }
0x67: {  	v2 =	vld [tilespmem:$0x3F30];
	_ =	sdelay $0x2  }
0x68: {  	v1 =	vld.idx.msk [tilespmem:v1+s2+$0x0], $0xffff;
	_ =	sdelay $0x4  }
0x69: {  	[tilespmem:v2+s22+$0x0] =	vst.idx.add.f32.msk $0xffff, v1  }
0x6a: {  	v1 =	vld [tilespmem:$0x2F40];
	_ =	sdelay $0x4  }
0x6b: {  	v2 =	vld [tilespmem:$0x3F40];
	_ =	sdelay $0x2  }
0x6c: {  	v1 =	vld.idx.msk [tilespmem:v1+s2+$0x0], $0xffff;
	_ =	sdelay $0x4  }
0x6d: {  	[tilespmem:v2+s22+$0x0] =	vst.idx.add.f32.msk $0xffff, v1  }
0x6e: {  	[tilespmem:s16], [sflag:$0x2] =	stream.linear.gather [hbm4b:s8+s2], $0x7D0, $0x38;
	[tilespmem:$0x6F00] =	vst v63  }
0x6f: {  	_ = 	snop  }
0x70: {  	[tilespmem:s17], [sflag:$0x2] =	stream.linear.gather [hbm4b:s9+s2], $0x7D0, $0x38;
	[tilespmem:$0x6F00] =	vst v63  }
0x71: {  	_ =	swait.ge [sflag:s23], $0x7D0  }
0x72: {  	[sflag:s23] =	ssyncset.done $0x0  }
0x73: {  	[sflag:s23] =	ssyncadd.s32 $0xFFFFF830  }
0x74: {  	_ =	swait.ge [sflag:s23], $0x7D0  }
0x75: {  	s29 =	simm.s32 $0xFFFFFFF8;
	[sflag:s23] =	ssyncset.done $0x0  }
0x76: {  	s30 =	simm.s32 $0x2FC0;
	s31 =	simm.s32 $0x3FC0;
	[sflag:s23] =	ssyncadd.s32 $0xFFFFF830  }
.LBB2_6:
0x77: {  	v1 =	vld [tilespmem:s30+$0xFFFFFFC0];
	_ =	sdelay $0x4  }
0x78: {  	v2 =	vld [tilespmem:s31+$0xFFFFFFC0];
	_ =	sdelay $0x2  }
0x79: {  	v1 =	vld.idx.msk [tilespmem:v1+s2+$0x0], $0xffff;
	_ =	sdelay $0x4  }
0x7a: {  	[tilespmem:v2+s22+$0x0] =	vst.idx.add.f32.msk $0xffff, v1  }
0x7b: {  	v1 =	vld [tilespmem:s30+$0xFFFFFFD0];
	_ =	sdelay $0x4  }
0x7c: {  	v2 =	vld [tilespmem:s31+$0xFFFFFFD0];
	_ =	sdelay $0x2  }
0x7d: {  	v1 =	vld.idx.msk [tilespmem:v1+s2+$0x0], $0xffff;
	_ =	sdelay $0x4  }
0x7e: {  	[tilespmem:v2+s22+$0x0] =	vst.idx.add.f32.msk $0xffff, v1  }
0x7f: {  	v1 =	vld [tilespmem:s30+$0xFFFFFFE0];
	_ =	sdelay $0x4  }
0x80: {  	v2 =	vld [tilespmem:s31+$0xFFFFFFE0];
	_ =	sdelay $0x2  }
0x81: {  	v1 =	vld.idx.msk [tilespmem:v1+s2+$0x0], $0xffff;
	_ =	sdelay $0x4  }
0x82: {  	[tilespmem:v2+s22+$0x0] =	vst.idx.add.f32.msk $0xffff, v1  }
0x83: {  	v1 =	vld [tilespmem:s30+$0xFFFFFFF0];
	_ =	sdelay $0x4  }
0x84: {  	v2 =	vld [tilespmem:s31+$0xFFFFFFF0];
	_ =	sdelay $0x2  }
0x85: {  	v1 =	vld.idx.msk [tilespmem:v1+s2+$0x0], $0xffff;
	_ =	sdelay $0x4  }
0x86: {  	[tilespmem:v2+s22+$0x0] =	vst.idx.add.f32.msk $0xffff, v1  }
0x87: {  	v1 =	vld [tilespmem:s30+$0x0];
	_ =	sdelay $0x4  }
0x88: {  	v2 =	vld [tilespmem:s31+$0x0];
	_ =	sdelay $0x2  }
0x89: {  	v1 =	vld.idx.msk [tilespmem:v1+s2+$0x0], $0xffff;
	_ =	sdelay $0x4  }
0x8a: {  	[tilespmem:v2+s22+$0x0] =	vst.idx.add.f32.msk $0xffff, v1  }
0x8b: {  	v1 =	vld [tilespmem:s30+$0x10];
	_ =	sdelay $0x4  }
0x8c: {  	v2 =	vld [tilespmem:s31+$0x10];
	_ =	sdelay $0x2  }
0x8d: {  	v1 =	vld.idx.msk [tilespmem:v1+s2+$0x0], $0xffff;
	_ =	sdelay $0x4  }
0x8e: {  	[tilespmem:v2+s22+$0x0] =	vst.idx.add.f32.msk $0xffff, v1  }
0x8f: {  	v1 =	vld [tilespmem:s30+$0x20];
	_ =	sdelay $0x4  }
0x90: {  	v2 =	vld [tilespmem:s31+$0x20];
	_ =	sdelay $0x2  }
0x91: {  	v1 =	vld.idx.msk [tilespmem:v1+s2+$0x0], $0xffff;
	_ =	sdelay $0x4  }
0x92: {  	[tilespmem:v2+s22+$0x0] =	vst.idx.add.f32.msk $0xffff, v1  }
0x93: {  	v1 =	vld [tilespmem:s30+$0x30];
	_ =	sdelay $0x4  }
0x94: {  	v2 =	vld [tilespmem:s31+$0x30];
	_ =	sdelay $0x1  }
0x95: {  	s29 =	sadd.s32 $0x8, s29  }
0x96: {  	p0 =	slt.u32 s29, $0x70;
	v1 =	vld.idx.msk [tilespmem:v1+s2+$0x0], $0xffff  }
.Ltmp2:
0x97: {  	_ = 	snop;
	(pc) =	sbr.rel @p0 .LBB2_6-.Ltmp2, $2  }
0x98: {  	_ =	sdelay $0x2  }
0x99: {  	s30 =	sadd.s32 $0x80, s30;
	s31 =	sadd.s32 $0x80, s31;
	[tilespmem:v2+s22+$0x0] =	vst.idx.add.f32.msk $0xffff, v1  }
0x9a: {  	v1 =	vld [tilespmem:$0x3700];
	_ =	sdelay $0x4  }
0x9b: {  	v2 =	vld [tilespmem:$0x4700];
	_ =	sdelay $0x2  }
0x9c: {  	v1 =	vld.idx.msk [tilespmem:v1+s2+$0x0], $0xffff;
	_ =	sdelay $0x4  }
0x9d: {  	[tilespmem:v2+s22+$0x0] =	vst.idx.add.f32.msk $0xffff, v1  }
0x9e: {  	v1 =	vld [tilespmem:$0x3710];
	_ =	sdelay $0x4  }
0x9f: {  	v2 =	vld [tilespmem:$0x4710];
	_ =	sdelay $0x2  }
0xa0: {  	v1 =	vld.idx.msk [tilespmem:v1+s2+$0x0], $0xffff;
	_ =	sdelay $0x4  }
0xa1: {  	[tilespmem:v2+s22+$0x0] =	vst.idx.add.f32.msk $0xffff, v1  }
0xa2: {  	v1 =	vld [tilespmem:$0x3720];
	_ =	sdelay $0x4  }
0xa3: {  	v2 =	vld [tilespmem:$0x4720];
	_ =	sdelay $0x2  }
0xa4: {  	v1 =	vld.idx.msk [tilespmem:v1+s2+$0x0], $0xffff;
	_ =	sdelay $0x4  }
0xa5: {  	[tilespmem:v2+s22+$0x0] =	vst.idx.add.f32.msk $0xffff, v1  }
0xa6: {  	v1 =	vld [tilespmem:$0x3730];
	_ =	sdelay $0x4  }
0xa7: {  	v2 =	vld [tilespmem:$0x4730];
	_ =	sdelay $0x2  }
0xa8: {  	v1 =	vld.idx.msk [tilespmem:v1+s2+$0x0], $0xffff;
	_ =	sdelay $0x4  }
0xa9: {  	[tilespmem:v2+s22+$0x0] =	vst.idx.add.f32.msk $0xffff, v1  }
0xaa: {  	v1 =	vld [tilespmem:$0x3740];
	_ =	sdelay $0x4  }
0xab: {  	v2 =	vld [tilespmem:$0x4740];
	_ =	sdelay $0x2  }
0xac: {  	v1 =	vld.idx.msk [tilespmem:v1+s2+$0x0], $0xffff;
	_ =	sdelay $0x4  }
0xad: {  	[tilespmem:v2+s22+$0x0] =	vst.idx.add.f32.msk $0xffff, v1  }
0xae: {  	[tilespmem:s18], [sflag:$0x3] =	stream.linear.gather [hbm4b:s10+s2], $0x7D0, $0x38;
	[tilespmem:$0x6F00] =	vst v63  }
0xaf: {  	_ = 	snop  }
0xb0: {  	[tilespmem:s19], [sflag:$0x3] =	stream.linear.gather [hbm4b:s11+s2], $0x7D0, $0x38;
	[tilespmem:$0x6F00] =	vst v63  }
0xb1: {  	_ =	swait.ge [sflag:s21], $0x7D0  }
0xb2: {  	[sflag:s21] =	ssyncset.done $0x0  }
0xb3: {  	[sflag:s21] =	ssyncadd.s32 $0xFFFFF830  }
0xb4: {  	_ =	swait.ge [sflag:s21], $0x7D0  }
0xb5: {  	s29 =	simm.s32 $0xFFFFFFF8;
	[sflag:s21] =	ssyncset.done $0x0  }
0xb6: {  	s30 =	simm.s32 $0x27C0;
	s31 =	simm.s32 $0x37C0;
	[sflag:s21] =	ssyncadd.s32 $0xFFFFF830  }
.LBB2_8:
0xb7: {  	v1 =	vld [tilespmem:s30+$0xFFFFFFC0];
	_ =	sdelay $0x4  }
0xb8: {  	v2 =	vld [tilespmem:s31+$0xFFFFFFC0];
	_ =	sdelay $0x2  }
0xb9: {  	v1 =	vld.idx.msk [tilespmem:v1+s2+$0x0], $0xffff;
	_ =	sdelay $0x4  }
0xba: {  	[tilespmem:v2+s22+$0x0] =	vst.idx.add.f32.msk $0xffff, v1  }
0xbb: {  	v1 =	vld [tilespmem:s30+$0xFFFFFFD0];
	_ =	sdelay $0x4  }
0xbc: {  	v2 =	vld [tilespmem:s31+$0xFFFFFFD0];
	_ =	sdelay $0x2  }
0xbd: {  	v1 =	vld.idx.msk [tilespmem:v1+s2+$0x0], $0xffff;
	_ =	sdelay $0x4  }
0xbe: {  	[tilespmem:v2+s22+$0x0] =	vst.idx.add.f32.msk $0xffff, v1  }
0xbf: {  	v1 =	vld [tilespmem:s30+$0xFFFFFFE0];
	_ =	sdelay $0x4  }
0xc0: {  	v2 =	vld [tilespmem:s31+$0xFFFFFFE0];
	_ =	sdelay $0x2  }
0xc1: {  	v1 =	vld.idx.msk [tilespmem:v1+s2+$0x0], $0xffff;
	_ =	sdelay $0x4  }
0xc2: {  	[tilespmem:v2+s22+$0x0] =	vst.idx.add.f32.msk $0xffff, v1  }
0xc3: {  	v1 =	vld [tilespmem:s30+$0xFFFFFFF0];
	_ =	sdelay $0x4  }
0xc4: {  	v2 =	vld [tilespmem:s31+$0xFFFFFFF0];
	_ =	sdelay $0x2  }
0xc5: {  	v1 =	vld.idx.msk [tilespmem:v1+s2+$0x0], $0xffff;
	_ =	sdelay $0x4  }
0xc6: {  	[tilespmem:v2+s22+$0x0] =	vst.idx.add.f32.msk $0xffff, v1  }
0xc7: {  	v1 =	vld [tilespmem:s30+$0x0];
	_ =	sdelay $0x4  }
0xc8: {  	v2 =	vld [tilespmem:s31+$0x0];
	_ =	sdelay $0x2  }
0xc9: {  	v1 =	vld.idx.msk [tilespmem:v1+s2+$0x0], $0xffff;
	_ =	sdelay $0x4  }
0xca: {  	[tilespmem:v2+s22+$0x0] =	vst.idx.add.f32.msk $0xffff, v1  }
0xcb: {  	v1 =	vld [tilespmem:s30+$0x10];
	_ =	sdelay $0x4  }
0xcc: {  	v2 =	vld [tilespmem:s31+$0x10];
	_ =	sdelay $0x2  }
0xcd: {  	v1 =	vld.idx.msk [tilespmem:v1+s2+$0x0], $0xffff;
	_ =	sdelay $0x4  }
0xce: {  	[tilespmem:v2+s22+$0x0] =	vst.idx.add.f32.msk $0xffff, v1  }
0xcf: {  	v1 =	vld [tilespmem:s30+$0x20];
	_ =	sdelay $0x4  }
0xd0: {  	v2 =	vld [tilespmem:s31+$0x20];
	_ =	sdelay $0x2  }
0xd1: {  	v1 =	vld.idx.msk [tilespmem:v1+s2+$0x0], $0xffff;
	_ =	sdelay $0x4  }
0xd2: {  	[tilespmem:v2+s22+$0x0] =	vst.idx.add.f32.msk $0xffff, v1  }
0xd3: {  	v1 =	vld [tilespmem:s30+$0x30];
	_ =	sdelay $0x4  }
0xd4: {  	v2 =	vld [tilespmem:s31+$0x30];
	_ =	sdelay $0x1  }
0xd5: {  	s29 =	sadd.s32 $0x8, s29  }
0xd6: {  	p0 =	slt.u32 s29, $0x70;
	v1 =	vld.idx.msk [tilespmem:v1+s2+$0x0], $0xffff  }
.Ltmp3:
0xd7: {  	_ = 	snop;
	(pc) =	sbr.rel @p0 .LBB2_8-.Ltmp3, $2  }
0xd8: {  	_ =	sdelay $0x2  }
0xd9: {  	s30 =	sadd.s32 $0x80, s30;
	s31 =	sadd.s32 $0x80, s31;
	[tilespmem:v2+s22+$0x0] =	vst.idx.add.f32.msk $0xffff, v1  }
0xda: {  	v1 =	vld [tilespmem:$0x2F00];
	_ =	sdelay $0x4  }
0xdb: {  	v2 =	vld [tilespmem:$0x3F00];
	_ =	sdelay $0x2  }
0xdc: {  	v1 =	vld.idx.msk [tilespmem:v1+s2+$0x0], $0xffff;
	_ =	sdelay $0x4  }
0xdd: {  	[tilespmem:v2+s22+$0x0] =	vst.idx.add.f32.msk $0xffff, v1  }
0xde: {  	v1 =	vld [tilespmem:$0x2F10];
	_ =	sdelay $0x4  }
0xdf: {  	v2 =	vld [tilespmem:$0x3F10];
	_ =	sdelay $0x2  }
0xe0: {  	v1 =	vld.idx.msk [tilespmem:v1+s2+$0x0], $0xffff;
	_ =	sdelay $0x4  }
0xe1: {  	[tilespmem:v2+s22+$0x0] =	vst.idx.add.f32.msk $0xffff, v1  }
0xe2: {  	v1 =	vld [tilespmem:$0x2F20];
	_ =	sdelay $0x4  }
0xe3: {  	v2 =	vld [tilespmem:$0x3F20];
	_ =	sdelay $0x2  }
0xe4: {  	v1 =	vld.idx.msk [tilespmem:v1+s2+$0x0], $0xffff;
	_ =	sdelay $0x4  }
0xe5: {  	[tilespmem:v2+s22+$0x0] =	vst.idx.add.f32.msk $0xffff, v1  }
0xe6: {  	v1 =	vld [tilespmem:$0x2F30];
	_ =	sdelay $0x4  }
0xe7: {  	v2 =	vld [tilespmem:$0x3F30];
	_ =	sdelay $0x2  }
0xe8: {  	v1 =	vld.idx.msk [tilespmem:v1+s2+$0x0], $0xffff;
	_ =	sdelay $0x4  }
0xe9: {  	[tilespmem:v2+s22+$0x0] =	vst.idx.add.f32.msk $0xffff, v1  }
0xea: {  	v1 =	vld [tilespmem:$0x2F40];
	_ =	sdelay $0x4  }
0xeb: {  	v2 =	vld [tilespmem:$0x3F40];
	_ =	sdelay $0x2  }
0xec: {  	v1 =	vld.idx.msk [tilespmem:v1+s2+$0x0], $0xffff;
	_ =	sdelay $0x4  }
0xed: {  	[tilespmem:v2+s22+$0x0] =	vst.idx.add.f32.msk $0xffff, v1  }
0xee: {  	[tilespmem:s16], [sflag:$0x2] =	stream.linear.gather [hbm4b:s12+s2], $0x7D0, $0x38;
	[tilespmem:$0x6F00] =	vst v63  }
0xef: {  	_ = 	snop  }
0xf0: {  	[tilespmem:s17], [sflag:$0x2] =	stream.linear.gather [hbm4b:s13+s2], $0x7D0, $0x38;
	[tilespmem:$0x6F00] =	vst v63  }
0xf1: {  	_ =	swait.ge [sflag:s23], $0x7D0  }
0xf2: {  	[sflag:s23] =	ssyncset.done $0x0  }
0xf3: {  	[sflag:s23] =	ssyncadd.s32 $0xFFFFF830  }
0xf4: {  	_ =	swait.ge [sflag:s23], $0x7D0  }
0xf5: {  	s29 =	simm.s32 $0xFFFFFFF8;
	[sflag:s23] =	ssyncset.done $0x0  }
0xf6: {  	s30 =	simm.s32 $0x2FC0;
	s31 =	simm.s32 $0x3FC0;
	[sflag:s23] =	ssyncadd.s32 $0xFFFFF830  }
.LBB2_10:
0xf7: {  	v1 =	vld [tilespmem:s30+$0xFFFFFFC0];
	_ =	sdelay $0x4  }
0xf8: {  	v2 =	vld [tilespmem:s31+$0xFFFFFFC0];
	_ =	sdelay $0x2  }
0xf9: {  	v1 =	vld.idx.msk [tilespmem:v1+s2+$0x0], $0xffff;
	_ =	sdelay $0x4  }
0xfa: {  	[tilespmem:v2+s22+$0x0] =	vst.idx.add.f32.msk $0xffff, v1  }
0xfb: {  	v1 =	vld [tilespmem:s30+$0xFFFFFFD0];
	_ =	sdelay $0x4  }
0xfc: {  	v2 =	vld [tilespmem:s31+$0xFFFFFFD0];
	_ =	sdelay $0x2  }
0xfd: {  	v1 =	vld.idx.msk [tilespmem:v1+s2+$0x0], $0xffff;
	_ =	sdelay $0x4  }
0xfe: {  	[tilespmem:v2+s22+$0x0] =	vst.idx.add.f32.msk $0xffff, v1  }
0xff: {  	v1 =	vld [tilespmem:s30+$0xFFFFFFE0];
	_ =	sdelay $0x4  }
0x100: {  	v2 =	vld [tilespmem:s31+$0xFFFFFFE0];
	_ =	sdelay $0x2  }
0x101: {  	v1 =	vld.idx.msk [tilespmem:v1+s2+$0x0], $0xffff;
	_ =	sdelay $0x4  }
0x102: {  	[tilespmem:v2+s22+$0x0] =	vst.idx.add.f32.msk $0xffff, v1  }
0x103: {  	v1 =	vld [tilespmem:s30+$0xFFFFFFF0];
	_ =	sdelay $0x4  }
0x104: {  	v2 =	vld [tilespmem:s31+$0xFFFFFFF0];
	_ =	sdelay $0x2  }
0x105: {  	v1 =	vld.idx.msk [tilespmem:v1+s2+$0x0], $0xffff;
	_ =	sdelay $0x4  }
0x106: {  	[tilespmem:v2+s22+$0x0] =	vst.idx.add.f32.msk $0xffff, v1  }
0x107: {  	v1 =	vld [tilespmem:s30+$0x0];
	_ =	sdelay $0x4  }
0x108: {  	v2 =	vld [tilespmem:s31+$0x0];
	_ =	sdelay $0x2  }
0x109: {  	v1 =	vld.idx.msk [tilespmem:v1+s2+$0x0], $0xffff;
	_ =	sdelay $0x4  }
0x10a: {  	[tilespmem:v2+s22+$0x0] =	vst.idx.add.f32.msk $0xffff, v1  }
0x10b: {  	v1 =	vld [tilespmem:s30+$0x10];
	_ =	sdelay $0x4  }
0x10c: {  	v2 =	vld [tilespmem:s31+$0x10];
	_ =	sdelay $0x2  }
0x10d: {  	v1 =	vld.idx.msk [tilespmem:v1+s2+$0x0], $0xffff;
	_ =	sdelay $0x4  }
0x10e: {  	[tilespmem:v2+s22+$0x0] =	vst.idx.add.f32.msk $0xffff, v1  }
0x10f: {  	v1 =	vld [tilespmem:s30+$0x20];
	_ =	sdelay $0x4  }
0x110: {  	v2 =	vld [tilespmem:s31+$0x20];
	_ =	sdelay $0x2  }
0x111: {  	v1 =	vld.idx.msk [tilespmem:v1+s2+$0x0], $0xffff;
	_ =	sdelay $0x4  }
0x112: {  	[tilespmem:v2+s22+$0x0] =	vst.idx.add.f32.msk $0xffff, v1  }
0x113: {  	v1 =	vld [tilespmem:s30+$0x30];
	_ =	sdelay $0x4  }
0x114: {  	v2 =	vld [tilespmem:s31+$0x30];
	_ =	sdelay $0x1  }
0x115: {  	s29 =	sadd.s32 $0x8, s29  }
0x116: {  	p0 =	slt.u32 s29, $0x70;
	v1 =	vld.idx.msk [tilespmem:v1+s2+$0x0], $0xffff  }
.Ltmp4:
0x117: {  	_ = 	snop;
	(pc) =	sbr.rel @p0 .LBB2_10-.Ltmp4, $2  }
0x118: {  	_ =	sdelay $0x2  }
0x119: {  	s30 =	sadd.s32 $0x80, s30;
	s31 =	sadd.s32 $0x80, s31;
	[tilespmem:v2+s22+$0x0] =	vst.idx.add.f32.msk $0xffff, v1  }
0x11a: {  	v1 =	vld [tilespmem:$0x3700];
	_ =	sdelay $0x4  }
0x11b: {  	v2 =	vld [tilespmem:$0x4700];
	_ =	sdelay $0x2  }
0x11c: {  	v1 =	vld.idx.msk [tilespmem:v1+s2+$0x0], $0xffff;
	_ =	sdelay $0x4  }
0x11d: {  	[tilespmem:v2+s22+$0x0] =	vst.idx.add.f32.msk $0xffff, v1  }
0x11e: {  	v1 =	vld [tilespmem:$0x3710];
	_ =	sdelay $0x4  }
0x11f: {  	v2 =	vld [tilespmem:$0x4710];
	_ =	sdelay $0x2  }
0x120: {  	v1 =	vld.idx.msk [tilespmem:v1+s2+$0x0], $0xffff;
	_ =	sdelay $0x4  }
0x121: {  	[tilespmem:v2+s22+$0x0] =	vst.idx.add.f32.msk $0xffff, v1  }
0x122: {  	v1 =	vld [tilespmem:$0x3720];
	_ =	sdelay $0x4  }
0x123: {  	v2 =	vld [tilespmem:$0x4720];
	_ =	sdelay $0x2  }
0x124: {  	v1 =	vld.idx.msk [tilespmem:v1+s2+$0x0], $0xffff;
	_ =	sdelay $0x4  }
0x125: {  	[tilespmem:v2+s22+$0x0] =	vst.idx.add.f32.msk $0xffff, v1  }
0x126: {  	v1 =	vld [tilespmem:$0x3730];
	_ =	sdelay $0x4  }
0x127: {  	v2 =	vld [tilespmem:$0x4730];
	_ =	sdelay $0x2  }
0x128: {  	v1 =	vld.idx.msk [tilespmem:v1+s2+$0x0], $0xffff;
	_ =	sdelay $0x4  }
0x129: {  	[tilespmem:v2+s22+$0x0] =	vst.idx.add.f32.msk $0xffff, v1  }
0x12a: {  	v1 =	vld [tilespmem:$0x3740];
	_ =	sdelay $0x4  }
0x12b: {  	v2 =	vld [tilespmem:$0x4740];
	_ =	sdelay $0x2  }
0x12c: {  	v1 =	vld.idx.msk [tilespmem:v1+s2+$0x0], $0xffff;
	_ =	sdelay $0x4  }
0x12d: {  	[tilespmem:v2+s22+$0x0] =	vst.idx.add.f32.msk $0xffff, v1  }
0x12e: {  	_ =	swait.ge [sflag:s21], $0x7D0  }
0x12f: {  	[sflag:s21] =	ssyncset.done $0x0  }
0x130: {  	[sflag:s21] =	ssyncadd.s32 $0xFFFFF830  }
0x131: {  	_ =	swait.ge [sflag:s21], $0x7D0  }
0x132: {  	s29 =	simm.s32 $0xFFFFFFF8;
	[sflag:s21] =	ssyncset.done $0x0  }
0x133: {  	s30 =	simm.s32 $0x27C0;
	s31 =	simm.s32 $0x37C0;
	[sflag:s21] =	ssyncadd.s32 $0xFFFFF830  }
.LBB2_12:
0x134: {  	v1 =	vld [tilespmem:s30+$0xFFFFFFC0];
	_ =	sdelay $0x4  }
0x135: {  	v2 =	vld [tilespmem:s31+$0xFFFFFFC0];
	_ =	sdelay $0x2  }
0x136: {  	v1 =	vld.idx.msk [tilespmem:v1+s2+$0x0], $0xffff;
	_ =	sdelay $0x4  }
0x137: {  	[tilespmem:v2+s22+$0x0] =	vst.idx.add.f32.msk $0xffff, v1  }
0x138: {  	v1 =	vld [tilespmem:s30+$0xFFFFFFD0];
	_ =	sdelay $0x4  }
0x139: {  	v2 =	vld [tilespmem:s31+$0xFFFFFFD0];
	_ =	sdelay $0x2  }
0x13a: {  	v1 =	vld.idx.msk [tilespmem:v1+s2+$0x0], $0xffff;
	_ =	sdelay $0x4  }
0x13b: {  	[tilespmem:v2+s22+$0x0] =	vst.idx.add.f32.msk $0xffff, v1  }
0x13c: {  	v1 =	vld [tilespmem:s30+$0xFFFFFFE0];
	_ =	sdelay $0x4  }
0x13d: {  	v2 =	vld [tilespmem:s31+$0xFFFFFFE0];
	_ =	sdelay $0x2  }
0x13e: {  	v1 =	vld.idx.msk [tilespmem:v1+s2+$0x0], $0xffff;
	_ =	sdelay $0x4  }
0x13f: {  	[tilespmem:v2+s22+$0x0] =	vst.idx.add.f32.msk $0xffff, v1  }
0x140: {  	v1 =	vld [tilespmem:s30+$0xFFFFFFF0];
	_ =	sdelay $0x4  }
0x141: {  	v2 =	vld [tilespmem:s31+$0xFFFFFFF0];
	_ =	sdelay $0x2  }
0x142: {  	v1 =	vld.idx.msk [tilespmem:v1+s2+$0x0], $0xffff;
	_ =	sdelay $0x4  }
0x143: {  	[tilespmem:v2+s22+$0x0] =	vst.idx.add.f32.msk $0xffff, v1  }
0x144: {  	v1 =	vld [tilespmem:s30+$0x0];
	_ =	sdelay $0x4  }
0x145: {  	v2 =	vld [tilespmem:s31+$0x0];
	_ =	sdelay $0x2  }
0x146: {  	v1 =	vld.idx.msk [tilespmem:v1+s2+$0x0], $0xffff;
	_ =	sdelay $0x4  }
0x147: {  	[tilespmem:v2+s22+$0x0] =	vst.idx.add.f32.msk $0xffff, v1  }
0x148: {  	v1 =	vld [tilespmem:s30+$0x10];
	_ =	sdelay $0x4  }
0x149: {  	v2 =	vld [tilespmem:s31+$0x10];
	_ =	sdelay $0x2  }
0x14a: {  	v1 =	vld.idx.msk [tilespmem:v1+s2+$0x0], $0xffff;
	_ =	sdelay $0x4  }
0x14b: {  	[tilespmem:v2+s22+$0x0] =	vst.idx.add.f32.msk $0xffff, v1  }
0x14c: {  	v1 =	vld [tilespmem:s30+$0x20];
	_ =	sdelay $0x4  }
0x14d: {  	v2 =	vld [tilespmem:s31+$0x20];
	_ =	sdelay $0x2  }
0x14e: {  	v1 =	vld.idx.msk [tilespmem:v1+s2+$0x0], $0xffff;
	_ =	sdelay $0x4  }
0x14f: {  	[tilespmem:v2+s22+$0x0] =	vst.idx.add.f32.msk $0xffff, v1  }
0x150: {  	v1 =	vld [tilespmem:s30+$0x30];
	_ =	sdelay $0x4  }
0x151: {  	v2 =	vld [tilespmem:s31+$0x30];
	_ =	sdelay $0x1  }
0x152: {  	s29 =	sadd.s32 $0x8, s29  }
0x153: {  	p0 =	slt.u32 s29, $0x70;
	v1 =	vld.idx.msk [tilespmem:v1+s2+$0x0], $0xffff  }
.Ltmp5:
0x154: {  	_ = 	snop;
	(pc) =	sbr.rel @p0 .LBB2_12-.Ltmp5, $2  }
0x155: {  	_ =	sdelay $0x2  }
0x156: {  	s30 =	sadd.s32 $0x80, s30;
	s31 =	sadd.s32 $0x80, s31;
	[tilespmem:v2+s22+$0x0] =	vst.idx.add.f32.msk $0xffff, v1  }
0x157: {  	v1 =	vld [tilespmem:$0x2F00];
	_ =	sdelay $0x4  }
0x158: {  	v2 =	vld [tilespmem:$0x3F00];
	_ =	sdelay $0x2  }
0x159: {  	v1 =	vld.idx.msk [tilespmem:v1+s2+$0x0], $0xffff;
	_ =	sdelay $0x4  }
0x15a: {  	[tilespmem:v2+s22+$0x0] =	vst.idx.add.f32.msk $0xffff, v1  }
0x15b: {  	v1 =	vld [tilespmem:$0x2F10];
	_ =	sdelay $0x4  }
0x15c: {  	v2 =	vld [tilespmem:$0x3F10];
	_ =	sdelay $0x2  }
0x15d: {  	v1 =	vld.idx.msk [tilespmem:v1+s2+$0x0], $0xffff;
	_ =	sdelay $0x4  }
0x15e: {  	[tilespmem:v2+s22+$0x0] =	vst.idx.add.f32.msk $0xffff, v1  }
0x15f: {  	v1 =	vld [tilespmem:$0x2F20];
	_ =	sdelay $0x4  }
0x160: {  	v2 =	vld [tilespmem:$0x3F20];
	_ =	sdelay $0x2  }
0x161: {  	v1 =	vld.idx.msk [tilespmem:v1+s2+$0x0], $0xffff;
	_ =	sdelay $0x4  }
0x162: {  	[tilespmem:v2+s22+$0x0] =	vst.idx.add.f32.msk $0xffff, v1  }
0x163: {  	v1 =	vld [tilespmem:$0x2F30];
	_ =	sdelay $0x4  }
0x164: {  	v2 =	vld [tilespmem:$0x3F30];
	_ =	sdelay $0x2  }
0x165: {  	v1 =	vld.idx.msk [tilespmem:v1+s2+$0x0], $0xffff;
	_ =	sdelay $0x4  }
0x166: {  	[tilespmem:v2+s22+$0x0] =	vst.idx.add.f32.msk $0xffff, v1  }
0x167: {  	v1 =	vld [tilespmem:$0x2F40];
	_ =	sdelay $0x4  }
0x168: {  	v2 =	vld [tilespmem:$0x3F40];
	_ =	sdelay $0x2  }
0x169: {  	v1 =	vld.idx.msk [tilespmem:v1+s2+$0x0], $0xffff;
	_ =	sdelay $0x2  }
0x16a: {  	s28 =	sadd.s32 $0x1, s28  }
0x16b: {  	p0 =	sne.s32 s28, s15  }
.Ltmp6:
0x16c: {  	[tilespmem:v2+s22+$0x0] =	vst.idx.add.f32.msk $0xffff, v1;
	(pc) =	sbr.rel @p0 .LBB2_1-.Ltmp6, $4  }
0x16d: {  	[hbm4b:s14+s24] =	stream.strided.scatter [tilespmem:s22], [sflag:$0x4], $0x2780, s25, s24, $0x38;
	[tilespmem:$0x6F00] =	vst v63  }
0x16e: {  	_ =	swait.ge [sflag:s26], $0x2780  }
0x16f: {  	[sflag:s26] =	ssyncset.done $0x0  }
0x170: {  	[sflag:s26] =	ssyncadd.s32 $0xFFFFD880  }
0x171: {  	_ =	sfence.sel $0x180000  }
0x172: {  	[bflag:$0x0] =	sbarrier.arrive $0xFFFF  }
0x173: {  	p0 =	sne.s32 s1, $0x0;
	_ =	strace $0x9000004D  }
0x174: {  	s0 =	sadd.s32 @!p0 $0x100000, s0;
	[bflag:$0x2] =	sbarrier.arrive $0xFFFF  }
0x175: {  	[sflag:s0] =	ssyncadd.tile.s32 @!p0 $0x1;
	_ =	shalt  }
.Lfunc_end2:
_tile_overlayer_lowered:
.L_overlay_start_2:
0x176: {  	(tag) =	ssettag $0x2  }
0x177: {  	s0 =	rddreg [dreg:$0x0];
	s2 =	stileid.u32  }
0x178: {  	s1 =	rddreg [dreg:$0x1];
	p0 =	sne.s32 s2, $0x0  }
0x179: {  	s3 =	rddreg [dreg:$0x2];
	[bflag:$0x3] =	sbarrier.arrive $0xFFFF;
	s2 =	simm.s32 @!p0 $0x1C04  }
0x17a: {  	[timem:s3], [sflag:s2] =	dma.local @!p0 [hbm:s0], s1  }
0x17b: {  	s0 =	simm.s32 @!p0 $0x4  }
0x17c: {  	_ =	swait.ge @!p0 [sflag:s0], s1  }
0x17d: {  	s1 =	ssub.s32 @!p0 $0x0, s1;
	[sflag:s0] =	ssyncset.done @!p0 $0x0  }
0x17e: {  	[sflag:s0] =	ssyncadd.s32 @!p0 s1  }
0x17f: {  	[bflag:$0x3] =	sbarrier.arrive $0xFFFF  }
0x180: {  	_ =	shalt  }

// kernel: kernel.8.cloned.1.call-start
scs
__scs_entry_jumppad:
0x0: {  	(pc) =	sbr.rel $0x88, $3  }
0x1: {  	(tag) =	ssettag $0x0;
	lr =	simm.s32 $0x1  }
0x2: {  	[smem:$0x3F9B] =	sst lr;
	_ =	strace $0xD0000000  }
0x3: {  	_ = 	snop  }
0x4: {  	_ = 	snop  }
0x5: {  	_ = 	snop  }
0x6: {  	_ = 	snop  }
0x7: {  	_ = 	snop  }
__scs_overlays_trampoline_lowered:
0x8: {  	[smem:$0x3FAA] =	sst s0  }
0x9: {  	[smem:$0x3FAB] =	sst s1  }
0xa: {  	[smem:$0x3FAC] =	sst s2  }
0xb: {  	[smem:$0x3FAD] =	sst s3  }
0xc: {  	[smem:$0x3FAE] =	sst s4  }
0xd: {  	[smem:$0x3FAF] =	sst s5  }
0xe: {  	[smem:$0x3FB0] =	sst s6  }
0xf: {  	[smem:$0x3FB1] =	sst s7  }
0x10: {  	[smem:$0x3FB2] =	sst s8  }
0x11: {  	[smem:$0x3FB3] =	sst s9;
	s0 =	simm.s32 @!p0 $0x0  }
0x12: {  	s1 =	sld [smem:$0x3F99];
	s0 =	simm.s32 @p0 $0x1  }
0x13: {  	[smem:$0x3FB4] =	sst s0;
	s0 =	simm.s32 @!p1 $0x0  }
0x14: {  	s2 =	sld [smem:$0x3F98];
	s0 =	simm.s32 @p1 $0x1  }
0x15: {  	[smem:$0x3FB5] =	sst s0;
	s0 =	simm.s32 @!p2 $0x0  }
0x16: {  	s3 =	sld [smem:$0x3FDB];
	s0 =	simm.s32 @p2 $0x1  }
0x17: {  	s4 =	simm.s32 $0x1BF5;
	[smem:$0x3FB7] =	sst s0  }
0x18: {  	s0 =	sld [smem:$0x3F9A];
	_ =	swait.ge [sflag:s4], $0x0  }
0x19: {  	s7 =	sld [smem:$0x3F9B]  }
0x1a: {  	s8 =	sadd.s32 $0xFFFFE003, lr  }
0x1b: {  	s9 =	sadd.s32 $0xFFFFFEF7, lr;
	s5 =	simm.s32 $0xFFFFFFFF;
	p2 =	slt.u32 s8, $0xFFFFF086  }
0x1c: {  	p1 =	slt.u32 s9, $0xF7A;
	s5 =	simm.s32 @!p2 $0x0  }
0x1d: {  	s5 =	simm.s32 @p1 $0x1;
	p0 =	seq.s32 s7, s2  }
0x1e: {  	s7 =	smul.u32 @!p0 $0xF7A, s2;
	p2 =	seq.s32 @!p0 s5, $0x0  }
0x1f: {  	s9 =	smul.u32 $0xF7A, s1;
	s8 =	simm.s32 @!p0 $0x1BF5;
	p2 =	por !p2, p0  }
0x20: {  	[sflag:s8] =	ssyncset.s32 @!p0 $0xFFFFF086;
	s6 =	sadd.s32 @!p0 s3, s7;
	s7 =	simm.s32 @!p0 $0x108  }
0x21: {  	s3 =	sadd.s32 s3, s9;
	s6 =	sadd.s32 @!p0 $0x88, s6;
	s7 =	simm.s32 @p2 $0x1082  }
0x22: {  	[simem:s7], [sflag:s8] =	dma.local @!p0 [hbm:s6], $0xF7A  }
0x23: {  	s9 =	sor.u32 $0xD0000000, s2;
	s6 =	simm.s32 $0x108;
	_ =	swait.ge @!p0 [sflag:s8], $0x0  }
0x24: {  	s3 =	sadd.s32 $0x88, s3;
	s6 =	simm.s32 @!p1 $0x1082;
	[sflag:s4] =	ssyncset.s32 $0xFFFFF086  }
0x25: {  	[simem:s6], [sflag:s4] =	dma.local [hbm:s3], $0xF7A  }
0x26: {  	[smem:$0x3F9B] =	sst s1;
	(tag) =	ssettag s2;
	_ =	strace s9  }
0x27: {  	s1 =	sld [smem:$0x3FAB]  }
0x28: {  	s2 =	sld [smem:$0x3FAC]  }
0x29: {  	s4 =	sld [smem:$0x3FAE]  }
0x2a: {  	p0 =	seq.s32 s5, $0x0;
	s5 =	sld [smem:$0x3FAF]  }
0x2b: {  	s6 =	sld [smem:$0x3FB0]  }
0x2c: {  	s7 =	sld [smem:$0x3FB1]  }
0x2d: {  	s3 =	simm.s32 $0x108;
	s8 =	sld [smem:$0x3FB2]  }
0x2e: {  	s3 =	simm.s32 @!p0 $0x1082;
	s9 =	sld [smem:$0x3FB3]  }
0x2f: {  	lr =	sadd.s32 s0, s3;
	s0 =	sld [smem:$0x3FAA]  }
0x30: {  	s3 =	sld [smem:$0x3FAD]  }
0x31: {  	[smem:$0x3FB6] =	sst s10  }
0x32: {  	s10 =	sld [smem:$0x3FB4];
	_ =	sdelay $0x3  }
0x33: {  	p0 =	seq.s32 s10, $0x1;
	s10 =	sld [smem:$0x3FB6];
	_ =	sdelay $0x3  }
0x34: {  	[smem:$0x3FB6] =	sst s10  }
0x35: {  	s10 =	sld [smem:$0x3FB5];
	_ =	sdelay $0x3  }
0x36: {  	p1 =	seq.s32 s10, $0x1;
	s10 =	sld [smem:$0x3FB6];
	_ =	sdelay $0x3  }
0x37: {  	[smem:$0x3FB6] =	sst s10  }
0x38: {  	s10 =	sld [smem:$0x3FB7]  }
0x39: {  	_ = 	snop;
	(pc) =	sbr.ind lr, $3  }
0x3a: {  	_ = 	snop  }
0x3b: {  	_ = 	snop  }
0x3c: {  	p2 =	seq.s32 s10, $0x1;
	s10 =	sld [smem:$0x3FB6]  }
0x3d: {  	_ =	shalt  }
0x3e: {  	_ =	shalt  }
0x3f: {  	_ =	shalt  }
0x40: {  	_ =	shalt  }
0x41: {  	_ =	shalt  }
0x42: {  	_ =	shalt  }
0x43: {  	_ =	shalt  }
0x44: {  	_ =	shalt  }
0x45: {  	_ =	shalt  }
0x46: {  	_ =	shalt  }
0x47: {  	_ =	shalt  }
0x48: {  	_ =	shalt  }
0x49: {  	_ =	shalt  }
0x4a: {  	_ =	shalt  }
0x4b: {  	_ =	shalt  }
0x4c: {  	_ =	shalt  }
0x4d: {  	_ =	shalt  }
0x4e: {  	_ =	shalt  }
0x4f: {  	_ =	shalt  }
0x50: {  	_ =	shalt  }
0x51: {  	_ =	shalt  }
0x52: {  	_ =	shalt  }
0x53: {  	_ =	shalt  }
0x54: {  	_ =	shalt  }
0x55: {  	_ =	shalt  }
0x56: {  	_ =	shalt  }
0x57: {  	_ =	shalt  }
0x58: {  	_ =	shalt  }
0x59: {  	_ =	shalt  }
0x5a: {  	_ =	shalt  }
0x5b: {  	_ =	shalt  }
0x5c: {  	_ =	shalt  }
0x5d: {  	_ =	shalt  }
0x5e: {  	_ =	shalt  }
0x5f: {  	_ =	shalt  }
0x60: {  	_ =	shalt  }
0x61: {  	_ =	shalt  }
0x62: {  	_ =	shalt  }
0x63: {  	_ =	shalt  }
0x64: {  	_ =	shalt  }
0x65: {  	_ =	shalt  }
0x66: {  	_ =	shalt  }
0x67: {  	_ =	shalt  }
0x68: {  	_ =	shalt  }
0x69: {  	_ =	shalt  }
0x6a: {  	_ =	shalt  }
0x6b: {  	_ =	shalt  }
0x6c: {  	_ =	shalt  }
0x6d: {  	_ =	shalt  }
0x6e: {  	_ =	shalt  }
0x6f: {  	_ =	shalt  }
0x70: {  	_ =	shalt  }
0x71: {  	_ =	shalt  }
0x72: {  	_ =	shalt  }
0x73: {  	_ =	shalt  }
0x74: {  	_ =	shalt  }
0x75: {  	_ =	shalt  }
0x76: {  	_ =	shalt  }
0x77: {  	_ =	shalt  }
0x78: {  	_ =	shalt  }
0x79: {  	_ =	shalt  }
0x7a: {  	_ =	shalt  }
0x7b: {  	_ =	shalt  }
0x7c: {  	_ =	shalt  }
0x7d: {  	_ =	shalt  }
0x7e: {  	_ =	shalt  }
0x7f: {  	_ =	shalt  }
0x80: {  	_ =	shalt  }
0x81: {  	_ =	shalt  }
0x82: {  	_ =	shalt  }
0x83: {  	_ =	shalt  }
0x84: {  	_ =	shalt  }
0x85: {  	_ =	shalt  }
0x86: {  	_ =	shalt  }
0x87: {  	_ =	shalt  }
.Lfunc_end0:
.L_simem_size_0:
called_computation_lowered:
.L_overlay_start_0:
0x88: {  	s2 =	sld [smem:$0x3FD9]  }
0x89: {  	s3 =	sld [smem:$0x3FFE];
	_ =	sdelay $0x1  }
0x8a: {  	s1 =	srdreg.scid  }
0x8b: {  	s0 =	sand.u32 $0x1, s1  }
0x8c: {  	s16 =	sshll.u32 s0, $0xA;
	s2 =	sadd.s32 s3, s2  }
0x8d: {  	s2 =	sadd.s32 s2, s16  }
0x8e: {  	[smem:$0x3FC2] =	sst s2  }
0x8f: {  	_ = 	snop  }
0x90: {  	(tm) =	ssettm $0x1  }
0x91: {  	s17 =	sld [smem:$0x3FFB];
	_ =	sdelay $0x3  }
0x92: {  	_ =	strace s17  }
0x93: {  	s2 =	sld [smem:$0x3FFC];
	_ =	sdelay $0x3  }
0x94: {  	_ =	strace s2  }
0x95: {  	s2 =	sld [smem:$0x3FFD];
	_ =	sdelay $0x3  }
0x96: {  	_ =	strace s2  }
0x97: {  	_ =	strace $0x8FFFFFFF  }
0x98: {  	s18 =	sld [smem:$0x3FDB];
	_ =	sdelay $0x1  }
0x99: {  	s19 =	simm.s32 $_scs_section_size  }
0x9a: {  	s4 =	simm.s32 $_size__tile_overlayer_lowered;
	s5 =	simm.s32 $_tile_overlayer_lowered  }
0x9b: {  	s22 =	simm.s32 $0x1BFF;
	s21 =	sshll.u32 s5, $0x1;
	s2 =	sadd.s32 s19, s18  }
0x9c: {  	s6 =	simm.s32 $0x0;
	s20 =	sshll.u32 s4, $0x1;
	s4 =	sadd.s32 s21, s2  }
0x9d: {  	[timem:s6], [sflag:s22] =	dma.local [hbm:s4], s20  }
0x9e: {  	_ =	swait.ge [sflag:s22], s20  }
0x9f: {  	s3 =	ssub.s32 $0x0, s20;
	[sflag:s22] =	ssyncset.done $0x0  }
0xa0: {  	[sflag:s22] =	ssyncadd.s32 s3;
	_ =	sdelay $0x1  }
0xa1: {  	s23 =	simm.s32 $0x1B8B  }
0xa2: {  	_ =	swait.ge [sflag:s23], $0x1  }
0xa3: {  	[sflag:s23] =	ssyncset.done $0x0  }
0xa4: {  	s25 =	simm.s32 $0x1B8E;
	s24 =	sld [smem:$0x3FFE];
	[sflag:s23] =	ssyncadd.s32 $0xFFFFFFFF  }
0xa5: {  	s26 =	simm.s32 $execute0_lowered;
	[smem:$0x3FD2] =	sst s25  }
0xa6: {  	s4 =	sshll.u32 s26, $0x1;
	_ =	strace $0x80000046;
	[dreg:$0x1] =	wrdreg $0xFFFFFFFF  }
0xa7: {  	s28 =	simm.s32 $_size_execute0_lowered;
	s2 =	sadd.s32 s2, s4;
	[dreg:$0x0] =	wrdreg $0x0  }
0xa8: {  	s4 =	sshll.u32 s28, $0x1;
	[dreg:$0x2] =	wrdreg s2  }
0xa9: {  	[dreg:$0x3] =	wrdreg s4  }
0xaa: {  	[dreg:$0x4] =	wrdreg $0xC0  }
0xab: {  	_ =	task [dreg:s6], $0x5FFFF  }
0xac: {  	[dreg:$0x1] =	wrdreg $0xFFFFFFFF  }
0xad: {  	[dreg:$0x0] =	wrdreg $0x60  }
0xae: {  	[dreg:$0x2] =	wrdreg s24  }
0xaf: {  	[dreg:$0x3] =	wrdreg $0x9  }
0xb0: {  	_ =	task.clear_ibuf [dreg:s6], $0x4FFFF;
	_ =	strace $0x90000046  }
0xb1: {  	s29 =	simm.s32 $0x9;
	_ =	strace $0x80000048  }
0xb2: {  	_ =	swait.ge [sflag:s29], $0x1  }
0xb3: {  	[sflag:s29] =	ssyncadd.s32 $0xFFFFFFFF  }
0xb4: {  	_ =	strace $0x90000048  }
0xb5: {  	_ =	sfence  }
0xb6: {  	s30 =	sld [smem:$0x0];
	_ =	sdelay $0x2  }
0xb7: {  	s31 =	sshll.u32 s1, $0xD;
	s1 =	sshrl.u32 s1, $0x2  }
0xb8: {  	s3 =	sand.u32 $0x4000, s31;
	s1 =	sadd.s32 s1, s30  }
0xb9: {  	s0 =	sor.u32 s3, s0;
	s1 =	sshll.u32 s1, $0x11  }
0xba: {  	s0 =	sor.u32 s1, s0  }
0xbb: {  	s0 =	sadd.s32 $0x8F2B, s0  }
0xbc: {  	[sflag:s0] =	ssyncadd.remote.s32 $0x1  }
0xbd: {  	_ =	sfence.sel $0xFFFF  }
0xbe: {  	[dreg:$0x0] =	wrdreg $0xFFFFFFFF;
	(pc) =	sbr.abs _section_cstart, $3  }
0xbf: {  	[dreg:$0x1] =	wrdreg $0xFFFFFFFF  }
0xc0: {  	_ =	task.clear_ibuf [dreg:s6], $0x2FFFF;
	_ =	strace $0x9FFFFFFF  }
0xc1: {  	(tm) =	ssettm $0x7FFFFFFF  }
tec
execute0_lowered:
.L_overlay_start_1:
0x0: {  	(tag) =	ssettag $0x1  }
0x1: {  	s0 =	srdreg.scid  }
0x2: {  	s3 =	rddreg [dreg:$0x0];
	s1 =	stileid.u32;
	s2 =	simm.s32 $0x0  }
0x3: {  	s11 =	simm.s32 $0x1;
	s12 =	simm.s32 $0x1000;
	s13 =	simm.s32 $0x2  }
0x4: {  	s14 =	simm.s32 $0x80;
	s15 =	simm.s32 $0x400;
	s16 =	simm.s32 $0x3  }
0x5: {  	s17 =	simm.s32 $0x0;
	s4 =	sand.u32 $0x1, s0;
	s0 =	rddreg [dreg:$0x1]  }
0x6: {  	s6 =	sshrl.u32 s1, $0x3;
	s5 =	smul.u32 $0x27800, s4;
	s7 =	sshll.u32 s4, $0x4  }
0x7: {  	s8 =	sshll.u32 s1, $0x7;
	s6 =	smul.u32 $0x13C00, s6;
	s7 =	sor.u32 s1, s7  }
0x8: {  	[smem:$0x7FF] =	sst s2;
	s28 =	sand.u32 $0x380, s8;
	s7 =	smul.u32 $0x2710, s7  }
0x9: {  	_ =	strace $0x80000047;
	s4 =	ssub.s32 $0x2, s4;
	s5 =	sadd.s32 s5, s6  }
0xa: {  	s30 =	sshrl.u32 s4, $0x1;
	s5 =	sor.u32 s28, s5;
	s29 =	sshrl.u32 s7, $0x3  }
0xb: {  	s10 =	ssub.s32 s4, s30;
	s5 =	sshrl.u32 s5, $0x3;
	s31 =	sadd.s32 s29, s3  }
0xc: {  	s9 =	sadd.s32 s5, s3;
	s3 =	sadd.s32 $0x1800, s31;
	s4 =	sadd.s32 $0x18FA, s31  }
0xd: {  	s5 =	sadd.s32 $0x19F4, s31;
	s6 =	sadd.s32 $0x1AEE, s31;
	s7 =	sadd.s32 $0x1BE8, s31  }
0xe: {  	v0 =	vimm.f32 $0.0e+00;
	v1 =	vimm.f32 $1.000000000e+00;
	s8 =	sadd.s32 $0x15400, s9;
	s9 =	smax.u32 s10, $0x1;
	s10 =	simm.s32 $0x800  }
.LBB2_1:
0xf: {  	[tilespmem:s2], [sflag:$0x1] =	stream.linear.gather [hbm4b:s3+s2], $0x7D0, $0x38;
	[tilespmem:$0x3780] =	vst v63  }
0x10: {  	s18 =	simm.s32 $0x1040  }
0x11: {  	[tilespmem:s10], [sflag:$0x2] =	stream.linear.gather [hbm4b:s4+s2], $0x7D0, $0x38;
	[tilespmem:$0x3780] =	vst v63  }
0x12: {  	[tilespmem:s18+$0xFFFFFFC0] =	vst v0  }
0x13: {  	[tilespmem:s18+$0x30] =	vst v0  }
0x14: {  	[tilespmem:s18+$0x20] =	vst v0  }
0x15: {  	[tilespmem:s18+$0x10] =	vst v0  }
0x16: {  	[tilespmem:s18+$0x0] =	vst v0  }
0x17: {  	[tilespmem:s18+$0xFFFFFFF0] =	vst v0  }
0x18: {  	s19 =	simm.s32 $0x0;
	[tilespmem:s18+$0xFFFFFFE0] =	vst v0  }
.LBB2_2:
0x19: {  	s19 =	sadd.s32 $0x8, s19;
	[tilespmem:s18+$0xFFFFFFD0] =	vst v0;
	s18 =	sadd.s32 $0x80, s18  }
0x1a: {  	[tilespmem:s18+$0xFFFFFFC0] =	vst v0;
	p0 =	slt.u32 s19, $0x268  }
0x1b: {  	[tilespmem:s18+$0x30] =	vst v0  }
.Ltmp0:
0x1c: {  	[tilespmem:s18+$0x20] =	vst v0;
	(pc) =	sbr.rel @p0 .LBB2_2-.Ltmp0, $4  }
0x1d: {  	[tilespmem:s18+$0x10] =	vst v0  }
0x1e: {  	[tilespmem:s18+$0x0] =	vst v0  }
0x1f: {  	[tilespmem:s18+$0xFFFFFFF0] =	vst v0  }
0x20: {  	[tilespmem:s18+$0xFFFFFFE0] =	vst v0  }
0x21: {  	[tilespmem:s18+$0xFFFFFFD0] =	vst v0  }
0x22: {  	[tilespmem:$0x3700] =	vst v0  }
0x23: {  	_ =	swait.ge [sflag:s11], $0x7D0  }
0x24: {  	[sflag:s11] =	ssyncset.done $0x0  }
0x25: {  	s18 =	simm.s32 $0xFFFFFFF8;
	s19 =	simm.s32 $0x40;
	[sflag:s11] =	ssyncadd.s32 $0xFFFFF830  }
.LBB2_4:
0x26: {  	v2 =	vld [tilespmem:s19+$0xFFFFFFC0];
	_ =	sdelay $0x7  }
0x27: {  	[tilespmem:v2+s12+$0x0] =	vst.idx.add.f32.msk $0xffff, v1  }
0x28: {  	v2 =	vld [tilespmem:s19+$0xFFFFFFD0];
	_ =	sdelay $0x7  }
0x29: {  	[tilespmem:v2+s12+$0x0] =	vst.idx.add.f32.msk $0xffff, v1  }
0x2a: {  	v2 =	vld [tilespmem:s19+$0xFFFFFFE0];
	_ =	sdelay $0x7  }
0x2b: {  	[tilespmem:v2+s12+$0x0] =	vst.idx.add.f32.msk $0xffff, v1  }
0x2c: {  	v2 =	vld [tilespmem:s19+$0xFFFFFFF0];
	_ =	sdelay $0x7  }
0x2d: {  	[tilespmem:v2+s12+$0x0] =	vst.idx.add.f32.msk $0xffff, v1  }
0x2e: {  	v2 =	vld [tilespmem:s19+$0x0];
	_ =	sdelay $0x7  }
0x2f: {  	[tilespmem:v2+s12+$0x0] =	vst.idx.add.f32.msk $0xffff, v1  }
0x30: {  	v2 =	vld [tilespmem:s19+$0x10];
	_ =	sdelay $0x7  }
0x31: {  	[tilespmem:v2+s12+$0x0] =	vst.idx.add.f32.msk $0xffff, v1  }
0x32: {  	v2 =	vld [tilespmem:s19+$0x20];
	_ =	sdelay $0x7  }
0x33: {  	[tilespmem:v2+s12+$0x0] =	vst.idx.add.f32.msk $0xffff, v1  }
0x34: {  	v2 =	vld [tilespmem:s19+$0x30];
	_ =	sdelay $0x1  }
0x35: {  	s18 =	sadd.s32 $0x8, s18  }
0x36: {  	p0 =	slt.u32 s18, $0x70  }
.Ltmp1:
0x37: {  	_ = 	snop;
	(pc) =	sbr.rel @p0 .LBB2_4-.Ltmp1, $2  }
0x38: {  	_ =	sdelay $0x2  }
0x39: {  	s19 =	sadd.s32 $0x80, s19;
	[tilespmem:v2+s12+$0x0] =	vst.idx.add.f32.msk $0xffff, v1  }
0x3a: {  	v2 =	vld [tilespmem:$0x780];
	_ =	sdelay $0x7  }
0x3b: {  	[tilespmem:v2+s12+$0x0] =	vst.idx.add.f32.msk $0xffff, v1  }
0x3c: {  	v2 =	vld [tilespmem:$0x790];
	_ =	sdelay $0x7  }
0x3d: {  	[tilespmem:v2+s12+$0x0] =	vst.idx.add.f32.msk $0xffff, v1  }
0x3e: {  	v2 =	vld [tilespmem:$0x7A0];
	_ =	sdelay $0x7  }
0x3f: {  	[tilespmem:v2+s12+$0x0] =	vst.idx.add.f32.msk $0xffff, v1  }
0x40: {  	v2 =	vld [tilespmem:$0x7B0];
	_ =	sdelay $0x7  }
0x41: {  	[tilespmem:v2+s12+$0x0] =	vst.idx.add.f32.msk $0xffff, v1  }
0x42: {  	v2 =	vld [tilespmem:$0x7C0];
	_ =	sdelay $0x7  }
0x43: {  	[tilespmem:v2+s12+$0x0] =	vst.idx.add.f32.msk $0xffff, v1  }
0x44: {  	[tilespmem:s2], [sflag:$0x1] =	stream.linear.gather [hbm4b:s5+s2], $0x7D0, $0x38;
	[tilespmem:$0x3780] =	vst v63  }
0x45: {  	_ =	swait.ge [sflag:s13], $0x7D0  }
0x46: {  	[sflag:s13] =	ssyncset.done $0x0  }
0x47: {  	s18 =	simm.s32 $0xFFFFFFF8;
	s19 =	simm.s32 $0x840;
	[sflag:s13] =	ssyncadd.s32 $0xFFFFF830  }
.LBB2_6:
0x48: {  	v2 =	vld [tilespmem:s19+$0xFFFFFFC0];
	_ =	sdelay $0x7  }
0x49: {  	[tilespmem:v2+s12+$0x0] =	vst.idx.add.f32.msk $0xffff, v1  }
0x4a: {  	v2 =	vld [tilespmem:s19+$0xFFFFFFD0];
	_ =	sdelay $0x7  }
0x4b: {  	[tilespmem:v2+s12+$0x0] =	vst.idx.add.f32.msk $0xffff, v1  }
0x4c: {  	v2 =	vld [tilespmem:s19+$0xFFFFFFE0];
	_ =	sdelay $0x7  }
0x4d: {  	[tilespmem:v2+s12+$0x0] =	vst.idx.add.f32.msk $0xffff, v1  }
0x4e: {  	v2 =	vld [tilespmem:s19+$0xFFFFFFF0];
	_ =	sdelay $0x7  }
0x4f: {  	[tilespmem:v2+s12+$0x0] =	vst.idx.add.f32.msk $0xffff, v1  }
0x50: {  	v2 =	vld [tilespmem:s19+$0x0];
	_ =	sdelay $0x7  }
0x51: {  	[tilespmem:v2+s12+$0x0] =	vst.idx.add.f32.msk $0xffff, v1  }
0x52: {  	v2 =	vld [tilespmem:s19+$0x10];
	_ =	sdelay $0x7  }
0x53: {  	[tilespmem:v2+s12+$0x0] =	vst.idx.add.f32.msk $0xffff, v1  }
0x54: {  	v2 =	vld [tilespmem:s19+$0x20];
	_ =	sdelay $0x7  }
0x55: {  	[tilespmem:v2+s12+$0x0] =	vst.idx.add.f32.msk $0xffff, v1  }
0x56: {  	v2 =	vld [tilespmem:s19+$0x30];
	_ =	sdelay $0x1  }
0x57: {  	s18 =	sadd.s32 $0x8, s18  }
0x58: {  	p0 =	slt.u32 s18, $0x70  }
.Ltmp2:
0x59: {  	_ = 	snop;
	(pc) =	sbr.rel @p0 .LBB2_6-.Ltmp2, $2  }
0x5a: {  	_ =	sdelay $0x2  }
0x5b: {  	s19 =	sadd.s32 $0x80, s19;
	[tilespmem:v2+s12+$0x0] =	vst.idx.add.f32.msk $0xffff, v1  }
0x5c: {  	v2 =	vld [tilespmem:$0xF80];
	_ =	sdelay $0x7  }
0x5d: {  	[tilespmem:v2+s12+$0x0] =	vst.idx.add.f32.msk $0xffff, v1  }
0x5e: {  	v2 =	vld [tilespmem:$0xF90];
	_ =	sdelay $0x7  }
0x5f: {  	[tilespmem:v2+s12+$0x0] =	vst.idx.add.f32.msk $0xffff, v1  }
0x60: {  	v2 =	vld [tilespmem:$0xFA0];
	_ =	sdelay $0x7  }
0x61: {  	[tilespmem:v2+s12+$0x0] =	vst.idx.add.f32.msk $0xffff, v1  }
0x62: {  	v2 =	vld [tilespmem:$0xFB0];
	_ =	sdelay $0x7  }
0x63: {  	[tilespmem:v2+s12+$0x0] =	vst.idx.add.f32.msk $0xffff, v1  }
0x64: {  	v2 =	vld [tilespmem:$0xFC0];
	_ =	sdelay $0x7  }
0x65: {  	[tilespmem:v2+s12+$0x0] =	vst.idx.add.f32.msk $0xffff, v1  }
0x66: {  	[tilespmem:s10], [sflag:$0x2] =	stream.linear.gather [hbm4b:s6+s2], $0x7D0, $0x38;
	[tilespmem:$0x3780] =	vst v63  }
0x67: {  	_ =	swait.ge [sflag:s11], $0x7D0  }
0x68: {  	[sflag:s11] =	ssyncset.done $0x0  }
0x69: {  	s18 =	simm.s32 $0xFFFFFFF8;
	s19 =	simm.s32 $0x40;
	[sflag:s11] =	ssyncadd.s32 $0xFFFFF830  }
.LBB2_8:
0x6a: {  	v2 =	vld [tilespmem:s19+$0xFFFFFFC0];
	_ =	sdelay $0x7  }
0x6b: {  	[tilespmem:v2+s12+$0x0] =	vst.idx.add.f32.msk $0xffff, v1  }
0x6c: {  	v2 =	vld [tilespmem:s19+$0xFFFFFFD0];
	_ =	sdelay $0x7  }
0x6d: {  	[tilespmem:v2+s12+$0x0] =	vst.idx.add.f32.msk $0xffff, v1  }
0x6e: {  	v2 =	vld [tilespmem:s19+$0xFFFFFFE0];
	_ =	sdelay $0x7  }
0x6f: {  	[tilespmem:v2+s12+$0x0] =	vst.idx.add.f32.msk $0xffff, v1  }
0x70: {  	v2 =	vld [tilespmem:s19+$0xFFFFFFF0];
	_ =	sdelay $0x7  }
0x71: {  	[tilespmem:v2+s12+$0x0] =	vst.idx.add.f32.msk $0xffff, v1  }
0x72: {  	v2 =	vld [tilespmem:s19+$0x0];
	_ =	sdelay $0x7  }
0x73: {  	[tilespmem:v2+s12+$0x0] =	vst.idx.add.f32.msk $0xffff, v1  }
0x74: {  	v2 =	vld [tilespmem:s19+$0x10];
	_ =	sdelay $0x7  }
0x75: {  	[tilespmem:v2+s12+$0x0] =	vst.idx.add.f32.msk $0xffff, v1  }
0x76: {  	v2 =	vld [tilespmem:s19+$0x20];
	_ =	sdelay $0x7  }
0x77: {  	[tilespmem:v2+s12+$0x0] =	vst.idx.add.f32.msk $0xffff, v1  }
0x78: {  	v2 =	vld [tilespmem:s19+$0x30];
	_ =	sdelay $0x1  }
0x79: {  	s18 =	sadd.s32 $0x8, s18  }
0x7a: {  	p0 =	slt.u32 s18, $0x70  }
.Ltmp3:
0x7b: {  	_ = 	snop;
	(pc) =	sbr.rel @p0 .LBB2_8-.Ltmp3, $2  }
0x7c: {  	_ =	sdelay $0x2  }
0x7d: {  	s19 =	sadd.s32 $0x80, s19;
	[tilespmem:v2+s12+$0x0] =	vst.idx.add.f32.msk $0xffff, v1  }
0x7e: {  	v2 =	vld [tilespmem:$0x780];
	_ =	sdelay $0x7  }
0x7f: {  	[tilespmem:v2+s12+$0x0] =	vst.idx.add.f32.msk $0xffff, v1  }
0x80: {  	v2 =	vld [tilespmem:$0x790];
	_ =	sdelay $0x7  }
0x81: {  	[tilespmem:v2+s12+$0x0] =	vst.idx.add.f32.msk $0xffff, v1  }
0x82: {  	v2 =	vld [tilespmem:$0x7A0];
	_ =	sdelay $0x7  }
0x83: {  	[tilespmem:v2+s12+$0x0] =	vst.idx.add.f32.msk $0xffff, v1  }
0x84: {  	v2 =	vld [tilespmem:$0x7B0];
	_ =	sdelay $0x7  }
0x85: {  	[tilespmem:v2+s12+$0x0] =	vst.idx.add.f32.msk $0xffff, v1  }
0x86: {  	v2 =	vld [tilespmem:$0x7C0];
	_ =	sdelay $0x7  }
0x87: {  	[tilespmem:v2+s12+$0x0] =	vst.idx.add.f32.msk $0xffff, v1  }
0x88: {  	[tilespmem:s2], [sflag:$0x1] =	stream.linear.gather [hbm4b:s7+s2], $0x7D0, $0x38;
	[tilespmem:$0x3780] =	vst v63  }
0x89: {  	_ =	swait.ge [sflag:s13], $0x7D0  }
0x8a: {  	[sflag:s13] =	ssyncset.done $0x0  }
0x8b: {  	s18 =	simm.s32 $0xFFFFFFF8;
	s19 =	simm.s32 $0x840;
	[sflag:s13] =	ssyncadd.s32 $0xFFFFF830  }
.LBB2_10:
0x8c: {  	v2 =	vld [tilespmem:s19+$0xFFFFFFC0];
	_ =	sdelay $0x7  }
0x8d: {  	[tilespmem:v2+s12+$0x0] =	vst.idx.add.f32.msk $0xffff, v1  }
0x8e: {  	v2 =	vld [tilespmem:s19+$0xFFFFFFD0];
	_ =	sdelay $0x7  }
0x8f: {  	[tilespmem:v2+s12+$0x0] =	vst.idx.add.f32.msk $0xffff, v1  }
0x90: {  	v2 =	vld [tilespmem:s19+$0xFFFFFFE0];
	_ =	sdelay $0x7  }
0x91: {  	[tilespmem:v2+s12+$0x0] =	vst.idx.add.f32.msk $0xffff, v1  }
0x92: {  	v2 =	vld [tilespmem:s19+$0xFFFFFFF0];
	_ =	sdelay $0x7  }
0x93: {  	[tilespmem:v2+s12+$0x0] =	vst.idx.add.f32.msk $0xffff, v1  }
0x94: {  	v2 =	vld [tilespmem:s19+$0x0];
	_ =	sdelay $0x7  }
0x95: {  	[tilespmem:v2+s12+$0x0] =	vst.idx.add.f32.msk $0xffff, v1  }
0x96: {  	v2 =	vld [tilespmem:s19+$0x10];
	_ =	sdelay $0x7  }
0x97: {  	[tilespmem:v2+s12+$0x0] =	vst.idx.add.f32.msk $0xffff, v1  }
0x98: {  	v2 =	vld [tilespmem:s19+$0x20];
	_ =	sdelay $0x7  }
0x99: {  	[tilespmem:v2+s12+$0x0] =	vst.idx.add.f32.msk $0xffff, v1  }
0x9a: {  	v2 =	vld [tilespmem:s19+$0x30];
	_ =	sdelay $0x1  }
0x9b: {  	s18 =	sadd.s32 $0x8, s18  }
0x9c: {  	p0 =	slt.u32 s18, $0x70  }
.Ltmp4:
0x9d: {  	_ = 	snop;
	(pc) =	sbr.rel @p0 .LBB2_10-.Ltmp4, $2  }
0x9e: {  	_ =	sdelay $0x2  }
0x9f: {  	s19 =	sadd.s32 $0x80, s19;
	[tilespmem:v2+s12+$0x0] =	vst.idx.add.f32.msk $0xffff, v1  }
0xa0: {  	v2 =	vld [tilespmem:$0xF80];
	_ =	sdelay $0x7  }
0xa1: {  	[tilespmem:v2+s12+$0x0] =	vst.idx.add.f32.msk $0xffff, v1  }
0xa2: {  	v2 =	vld [tilespmem:$0xF90];
	_ =	sdelay $0x7  }
0xa3: {  	[tilespmem:v2+s12+$0x0] =	vst.idx.add.f32.msk $0xffff, v1  }
0xa4: {  	v2 =	vld [tilespmem:$0xFA0];
	_ =	sdelay $0x7  }
0xa5: {  	[tilespmem:v2+s12+$0x0] =	vst.idx.add.f32.msk $0xffff, v1  }
0xa6: {  	v2 =	vld [tilespmem:$0xFB0];
	_ =	sdelay $0x7  }
0xa7: {  	[tilespmem:v2+s12+$0x0] =	vst.idx.add.f32.msk $0xffff, v1  }
0xa8: {  	v2 =	vld [tilespmem:$0xFC0];
	_ =	sdelay $0x7  }
0xa9: {  	[tilespmem:v2+s12+$0x0] =	vst.idx.add.f32.msk $0xffff, v1  }
0xaa: {  	_ =	swait.ge [sflag:s11], $0x7D0  }
0xab: {  	[sflag:s11] =	ssyncset.done $0x0  }
0xac: {  	s18 =	simm.s32 $0xFFFFFFF8;
	s19 =	simm.s32 $0x40;
	[sflag:s11] =	ssyncadd.s32 $0xFFFFF830  }
.LBB2_12:
0xad: {  	v2 =	vld [tilespmem:s19+$0xFFFFFFC0];
	_ =	sdelay $0x7  }
0xae: {  	[tilespmem:v2+s12+$0x0] =	vst.idx.add.f32.msk $0xffff, v1  }
0xaf: {  	v2 =	vld [tilespmem:s19+$0xFFFFFFD0];
	_ =	sdelay $0x7  }
0xb0: {  	[tilespmem:v2+s12+$0x0] =	vst.idx.add.f32.msk $0xffff, v1  }
0xb1: {  	v2 =	vld [tilespmem:s19+$0xFFFFFFE0];
	_ =	sdelay $0x7  }
0xb2: {  	[tilespmem:v2+s12+$0x0] =	vst.idx.add.f32.msk $0xffff, v1  }
0xb3: {  	v2 =	vld [tilespmem:s19+$0xFFFFFFF0];
	_ =	sdelay $0x7  }
0xb4: {  	[tilespmem:v2+s12+$0x0] =	vst.idx.add.f32.msk $0xffff, v1  }
0xb5: {  	v2 =	vld [tilespmem:s19+$0x0];
	_ =	sdelay $0x7  }
0xb6: {  	[tilespmem:v2+s12+$0x0] =	vst.idx.add.f32.msk $0xffff, v1  }
0xb7: {  	v2 =	vld [tilespmem:s19+$0x10];
	_ =	sdelay $0x7  }
0xb8: {  	[tilespmem:v2+s12+$0x0] =	vst.idx.add.f32.msk $0xffff, v1  }
0xb9: {  	v2 =	vld [tilespmem:s19+$0x20];
	_ =	sdelay $0x7  }
0xba: {  	[tilespmem:v2+s12+$0x0] =	vst.idx.add.f32.msk $0xffff, v1  }
0xbb: {  	v2 =	vld [tilespmem:s19+$0x30];
	_ =	sdelay $0x1  }
0xbc: {  	s18 =	sadd.s32 $0x8, s18  }
0xbd: {  	p0 =	slt.u32 s18, $0x70  }
.Ltmp5:
0xbe: {  	_ = 	snop;
	(pc) =	sbr.rel @p0 .LBB2_12-.Ltmp5, $2  }
0xbf: {  	_ =	sdelay $0x2  }
0xc0: {  	s19 =	sadd.s32 $0x80, s19;
	[tilespmem:v2+s12+$0x0] =	vst.idx.add.f32.msk $0xffff, v1  }
0xc1: {  	v2 =	vld [tilespmem:$0x780];
	_ =	sdelay $0x7  }
0xc2: {  	[tilespmem:v2+s12+$0x0] =	vst.idx.add.f32.msk $0xffff, v1  }
0xc3: {  	v2 =	vld [tilespmem:$0x790];
	_ =	sdelay $0x7  }
0xc4: {  	[tilespmem:v2+s12+$0x0] =	vst.idx.add.f32.msk $0xffff, v1  }
0xc5: {  	v2 =	vld [tilespmem:$0x7A0];
	_ =	sdelay $0x7  }
0xc6: {  	[tilespmem:v2+s12+$0x0] =	vst.idx.add.f32.msk $0xffff, v1  }
0xc7: {  	v2 =	vld [tilespmem:$0x7B0];
	_ =	sdelay $0x7  }
0xc8: {  	[tilespmem:v2+s12+$0x0] =	vst.idx.add.f32.msk $0xffff, v1  }
0xc9: {  	v2 =	vld [tilespmem:$0x7C0];
	_ =	sdelay $0x5  }
0xca: {  	s17 =	sadd.s32 $0x1, s17  }
0xcb: {  	p0 =	sne.s32 s17, s9  }
.Ltmp6:
0xcc: {  	[tilespmem:v2+s12+$0x0] =	vst.idx.add.f32.msk $0xffff, v1;
	(pc) =	sbr.rel @p0 .LBB2_1-.Ltmp6, $4  }
0xcd: {  	[hbm4b:s8+s14] =	stream.strided.scatter [tilespmem:s12], [sflag:$0x3], $0x2780, s15, s14, $0x38;
	[tilespmem:$0x3780] =	vst v63  }
0xce: {  	_ =	swait.ge [sflag:s16], $0x2780  }
0xcf: {  	[sflag:s16] =	ssyncset.done $0x0  }
0xd0: {  	[sflag:s16] =	ssyncadd.s32 $0xFFFFD880  }
0xd1: {  	_ =	sfence.sel $0x180000  }
0xd2: {  	[bflag:$0x0] =	sbarrier.arrive $0xFFFF  }
0xd3: {  	p0 =	sne.s32 s1, $0x0;
	_ =	strace $0x90000047  }
0xd4: {  	s0 =	sadd.s32 @!p0 $0x100000, s0;
	[bflag:$0x2] =	sbarrier.arrive $0xFFFF  }
0xd5: {  	[sflag:s0] =	ssyncadd.tile.s32 @!p0 $0x1;
	_ =	shalt  }
.Lfunc_end2:
_tile_overlayer_lowered:
.L_overlay_start_2:
0xd6: {  	(tag) =	ssettag $0x2  }
0xd7: {  	s0 =	rddreg [dreg:$0x0];
	s2 =	stileid.u32  }
0xd8: {  	s1 =	rddreg [dreg:$0x1];
	p0 =	sne.s32 s2, $0x0  }
0xd9: {  	s3 =	rddreg [dreg:$0x2];
	[bflag:$0x3] =	sbarrier.arrive $0xFFFF;
	s2 =	simm.s32 @!p0 $0x1C03  }
0xda: {  	[timem:s3], [sflag:s2] =	dma.local @!p0 [hbm:s0], s1  }
0xdb: {  	s0 =	simm.s32 @!p0 $0x3  }
0xdc: {  	_ =	swait.ge @!p0 [sflag:s0], s1  }
0xdd: {  	s1 =	ssub.s32 @!p0 $0x0, s1;
	[sflag:s0] =	ssyncset.done @!p0 $0x0  }
0xde: {  	[sflag:s0] =	ssyncadd.s32 @!p0 s1  }
0xdf: {  	[bflag:$0x3] =	sbarrier.arrive $0xFFFF  }
0xe0: {  	_ =	shalt  }

</sc_bundles>
